<compile_context>
chip_gen: v7x
topology: tpu7x:2x2x1
jax: 0.10.2.dev20260603
libtpu: 0.0.44.dev20260713+nightly
codegen_flags: <defaults>
</compile_context>

<pallas_src>
import jax
import jax.numpy as jnp
from jax import lax
from jax.experimental import pallas as pl
from jax.experimental.pallas import tpu as pltpu
from jax.experimental.pallas import tpu_sc as plsc

NC = 2
NS = 16
NW = NC * NS


def _make_spmm(n_pad, n_edges, chunk, with_deg):
  span = n_pad // NS
  per_w = n_edges // NW
  n_chunks = per_w // chunk
  mesh = plsc.VectorSubcoreMesh(
      core_axis_name="c", subcore_axis_name="s",
      num_cores=NC, num_subcores=NS)

  out_type = [jax.ShapeDtypeStruct((NC * n_pad,), jnp.float32)]
  scratch = (
      [pltpu.VMEM_SHARED((n_pad,), jnp.float32)] * 2
      + [pltpu.VMEM((chunk,), jnp.int32)] * 6
      + [pltpu.VMEM((chunk,), jnp.float32)] * 3
      + [pltpu.VMEM((span,), jnp.float32)]
      + [pltpu.SemaphoreType.DMA] * 15
  )
  if with_deg:
    out_type.append(jax.ShapeDtypeStruct((NC * n_pad,), jnp.float32))
    scratch += [
        pltpu.VMEM_SHARED((n_pad,), jnp.float32),
        pltpu.VMEM((chunk,), jnp.float32),
    ]

  def body(*refs):
    if with_deg:
      (ev_hbm, zeros_hbm, ones_hbm, row_hbm, col_hbm,
       acc_out, deg_out, ev_sh, acc_sh, *rest) = refs
      rest, deg_sh, ones_v = rest[:-2], rest[-2], rest[-1]
    else:
      (ev_hbm, zeros_hbm, row_hbm, col_hbm,
       acc_out, ev_sh, acc_sh, *rest) = refs
    ridx = rest[0:3]
    cidx = rest[3:6]
    vals = rest[6:9]
    stage = rest[9]
    sems = rest[10:]
    sem_row = sems[0:3]
    sem_col = sems[3:6]
    sem_g = sems[6:9]
    sem_s = sems[9:12]
    sem_d = sems[12:15]

    c = lax.axis_index("c")
    s = lax.axis_index("s")
    off = s * span
    pltpu.sync_copy(ev_hbm.at[pl.ds(off, span)], stage)
    pltpu.sync_copy(stage, ev_sh.at[pl.ds(off, span)])
    pltpu.sync_copy(zeros_hbm.at[pl.ds(off, span)], stage)
    pltpu.sync_copy(stage, acc_sh.at[pl.ds(off, span)])
    if with_deg:
      pltpu.sync_copy(stage, deg_sh.at[pl.ds(off, span)])
      pltpu.sync_copy(ones_hbm, ones_v)
    plsc.subcore_barrier()

    base = (c * NS + s) * per_w

    def start_in(i, b):
      o = base + i * chunk
      dr = pltpu.async_copy(row_hbm.at[pl.ds(o, chunk)], ridx[b], sem_row[b])
      dc = pltpu.async_copy(col_hbm.at[pl.ds(o, chunk)], cidx[b], sem_col[b])
      return dr, dc

    pend_in = {0: start_in(0, 0)}
    pend_sc = {}
    for i in range(n_chunks):
      b = i % 3
      if i - 2 in pend_sc:
        for d in pend_sc.pop(i - 2):
          d.wait()
      if i + 1 < n_chunks:
        pend_in[i + 1] = start_in(i + 1, (i + 1) % 3)
      dr, dc = pend_in.pop(i)
      dr.wait()
      dc.wait()
      pltpu.async_copy(ev_sh.at[ridx[b]], vals[b], sem_g[b]).wait()
      sc = [pltpu.async_copy(vals[b], acc_sh.at[cidx[b]], sem_s[b], add=True)]
      if with_deg:
        sc.append(pltpu.async_copy(ones_v, deg_sh.at[cidx[b]],
                                   sem_d[b], add=True))
      pend_sc[i] = sc
    for descs in pend_sc.values():
      for d in descs:
        d.wait()
    plsc.subcore_barrier()

    oo = c * n_pad + off
    pltpu.sync_copy(acc_sh.at[pl.ds(off, span)], stage)
    pltpu.sync_copy(stage, acc_out.at[pl.ds(oo, span)])
    if with_deg:
      pltpu.sync_copy(deg_sh.at[pl.ds(off, span)], stage)
      pltpu.sync_copy(stage, deg_out.at[pl.ds(oo, span)])

  return pl.kernel(body, out_type=tuple(out_type), mesh=mesh,
                   scratch_types=tuple(scratch))


def kernel(e, edge_index, prop_layers=2, alpha=0.5):
  n = e.shape[0]
  n_edges = edge_index.shape[1]
  n_pad = -(-n // (NS * 8)) * (NS * 8)
  chunk = 10000
  assert n_edges % (NW * chunk) == 0

  row = edge_index[0].astype(jnp.int32)
  col = edge_index[1].astype(jnp.int32)
  e_pad = jnp.zeros((n_pad,), jnp.float32).at[:n].set(e.astype(jnp.float32))
  zeros = jnp.zeros((n_pad,), jnp.float32)
  ones = jnp.ones((chunk,), jnp.float32)

  spmm_deg = _make_spmm(n_pad, n_edges, chunk, with_deg=True)
  spmm = _make_spmm(n_pad, n_edges, chunk, with_deg=False)

  acc1_p, deg_p = spmm_deg(e_pad, zeros, ones, row, col)
  acc1 = acc1_p[:n_pad] + acc1_p[n_pad:]
  deg = deg_p[:n_pad] + deg_p[n_pad:]
  inv_deg = jnp.where(deg > 0, 1.0 / deg, 0.0)

  a = jnp.float32(alpha)
  ev1 = a * e_pad + (1.0 - a) * inv_deg * acc1
  acc2_p = spmm(ev1, zeros, row, col)
  if isinstance(acc2_p, (tuple, list)):
    acc2_p = acc2_p[0]
  acc2 = acc2_p[:n_pad] + acc2_p[n_pad:]
  ev2 = a * ev1 + (1.0 - a) * inv_deg * acc2
  return ev2[:n]

# --- scband reference (transcript-rebuilt; emitter-appended) ---
"""Pipeline reference for scband-gnnsafe-23450521436604 (READ-ONLY COPY).

The authoritative reference and input builder live on the scoring server;
editing this copy changes nothing except your own understanding.
"""

import jax, jax.numpy as jnp
import numpy as np


def setup_inputs(seed: int = 0) -> dict:
    key = jax.random.key(seed)
    k1, k2 = jax.random.split(key)
    N = 100000
    E = 6400000
    e = jax.random.normal(k1, (N,), dtype=jnp.float32)
    edge_index = jax.random.randint(k2, (2, E), 0, N, dtype=jnp.int32).astype(jnp.int64)
    return {"e": e, "edge_index": edge_index, "prop_layers": 2, "alpha": 0.5}


def reference(e, edge_index, prop_layers=2, alpha=0.5):
    # Faithful translation of GNNSafe.propagation (energy belief propagation).
    # adj = SparseTensor(row=col, col=row, value=1/deg[col]); matmul(adj, e)[i]
    #     = sum_{edges j with col_j == i} value_j * e[row_j]
    N = e.shape[0]
    row = edge_index[0]
    col = edge_index[1]
    deg = jnp.bincount(col, length=N).astype(jnp.float32)
    d_norm = 1.0 / deg[col]
    value = jnp.nan_to_num(d_norm, nan=0.0, posinf=0.0, neginf=0.0)
    ev = e[:, None] + (jnp.asarray(prop_layers) * 0).astype(e.dtype)
    for _ in range(2):
        msg = value[:, None] * ev[row]
        agg = jax.ops.segment_sum(msg, col, num_segments=N)
        ev = ev * alpha + agg * (1.0 - alpha)
    return ev[:, 0]

if __name__ == "__main__":
    import jax
    _d = setup_inputs()
    print(jax.jit(kernel)(*tuple(_d.values())))

</pallas_src>

<mosaic_0001>
#map = affine_map<(d0, d1) -> (0)>
module attributes {stable_mosaic.version = 14 : i64} {
  func.func @body(%arg0: i32, %arg1: i32, %arg2: memref<100096xf32, #tpu.memory_space<hbm>>, %arg3: memref<100096xf32, #tpu.memory_space<hbm>>, %arg4: memref<6400000xi32, #tpu.memory_space<hbm>>, %arg5: memref<6400000xi32, #tpu.memory_space<hbm>>, %arg6: memref<200192xf32, #tpu.memory_space<hbm>>, %arg7: memref<100096xf32, #tpu.memory_space<vmem_shared>>, %arg8: memref<100096xf32, #tpu.memory_space<vmem_shared>>, %arg9: memref<10000xi32, #tpu.memory_space<vmem>>, %arg10: memref<10000xi32, #tpu.memory_space<vmem>>, %arg11: memref<10000xi32, #tpu.memory_space<vmem>>, %arg12: memref<10000xi32, #tpu.memory_space<vmem>>, %arg13: memref<10000xi32, #tpu.memory_space<vmem>>, %arg14: memref<10000xi32, #tpu.memory_space<vmem>>, %arg15: memref<10000xf32, #tpu.memory_space<vmem>>, %arg16: memref<10000xf32, #tpu.memory_space<vmem>>, %arg17: memref<10000xf32, #tpu.memory_space<vmem>>, %arg18: memref<6256xf32, #tpu.memory_space<vmem>>, %arg19: memref<!tpu.dma_semaphore, #tpu.memory_space<semaphore_mem>>, %arg20: memref<!tpu.dma_semaphore, #tpu.memory_space<semaphore_mem>>, %arg21: memref<!tpu.dma_semaphore, #tpu.memory_space<semaphore_mem>>, %arg22: memref<!tpu.dma_semaphore, #tpu.memory_space<semaphore_mem>>, %arg23: memref<!tpu.dma_semaphore, #tpu.memory_space<semaphore_mem>>, %arg24: memref<!tpu.dma_semaphore, #tpu.memory_space<semaphore_mem>>, %arg25: memref<!tpu.dma_semaphore, #tpu.memory_space<semaphore_mem>>, %arg26: memref<!tpu.dma_semaphore, #tpu.memory_space<semaphore_mem>>, %arg27: memref<!tpu.dma_semaphore, #tpu.memory_space<semaphore_mem>>, %arg28: memref<!tpu.dma_semaphore, #tpu.memory_space<semaphore_mem>>, %arg29: memref<!tpu.dma_semaphore, #tpu.memory_space<semaphore_mem>>, %arg30: memref<!tpu.dma_semaphore, #tpu.memory_space<semaphore_mem>>, %arg31: memref<!tpu.dma_semaphore, #tpu.memory_space<semaphore_mem>>, %arg32: memref<!tpu.dma_semaphore, #tpu.memory_space<semaphore_mem>>, %arg33: memref<!tpu.dma_semaphore, #tpu.memory_space<semaphore_mem>>) attributes {dimension_semantics = [#tpu.dimension_semantics<core_parallel>, #tpu.dimension_semantics<subcore_parallel>], iteration_bounds = array<i64: 2, 16>, scalar_prefetch = 0 : i64, scratch_operands = 27 : i64, tpu.core_type = #tpu.core_type<sc_vector_subcore>, window_params = [{transform_indices = #map}, {transform_indices = #map}, {transform_indices = #map}, {transform_indices = #map}, {transform_indices = #map}]} {
    %mul3A = arith.constant 6256 : i32
    %mul3A_0 = arith.muli %arg1, %mul3A : i32
    "tpu.region"() ({
      %run_scoped3A = tpu.sem_alloc : memref<!tpu.dma_semaphore, #tpu.memory_space<semaphore_mem>>
      %dma_start3A_367 = tpu.memref_slice %arg2[%mul3A_0] : memref<100096xf32, #tpu.memory_space<hbm>> -> memref<6256xf32, #tpu.memory_space<hbm>>
      %dma_start3A_368 = tpu.memref_slice %arg2[%mul3A_0] : memref<100096xf32, #tpu.memory_space<hbm>> -> memref<6256xf32, #tpu.memory_space<hbm>>
      tpu.enqueue_dma source(%dma_start3A_368 : memref<6256xf32, #tpu.memory_space<hbm>>) target(%arg18 : memref<6256xf32, #tpu.memory_space<vmem>>) target_semaphore(%run_scoped3A : memref<!tpu.dma_semaphore, #tpu.memory_space<semaphore_mem>>)
      %dma_wait3A_369 = tpu.memref_slice %arg2[%mul3A_0] : memref<100096xf32, #tpu.memory_space<hbm>> -> memref<6256xf32, #tpu.memory_space<hbm>>
      %dma_wait3A_370 = tpu.memref_slice %arg2[%mul3A_0] : memref<100096xf32, #tpu.memory_space<hbm>> -> memref<6256xf32, #tpu.memory_space<hbm>>
      tpu.wait_dma2 semaphore(%run_scoped3A : memref<!tpu.dma_semaphore, #tpu.memory_space<semaphore_mem>>) src(%dma_wait3A_370 : memref<6256xf32, #tpu.memory_space<hbm>>) dst(%arg18 : memref<6256xf32, #tpu.memory_space<vmem>>)
      tpu.yield
    }) : () -> ()
    "tpu.region"() ({
      %run_scoped3A = tpu.sem_alloc : memref<!tpu.dma_semaphore, #tpu.memory_space<semaphore_mem>>
      %dma_start3A_367 = tpu.memref_slice %arg7[%mul3A_0] : memref<100096xf32, #tpu.memory_space<vmem_shared>> -> memref<6256xf32, #tpu.memory_space<vmem_shared>>
      %dma_start3A_368 = tpu.memref_slice %arg7[%mul3A_0] : memref<100096xf32, #tpu.memory_space<vmem_shared>> -> memref<6256xf32, #tpu.memory_space<vmem_shared>>
      tpu.enqueue_dma source(%arg18 : memref<6256xf32, #tpu.memory_space<vmem>>) target(%dma_start3A_368 : memref<6256xf32, #tpu.memory_space<vmem_shared>>) target_semaphore(%run_scoped3A : memref<!tpu.dma_semaphore, #tpu.memory_space<semaphore_mem>>)
      %dma_wait3A_369 = tpu.memref_slice %arg7[%mul3A_0] : memref<100096xf32, #tpu.memory_space<vmem_shared>> -> memref<6256xf32, #tpu.memory_space<vmem_shared>>
      %dma_wait3A_370 = tpu.memref_slice %arg7[%mul3A_0] : memref<100096xf32, #tpu.memory_space<vmem_shared>> -> memref<6256xf32, #tpu.memory_space<vmem_shared>>
      tpu.wait_dma2 semaphore(%run_scoped3A : memref<!tpu.dma_semaphore, #tpu.memory_space<semaphore_mem>>) src(%arg18 : memref<6256xf32, #tpu.memory_space<vmem>>) dst(%dma_wait3A_370 : memref<6256xf32, #tpu.memory_space<vmem_shared>>)
      tpu.yield
    }) : () -> ()
    "tpu.region"() ({
      %run_scoped3A = tpu.sem_alloc : memref<!tpu.dma_semaphore, #tpu.memory_space<semaphore_mem>>
      %dma_start3A_367 = tpu.memref_slice %arg3[%mul3A_0] : memref<100096xf32, #tpu.memory_space<hbm>> -> memref<6256xf32, #tpu.memory_space<hbm>>
      %dma_start3A_368 = tpu.memref_slice %arg3[%mul3A_0] : memref<100096xf32, #tpu.memory_space<hbm>> -> memref<6256xf32, #tpu.memory_space<hbm>>
      tpu.enqueue_dma source(%dma_start3A_368 : memref<6256xf32, #tpu.memory_space<hbm>>) target(%arg18 : memref<6256xf32, #tpu.memory_space<vmem>>) target_semaphore(%run_scoped3A : memref<!tpu.dma_semaphore, #tpu.memory_space<semaphore_mem>>)
      %dma_wait3A_369 = tpu.memref_slice %arg3[%mul3A_0] : memref<100096xf32, #tpu.memory_space<hbm>> -> memref<6256xf32, #tpu.memory_space<hbm>>
      %dma_wait3A_370 = tpu.memref_slice %arg3[%mul3A_0] : memref<100096xf32, #tpu.memory_space<hbm>> -> memref<6256xf32, #tpu.memory_space<hbm>>
      tpu.wait_dma2 semaphore(%run_scoped3A : memref<!tpu.dma_semaphore, #tpu.memory_space<semaphore_mem>>) src(%dma_wait3A_370 : memref<6256xf32, #tpu.memory_space<hbm>>) dst(%arg18 : memref<6256xf32, #tpu.memory_space<vmem>>)
      tpu.yield
    }) : () -> ()
    "tpu.region"() ({
      %run_scoped3A = tpu.sem_alloc : memref<!tpu.dma_semaphore, #tpu.memory_space<semaphore_mem>>
      %dma_start3A_367 = tpu.memref_slice %arg8[%mul3A_0] : memref<100096xf32, #tpu.memory_space<vmem_shared>> -> memref<6256xf32, #tpu.memory_space<vmem_shared>>
      %dma_start3A_368 = tpu.memref_slice %arg8[%mul3A_0] : memref<100096xf32, #tpu.memory_space<vmem_shared>> -> memref<6256xf32, #tpu.memory_space<vmem_shared>>
      tpu.enqueue_dma source(%arg18 : memref<6256xf32, #tpu.memory_space<vmem>>) target(%dma_start3A_368 : memref<6256xf32, #tpu.memory_space<vmem_shared>>) target_semaphore(%run_scoped3A : memref<!tpu.dma_semaphore, #tpu.memory_space<semaphore_mem>>)
      %dma_wait3A_369 = tpu.memref_slice %arg8[%mul3A_0] : memref<100096xf32, #tpu.memory_space<vmem_shared>> -> memref<6256xf32, #tpu.memory_space<vmem_shared>>
      %dma_wait3A_370 = tpu.memref_slice %arg8[%mul3A_0] : memref<100096xf32, #tpu.memory_space<vmem_shared>> -> memref<6256xf32, #tpu.memory_space<vmem_shared>>
      tpu.wait_dma2 semaphore(%run_scoped3A : memref<!tpu.dma_semaphore, #tpu.memory_space<semaphore_mem>>) src(%arg18 : memref<6256xf32, #tpu.memory_space<vmem>>) dst(%dma_wait3A_370 : memref<6256xf32, #tpu.memory_space<vmem_shared>>)
      tpu.yield
    }) : () -> ()
    %barrier3A = arith.constant 0 : index
    tpu.barrier barrier_id(%barrier3A)
    %mul3A_1 = arith.constant 16 : i32
    %mul3A_2 = arith.muli %arg0, %mul3A_1 : i32
    %add3A = arith.addi %mul3A_2, %arg1 : i32
    %mul3A_3 = arith.constant 200000 : i32
    %mul3A_4 = arith.muli %add3A, %mul3A_3 : i32
    %add3A_5 = arith.constant 0 : i32
    %add3A_6 = arith.addi %mul3A_4, %add3A_5 : i32
    %dma_start3A = tpu.memref_slice %arg4[%add3A_6] : memref<6400000xi32, #tpu.memory_space<hbm>> -> memref<10000xi32, #tpu.memory_space<hbm>>
    %dma_start3A_7 = tpu.memref_slice %arg4[%add3A_6] : memref<6400000xi32, #tpu.memory_space<hbm>> -> memref<10000xi32, #tpu.memory_space<hbm>>
    tpu.enqueue_dma source(%dma_start3A_7 : memref<10000xi32, #tpu.memory_space<hbm>>) target(%arg9 : memref<10000xi32, #tpu.memory_space<vmem>>) target_semaphore(%arg19 : memref<!tpu.dma_semaphore, #tpu.memory_space<semaphore_mem>>)
    %dma_start3A_8 = tpu.memref_slice %arg5[%add3A_6] : memref<6400000xi32, #tpu.memory_space<hbm>> -> memref<10000xi32, #tpu.memory_space<hbm>>
    %dma_start3A_9 = tpu.memref_slice %arg5[%add3A_6] : memref<6400000xi32, #tpu.memory_space<hbm>> -> memref<10000xi32, #tpu.memory_space<hbm>>
    tpu.enqueue_dma source(%dma_start3A_9 : memref<10000xi32, #tpu.memory_space<hbm>>) target(%arg12 : memref<10000xi32, #tpu.memory_space<vmem>>) target_semaphore(%arg22 : memref<!tpu.dma_semaphore, #tpu.memory_space<semaphore_mem>>)
    %add3A_10 = arith.constant 10000 : i32
    %add3A_11 = arith.addi %mul3A_4, %add3A_10 : i32
    %dma_start3A_12 = tpu.memref_slice %arg4[%add3A_11] : memref<6400000xi32, #tpu.memory_space<hbm>> -> memref<10000xi32, #tpu.memory_space<hbm>>
    %dma_start3A_13 = tpu.memref_slice %arg4[%add3A_11] : memref<6400000xi32, #tpu.memory_space<hbm>> -> memref<10000xi32, #tpu.memory_space<hbm>>
    tpu.enqueue_dma source(%dma_start3A_13 : memref<10000xi32, #tpu.memory_space<hbm>>) target(%arg10 : memref<10000xi32, #tpu.memory_space<vmem>>) target_semaphore(%arg20 : memref<!tpu.dma_semaphore, #tpu.memory_space<semaphore_mem>>)
    %dma_start3A_14 = tpu.memref_slice %arg5[%add3A_11] : memref<6400000xi32, #tpu.memory_space<hbm>> -> memref<10000xi32, #tpu.memory_space<hbm>>
    %dma_start3A_15 = tpu.memref_slice %arg5[%add3A_11] : memref<6400000xi32, #tpu.memory_space<hbm>> -> memref<10000xi32, #tpu.memory_space<hbm>>
    tpu.enqueue_dma source(%dma_start3A_15 : memref<10000xi32, #tpu.memory_space<hbm>>) target(%arg13 : memref<10000xi32, #tpu.memory_space<vmem>>) target_semaphore(%arg23 : memref<!tpu.dma_semaphore, #tpu.memory_space<semaphore_mem>>)
    %dma_wait3A = tpu.memref_slice %arg4[%add3A_6] : memref<6400000xi32, #tpu.memory_space<hbm>> -> memref<10000xi32, #tpu.memory_space<hbm>>
    %dma_wait3A_16 = tpu.memref_slice %arg4[%add3A_6] : memref<6400000xi32, #tpu.memory_space<hbm>> -> memref<10000xi32, #tpu.memory_space<hbm>>
    tpu.wait_dma2 semaphore(%arg19 : memref<!tpu.dma_semaphore, #tpu.memory_space<semaphore_mem>>) src(%dma_wait3A_16 : memref<10000xi32, #tpu.memory_space<hbm>>) dst(%arg9 : memref<10000xi32, #tpu.memory_space<vmem>>)
    %dma_wait3A_17 = tpu.memref_slice %arg5[%add3A_6] : memref<6400000xi32, #tpu.memory_space<hbm>> -> memref<10000xi32, #tpu.memory_space<hbm>>
    %dma_wait3A_18 = tpu.memref_slice %arg5[%add3A_6] : memref<6400000xi32, #tpu.memory_space<hbm>> -> memref<10000xi32, #tpu.memory_space<hbm>>
    tpu.wait_dma2 semaphore(%arg22 : memref<!tpu.dma_semaphore, #tpu.memory_space<semaphore_mem>>) src(%dma_wait3A_18 : memref<10000xi32, #tpu.memory_space<hbm>>) dst(%arg12 : memref<10000xi32, #tpu.memory_space<vmem>>)
    %dma_start3A_19 = arith.constant 0 : i32
    %dma_start3A_20 = tpu.memref_slice %arg7[%dma_start3A_19] : memref<100096xf32, #tpu.memory_space<vmem_shared>> -> memref<100096xf32, #tpu.memory_space<vmem_shared>>
    tpu.enqueue_indirect_dma source(%dma_start3A_20 : memref<100096xf32, #tpu.memory_space<vmem_shared>>) target(%arg15 : memref<10000xf32, #tpu.memory_space<vmem>>) offsets(%arg9 : memref<10000xi32, #tpu.memory_space<vmem>>) semaphore(%arg25 : memref<!tpu.dma_semaphore, #tpu.memory_space<semaphore_mem>>)
    %dma_wait3A_21 = arith.constant 0 : i32
    %dma_wait3A_22 = tpu.memref_slice %arg7[%dma_wait3A_21] : memref<100096xf32, #tpu.memory_space<vmem_shared>> -> memref<100096xf32, #tpu.memory_space<vmem_shared>>
    tpu.wait_indirect_dma semaphore(%arg25 : memref<!tpu.dma_semaphore, #tpu.memory_space<semaphore_mem>>) src(%dma_wait3A_22 : memref<100096xf32, #tpu.memory_space<vmem_shared>>) dst(%arg15 : memref<10000xf32, #tpu.memory_space<vmem>>)
    %dma_start3A_23 = arith.constant 0 : i32
    %dma_start3A_24 = tpu.memref_slice %arg8[%dma_start3A_23] : memref<100096xf32, #tpu.memory_space<vmem_shared>> -> memref<100096xf32, #tpu.memory_space<vmem_shared>>
    tpu.enqueue_indirect_dma source(%arg15 : memref<10000xf32, #tpu.memory_space<vmem>>) target(%dma_start3A_24 : memref<100096xf32, #tpu.memory_space<vmem_shared>>) offsets(%arg12 : memref<10000xi32, #tpu.memory_space<vmem>>) semaphore(%arg28 : memref<!tpu.dma_semaphore, #tpu.memory_space<semaphore_mem>>) {add = true}
    %add3A_25 = arith.constant 20000 : i32
    %add3A_26 = arith.addi %mul3A_4, %add3A_25 : i32
    %dma_start3A_27 = tpu.memref_slice %arg4[%add3A_26] : memref<6400000xi32, #tpu.memory_space<hbm>> -> memref<10000xi32, #tpu.memory_space<hbm>>
    %dma_start3A_28 = tpu.memref_slice %arg4[%add3A_26] : memref<6400000xi32, #tpu.memory_space<hbm>> -> memref<10000xi32, #tpu.memory_space<hbm>>
    tpu.enqueue_dma source(%dma_start3A_28 : memref<10000xi32, #tpu.memory_space<hbm>>) target(%arg11 : memref<10000xi32, #tpu.memory_space<vmem>>) target_semaphore(%arg21 : memref<!tpu.dma_semaphore, #tpu.memory_space<semaphore_mem>>)
    %dma_start3A_29 = tpu.memref_slice %arg5[%add3A_26] : memref<6400000xi32, #tpu.memory_space<hbm>> -> memref<10000xi32, #tpu.memory_space<hbm>>
    %dma_start3A_30 = tpu.memref_slice %arg5[%add3A_26] : memref<6400000xi32, #tpu.memory_space<hbm>> -> memref<10000xi32, #tpu.memory_space<hbm>>
    tpu.enqueue_dma source(%dma_start3A_30 : memref<10000xi32, #tpu.memory_space<hbm>>) target(%arg14 : memref<10000xi32, #tpu.memory_space<vmem>>) target_semaphore(%arg24 : memref<!tpu.dma_semaphore, #tpu.memory_space<semaphore_mem>>)
    %dma_wait3A_31 = tpu.memref_slice %arg4[%add3A_11] : memref<6400000xi32, #tpu.memory_space<hbm>> -> memref<10000xi32, #tpu.memory_space<hbm>>
    %dma_wait3A_32 = tpu.memref_slice %arg4[%add3A_11] : memref<6400000xi32, #tpu.memory_space<hbm>> -> memref<10000xi32, #tpu.memory_space<hbm>>
    tpu.wait_dma2 semaphore(%arg20 : memref<!tpu.dma_semaphore, #tpu.memory_space<semaphore_mem>>) src(%dma_wait3A_32 : memref<10000xi32, #tpu.memory_space<hbm>>) dst(%arg10 : memref<10000xi32, #tpu.memory_space<vmem>>)
    %dma_wait3A_33 = tpu.memref_slice %arg5[%add3A_11] : memref<6400000xi32, #tpu.memory_space<hbm>> -> memref<10000xi32, #tpu.memory_space<hbm>>
    %dma_wait3A_34 = tpu.memref_slice %arg5[%add3A_11] : memref<6400000xi32, #tpu.memory_space<hbm>> -> memref<10000xi32, #tpu.memory_space<hbm>>
    tpu.wait_dma2 semaphore(%arg23 : memref<!tpu.dma_semaphore, #tpu.memory_space<semaphore_mem>>) src(%dma_wait3A_34 : memref<10000xi32, #tpu.memory_space<hbm>>) dst(%arg13 : memref<10000xi32, #tpu.memory_space<vmem>>)
    %dma_start3A_35 = arith.constant 0 : i32
    %dma_start3A_36 = tpu.memref_slice %arg7[%dma_start3A_35] : memref<100096xf32, #tpu.memory_space<vmem_shared>> -> memref<100096xf32, #tpu.memory_space<vmem_shared>>
    tpu.enqueue_indirect_dma source(%dma_start3A_36 : memref<100096xf32, #tpu.memory_space<vmem_shared>>) target(%arg16 : memref<10000xf32, #tpu.memory_space<vmem>>) offsets(%arg10 : memref<10000xi32, #tpu.memory_space<vmem>>) semaphore(%arg26 : memref<!tpu.dma_semaphore, #tpu.memory_space<semaphore_mem>>)
    %dma_wait3A_37 = arith.constant 0 : i32
    %dma_wait3A_38 = tpu.memref_slice %arg7[%dma_wait3A_37] : memref<100096xf32, #tpu.memory_space<vmem_shared>> -> memref<100096xf32, #tpu.memory_space<vmem_shared>>
    tpu.wait_indirect_dma semaphore(%arg26 : memref<!tpu.dma_semaphore, #tpu.memory_space<semaphore_mem>>) src(%dma_wait3A_38 : memref<100096xf32, #tpu.memory_space<vmem_shared>>) dst(%arg16 : memref<10000xf32, #tpu.memory_space<vmem>>)
    %dma_start3A_39 = arith.constant 0 : i32
    %dma_start3A_40 = tpu.memref_slice %arg8[%dma_start3A_39] : memref<100096xf32, #tpu.memory_space<vmem_shared>> -> memref<100096xf32, #tpu.memory_space<vmem_shared>>
    tpu.enqueue_indirect_dma source(%arg16 : memref<10000xf32, #tpu.memory_space<vmem>>) target(%dma_start3A_40 : memref<100096xf32, #tpu.memory_space<vmem_shared>>) offsets(%arg13 : memref<10000xi32, #tpu.memory_space<vmem>>) semaphore(%arg29 : memref<!tpu.dma_semaphore, #tpu.memory_space<semaphore_mem>>) {add = true}
    %dma_wait3A_41 = arith.constant 0 : i32
    %dma_wait3A_42 = tpu.memref_slice %arg8[%dma_wait3A_41] : memref<100096xf32, #tpu.memory_space<vmem_shared>> -> memref<100096xf32, #tpu.memory_space<vmem_shared>>
    tpu.wait_indirect_dma semaphore(%arg28 : memref<!tpu.dma_semaphore, #tpu.memory_space<semaphore_mem>>) src(%arg15 : memref<10000xf32, #tpu.memory_space<vmem>>) dst(%dma_wait3A_42 : memref<100096xf32, #tpu.memory_space<vmem_shared>>)
    %add3A_43 = arith.constant 30000 : i32
    %add3A_44 = arith.addi %mul3A_4, %add3A_43 : i32
    %dma_start3A_45 = tpu.memref_slice %arg4[%add3A_44] : memref<6400000xi32, #tpu.memory_space<hbm>> -> memref<10000xi32, #tpu.memory_space<hbm>>
    %dma_start3A_46 = tpu.memref_slice %arg4[%add3A_44] : memref<6400000xi32, #tpu.memory_space<hbm>> -> memref<10000xi32, #tpu.memory_space<hbm>>
    tpu.enqueue_dma source(%dma_start3A_46 : memref<10000xi32, #tpu.memory_space<hbm>>) target(%arg9 : memref<10000xi32, #tpu.memory_space<vmem>>) target_semaphore(%arg19 : memref<!tpu.dma_semaphore, #tpu.memory_space<semaphore_mem>>)
    %dma_start3A_47 = tpu.memref_slice %arg5[%add3A_44] : memref<6400000xi32, #tpu.memory_space<hbm>> -> memref<10000xi32, #tpu.memory_space<hbm>>
    %dma_start3A_48 = tpu.memref_slice %arg5[%add3A_44] : memref<6400000xi32, #tpu.memory_space<hbm>> -> memref<10000xi32, #tpu.memory_space<hbm>>
    tpu.enqueue_dma source(%dma_start3A_48 : memref<10000xi32, #tpu.memory_space<hbm>>) target(%arg12 : memref<10000xi32, #tpu.memory_space<vmem>>) target_semaphore(%arg22 : memref<!tpu.dma_semaphore, #tpu.memory_space<semaphore_mem>>)
    %dma_wait3A_49 = tpu.memref_slice %arg4[%add3A_26] : memref<6400000xi32, #tpu.memory_space<hbm>> -> memref<10000xi32, #tpu.memory_space<hbm>>
    %dma_wait3A_50 = tpu.memref_slice %arg4[%add3A_26] : memref<6400000xi32, #tpu.memory_space<hbm>> -> memref<10000xi32, #tpu.memory_space<hbm>>
    tpu.wait_dma2 semaphore(%arg21 : memref<!tpu.dma_semaphore, #tpu.memory_space<semaphore_mem>>) src(%dma_wait3A_50 : memref<10000xi32, #tpu.memory_space<hbm>>) dst(%arg11 : memref<10000xi32, #tpu.memory_space<vmem>>)
    %dma_wait3A_51 = tpu.memref_slice %arg5[%add3A_26] : memref<6400000xi32, #tpu.memory_space<hbm>> -> memref<10000xi32, #tpu.memory_space<hbm>>
    %dma_wait3A_52 = tpu.memref_slice %arg5[%add3A_26] : memref<6400000xi32, #tpu.memory_space<hbm>> -> memref<10000xi32, #tpu.memory_space<hbm>>
    tpu.wait_dma2 semaphore(%arg24 : memref<!tpu.dma_semaphore, #tpu.memory_space<semaphore_mem>>) src(%dma_wait3A_52 : memref<10000xi32, #tpu.memory_space<hbm>>) dst(%arg14 : memref<10000xi32, #tpu.memory_space<vmem>>)
    %dma_start3A_53 = arith.constant 0 : i32
    %dma_start3A_54 = tpu.memref_slice %arg7[%dma_start3A_53] : memref<100096xf32, #tpu.memory_space<vmem_shared>> -> memref<100096xf32, #tpu.memory_space<vmem_shared>>
    tpu.enqueue_indirect_dma source(%dma_start3A_54 : memref<100096xf32, #tpu.memory_space<vmem_shared>>) target(%arg17 : memref<10000xf32, #tpu.memory_space<vmem>>) offsets(%arg11 : memref<10000xi32, #tpu.memory_space<vmem>>) semaphore(%arg27 : memref<!tpu.dma_semaphore, #tpu.memory_space<semaphore_mem>>)
    %dma_wait3A_55 = arith.constant 0 : i32
    %dma_wait3A_56 = tpu.memref_slice %arg7[%dma_wait3A_55] : memref<100096xf32, #tpu.memory_space<vmem_shared>> -> memref<100096xf32, #tpu.memory_space<vmem_shared>>
    tpu.wait_indirect_dma semaphore(%arg27 : memref<!tpu.dma_semaphore, #tpu.memory_space<semaphore_mem>>) src(%dma_wait3A_56 : memref<100096xf32, #tpu.memory_space<vmem_shared>>) dst(%arg17 : memref<10000xf32, #tpu.memory_space<vmem>>)
    %dma_start3A_57 = arith.constant 0 : i32
    %dma_start3A_58 = tpu.memref_slice %arg8[%dma_start3A_57] : memref<100096xf32, #tpu.memory_space<vmem_shared>> -> memref<100096xf32, #tpu.memory_space<vmem_shared>>
    tpu.enqueue_indirect_dma source(%arg17 : memref<10000xf32, #tpu.memory_space<vmem>>) target(%dma_start3A_58 : memref<100096xf32, #tpu.memory_space<vmem_shared>>) offsets(%arg14 : memref<10000xi32, #tpu.memory_space<vmem>>) semaphore(%arg30 : memref<!tpu.dma_semaphore, #tpu.memory_space<semaphore_mem>>) {add = true}
    %dma_wait3A_59 = arith.constant 0 : i32
    %dma_wait3A_60 = tpu.memref_slice %arg8[%dma_wait3A_59] : memref<100096xf32, #tpu.memory_space<vmem_shared>> -> memref<100096xf32, #tpu.memory_space<vmem_shared>>
    tpu.wait_indirect_dma semaphore(%arg29 : memref<!tpu.dma_semaphore, #tpu.memory_space<semaphore_mem>>) src(%arg16 : memref<10000xf32, #tpu.memory_space<vmem>>) dst(%dma_wait3A_60 : memref<100096xf32, #tpu.memory_space<vmem_shared>>)
    %add3A_61 = arith.constant 40000 : i32
    %add3A_62 = arith.addi %mul3A_4, %add3A_61 : i32
    %dma_start3A_63 = tpu.memref_slice %arg4[%add3A_62] : memref<6400000xi32, #tpu.memory_space<hbm>> -> memref<10000xi32, #tpu.memory_space<hbm>>
    %dma_start3A_64 = tpu.memref_slice %arg4[%add3A_62] : memref<6400000xi32, #tpu.memory_space<hbm>> -> memref<10000xi32, #tpu.memory_space<hbm>>
    tpu.enqueue_dma source(%dma_start3A_64 : memref<10000xi32, #tpu.memory_space<hbm>>) target(%arg10 : memref<10000xi32, #tpu.memory_space<vmem>>) target_semaphore(%arg20 : memref<!tpu.dma_semaphore, #tpu.memory_space<semaphore_mem>>)
    %dma_start3A_65 = tpu.memref_slice %arg5[%add3A_62] : memref<6400000xi32, #tpu.memory_space<hbm>> -> memref<10000xi32, #tpu.memory_space<hbm>>
    %dma_start3A_66 = tpu.memref_slice %arg5[%add3A_62] : memref<6400000xi32, #tpu.memory_space<hbm>> -> memref<10000xi32, #tpu.memory_space<hbm>>
    tpu.enqueue_dma source(%dma_start3A_66 : memref<10000xi32, #tpu.memory_space<hbm>>) target(%arg13 : memref<10000xi32, #tpu.memory_space<vmem>>) target_semaphore(%arg23 : memref<!tpu.dma_semaphore, #tpu.memory_space<semaphore_mem>>)
    %dma_wait3A_67 = tpu.memref_slice %arg4[%add3A_44] : memref<6400000xi32, #tpu.memory_space<hbm>> -> memref<10000xi32, #tpu.memory_space<hbm>>
    %dma_wait3A_68 = tpu.memref_slice %arg4[%add3A_44] : memref<6400000xi32, #tpu.memory_space<hbm>> -> memref<10000xi32, #tpu.memory_space<hbm>>
    tpu.wait_dma2 semaphore(%arg19 : memref<!tpu.dma_semaphore, #tpu.memory_space<semaphore_mem>>) src(%dma_wait3A_68 : memref<10000xi32, #tpu.memory_space<hbm>>) dst(%arg9 : memref<10000xi32, #tpu.memory_space<vmem>>)
    %dma_wait3A_69 = tpu.memref_slice %arg5[%add3A_44] : memref<6400000xi32, #tpu.memory_space<hbm>> -> memref<10000xi32, #tpu.memory_space<hbm>>
    %dma_wait3A_70 = tpu.memref_slice %arg5[%add3A_44] : memref<6400000xi32, #tpu.memory_space<hbm>> -> memref<10000xi32, #tpu.memory_space<hbm>>
    tpu.wait_dma2 semaphore(%arg22 : memref<!tpu.dma_semaphore, #tpu.memory_space<semaphore_mem>>) src(%dma_wait3A_70 : memref<10000xi32, #tpu.memory_space<hbm>>) dst(%arg12 : memref<10000xi32, #tpu.memory_space<vmem>>)
    %dma_start3A_71 = arith.constant 0 : i32
    %dma_start3A_72 = tpu.memref_slice %arg7[%dma_start3A_71] : memref<100096xf32, #tpu.memory_space<vmem_shared>> -> memref<100096xf32, #tpu.memory_space<vmem_shared>>
    tpu.enqueue_indirect_dma source(%dma_start3A_72 : memref<100096xf32, #tpu.memory_space<vmem_shared>>) target(%arg15 : memref<10000xf32, #tpu.memory_space<vmem>>) offsets(%arg9 : memref<10000xi32, #tpu.memory_space<vmem>>) semaphore(%arg25 : memref<!tpu.dma_semaphore, #tpu.memory_space<semaphore_mem>>)
    %dma_wait3A_73 = arith.constant 0 : i32
    %dma_wait3A_74 = tpu.memref_slice %arg7[%dma_wait3A_73] : memref<100096xf32, #tpu.memory_space<vmem_shared>> -> memref<100096xf32, #tpu.memory_space<vmem_shared>>
    tpu.wait_indirect_dma semaphore(%arg25 : memref<!tpu.dma_semaphore, #tpu.memory_space<semaphore_mem>>) src(%dma_wait3A_74 : memref<100096xf32, #tpu.memory_space<vmem_shared>>) dst(%arg15 : memref<10000xf32, #tpu.memory_space<vmem>>)
    %dma_start3A_75 = arith.constant 0 : i32
    %dma_start3A_76 = tpu.memref_slice %arg8[%dma_start3A_75] : memref<100096xf32, #tpu.memory_space<vmem_shared>> -> memref<100096xf32, #tpu.memory_space<vmem_shared>>
    tpu.enqueue_indirect_dma source(%arg15 : memref<10000xf32, #tpu.memory_space<vmem>>) target(%dma_start3A_76 : memref<100096xf32, #tpu.memory_space<vmem_shared>>) offsets(%arg12 : memref<10000xi32, #tpu.memory_space<vmem>>) semaphore(%arg28 : memref<!tpu.dma_semaphore, #tpu.memory_space<semaphore_mem>>) {add = true}
    %dma_wait3A_77 = arith.constant 0 : i32
    %dma_wait3A_78 = tpu.memref_slice %arg8[%dma_wait3A_77] : memref<100096xf32, #tpu.memory_space<vmem_shared>> -> memref<100096xf32, #tpu.memory_space<vmem_shared>>
    tpu.wait_indirect_dma semaphore(%arg30 : memref<!tpu.dma_semaphore, #tpu.memory_space<semaphore_mem>>) src(%arg17 : memref<10000xf32, #tpu.memory_space<vmem>>) dst(%dma_wait3A_78 : memref<100096xf32, #tpu.memory_space<vmem_shared>>)
    %add3A_79 = arith.constant 50000 : i32
    %add3A_80 = arith.addi %mul3A_4, %add3A_79 : i32
    %dma_start3A_81 = tpu.memref_slice %arg4[%add3A_80] : memref<6400000xi32, #tpu.memory_space<hbm>> -> memref<10000xi32, #tpu.memory_space<hbm>>
    %dma_start3A_82 = tpu.memref_slice %arg4[%add3A_80] : memref<6400000xi32, #tpu.memory_space<hbm>> -> memref<10000xi32, #tpu.memory_space<hbm>>
    tpu.enqueue_dma source(%dma_start3A_82 : memref<10000xi32, #tpu.memory_space<hbm>>) target(%arg11 : memref<10000xi32, #tpu.memory_space<vmem>>) target_semaphore(%arg21 : memref<!tpu.dma_semaphore, #tpu.memory_space<semaphore_mem>>)
    %dma_start3A_83 = tpu.memref_slice %arg5[%add3A_80] : memref<6400000xi32, #tpu.memory_space<hbm>> -> memref<10000xi32, #tpu.memory_space<hbm>>
    %dma_start3A_84 = tpu.memref_slice %arg5[%add3A_80] : memref<6400000xi32, #tpu.memory_space<hbm>> -> memref<10000xi32, #tpu.memory_space<hbm>>
    tpu.enqueue_dma source(%dma_start3A_84 : memref<10000xi32, #tpu.memory_space<hbm>>) target(%arg14 : memref<10000xi32, #tpu.memory_space<vmem>>) target_semaphore(%arg24 : memref<!tpu.dma_semaphore, #tpu.memory_space<semaphore_mem>>)
    %dma_wait3A_85 = tpu.memref_slice %arg4[%add3A_62] : memref<6400000xi32, #tpu.memory_space<hbm>> -> memref<10000xi32, #tpu.memory_space<hbm>>
    %dma_wait3A_86 = tpu.memref_slice %arg4[%add3A_62] : memref<6400000xi32, #tpu.memory_space<hbm>> -> memref<10000xi32, #tpu.memory_space<hbm>>
    tpu.wait_dma2 semaphore(%arg20 : memref<!tpu.dma_semaphore, #tpu.memory_space<semaphore_mem>>) src(%dma_wait3A_86 : memref<10000xi32, #tpu.memory_space<hbm>>) dst(%arg10 : memref<10000xi32, #tpu.memory_space<vmem>>)
    %dma_wait3A_87 = tpu.memref_slice %arg5[%add3A_62] : memref<6400000xi32, #tpu.memory_space<hbm>> -> memref<10000xi32, #tpu.memory_space<hbm>>
    %dma_wait3A_88 = tpu.memref_slice %arg5[%add3A_62] : memref<6400000xi32, #tpu.memory_space<hbm>> -> memref<10000xi32, #tpu.memory_space<hbm>>
    tpu.wait_dma2 semaphore(%arg23 : memref<!tpu.dma_semaphore, #tpu.memory_space<semaphore_mem>>) src(%dma_wait3A_88 : memref<10000xi32, #tpu.memory_space<hbm>>) dst(%arg13 : memref<10000xi32, #tpu.memory_space<vmem>>)
    %dma_start3A_89 = arith.constant 0 : i32
    %dma_start3A_90 = tpu.memref_slice %arg7[%dma_start3A_89] : memref<100096xf32, #tpu.memory_space<vmem_shared>> -> memref<100096xf32, #tpu.memory_space<vmem_shared>>
    tpu.enqueue_indirect_dma source(%dma_start3A_90 : memref<100096xf32, #tpu.memory_space<vmem_shared>>) target(%arg16 : memref<10000xf32, #tpu.memory_space<vmem>>) offsets(%arg10 : memref<10000xi32, #tpu.memory_space<vmem>>) semaphore(%arg26 : memref<!tpu.dma_semaphore, #tpu.memory_space<semaphore_mem>>)
    %dma_wait3A_91 = arith.constant 0 : i32
    %dma_wait3A_92 = tpu.memref_slice %arg7[%dma_wait3A_91] : memref<100096xf32, #tpu.memory_space<vmem_shared>> -> memref<100096xf32, #tpu.memory_space<vmem_shared>>
    tpu.wait_indirect_dma semaphore(%arg26 : memref<!tpu.dma_semaphore, #tpu.memory_space<semaphore_mem>>) src(%dma_wait3A_92 : memref<100096xf32, #tpu.memory_space<vmem_shared>>) dst(%arg16 : memref<10000xf32, #tpu.memory_space<vmem>>)
    %dma_start3A_93 = arith.constant 0 : i32
    %dma_start3A_94 = tpu.memref_slice %arg8[%dma_start3A_93] : memref<100096xf32, #tpu.memory_space<vmem_shared>> -> memref<100096xf32, #tpu.memory_space<vmem_shared>>
    tpu.enqueue_indirect_dma source(%arg16 : memref<10000xf32, #tpu.memory_space<vmem>>) target(%dma_start3A_94 : memref<100096xf32, #tpu.memory_space<vmem_shared>>) offsets(%arg13 : memref<10000xi32, #tpu.memory_space<vmem>>) semaphore(%arg29 : memref<!tpu.dma_semaphore, #tpu.memory_space<semaphore_mem>>) {add = true}
    %dma_wait3A_95 = arith.constant 0 : i32
    %dma_wait3A_96 = tpu.memref_slice %arg8[%dma_wait3A_95] : memref<100096xf32, #tpu.memory_space<vmem_shared>> -> memref<100096xf32, #tpu.memory_space<vmem_shared>>
    tpu.wait_indirect_dma semaphore(%arg28 : memref<!tpu.dma_semaphore, #tpu.memory_space<semaphore_mem>>) src(%arg15 : memref<10000xf32, #tpu.memory_space<vmem>>) dst(%dma_wait3A_96 : memref<100096xf32, #tpu.memory_space<vmem_shared>>)
    %add3A_97 = arith.constant 60000 : i32
    %add3A_98 = arith.addi %mul3A_4, %add3A_97 : i32
    %dma_start3A_99 = tpu.memref_slice %arg4[%add3A_98] : memref<6400000xi32, #tpu.memory_space<hbm>> -> memref<10000xi32, #tpu.memory_space<hbm>>
    %dma_start3A_100 = tpu.memref_slice %arg4[%add3A_98] : memref<6400000xi32, #tpu.memory_space<hbm>> -> memref<10000xi32, #tpu.memory_space<hbm>>
    tpu.enqueue_dma source(%dma_start3A_100 : memref<10000xi32, #tpu.memory_space<hbm>>) target(%arg9 : memref<10000xi32, #tpu.memory_space<vmem>>) target_semaphore(%arg19 : memref<!tpu.dma_semaphore, #tpu.memory_space<semaphore_mem>>)
    %dma_start3A_101 = tpu.memref_slice %arg5[%add3A_98] : memref<6400000xi32, #tpu.memory_space<hbm>> -> memref<10000xi32, #tpu.memory_space<hbm>>
    %dma_start3A_102 = tpu.memref_slice %arg5[%add3A_98] : memref<6400000xi32, #tpu.memory_space<hbm>> -> memref<10000xi32, #tpu.memory_space<hbm>>
    tpu.enqueue_dma source(%dma_start3A_102 : memref<10000xi32, #tpu.memory_space<hbm>>) target(%arg12 : memref<10000xi32, #tpu.memory_space<vmem>>) target_semaphore(%arg22 : memref<!tpu.dma_semaphore, #tpu.memory_space<semaphore_mem>>)
    %dma_wait3A_103 = tpu.memref_slice %arg4[%add3A_80] : memref<6400000xi32, #tpu.memory_space<hbm>> -> memref<10000xi32, #tpu.memory_space<hbm>>
    %dma_wait3A_104 = tpu.memref_slice %arg4[%add3A_80] : memref<6400000xi32, #tpu.memory_space<hbm>> -> memref<10000xi32, #tpu.memory_space<hbm>>
    tpu.wait_dma2 semaphore(%arg21 : memref<!tpu.dma_semaphore, #tpu.memory_space<semaphore_mem>>) src(%dma_wait3A_104 : memref<10000xi32, #tpu.memory_space<hbm>>) dst(%arg11 : memref<10000xi32, #tpu.memory_space<vmem>>)
    %dma_wait3A_105 = tpu.memref_slice %arg5[%add3A_80] : memref<6400000xi32, #tpu.memory_space<hbm>> -> memref<10000xi32, #tpu.memory_space<hbm>>
    %dma_wait3A_106 = tpu.memref_slice %arg5[%add3A_80] : memref<6400000xi32, #tpu.memory_space<hbm>> -> memref<10000xi32, #tpu.memory_space<hbm>>
    tpu.wait_dma2 semaphore(%arg24 : memref<!tpu.dma_semaphore, #tpu.memory_space<semaphore_mem>>) src(%dma_wait3A_106 : memref<10000xi32, #tpu.memory_space<hbm>>) dst(%arg14 : memref<10000xi32, #tpu.memory_space<vmem>>)
    %dma_start3A_107 = arith.constant 0 : i32
    %dma_start3A_108 = tpu.memref_slice %arg7[%dma_start3A_107] : memref<100096xf32, #tpu.memory_space<vmem_shared>> -> memref<100096xf32, #tpu.memory_space<vmem_shared>>
    tpu.enqueue_indirect_dma source(%dma_start3A_108 : memref<100096xf32, #tpu.memory_space<vmem_shared>>) target(%arg17 : memref<10000xf32, #tpu.memory_space<vmem>>) offsets(%arg11 : memref<10000xi32, #tpu.memory_space<vmem>>) semaphore(%arg27 : memref<!tpu.dma_semaphore, #tpu.memory_space<semaphore_mem>>)
    %dma_wait3A_109 = arith.constant 0 : i32
    %dma_wait3A_110 = tpu.memref_slice %arg7[%dma_wait3A_109] : memref<100096xf32, #tpu.memory_space<vmem_shared>> -> memref<100096xf32, #tpu.memory_space<vmem_shared>>
    tpu.wait_indirect_dma semaphore(%arg27 : memref<!tpu.dma_semaphore, #tpu.memory_space<semaphore_mem>>) src(%dma_wait3A_110 : memref<100096xf32, #tpu.memory_space<vmem_shared>>) dst(%arg17 : memref<10000xf32, #tpu.memory_space<vmem>>)
    %dma_start3A_111 = arith.constant 0 : i32
    %dma_start3A_112 = tpu.memref_slice %arg8[%dma_start3A_111] : memref<100096xf32, #tpu.memory_space<vmem_shared>> -> memref<100096xf32, #tpu.memory_space<vmem_shared>>
    tpu.enqueue_indirect_dma source(%arg17 : memref<10000xf32, #tpu.memory_space<vmem>>) target(%dma_start3A_112 : memref<100096xf32, #tpu.memory_space<vmem_shared>>) offsets(%arg14 : memref<10000xi32, #tpu.memory_space<vmem>>) semaphore(%arg30 : memref<!tpu.dma_semaphore, #tpu.memory_space<semaphore_mem>>) {add = true}
    %dma_wait3A_113 = arith.constant 0 : i32
    %dma_wait3A_114 = tpu.memref_slice %arg8[%dma_wait3A_113] : memref<100096xf32, #tpu.memory_space<vmem_shared>> -> memref<100096xf32, #tpu.memory_space<vmem_shared>>
    tpu.wait_indirect_dma semaphore(%arg29 : memref<!tpu.dma_semaphore, #tpu.memory_space<semaphore_mem>>) src(%arg16 : memref<10000xf32, #tpu.memory_space<vmem>>) dst(%dma_wait3A_114 : memref<100096xf32, #tpu.memory_space<vmem_shared>>)
    %add3A_115 = arith.constant 70000 : i32
    %add3A_116 = arith.addi %mul3A_4, %add3A_115 : i32
    %dma_start3A_117 = tpu.memref_slice %arg4[%add3A_116] : memref<6400000xi32, #tpu.memory_space<hbm>> -> memref<10000xi32, #tpu.memory_space<hbm>>
    %dma_start3A_118 = tpu.memref_slice %arg4[%add3A_116] : memref<6400000xi32, #tpu.memory_space<hbm>> -> memref<10000xi32, #tpu.memory_space<hbm>>
    tpu.enqueue_dma source(%dma_start3A_118 : memref<10000xi32, #tpu.memory_space<hbm>>) target(%arg10 : memref<10000xi32, #tpu.memory_space<vmem>>) target_semaphore(%arg20 : memref<!tpu.dma_semaphore, #tpu.memory_space<semaphore_mem>>)
    %dma_start3A_119 = tpu.memref_slice %arg5[%add3A_116] : memref<6400000xi32, #tpu.memory_space<hbm>> -> memref<10000xi32, #tpu.memory_space<hbm>>
    %dma_start3A_120 = tpu.memref_slice %arg5[%add3A_116] : memref<6400000xi32, #tpu.memory_space<hbm>> -> memref<10000xi32, #tpu.memory_space<hbm>>
    tpu.enqueue_dma source(%dma_start3A_120 : memref<10000xi32, #tpu.memory_space<hbm>>) target(%arg13 : memref<10000xi32, #tpu.memory_space<vmem>>) target_semaphore(%arg23 : memref<!tpu.dma_semaphore, #tpu.memory_space<semaphore_mem>>)
    %dma_wait3A_121 = tpu.memref_slice %arg4[%add3A_98] : memref<6400000xi32, #tpu.memory_space<hbm>> -> memref<10000xi32, #tpu.memory_space<hbm>>
    %dma_wait3A_122 = tpu.memref_slice %arg4[%add3A_98] : memref<6400000xi32, #tpu.memory_space<hbm>> -> memref<10000xi32, #tpu.memory_space<hbm>>
    tpu.wait_dma2 semaphore(%arg19 : memref<!tpu.dma_semaphore, #tpu.memory_space<semaphore_mem>>) src(%dma_wait3A_122 : memref<10000xi32, #tpu.memory_space<hbm>>) dst(%arg9 : memref<10000xi32, #tpu.memory_space<vmem>>)
    %dma_wait3A_123 = tpu.memref_slice %arg5[%add3A_98] : memref<6400000xi32, #tpu.memory_space<hbm>> -> memref<10000xi32, #tpu.memory_space<hbm>>
    %dma_wait3A_124 = tpu.memref_slice %arg5[%add3A_98] : memref<6400000xi32, #tpu.memory_space<hbm>> -> memref<10000xi32, #tpu.memory_space<hbm>>
    tpu.wait_dma2 semaphore(%arg22 : memref<!tpu.dma_semaphore, #tpu.memory_space<semaphore_mem>>) src(%dma_wait3A_124 : memref<10000xi32, #tpu.memory_space<hbm>>) dst(%arg12 : memref<10000xi32, #tpu.memory_space<vmem>>)
    %dma_start3A_125 = arith.constant 0 : i32
    %dma_start3A_126 = tpu.memref_slice %arg7[%dma_start3A_125] : memref<100096xf32, #tpu.memory_space<vmem_shared>> -> memref<100096xf32, #tpu.memory_space<vmem_shared>>
    tpu.enqueue_indirect_dma source(%dma_start3A_126 : memref<100096xf32, #tpu.memory_space<vmem_shared>>) target(%arg15 : memref<10000xf32, #tpu.memory_space<vmem>>) offsets(%arg9 : memref<10000xi32, #tpu.memory_space<vmem>>) semaphore(%arg25 : memref<!tpu.dma_semaphore, #tpu.memory_space<semaphore_mem>>)
    %dma_wait3A_127 = arith.constant 0 : i32
    %dma_wait3A_128 = tpu.memref_slice %arg7[%dma_wait3A_127] : memref<100096xf32, #tpu.memory_space<vmem_shared>> -> memref<100096xf32, #tpu.memory_space<vmem_shared>>
    tpu.wait_indirect_dma semaphore(%arg25 : memref<!tpu.dma_semaphore, #tpu.memory_space<semaphore_mem>>) src(%dma_wait3A_128 : memref<100096xf32, #tpu.memory_space<vmem_shared>>) dst(%arg15 : memref<10000xf32, #tpu.memory_space<vmem>>)
    %dma_start3A_129 = arith.constant 0 : i32
    %dma_start3A_130 = tpu.memref_slice %arg8[%dma_start3A_129] : memref<100096xf32, #tpu.memory_space<vmem_shared>> -> memref<100096xf32, #tpu.memory_space<vmem_shared>>
    tpu.enqueue_indirect_dma source(%arg15 : memref<10000xf32, #tpu.memory_space<vmem>>) target(%dma_start3A_130 : memref<100096xf32, #tpu.memory_space<vmem_shared>>) offsets(%arg12 : memref<10000xi32, #tpu.memory_space<vmem>>) semaphore(%arg28 : memref<!tpu.dma_semaphore, #tpu.memory_space<semaphore_mem>>) {add = true}
    %dma_wait3A_131 = arith.constant 0 : i32
    %dma_wait3A_132 = tpu.memref_slice %arg8[%dma_wait3A_131] : memref<100096xf32, #tpu.memory_space<vmem_shared>> -> memref<100096xf32, #tpu.memory_space<vmem_shared>>
    tpu.wait_indirect_dma semaphore(%arg30 : memref<!tpu.dma_semaphore, #tpu.memory_space<semaphore_mem>>) src(%arg17 : memref<10000xf32, #tpu.memory_space<vmem>>) dst(%dma_wait3A_132 : memref<100096xf32, #tpu.memory_space<vmem_shared>>)
    %add3A_133 = arith.constant 80000 : i32
    %add3A_134 = arith.addi %mul3A_4, %add3A_133 : i32
    %dma_start3A_135 = tpu.memref_slice %arg4[%add3A_134] : memref<6400000xi32, #tpu.memory_space<hbm>> -> memref<10000xi32, #tpu.memory_space<hbm>>
    %dma_start3A_136 = tpu.memref_slice %arg4[%add3A_134] : memref<6400000xi32, #tpu.memory_space<hbm>> -> memref<10000xi32, #tpu.memory_space<hbm>>
    tpu.enqueue_dma source(%dma_start3A_136 : memref<10000xi32, #tpu.memory_space<hbm>>) target(%arg11 : memref<10000xi32, #tpu.memory_space<vmem>>) target_semaphore(%arg21 : memref<!tpu.dma_semaphore, #tpu.memory_space<semaphore_mem>>)
    %dma_start3A_137 = tpu.memref_slice %arg5[%add3A_134] : memref<6400000xi32, #tpu.memory_space<hbm>> -> memref<10000xi32, #tpu.memory_space<hbm>>
    %dma_start3A_138 = tpu.memref_slice %arg5[%add3A_134] : memref<6400000xi32, #tpu.memory_space<hbm>> -> memref<10000xi32, #tpu.memory_space<hbm>>
    tpu.enqueue_dma source(%dma_start3A_138 : memref<10000xi32, #tpu.memory_space<hbm>>) target(%arg14 : memref<10000xi32, #tpu.memory_space<vmem>>) target_semaphore(%arg24 : memref<!tpu.dma_semaphore, #tpu.memory_space<semaphore_mem>>)
    %dma_wait3A_139 = tpu.memref_slice %arg4[%add3A_116] : memref<6400000xi32, #tpu.memory_space<hbm>> -> memref<10000xi32, #tpu.memory_space<hbm>>
    %dma_wait3A_140 = tpu.memref_slice %arg4[%add3A_116] : memref<6400000xi32, #tpu.memory_space<hbm>> -> memref<10000xi32, #tpu.memory_space<hbm>>
    tpu.wait_dma2 semaphore(%arg20 : memref<!tpu.dma_semaphore, #tpu.memory_space<semaphore_mem>>) src(%dma_wait3A_140 : memref<10000xi32, #tpu.memory_space<hbm>>) dst(%arg10 : memref<10000xi32, #tpu.memory_space<vmem>>)
    %dma_wait3A_141 = tpu.memref_slice %arg5[%add3A_116] : memref<6400000xi32, #tpu.memory_space<hbm>> -> memref<10000xi32, #tpu.memory_space<hbm>>
    %dma_wait3A_142 = tpu.memref_slice %arg5[%add3A_116] : memref<6400000xi32, #tpu.memory_space<hbm>> -> memref<10000xi32, #tpu.memory_space<hbm>>
    tpu.wait_dma2 semaphore(%arg23 : memref<!tpu.dma_semaphore, #tpu.memory_space<semaphore_mem>>) src(%dma_wait3A_142 : memref<10000xi32, #tpu.memory_space<hbm>>) dst(%arg13 : memref<10000xi32, #tpu.memory_space<vmem>>)
    %dma_start3A_143 = arith.constant 0 : i32
    %dma_start3A_144 = tpu.memref_slice %arg7[%dma_start3A_143] : memref<100096xf32, #tpu.memory_space<vmem_shared>> -> memref<100096xf32, #tpu.memory_space<vmem_shared>>
    tpu.enqueue_indirect_dma source(%dma_start3A_144 : memref<100096xf32, #tpu.memory_space<vmem_shared>>) target(%arg16 : memref<10000xf32, #tpu.memory_space<vmem>>) offsets(%arg10 : memref<10000xi32, #tpu.memory_space<vmem>>) semaphore(%arg26 : memref<!tpu.dma_semaphore, #tpu.memory_space<semaphore_mem>>)
    %dma_wait3A_145 = arith.constant 0 : i32
    %dma_wait3A_146 = tpu.memref_slice %arg7[%dma_wait3A_145] : memref<100096xf32, #tpu.memory_space<vmem_shared>> -> memref<100096xf32, #tpu.memory_space<vmem_shared>>
    tpu.wait_indirect_dma semaphore(%arg26 : memref<!tpu.dma_semaphore, #tpu.memory_space<semaphore_mem>>) src(%dma_wait3A_146 : memref<100096xf32, #tpu.memory_space<vmem_shared>>) dst(%arg16 : memref<10000xf32, #tpu.memory_space<vmem>>)
    %dma_start3A_147 = arith.constant 0 : i32
    %dma_start3A_148 = tpu.memref_slice %arg8[%dma_start3A_147] : memref<100096xf32, #tpu.memory_space<vmem_shared>> -> memref<100096xf32, #tpu.memory_space<vmem_shared>>
    tpu.enqueue_indirect_dma source(%arg16 : memref<10000xf32, #tpu.memory_space<vmem>>) target(%dma_start3A_148 : memref<100096xf32, #tpu.memory_space<vmem_shared>>) offsets(%arg13 : memref<10000xi32, #tpu.memory_space<vmem>>) semaphore(%arg29 : memref<!tpu.dma_semaphore, #tpu.memory_space<semaphore_mem>>) {add = true}
    %dma_wait3A_149 = arith.constant 0 : i32
    %dma_wait3A_150 = tpu.memref_slice %arg8[%dma_wait3A_149] : memref<100096xf32, #tpu.memory_space<vmem_shared>> -> memref<100096xf32, #tpu.memory_space<vmem_shared>>
    tpu.wait_indirect_dma semaphore(%arg28 : memref<!tpu.dma_semaphore, #tpu.memory_space<semaphore_mem>>) src(%arg15 : memref<10000xf32, #tpu.memory_space<vmem>>) dst(%dma_wait3A_150 : memref<100096xf32, #tpu.memory_space<vmem_shared>>)
    %add3A_151 = arith.constant 90000 : i32
    %add3A_152 = arith.addi %mul3A_4, %add3A_151 : i32
    %dma_start3A_153 = tpu.memref_slice %arg4[%add3A_152] : memref<6400000xi32, #tpu.memory_space<hbm>> -> memref<10000xi32, #tpu.memory_space<hbm>>
    %dma_start3A_154 = tpu.memref_slice %arg4[%add3A_152] : memref<6400000xi32, #tpu.memory_space<hbm>> -> memref<10000xi32, #tpu.memory_space<hbm>>
    tpu.enqueue_dma source(%dma_start3A_154 : memref<10000xi32, #tpu.memory_space<hbm>>) target(%arg9 : memref<10000xi32, #tpu.memory_space<vmem>>) target_semaphore(%arg19 : memref<!tpu.dma_semaphore, #tpu.memory_space<semaphore_mem>>)
    %dma_start3A_155 = tpu.memref_slice %arg5[%add3A_152] : memref<6400000xi32, #tpu.memory_space<hbm>> -> memref<10000xi32, #tpu.memory_space<hbm>>
    %dma_start3A_156 = tpu.memref_slice %arg5[%add3A_152] : memref<6400000xi32, #tpu.memory_space<hbm>> -> memref<10000xi32, #tpu.memory_space<hbm>>
    tpu.enqueue_dma source(%dma_start3A_156 : memref<10000xi32, #tpu.memory_space<hbm>>) target(%arg12 : memref<10000xi32, #tpu.memory_space<vmem>>) target_semaphore(%arg22 : memref<!tpu.dma_semaphore, #tpu.memory_space<semaphore_mem>>)
    %dma_wait3A_157 = tpu.memref_slice %arg4[%add3A_134] : memref<6400000xi32, #tpu.memory_space<hbm>> -> memref<10000xi32, #tpu.memory_space<hbm>>
    %dma_wait3A_158 = tpu.memref_slice %arg4[%add3A_134] : memref<6400000xi32, #tpu.memory_space<hbm>> -> memref<10000xi32, #tpu.memory_space<hbm>>
    tpu.wait_dma2 semaphore(%arg21 : memref<!tpu.dma_semaphore, #tpu.memory_space<semaphore_mem>>) src(%dma_wait3A_158 : memref<10000xi32, #tpu.memory_space<hbm>>) dst(%arg11 : memref<10000xi32, #tpu.memory_space<vmem>>)
    %dma_wait3A_159 = tpu.memref_slice %arg5[%add3A_134] : memref<6400000xi32, #tpu.memory_space<hbm>> -> memref<10000xi32, #tpu.memory_space<hbm>>
    %dma_wait3A_160 = tpu.memref_slice %arg5[%add3A_134] : memref<6400000xi32, #tpu.memory_space<hbm>> -> memref<10000xi32, #tpu.memory_space<hbm>>
    tpu.wait_dma2 semaphore(%arg24 : memref<!tpu.dma_semaphore, #tpu.memory_space<semaphore_mem>>) src(%dma_wait3A_160 : memref<10000xi32, #tpu.memory_space<hbm>>) dst(%arg14 : memref<10000xi32, #tpu.memory_space<vmem>>)
    %dma_start3A_161 = arith.constant 0 : i32
    %dma_start3A_162 = tpu.memref_slice %arg7[%dma_start3A_161] : memref<100096xf32, #tpu.memory_space<vmem_shared>> -> memref<100096xf32, #tpu.memory_space<vmem_shared>>
    tpu.enqueue_indirect_dma source(%dma_start3A_162 : memref<100096xf32, #tpu.memory_space<vmem_shared>>) target(%arg17 : memref<10000xf32, #tpu.memory_space<vmem>>) offsets(%arg11 : memref<10000xi32, #tpu.memory_space<vmem>>) semaphore(%arg27 : memref<!tpu.dma_semaphore, #tpu.memory_space<semaphore_mem>>)
    %dma_wait3A_163 = arith.constant 0 : i32
    %dma_wait3A_164 = tpu.memref_slice %arg7[%dma_wait3A_163] : memref<100096xf32, #tpu.memory_space<vmem_shared>> -> memref<100096xf32, #tpu.memory_space<vmem_shared>>
    tpu.wait_indirect_dma semaphore(%arg27 : memref<!tpu.dma_semaphore, #tpu.memory_space<semaphore_mem>>) src(%dma_wait3A_164 : memref<100096xf32, #tpu.memory_space<vmem_shared>>) dst(%arg17 : memref<10000xf32, #tpu.memory_space<vmem>>)
    %dma_start3A_165 = arith.constant 0 : i32
    %dma_start3A_166 = tpu.memref_slice %arg8[%dma_start3A_165] : memref<100096xf32, #tpu.memory_space<vmem_shared>> -> memref<100096xf32, #tpu.memory_space<vmem_shared>>
    tpu.enqueue_indirect_dma source(%arg17 : memref<10000xf32, #tpu.memory_space<vmem>>) target(%dma_start3A_166 : memref<100096xf32, #tpu.memory_space<vmem_shared>>) offsets(%arg14 : memref<10000xi32, #tpu.memory_space<vmem>>) semaphore(%arg30 : memref<!tpu.dma_semaphore, #tpu.memory_space<semaphore_mem>>) {add = true}
    %dma_wait3A_167 = arith.constant 0 : i32
    %dma_wait3A_168 = tpu.memref_slice %arg8[%dma_wait3A_167] : memref<100096xf32, #tpu.memory_space<vmem_shared>> -> memref<100096xf32, #tpu.memory_space<vmem_shared>>
    tpu.wait_indirect_dma semaphore(%arg29 : memref<!tpu.dma_semaphore, #tpu.memory_space<semaphore_mem>>) src(%arg16 : memref<10000xf32, #tpu.memory_space<vmem>>) dst(%dma_wait3A_168 : memref<100096xf32, #tpu.memory_space<vmem_shared>>)
    %add3A_169 = arith.constant 100000 : i32
    %add3A_170 = arith.addi %mul3A_4, %add3A_169 : i32
    %dma_start3A_171 = tpu.memref_slice %arg4[%add3A_170] : memref<6400000xi32, #tpu.memory_space<hbm>> -> memref<10000xi32, #tpu.memory_space<hbm>>
    %dma_start3A_172 = tpu.memref_slice %arg4[%add3A_170] : memref<6400000xi32, #tpu.memory_space<hbm>> -> memref<10000xi32, #tpu.memory_space<hbm>>
    tpu.enqueue_dma source(%dma_start3A_172 : memref<10000xi32, #tpu.memory_space<hbm>>) target(%arg10 : memref<10000xi32, #tpu.memory_space<vmem>>) target_semaphore(%arg20 : memref<!tpu.dma_semaphore, #tpu.memory_space<semaphore_mem>>)
    %dma_start3A_173 = tpu.memref_slice %arg5[%add3A_170] : memref<6400000xi32, #tpu.memory_space<hbm>> -> memref<10000xi32, #tpu.memory_space<hbm>>
    %dma_start3A_174 = tpu.memref_slice %arg5[%add3A_170] : memref<6400000xi32, #tpu.memory_space<hbm>> -> memref<10000xi32, #tpu.memory_space<hbm>>
    tpu.enqueue_dma source(%dma_start3A_174 : memref<10000xi32, #tpu.memory_space<hbm>>) target(%arg13 : memref<10000xi32, #tpu.memory_space<vmem>>) target_semaphore(%arg23 : memref<!tpu.dma_semaphore, #tpu.memory_space<semaphore_mem>>)
    %dma_wait3A_175 = tpu.memref_slice %arg4[%add3A_152] : memref<6400000xi32, #tpu.memory_space<hbm>> -> memref<10000xi32, #tpu.memory_space<hbm>>
    %dma_wait3A_176 = tpu.memref_slice %arg4[%add3A_152] : memref<6400000xi32, #tpu.memory_space<hbm>> -> memref<10000xi32, #tpu.memory_space<hbm>>
    tpu.wait_dma2 semaphore(%arg19 : memref<!tpu.dma_semaphore, #tpu.memory_space<semaphore_mem>>) src(%dma_wait3A_176 : memref<10000xi32, #tpu.memory_space<hbm>>) dst(%arg9 : memref<10000xi32, #tpu.memory_space<vmem>>)
    %dma_wait3A_177 = tpu.memref_slice %arg5[%add3A_152] : memref<6400000xi32, #tpu.memory_space<hbm>> -> memref<10000xi32, #tpu.memory_space<hbm>>
    %dma_wait3A_178 = tpu.memref_slice %arg5[%add3A_152] : memref<6400000xi32, #tpu.memory_space<hbm>> -> memref<10000xi32, #tpu.memory_space<hbm>>
    tpu.wait_dma2 semaphore(%arg22 : memref<!tpu.dma_semaphore, #tpu.memory_space<semaphore_mem>>) src(%dma_wait3A_178 : memref<10000xi32, #tpu.memory_space<hbm>>) dst(%arg12 : memref<10000xi32, #tpu.memory_space<vmem>>)
    %dma_start3A_179 = arith.constant 0 : i32
    %dma_start3A_180 = tpu.memref_slice %arg7[%dma_start3A_179] : memref<100096xf32, #tpu.memory_space<vmem_shared>> -> memref<100096xf32, #tpu.memory_space<vmem_shared>>
    tpu.enqueue_indirect_dma source(%dma_start3A_180 : memref<100096xf32, #tpu.memory_space<vmem_shared>>) target(%arg15 : memref<10000xf32, #tpu.memory_space<vmem>>) offsets(%arg9 : memref<10000xi32, #tpu.memory_space<vmem>>) semaphore(%arg25 : memref<!tpu.dma_semaphore, #tpu.memory_space<semaphore_mem>>)
    %dma_wait3A_181 = arith.constant 0 : i32
    %dma_wait3A_182 = tpu.memref_slice %arg7[%dma_wait3A_181] : memref<100096xf32, #tpu.memory_space<vmem_shared>> -> memref<100096xf32, #tpu.memory_space<vmem_shared>>
    tpu.wait_indirect_dma semaphore(%arg25 : memref<!tpu.dma_semaphore, #tpu.memory_space<semaphore_mem>>) src(%dma_wait3A_182 : memref<100096xf32, #tpu.memory_space<vmem_shared>>) dst(%arg15 : memref<10000xf32, #tpu.memory_space<vmem>>)
    %dma_start3A_183 = arith.constant 0 : i32
    %dma_start3A_184 = tpu.memref_slice %arg8[%dma_start3A_183] : memref<100096xf32, #tpu.memory_space<vmem_shared>> -> memref<100096xf32, #tpu.memory_space<vmem_shared>>
    tpu.enqueue_indirect_dma source(%arg15 : memref<10000xf32, #tpu.memory_space<vmem>>) target(%dma_start3A_184 : memref<100096xf32, #tpu.memory_space<vmem_shared>>) offsets(%arg12 : memref<10000xi32, #tpu.memory_space<vmem>>) semaphore(%arg28 : memref<!tpu.dma_semaphore, #tpu.memory_space<semaphore_mem>>) {add = true}
    %dma_wait3A_185 = arith.constant 0 : i32
    %dma_wait3A_186 = tpu.memref_slice %arg8[%dma_wait3A_185] : memref<100096xf32, #tpu.memory_space<vmem_shared>> -> memref<100096xf32, #tpu.memory_space<vmem_shared>>
    tpu.wait_indirect_dma semaphore(%arg30 : memref<!tpu.dma_semaphore, #tpu.memory_space<semaphore_mem>>) src(%arg17 : memref<10000xf32, #tpu.memory_space<vmem>>) dst(%dma_wait3A_186 : memref<100096xf32, #tpu.memory_space<vmem_shared>>)
    %add3A_187 = arith.constant 110000 : i32
    %add3A_188 = arith.addi %mul3A_4, %add3A_187 : i32
    %dma_start3A_189 = tpu.memref_slice %arg4[%add3A_188] : memref<6400000xi32, #tpu.memory_space<hbm>> -> memref<10000xi32, #tpu.memory_space<hbm>>
    %dma_start3A_190 = tpu.memref_slice %arg4[%add3A_188] : memref<6400000xi32, #tpu.memory_space<hbm>> -> memref<10000xi32, #tpu.memory_space<hbm>>
    tpu.enqueue_dma source(%dma_start3A_190 : memref<10000xi32, #tpu.memory_space<hbm>>) target(%arg11 : memref<10000xi32, #tpu.memory_space<vmem>>) target_semaphore(%arg21 : memref<!tpu.dma_semaphore, #tpu.memory_space<semaphore_mem>>)
    %dma_start3A_191 = tpu.memref_slice %arg5[%add3A_188] : memref<6400000xi32, #tpu.memory_space<hbm>> -> memref<10000xi32, #tpu.memory_space<hbm>>
    %dma_start3A_192 = tpu.memref_slice %arg5[%add3A_188] : memref<6400000xi32, #tpu.memory_space<hbm>> -> memref<10000xi32, #tpu.memory_space<hbm>>
    tpu.enqueue_dma source(%dma_start3A_192 : memref<10000xi32, #tpu.memory_space<hbm>>) target(%arg14 : memref<10000xi32, #tpu.memory_space<vmem>>) target_semaphore(%arg24 : memref<!tpu.dma_semaphore, #tpu.memory_space<semaphore_mem>>)
    %dma_wait3A_193 = tpu.memref_slice %arg4[%add3A_170] : memref<6400000xi32, #tpu.memory_space<hbm>> -> memref<10000xi32, #tpu.memory_space<hbm>>
    %dma_wait3A_194 = tpu.memref_slice %arg4[%add3A_170] : memref<6400000xi32, #tpu.memory_space<hbm>> -> memref<10000xi32, #tpu.memory_space<hbm>>
    tpu.wait_dma2 semaphore(%arg20 : memref<!tpu.dma_semaphore, #tpu.memory_space<semaphore_mem>>) src(%dma_wait3A_194 : memref<10000xi32, #tpu.memory_space<hbm>>) dst(%arg10 : memref<10000xi32, #tpu.memory_space<vmem>>)
    %dma_wait3A_195 = tpu.memref_slice %arg5[%add3A_170] : memref<6400000xi32, #tpu.memory_space<hbm>> -> memref<10000xi32, #tpu.memory_space<hbm>>
    %dma_wait3A_196 = tpu.memref_slice %arg5[%add3A_170] : memref<6400000xi32, #tpu.memory_space<hbm>> -> memref<10000xi32, #tpu.memory_space<hbm>>
    tpu.wait_dma2 semaphore(%arg23 : memref<!tpu.dma_semaphore, #tpu.memory_space<semaphore_mem>>) src(%dma_wait3A_196 : memref<10000xi32, #tpu.memory_space<hbm>>) dst(%arg13 : memref<10000xi32, #tpu.memory_space<vmem>>)
    %dma_start3A_197 = arith.constant 0 : i32
    %dma_start3A_198 = tpu.memref_slice %arg7[%dma_start3A_197] : memref<100096xf32, #tpu.memory_space<vmem_shared>> -> memref<100096xf32, #tpu.memory_space<vmem_shared>>
    tpu.enqueue_indirect_dma source(%dma_start3A_198 : memref<100096xf32, #tpu.memory_space<vmem_shared>>) target(%arg16 : memref<10000xf32, #tpu.memory_space<vmem>>) offsets(%arg10 : memref<10000xi32, #tpu.memory_space<vmem>>) semaphore(%arg26 : memref<!tpu.dma_semaphore, #tpu.memory_space<semaphore_mem>>)
    %dma_wait3A_199 = arith.constant 0 : i32
    %dma_wait3A_200 = tpu.memref_slice %arg7[%dma_wait3A_199] : memref<100096xf32, #tpu.memory_space<vmem_shared>> -> memref<100096xf32, #tpu.memory_space<vmem_shared>>
    tpu.wait_indirect_dma semaphore(%arg26 : memref<!tpu.dma_semaphore, #tpu.memory_space<semaphore_mem>>) src(%dma_wait3A_200 : memref<100096xf32, #tpu.memory_space<vmem_shared>>) dst(%arg16 : memref<10000xf32, #tpu.memory_space<vmem>>)
    %dma_start3A_201 = arith.constant 0 : i32
    %dma_start3A_202 = tpu.memref_slice %arg8[%dma_start3A_201] : memref<100096xf32, #tpu.memory_space<vmem_shared>> -> memref<100096xf32, #tpu.memory_space<vmem_shared>>
    tpu.enqueue_indirect_dma source(%arg16 : memref<10000xf32, #tpu.memory_space<vmem>>) target(%dma_start3A_202 : memref<100096xf32, #tpu.memory_space<vmem_shared>>) offsets(%arg13 : memref<10000xi32, #tpu.memory_space<vmem>>) semaphore(%arg29 : memref<!tpu.dma_semaphore, #tpu.memory_space<semaphore_mem>>) {add = true}
    %dma_wait3A_203 = arith.constant 0 : i32
    %dma_wait3A_204 = tpu.memref_slice %arg8[%dma_wait3A_203] : memref<100096xf32, #tpu.memory_space<vmem_shared>> -> memref<100096xf32, #tpu.memory_space<vmem_shared>>
    tpu.wait_indirect_dma semaphore(%arg28 : memref<!tpu.dma_semaphore, #tpu.memory_space<semaphore_mem>>) src(%arg15 : memref<10000xf32, #tpu.memory_space<vmem>>) dst(%dma_wait3A_204 : memref<100096xf32, #tpu.memory_space<vmem_shared>>)
    %add3A_205 = arith.constant 120000 : i32
    %add3A_206 = arith.addi %mul3A_4, %add3A_205 : i32
    %dma_start3A_207 = tpu.memref_slice %arg4[%add3A_206] : memref<6400000xi32, #tpu.memory_space<hbm>> -> memref<10000xi32, #tpu.memory_space<hbm>>
    %dma_start3A_208 = tpu.memref_slice %arg4[%add3A_206] : memref<6400000xi32, #tpu.memory_space<hbm>> -> memref<10000xi32, #tpu.memory_space<hbm>>
    tpu.enqueue_dma source(%dma_start3A_208 : memref<10000xi32, #tpu.memory_space<hbm>>) target(%arg9 : memref<10000xi32, #tpu.memory_space<vmem>>) target_semaphore(%arg19 : memref<!tpu.dma_semaphore, #tpu.memory_space<semaphore_mem>>)
    %dma_start3A_209 = tpu.memref_slice %arg5[%add3A_206] : memref<6400000xi32, #tpu.memory_space<hbm>> -> memref<10000xi32, #tpu.memory_space<hbm>>
    %dma_start3A_210 = tpu.memref_slice %arg5[%add3A_206] : memref<6400000xi32, #tpu.memory_space<hbm>> -> memref<10000xi32, #tpu.memory_space<hbm>>
    tpu.enqueue_dma source(%dma_start3A_210 : memref<10000xi32, #tpu.memory_space<hbm>>) target(%arg12 : memref<10000xi32, #tpu.memory_space<vmem>>) target_semaphore(%arg22 : memref<!tpu.dma_semaphore, #tpu.memory_space<semaphore_mem>>)
    %dma_wait3A_211 = tpu.memref_slice %arg4[%add3A_188] : memref<6400000xi32, #tpu.memory_space<hbm>> -> memref<10000xi32, #tpu.memory_space<hbm>>
    %dma_wait3A_212 = tpu.memref_slice %arg4[%add3A_188] : memref<6400000xi32, #tpu.memory_space<hbm>> -> memref<10000xi32, #tpu.memory_space<hbm>>
    tpu.wait_dma2 semaphore(%arg21 : memref<!tpu.dma_semaphore, #tpu.memory_space<semaphore_mem>>) src(%dma_wait3A_212 : memref<10000xi32, #tpu.memory_space<hbm>>) dst(%arg11 : memref<10000xi32, #tpu.memory_space<vmem>>)
    %dma_wait3A_213 = tpu.memref_slice %arg5[%add3A_188] : memref<6400000xi32, #tpu.memory_space<hbm>> -> memref<10000xi32, #tpu.memory_space<hbm>>
    %dma_wait3A_214 = tpu.memref_slice %arg5[%add3A_188] : memref<6400000xi32, #tpu.memory_space<hbm>> -> memref<10000xi32, #tpu.memory_space<hbm>>
    tpu.wait_dma2 semaphore(%arg24 : memref<!tpu.dma_semaphore, #tpu.memory_space<semaphore_mem>>) src(%dma_wait3A_214 : memref<10000xi32, #tpu.memory_space<hbm>>) dst(%arg14 : memref<10000xi32, #tpu.memory_space<vmem>>)
    %dma_start3A_215 = arith.constant 0 : i32
    %dma_start3A_216 = tpu.memref_slice %arg7[%dma_start3A_215] : memref<100096xf32, #tpu.memory_space<vmem_shared>> -> memref<100096xf32, #tpu.memory_space<vmem_shared>>
    tpu.enqueue_indirect_dma source(%dma_start3A_216 : memref<100096xf32, #tpu.memory_space<vmem_shared>>) target(%arg17 : memref<10000xf32, #tpu.memory_space<vmem>>) offsets(%arg11 : memref<10000xi32, #tpu.memory_space<vmem>>) semaphore(%arg27 : memref<!tpu.dma_semaphore, #tpu.memory_space<semaphore_mem>>)
    %dma_wait3A_217 = arith.constant 0 : i32
    %dma_wait3A_218 = tpu.memref_slice %arg7[%dma_wait3A_217] : memref<100096xf32, #tpu.memory_space<vmem_shared>> -> memref<100096xf32, #tpu.memory_space<vmem_shared>>
    tpu.wait_indirect_dma semaphore(%arg27 : memref<!tpu.dma_semaphore, #tpu.memory_space<semaphore_mem>>) src(%dma_wait3A_218 : memref<100096xf32, #tpu.memory_space<vmem_shared>>) dst(%arg17 : memref<10000xf32, #tpu.memory_space<vmem>>)
    %dma_start3A_219 = arith.constant 0 : i32
    %dma_start3A_220 = tpu.memref_slice %arg8[%dma_start3A_219] : memref<100096xf32, #tpu.memory_space<vmem_shared>> -> memref<100096xf32, #tpu.memory_space<vmem_shared>>
    tpu.enqueue_indirect_dma source(%arg17 : memref<10000xf32, #tpu.memory_space<vmem>>) target(%dma_start3A_220 : memref<100096xf32, #tpu.memory_space<vmem_shared>>) offsets(%arg14 : memref<10000xi32, #tpu.memory_space<vmem>>) semaphore(%arg30 : memref<!tpu.dma_semaphore, #tpu.memory_space<semaphore_mem>>) {add = true}
    %dma_wait3A_221 = arith.constant 0 : i32
    %dma_wait3A_222 = tpu.memref_slice %arg8[%dma_wait3A_221] : memref<100096xf32, #tpu.memory_space<vmem_shared>> -> memref<100096xf32, #tpu.memory_space<vmem_shared>>
    tpu.wait_indirect_dma semaphore(%arg29 : memref<!tpu.dma_semaphore, #tpu.memory_space<semaphore_mem>>) src(%arg16 : memref<10000xf32, #tpu.memory_space<vmem>>) dst(%dma_wait3A_222 : memref<100096xf32, #tpu.memory_space<vmem_shared>>)
    %add3A_223 = arith.constant 130000 : i32
    %add3A_224 = arith.addi %mul3A_4, %add3A_223 : i32
    %dma_start3A_225 = tpu.memref_slice %arg4[%add3A_224] : memref<6400000xi32, #tpu.memory_space<hbm>> -> memref<10000xi32, #tpu.memory_space<hbm>>
    %dma_start3A_226 = tpu.memref_slice %arg4[%add3A_224] : memref<6400000xi32, #tpu.memory_space<hbm>> -> memref<10000xi32, #tpu.memory_space<hbm>>
    tpu.enqueue_dma source(%dma_start3A_226 : memref<10000xi32, #tpu.memory_space<hbm>>) target(%arg10 : memref<10000xi32, #tpu.memory_space<vmem>>) target_semaphore(%arg20 : memref<!tpu.dma_semaphore, #tpu.memory_space<semaphore_mem>>)
    %dma_start3A_227 = tpu.memref_slice %arg5[%add3A_224] : memref<6400000xi32, #tpu.memory_space<hbm>> -> memref<10000xi32, #tpu.memory_space<hbm>>
    %dma_start3A_228 = tpu.memref_slice %arg5[%add3A_224] : memref<6400000xi32, #tpu.memory_space<hbm>> -> memref<10000xi32, #tpu.memory_space<hbm>>
    tpu.enqueue_dma source(%dma_start3A_228 : memref<10000xi32, #tpu.memory_space<hbm>>) target(%arg13 : memref<10000xi32, #tpu.memory_space<vmem>>) target_semaphore(%arg23 : memref<!tpu.dma_semaphore, #tpu.memory_space<semaphore_mem>>)
    %dma_wait3A_229 = tpu.memref_slice %arg4[%add3A_206] : memref<6400000xi32, #tpu.memory_space<hbm>> -> memref<10000xi32, #tpu.memory_space<hbm>>
    %dma_wait3A_230 = tpu.memref_slice %arg4[%add3A_206] : memref<6400000xi32, #tpu.memory_space<hbm>> -> memref<10000xi32, #tpu.memory_space<hbm>>
    tpu.wait_dma2 semaphore(%arg19 : memref<!tpu.dma_semaphore, #tpu.memory_space<semaphore_mem>>) src(%dma_wait3A_230 : memref<10000xi32, #tpu.memory_space<hbm>>) dst(%arg9 : memref<10000xi32, #tpu.memory_space<vmem>>)
    %dma_wait3A_231 = tpu.memref_slice %arg5[%add3A_206] : memref<6400000xi32, #tpu.memory_space<hbm>> -> memref<10000xi32, #tpu.memory_space<hbm>>
    %dma_wait3A_232 = tpu.memref_slice %arg5[%add3A_206] : memref<6400000xi32, #tpu.memory_space<hbm>> -> memref<10000xi32, #tpu.memory_space<hbm>>
    tpu.wait_dma2 semaphore(%arg22 : memref<!tpu.dma_semaphore, #tpu.memory_space<semaphore_mem>>) src(%dma_wait3A_232 : memref<10000xi32, #tpu.memory_space<hbm>>) dst(%arg12 : memref<10000xi32, #tpu.memory_space<vmem>>)
    %dma_start3A_233 = arith.constant 0 : i32
    %dma_start3A_234 = tpu.memref_slice %arg7[%dma_start3A_233] : memref<100096xf32, #tpu.memory_space<vmem_shared>> -> memref<100096xf32, #tpu.memory_space<vmem_shared>>
    tpu.enqueue_indirect_dma source(%dma_start3A_234 : memref<100096xf32, #tpu.memory_space<vmem_shared>>) target(%arg15 : memref<10000xf32, #tpu.memory_space<vmem>>) offsets(%arg9 : memref<10000xi32, #tpu.memory_space<vmem>>) semaphore(%arg25 : memref<!tpu.dma_semaphore, #tpu.memory_space<semaphore_mem>>)
    %dma_wait3A_235 = arith.constant 0 : i32
    %dma_wait3A_236 = tpu.memref_slice %arg7[%dma_wait3A_235] : memref<100096xf32, #tpu.memory_space<vmem_shared>> -> memref<100096xf32, #tpu.memory_space<vmem_shared>>
    tpu.wait_indirect_dma semaphore(%arg25 : memref<!tpu.dma_semaphore, #tpu.memory_space<semaphore_mem>>) src(%dma_wait3A_236 : memref<100096xf32, #tpu.memory_space<vmem_shared>>) dst(%arg15 : memref<10000xf32, #tpu.memory_space<vmem>>)
    %dma_start3A_237 = arith.constant 0 : i32
    %dma_start3A_238 = tpu.memref_slice %arg8[%dma_start3A_237] : memref<100096xf32, #tpu.memory_space<vmem_shared>> -> memref<100096xf32, #tpu.memory_space<vmem_shared>>
    tpu.enqueue_indirect_dma source(%arg15 : memref<10000xf32, #tpu.memory_space<vmem>>) target(%dma_start3A_238 : memref<100096xf32, #tpu.memory_space<vmem_shared>>) offsets(%arg12 : memref<10000xi32, #tpu.memory_space<vmem>>) semaphore(%arg28 : memref<!tpu.dma_semaphore, #tpu.memory_space<semaphore_mem>>) {add = true}
    %dma_wait3A_239 = arith.constant 0 : i32
    %dma_wait3A_240 = tpu.memref_slice %arg8[%dma_wait3A_239] : memref<100096xf32, #tpu.memory_space<vmem_shared>> -> memref<100096xf32, #tpu.memory_space<vmem_shared>>
    tpu.wait_indirect_dma semaphore(%arg30 : memref<!tpu.dma_semaphore, #tpu.memory_space<semaphore_mem>>) src(%arg17 : memref<10000xf32, #tpu.memory_space<vmem>>) dst(%dma_wait3A_240 : memref<100096xf32, #tpu.memory_space<vmem_shared>>)
    %add3A_241 = arith.constant 140000 : i32
    %add3A_242 = arith.addi %mul3A_4, %add3A_241 : i32
    %dma_start3A_243 = tpu.memref_slice %arg4[%add3A_242] : memref<6400000xi32, #tpu.memory_space<hbm>> -> memref<10000xi32, #tpu.memory_space<hbm>>
    %dma_start3A_244 = tpu.memref_slice %arg4[%add3A_242] : memref<6400000xi32, #tpu.memory_space<hbm>> -> memref<10000xi32, #tpu.memory_space<hbm>>
    tpu.enqueue_dma source(%dma_start3A_244 : memref<10000xi32, #tpu.memory_space<hbm>>) target(%arg11 : memref<10000xi32, #tpu.memory_space<vmem>>) target_semaphore(%arg21 : memref<!tpu.dma_semaphore, #tpu.memory_space<semaphore_mem>>)
    %dma_start3A_245 = tpu.memref_slice %arg5[%add3A_242] : memref<6400000xi32, #tpu.memory_space<hbm>> -> memref<10000xi32, #tpu.memory_space<hbm>>
    %dma_start3A_246 = tpu.memref_slice %arg5[%add3A_242] : memref<6400000xi32, #tpu.memory_space<hbm>> -> memref<10000xi32, #tpu.memory_space<hbm>>
    tpu.enqueue_dma source(%dma_start3A_246 : memref<10000xi32, #tpu.memory_space<hbm>>) target(%arg14 : memref<10000xi32, #tpu.memory_space<vmem>>) target_semaphore(%arg24 : memref<!tpu.dma_semaphore, #tpu.memory_space<semaphore_mem>>)
    %dma_wait3A_247 = tpu.memref_slice %arg4[%add3A_224] : memref<6400000xi32, #tpu.memory_space<hbm>> -> memref<10000xi32, #tpu.memory_space<hbm>>
    %dma_wait3A_248 = tpu.memref_slice %arg4[%add3A_224] : memref<6400000xi32, #tpu.memory_space<hbm>> -> memref<10000xi32, #tpu.memory_space<hbm>>
    tpu.wait_dma2 semaphore(%arg20 : memref<!tpu.dma_semaphore, #tpu.memory_space<semaphore_mem>>) src(%dma_wait3A_248 : memref<10000xi32, #tpu.memory_space<hbm>>) dst(%arg10 : memref<10000xi32, #tpu.memory_space<vmem>>)
    %dma_wait3A_249 = tpu.memref_slice %arg5[%add3A_224] : memref<6400000xi32, #tpu.memory_space<hbm>> -> memref<10000xi32, #tpu.memory_space<hbm>>
    %dma_wait3A_250 = tpu.memref_slice %arg5[%add3A_224] : memref<6400000xi32, #tpu.memory_space<hbm>> -> memref<10000xi32, #tpu.memory_space<hbm>>
    tpu.wait_dma2 semaphore(%arg23 : memref<!tpu.dma_semaphore, #tpu.memory_space<semaphore_mem>>) src(%dma_wait3A_250 : memref<10000xi32, #tpu.memory_space<hbm>>) dst(%arg13 : memref<10000xi32, #tpu.memory_space<vmem>>)
    %dma_start3A_251 = arith.constant 0 : i32
    %dma_start3A_252 = tpu.memref_slice %arg7[%dma_start3A_251] : memref<100096xf32, #tpu.memory_space<vmem_shared>> -> memref<100096xf32, #tpu.memory_space<vmem_shared>>
    tpu.enqueue_indirect_dma source(%dma_start3A_252 : memref<100096xf32, #tpu.memory_space<vmem_shared>>) target(%arg16 : memref<10000xf32, #tpu.memory_space<vmem>>) offsets(%arg10 : memref<10000xi32, #tpu.memory_space<vmem>>) semaphore(%arg26 : memref<!tpu.dma_semaphore, #tpu.memory_space<semaphore_mem>>)
    %dma_wait3A_253 = arith.constant 0 : i32
    %dma_wait3A_254 = tpu.memref_slice %arg7[%dma_wait3A_253] : memref<100096xf32, #tpu.memory_space<vmem_shared>> -> memref<100096xf32, #tpu.memory_space<vmem_shared>>
    tpu.wait_indirect_dma semaphore(%arg26 : memref<!tpu.dma_semaphore, #tpu.memory_space<semaphore_mem>>) src(%dma_wait3A_254 : memref<100096xf32, #tpu.memory_space<vmem_shared>>) dst(%arg16 : memref<10000xf32, #tpu.memory_space<vmem>>)
    %dma_start3A_255 = arith.constant 0 : i32
    %dma_start3A_256 = tpu.memref_slice %arg8[%dma_start3A_255] : memref<100096xf32, #tpu.memory_space<vmem_shared>> -> memref<100096xf32, #tpu.memory_space<vmem_shared>>
    tpu.enqueue_indirect_dma source(%arg16 : memref<10000xf32, #tpu.memory_space<vmem>>) target(%dma_start3A_256 : memref<100096xf32, #tpu.memory_space<vmem_shared>>) offsets(%arg13 : memref<10000xi32, #tpu.memory_space<vmem>>) semaphore(%arg29 : memref<!tpu.dma_semaphore, #tpu.memory_space<semaphore_mem>>) {add = true}
    %dma_wait3A_257 = arith.constant 0 : i32
    %dma_wait3A_258 = tpu.memref_slice %arg8[%dma_wait3A_257] : memref<100096xf32, #tpu.memory_space<vmem_shared>> -> memref<100096xf32, #tpu.memory_space<vmem_shared>>
    tpu.wait_indirect_dma semaphore(%arg28 : memref<!tpu.dma_semaphore, #tpu.memory_space<semaphore_mem>>) src(%arg15 : memref<10000xf32, #tpu.memory_space<vmem>>) dst(%dma_wait3A_258 : memref<100096xf32, #tpu.memory_space<vmem_shared>>)
    %add3A_259 = arith.constant 150000 : i32
    %add3A_260 = arith.addi %mul3A_4, %add3A_259 : i32
    %dma_start3A_261 = tpu.memref_slice %arg4[%add3A_260] : memref<6400000xi32, #tpu.memory_space<hbm>> -> memref<10000xi32, #tpu.memory_space<hbm>>
    %dma_start3A_262 = tpu.memref_slice %arg4[%add3A_260] : memref<6400000xi32, #tpu.memory_space<hbm>> -> memref<10000xi32, #tpu.memory_space<hbm>>
    tpu.enqueue_dma source(%dma_start3A_262 : memref<10000xi32, #tpu.memory_space<hbm>>) target(%arg9 : memref<10000xi32, #tpu.memory_space<vmem>>) target_semaphore(%arg19 : memref<!tpu.dma_semaphore, #tpu.memory_space<semaphore_mem>>)
    %dma_start3A_263 = tpu.memref_slice %arg5[%add3A_260] : memref<6400000xi32, #tpu.memory_space<hbm>> -> memref<10000xi32, #tpu.memory_space<hbm>>
    %dma_start3A_264 = tpu.memref_slice %arg5[%add3A_260] : memref<6400000xi32, #tpu.memory_space<hbm>> -> memref<10000xi32, #tpu.memory_space<hbm>>
    tpu.enqueue_dma source(%dma_start3A_264 : memref<10000xi32, #tpu.memory_space<hbm>>) target(%arg12 : memref<10000xi32, #tpu.memory_space<vmem>>) target_semaphore(%arg22 : memref<!tpu.dma_semaphore, #tpu.memory_space<semaphore_mem>>)
    %dma_wait3A_265 = tpu.memref_slice %arg4[%add3A_242] : memref<6400000xi32, #tpu.memory_space<hbm>> -> memref<10000xi32, #tpu.memory_space<hbm>>
    %dma_wait3A_266 = tpu.memref_slice %arg4[%add3A_242] : memref<6400000xi32, #tpu.memory_space<hbm>> -> memref<10000xi32, #tpu.memory_space<hbm>>
    tpu.wait_dma2 semaphore(%arg21 : memref<!tpu.dma_semaphore, #tpu.memory_space<semaphore_mem>>) src(%dma_wait3A_266 : memref<10000xi32, #tpu.memory_space<hbm>>) dst(%arg11 : memref<10000xi32, #tpu.memory_space<vmem>>)
    %dma_wait3A_267 = tpu.memref_slice %arg5[%add3A_242] : memref<6400000xi32, #tpu.memory_space<hbm>> -> memref<10000xi32, #tpu.memory_space<hbm>>
    %dma_wait3A_268 = tpu.memref_slice %arg5[%add3A_242] : memref<6400000xi32, #tpu.memory_space<hbm>> -> memref<10000xi32, #tpu.memory_space<hbm>>
    tpu.wait_dma2 semaphore(%arg24 : memref<!tpu.dma_semaphore, #tpu.memory_space<semaphore_mem>>) src(%dma_wait3A_268 : memref<10000xi32, #tpu.memory_space<hbm>>) dst(%arg14 : memref<10000xi32, #tpu.memory_space<vmem>>)
    %dma_start3A_269 = arith.constant 0 : i32
    %dma_start3A_270 = tpu.memref_slice %arg7[%dma_start3A_269] : memref<100096xf32, #tpu.memory_space<vmem_shared>> -> memref<100096xf32, #tpu.memory_space<vmem_shared>>
    tpu.enqueue_indirect_dma source(%dma_start3A_270 : memref<100096xf32, #tpu.memory_space<vmem_shared>>) target(%arg17 : memref<10000xf32, #tpu.memory_space<vmem>>) offsets(%arg11 : memref<10000xi32, #tpu.memory_space<vmem>>) semaphore(%arg27 : memref<!tpu.dma_semaphore, #tpu.memory_space<semaphore_mem>>)
    %dma_wait3A_271 = arith.constant 0 : i32
    %dma_wait3A_272 = tpu.memref_slice %arg7[%dma_wait3A_271] : memref<100096xf32, #tpu.memory_space<vmem_shared>> -> memref<100096xf32, #tpu.memory_space<vmem_shared>>
    tpu.wait_indirect_dma semaphore(%arg27 : memref<!tpu.dma_semaphore, #tpu.memory_space<semaphore_mem>>) src(%dma_wait3A_272 : memref<100096xf32, #tpu.memory_space<vmem_shared>>) dst(%arg17 : memref<10000xf32, #tpu.memory_space<vmem>>)
    %dma_start3A_273 = arith.constant 0 : i32
    %dma_start3A_274 = tpu.memref_slice %arg8[%dma_start3A_273] : memref<100096xf32, #tpu.memory_space<vmem_shared>> -> memref<100096xf32, #tpu.memory_space<vmem_shared>>
    tpu.enqueue_indirect_dma source(%arg17 : memref<10000xf32, #tpu.memory_space<vmem>>) target(%dma_start3A_274 : memref<100096xf32, #tpu.memory_space<vmem_shared>>) offsets(%arg14 : memref<10000xi32, #tpu.memory_space<vmem>>) semaphore(%arg30 : memref<!tpu.dma_semaphore, #tpu.memory_space<semaphore_mem>>) {add = true}
    %dma_wait3A_275 = arith.constant 0 : i32
    %dma_wait3A_276 = tpu.memref_slice %arg8[%dma_wait3A_275] : memref<100096xf32, #tpu.memory_space<vmem_shared>> -> memref<100096xf32, #tpu.memory_space<vmem_shared>>
    tpu.wait_indirect_dma semaphore(%arg29 : memref<!tpu.dma_semaphore, #tpu.memory_space<semaphore_mem>>) src(%arg16 : memref<10000xf32, #tpu.memory_space<vmem>>) dst(%dma_wait3A_276 : memref<100096xf32, #tpu.memory_space<vmem_shared>>)
    %add3A_277 = arith.constant 160000 : i32
    %add3A_278 = arith.addi %mul3A_4, %add3A_277 : i32
    %dma_start3A_279 = tpu.memref_slice %arg4[%add3A_278] : memref<6400000xi32, #tpu.memory_space<hbm>> -> memref<10000xi32, #tpu.memory_space<hbm>>
    %dma_start3A_280 = tpu.memref_slice %arg4[%add3A_278] : memref<6400000xi32, #tpu.memory_space<hbm>> -> memref<10000xi32, #tpu.memory_space<hbm>>
    tpu.enqueue_dma source(%dma_start3A_280 : memref<10000xi32, #tpu.memory_space<hbm>>) target(%arg10 : memref<10000xi32, #tpu.memory_space<vmem>>) target_semaphore(%arg20 : memref<!tpu.dma_semaphore, #tpu.memory_space<semaphore_mem>>)
    %dma_start3A_281 = tpu.memref_slice %arg5[%add3A_278] : memref<6400000xi32, #tpu.memory_space<hbm>> -> memref<10000xi32, #tpu.memory_space<hbm>>
    %dma_start3A_282 = tpu.memref_slice %arg5[%add3A_278] : memref<6400000xi32, #tpu.memory_space<hbm>> -> memref<10000xi32, #tpu.memory_space<hbm>>
    tpu.enqueue_dma source(%dma_start3A_282 : memref<10000xi32, #tpu.memory_space<hbm>>) target(%arg13 : memref<10000xi32, #tpu.memory_space<vmem>>) target_semaphore(%arg23 : memref<!tpu.dma_semaphore, #tpu.memory_space<semaphore_mem>>)
    %dma_wait3A_283 = tpu.memref_slice %arg4[%add3A_260] : memref<6400000xi32, #tpu.memory_space<hbm>> -> memref<10000xi32, #tpu.memory_space<hbm>>
    %dma_wait3A_284 = tpu.memref_slice %arg4[%add3A_260] : memref<6400000xi32, #tpu.memory_space<hbm>> -> memref<10000xi32, #tpu.memory_space<hbm>>
    tpu.wait_dma2 semaphore(%arg19 : memref<!tpu.dma_semaphore, #tpu.memory_space<semaphore_mem>>) src(%dma_wait3A_284 : memref<10000xi32, #tpu.memory_space<hbm>>) dst(%arg9 : memref<10000xi32, #tpu.memory_space<vmem>>)
    %dma_wait3A_285 = tpu.memref_slice %arg5[%add3A_260] : memref<6400000xi32, #tpu.memory_space<hbm>> -> memref<10000xi32, #tpu.memory_space<hbm>>
    %dma_wait3A_286 = tpu.memref_slice %arg5[%add3A_260] : memref<6400000xi32, #tpu.memory_space<hbm>> -> memref<10000xi32, #tpu.memory_space<hbm>>
    tpu.wait_dma2 semaphore(%arg22 : memref<!tpu.dma_semaphore, #tpu.memory_space<semaphore_mem>>) src(%dma_wait3A_286 : memref<10000xi32, #tpu.memory_space<hbm>>) dst(%arg12 : memref<10000xi32, #tpu.memory_space<vmem>>)
    %dma_start3A_287 = arith.constant 0 : i32
    %dma_start3A_288 = tpu.memref_slice %arg7[%dma_start3A_287] : memref<100096xf32, #tpu.memory_space<vmem_shared>> -> memref<100096xf32, #tpu.memory_space<vmem_shared>>
    tpu.enqueue_indirect_dma source(%dma_start3A_288 : memref<100096xf32, #tpu.memory_space<vmem_shared>>) target(%arg15 : memref<10000xf32, #tpu.memory_space<vmem>>) offsets(%arg9 : memref<10000xi32, #tpu.memory_space<vmem>>) semaphore(%arg25 : memref<!tpu.dma_semaphore, #tpu.memory_space<semaphore_mem>>)
    %dma_wait3A_289 = arith.constant 0 : i32
    %dma_wait3A_290 = tpu.memref_slice %arg7[%dma_wait3A_289] : memref<100096xf32, #tpu.memory_space<vmem_shared>> -> memref<100096xf32, #tpu.memory_space<vmem_shared>>
    tpu.wait_indirect_dma semaphore(%arg25 : memref<!tpu.dma_semaphore, #tpu.memory_space<semaphore_mem>>) src(%dma_wait3A_290 : memref<100096xf32, #tpu.memory_space<vmem_shared>>) dst(%arg15 : memref<10000xf32, #tpu.memory_space<vmem>>)
    %dma_start3A_291 = arith.constant 0 : i32
    %dma_start3A_292 = tpu.memref_slice %arg8[%dma_start3A_291] : memref<100096xf32, #tpu.memory_space<vmem_shared>> -> memref<100096xf32, #tpu.memory_space<vmem_shared>>
    tpu.enqueue_indirect_dma source(%arg15 : memref<10000xf32, #tpu.memory_space<vmem>>) target(%dma_start3A_292 : memref<100096xf32, #tpu.memory_space<vmem_shared>>) offsets(%arg12 : memref<10000xi32, #tpu.memory_space<vmem>>) semaphore(%arg28 : memref<!tpu.dma_semaphore, #tpu.memory_space<semaphore_mem>>) {add = true}
    %dma_wait3A_293 = arith.constant 0 : i32
    %dma_wait3A_294 = tpu.memref_slice %arg8[%dma_wait3A_293] : memref<100096xf32, #tpu.memory_space<vmem_shared>> -> memref<100096xf32, #tpu.memory_space<vmem_shared>>
    tpu.wait_indirect_dma semaphore(%arg30 : memref<!tpu.dma_semaphore, #tpu.memory_space<semaphore_mem>>) src(%arg17 : memref<10000xf32, #tpu.memory_space<vmem>>) dst(%dma_wait3A_294 : memref<100096xf32, #tpu.memory_space<vmem_shared>>)
    %add3A_295 = arith.constant 170000 : i32
    %add3A_296 = arith.addi %mul3A_4, %add3A_295 : i32
    %dma_start3A_297 = tpu.memref_slice %arg4[%add3A_296] : memref<6400000xi32, #tpu.memory_space<hbm>> -> memref<10000xi32, #tpu.memory_space<hbm>>
    %dma_start3A_298 = tpu.memref_slice %arg4[%add3A_296] : memref<6400000xi32, #tpu.memory_space<hbm>> -> memref<10000xi32, #tpu.memory_space<hbm>>
    tpu.enqueue_dma source(%dma_start3A_298 : memref<10000xi32, #tpu.memory_space<hbm>>) target(%arg11 : memref<10000xi32, #tpu.memory_space<vmem>>) target_semaphore(%arg21 : memref<!tpu.dma_semaphore, #tpu.memory_space<semaphore_mem>>)
    %dma_start3A_299 = tpu.memref_slice %arg5[%add3A_296] : memref<6400000xi32, #tpu.memory_space<hbm>> -> memref<10000xi32, #tpu.memory_space<hbm>>
    %dma_start3A_300 = tpu.memref_slice %arg5[%add3A_296] : memref<6400000xi32, #tpu.memory_space<hbm>> -> memref<10000xi32, #tpu.memory_space<hbm>>
    tpu.enqueue_dma source(%dma_start3A_300 : memref<10000xi32, #tpu.memory_space<hbm>>) target(%arg14 : memref<10000xi32, #tpu.memory_space<vmem>>) target_semaphore(%arg24 : memref<!tpu.dma_semaphore, #tpu.memory_space<semaphore_mem>>)
    %dma_wait3A_301 = tpu.memref_slice %arg4[%add3A_278] : memref<6400000xi32, #tpu.memory_space<hbm>> -> memref<10000xi32, #tpu.memory_space<hbm>>
    %dma_wait3A_302 = tpu.memref_slice %arg4[%add3A_278] : memref<6400000xi32, #tpu.memory_space<hbm>> -> memref<10000xi32, #tpu.memory_space<hbm>>
    tpu.wait_dma2 semaphore(%arg20 : memref<!tpu.dma_semaphore, #tpu.memory_space<semaphore_mem>>) src(%dma_wait3A_302 : memref<10000xi32, #tpu.memory_space<hbm>>) dst(%arg10 : memref<10000xi32, #tpu.memory_space<vmem>>)
    %dma_wait3A_303 = tpu.memref_slice %arg5[%add3A_278] : memref<6400000xi32, #tpu.memory_space<hbm>> -> memref<10000xi32, #tpu.memory_space<hbm>>
    %dma_wait3A_304 = tpu.memref_slice %arg5[%add3A_278] : memref<6400000xi32, #tpu.memory_space<hbm>> -> memref<10000xi32, #tpu.memory_space<hbm>>
    tpu.wait_dma2 semaphore(%arg23 : memref<!tpu.dma_semaphore, #tpu.memory_space<semaphore_mem>>) src(%dma_wait3A_304 : memref<10000xi32, #tpu.memory_space<hbm>>) dst(%arg13 : memref<10000xi32, #tpu.memory_space<vmem>>)
    %dma_start3A_305 = arith.constant 0 : i32
    %dma_start3A_306 = tpu.memref_slice %arg7[%dma_start3A_305] : memref<100096xf32, #tpu.memory_space<vmem_shared>> -> memref<100096xf32, #tpu.memory_space<vmem_shared>>
    tpu.enqueue_indirect_dma source(%dma_start3A_306 : memref<100096xf32, #tpu.memory_space<vmem_shared>>) target(%arg16 : memref<10000xf32, #tpu.memory_space<vmem>>) offsets(%arg10 : memref<10000xi32, #tpu.memory_space<vmem>>) semaphore(%arg26 : memref<!tpu.dma_semaphore, #tpu.memory_space<semaphore_mem>>)
    %dma_wait3A_307 = arith.constant 0 : i32
    %dma_wait3A_308 = tpu.memref_slice %arg7[%dma_wait3A_307] : memref<100096xf32, #tpu.memory_space<vmem_shared>> -> memref<100096xf32, #tpu.memory_space<vmem_shared>>
    tpu.wait_indirect_dma semaphore(%arg26 : memref<!tpu.dma_semaphore, #tpu.memory_space<semaphore_mem>>) src(%dma_wait3A_308 : memref<100096xf32, #tpu.memory_space<vmem_shared>>) dst(%arg16 : memref<10000xf32, #tpu.memory_space<vmem>>)
    %dma_start3A_309 = arith.constant 0 : i32
    %dma_start3A_310 = tpu.memref_slice %arg8[%dma_start3A_309] : memref<100096xf32, #tpu.memory_space<vmem_shared>> -> memref<100096xf32, #tpu.memory_space<vmem_shared>>
    tpu.enqueue_indirect_dma source(%arg16 : memref<10000xf32, #tpu.memory_space<vmem>>) target(%dma_start3A_310 : memref<100096xf32, #tpu.memory_space<vmem_shared>>) offsets(%arg13 : memref<10000xi32, #tpu.memory_space<vmem>>) semaphore(%arg29 : memref<!tpu.dma_semaphore, #tpu.memory_space<semaphore_mem>>) {add = true}
    %dma_wait3A_311 = arith.constant 0 : i32
    %dma_wait3A_312 = tpu.memref_slice %arg8[%dma_wait3A_311] : memref<100096xf32, #tpu.memory_space<vmem_shared>> -> memref<100096xf32, #tpu.memory_space<vmem_shared>>
    tpu.wait_indirect_dma semaphore(%arg28 : memref<!tpu.dma_semaphore, #tpu.memory_space<semaphore_mem>>) src(%arg15 : memref<10000xf32, #tpu.memory_space<vmem>>) dst(%dma_wait3A_312 : memref<100096xf32, #tpu.memory_space<vmem_shared>>)
    %add3A_313 = arith.constant 180000 : i32
    %add3A_314 = arith.addi %mul3A_4, %add3A_313 : i32
    %dma_start3A_315 = tpu.memref_slice %arg4[%add3A_314] : memref<6400000xi32, #tpu.memory_space<hbm>> -> memref<10000xi32, #tpu.memory_space<hbm>>
    %dma_start3A_316 = tpu.memref_slice %arg4[%add3A_314] : memref<6400000xi32, #tpu.memory_space<hbm>> -> memref<10000xi32, #tpu.memory_space<hbm>>
    tpu.enqueue_dma source(%dma_start3A_316 : memref<10000xi32, #tpu.memory_space<hbm>>) target(%arg9 : memref<10000xi32, #tpu.memory_space<vmem>>) target_semaphore(%arg19 : memref<!tpu.dma_semaphore, #tpu.memory_space<semaphore_mem>>)
    %dma_start3A_317 = tpu.memref_slice %arg5[%add3A_314] : memref<6400000xi32, #tpu.memory_space<hbm>> -> memref<10000xi32, #tpu.memory_space<hbm>>
    %dma_start3A_318 = tpu.memref_slice %arg5[%add3A_314] : memref<6400000xi32, #tpu.memory_space<hbm>> -> memref<10000xi32, #tpu.memory_space<hbm>>
    tpu.enqueue_dma source(%dma_start3A_318 : memref<10000xi32, #tpu.memory_space<hbm>>) target(%arg12 : memref<10000xi32, #tpu.memory_space<vmem>>) target_semaphore(%arg22 : memref<!tpu.dma_semaphore, #tpu.memory_space<semaphore_mem>>)
    %dma_wait3A_319 = tpu.memref_slice %arg4[%add3A_296] : memref<6400000xi32, #tpu.memory_space<hbm>> -> memref<10000xi32, #tpu.memory_space<hbm>>
    %dma_wait3A_320 = tpu.memref_slice %arg4[%add3A_296] : memref<6400000xi32, #tpu.memory_space<hbm>> -> memref<10000xi32, #tpu.memory_space<hbm>>
    tpu.wait_dma2 semaphore(%arg21 : memref<!tpu.dma_semaphore, #tpu.memory_space<semaphore_mem>>) src(%dma_wait3A_320 : memref<10000xi32, #tpu.memory_space<hbm>>) dst(%arg11 : memref<10000xi32, #tpu.memory_space<vmem>>)
    %dma_wait3A_321 = tpu.memref_slice %arg5[%add3A_296] : memref<6400000xi32, #tpu.memory_space<hbm>> -> memref<10000xi32, #tpu.memory_space<hbm>>
    %dma_wait3A_322 = tpu.memref_slice %arg5[%add3A_296] : memref<6400000xi32, #tpu.memory_space<hbm>> -> memref<10000xi32, #tpu.memory_space<hbm>>
    tpu.wait_dma2 semaphore(%arg24 : memref<!tpu.dma_semaphore, #tpu.memory_space<semaphore_mem>>) src(%dma_wait3A_322 : memref<10000xi32, #tpu.memory_space<hbm>>) dst(%arg14 : memref<10000xi32, #tpu.memory_space<vmem>>)
    %dma_start3A_323 = arith.constant 0 : i32
    %dma_start3A_324 = tpu.memref_slice %arg7[%dma_start3A_323] : memref<100096xf32, #tpu.memory_space<vmem_shared>> -> memref<100096xf32, #tpu.memory_space<vmem_shared>>
    tpu.enqueue_indirect_dma source(%dma_start3A_324 : memref<100096xf32, #tpu.memory_space<vmem_shared>>) target(%arg17 : memref<10000xf32, #tpu.memory_space<vmem>>) offsets(%arg11 : memref<10000xi32, #tpu.memory_space<vmem>>) semaphore(%arg27 : memref<!tpu.dma_semaphore, #tpu.memory_space<semaphore_mem>>)
    %dma_wait3A_325 = arith.constant 0 : i32
    %dma_wait3A_326 = tpu.memref_slice %arg7[%dma_wait3A_325] : memref<100096xf32, #tpu.memory_space<vmem_shared>> -> memref<100096xf32, #tpu.memory_space<vmem_shared>>
    tpu.wait_indirect_dma semaphore(%arg27 : memref<!tpu.dma_semaphore, #tpu.memory_space<semaphore_mem>>) src(%dma_wait3A_326 : memref<100096xf32, #tpu.memory_space<vmem_shared>>) dst(%arg17 : memref<10000xf32, #tpu.memory_space<vmem>>)
    %dma_start3A_327 = arith.constant 0 : i32
    %dma_start3A_328 = tpu.memref_slice %arg8[%dma_start3A_327] : memref<100096xf32, #tpu.memory_space<vmem_shared>> -> memref<100096xf32, #tpu.memory_space<vmem_shared>>
    tpu.enqueue_indirect_dma source(%arg17 : memref<10000xf32, #tpu.memory_space<vmem>>) target(%dma_start3A_328 : memref<100096xf32, #tpu.memory_space<vmem_shared>>) offsets(%arg14 : memref<10000xi32, #tpu.memory_space<vmem>>) semaphore(%arg30 : memref<!tpu.dma_semaphore, #tpu.memory_space<semaphore_mem>>) {add = true}
    %dma_wait3A_329 = arith.constant 0 : i32
    %dma_wait3A_330 = tpu.memref_slice %arg8[%dma_wait3A_329] : memref<100096xf32, #tpu.memory_space<vmem_shared>> -> memref<100096xf32, #tpu.memory_space<vmem_shared>>
    tpu.wait_indirect_dma semaphore(%arg29 : memref<!tpu.dma_semaphore, #tpu.memory_space<semaphore_mem>>) src(%arg16 : memref<10000xf32, #tpu.memory_space<vmem>>) dst(%dma_wait3A_330 : memref<100096xf32, #tpu.memory_space<vmem_shared>>)
    %add3A_331 = arith.constant 190000 : i32
    %add3A_332 = arith.addi %mul3A_4, %add3A_331 : i32
    %dma_start3A_333 = tpu.memref_slice %arg4[%add3A_332] : memref<6400000xi32, #tpu.memory_space<hbm>> -> memref<10000xi32, #tpu.memory_space<hbm>>
    %dma_start3A_334 = tpu.memref_slice %arg4[%add3A_332] : memref<6400000xi32, #tpu.memory_space<hbm>> -> memref<10000xi32, #tpu.memory_space<hbm>>
    tpu.enqueue_dma source(%dma_start3A_334 : memref<10000xi32, #tpu.memory_space<hbm>>) target(%arg10 : memref<10000xi32, #tpu.memory_space<vmem>>) target_semaphore(%arg20 : memref<!tpu.dma_semaphore, #tpu.memory_space<semaphore_mem>>)
    %dma_start3A_335 = tpu.memref_slice %arg5[%add3A_332] : memref<6400000xi32, #tpu.memory_space<hbm>> -> memref<10000xi32, #tpu.memory_space<hbm>>
    %dma_start3A_336 = tpu.memref_slice %arg5[%add3A_332] : memref<6400000xi32, #tpu.memory_space<hbm>> -> memref<10000xi32, #tpu.memory_space<hbm>>
    tpu.enqueue_dma source(%dma_start3A_336 : memref<10000xi32, #tpu.memory_space<hbm>>) target(%arg13 : memref<10000xi32, #tpu.memory_space<vmem>>) target_semaphore(%arg23 : memref<!tpu.dma_semaphore, #tpu.memory_space<semaphore_mem>>)
    %dma_wait3A_337 = tpu.memref_slice %arg4[%add3A_314] : memref<6400000xi32, #tpu.memory_space<hbm>> -> memref<10000xi32, #tpu.memory_space<hbm>>
    %dma_wait3A_338 = tpu.memref_slice %arg4[%add3A_314] : memref<6400000xi32, #tpu.memory_space<hbm>> -> memref<10000xi32, #tpu.memory_space<hbm>>
    tpu.wait_dma2 semaphore(%arg19 : memref<!tpu.dma_semaphore, #tpu.memory_space<semaphore_mem>>) src(%dma_wait3A_338 : memref<10000xi32, #tpu.memory_space<hbm>>) dst(%arg9 : memref<10000xi32, #tpu.memory_space<vmem>>)
    %dma_wait3A_339 = tpu.memref_slice %arg5[%add3A_314] : memref<6400000xi32, #tpu.memory_space<hbm>> -> memref<10000xi32, #tpu.memory_space<hbm>>
    %dma_wait3A_340 = tpu.memref_slice %arg5[%add3A_314] : memref<6400000xi32, #tpu.memory_space<hbm>> -> memref<10000xi32, #tpu.memory_space<hbm>>
    tpu.wait_dma2 semaphore(%arg22 : memref<!tpu.dma_semaphore, #tpu.memory_space<semaphore_mem>>) src(%dma_wait3A_340 : memref<10000xi32, #tpu.memory_space<hbm>>) dst(%arg12 : memref<10000xi32, #tpu.memory_space<vmem>>)
    %dma_start3A_341 = arith.constant 0 : i32
    %dma_start3A_342 = tpu.memref_slice %arg7[%dma_start3A_341] : memref<100096xf32, #tpu.memory_space<vmem_shared>> -> memref<100096xf32, #tpu.memory_space<vmem_shared>>
    tpu.enqueue_indirect_dma source(%dma_start3A_342 : memref<100096xf32, #tpu.memory_space<vmem_shared>>) target(%arg15 : memref<10000xf32, #tpu.memory_space<vmem>>) offsets(%arg9 : memref<10000xi32, #tpu.memory_space<vmem>>) semaphore(%arg25 : memref<!tpu.dma_semaphore, #tpu.memory_space<semaphore_mem>>)
    %dma_wait3A_343 = arith.constant 0 : i32
    %dma_wait3A_344 = tpu.memref_slice %arg7[%dma_wait3A_343] : memref<100096xf32, #tpu.memory_space<vmem_shared>> -> memref<100096xf32, #tpu.memory_space<vmem_shared>>
    tpu.wait_indirect_dma semaphore(%arg25 : memref<!tpu.dma_semaphore, #tpu.memory_space<semaphore_mem>>) src(%dma_wait3A_344 : memref<100096xf32, #tpu.memory_space<vmem_shared>>) dst(%arg15 : memref<10000xf32, #tpu.memory_space<vmem>>)
    %dma_start3A_345 = arith.constant 0 : i32
    %dma_start3A_346 = tpu.memref_slice %arg8[%dma_start3A_345] : memref<100096xf32, #tpu.memory_space<vmem_shared>> -> memref<100096xf32, #tpu.memory_space<vmem_shared>>
    tpu.enqueue_indirect_dma source(%arg15 : memref<10000xf32, #tpu.memory_space<vmem>>) target(%dma_start3A_346 : memref<100096xf32, #tpu.memory_space<vmem_shared>>) offsets(%arg12 : memref<10000xi32, #tpu.memory_space<vmem>>) semaphore(%arg28 : memref<!tpu.dma_semaphore, #tpu.memory_space<semaphore_mem>>) {add = true}
    %dma_wait3A_347 = arith.constant 0 : i32
    %dma_wait3A_348 = tpu.memref_slice %arg8[%dma_wait3A_347] : memref<100096xf32, #tpu.memory_space<vmem_shared>> -> memref<100096xf32, #tpu.memory_space<vmem_shared>>
    tpu.wait_indirect_dma semaphore(%arg30 : memref<!tpu.dma_semaphore, #tpu.memory_space<semaphore_mem>>) src(%arg17 : memref<10000xf32, #tpu.memory_space<vmem>>) dst(%dma_wait3A_348 : memref<100096xf32, #tpu.memory_space<vmem_shared>>)
    %dma_wait3A_349 = tpu.memref_slice %arg4[%add3A_332] : memref<6400000xi32, #tpu.memory_space<hbm>> -> memref<10000xi32, #tpu.memory_space<hbm>>
    %dma_wait3A_350 = tpu.memref_slice %arg4[%add3A_332] : memref<6400000xi32, #tpu.memory_space<hbm>> -> memref<10000xi32, #tpu.memory_space<hbm>>
    tpu.wait_dma2 semaphore(%arg20 : memref<!tpu.dma_semaphore, #tpu.memory_space<semaphore_mem>>) src(%dma_wait3A_350 : memref<10000xi32, #tpu.memory_space<hbm>>) dst(%arg10 : memref<10000xi32, #tpu.memory_space<vmem>>)
    %dma_wait3A_351 = tpu.memref_slice %arg5[%add3A_332] : memref<6400000xi32, #tpu.memory_space<hbm>> -> memref<10000xi32, #tpu.memory_space<hbm>>
    %dma_wait3A_352 = tpu.memref_slice %arg5[%add3A_332] : memref<6400000xi32, #tpu.memory_space<hbm>> -> memref<10000xi32, #tpu.memory_space<hbm>>
    tpu.wait_dma2 semaphore(%arg23 : memref<!tpu.dma_semaphore, #tpu.memory_space<semaphore_mem>>) src(%dma_wait3A_352 : memref<10000xi32, #tpu.memory_space<hbm>>) dst(%arg13 : memref<10000xi32, #tpu.memory_space<vmem>>)
    %dma_start3A_353 = arith.constant 0 : i32
    %dma_start3A_354 = tpu.memref_slice %arg7[%dma_start3A_353] : memref<100096xf32, #tpu.memory_space<vmem_shared>> -> memref<100096xf32, #tpu.memory_space<vmem_shared>>
    tpu.enqueue_indirect_dma source(%dma_start3A_354 : memref<100096xf32, #tpu.memory_space<vmem_shared>>) target(%arg16 : memref<10000xf32, #tpu.memory_space<vmem>>) offsets(%arg10 : memref<10000xi32, #tpu.memory_space<vmem>>) semaphore(%arg26 : memref<!tpu.dma_semaphore, #tpu.memory_space<semaphore_mem>>)
    %dma_wait3A_355 = arith.constant 0 : i32
    %dma_wait3A_356 = tpu.memref_slice %arg7[%dma_wait3A_355] : memref<100096xf32, #tpu.memory_space<vmem_shared>> -> memref<100096xf32, #tpu.memory_space<vmem_shared>>
    tpu.wait_indirect_dma semaphore(%arg26 : memref<!tpu.dma_semaphore, #tpu.memory_space<semaphore_mem>>) src(%dma_wait3A_356 : memref<100096xf32, #tpu.memory_space<vmem_shared>>) dst(%arg16 : memref<10000xf32, #tpu.memory_space<vmem>>)
    %dma_start3A_357 = arith.constant 0 : i32
    %dma_start3A_358 = tpu.memref_slice %arg8[%dma_start3A_357] : memref<100096xf32, #tpu.memory_space<vmem_shared>> -> memref<100096xf32, #tpu.memory_space<vmem_shared>>
    tpu.enqueue_indirect_dma source(%arg16 : memref<10000xf32, #tpu.memory_space<vmem>>) target(%dma_start3A_358 : memref<100096xf32, #tpu.memory_space<vmem_shared>>) offsets(%arg13 : memref<10000xi32, #tpu.memory_space<vmem>>) semaphore(%arg29 : memref<!tpu.dma_semaphore, #tpu.memory_space<semaphore_mem>>) {add = true}
    %dma_wait3A_359 = arith.constant 0 : i32
    %dma_wait3A_360 = tpu.memref_slice %arg8[%dma_wait3A_359] : memref<100096xf32, #tpu.memory_space<vmem_shared>> -> memref<100096xf32, #tpu.memory_space<vmem_shared>>
    tpu.wait_indirect_dma semaphore(%arg28 : memref<!tpu.dma_semaphore, #tpu.memory_space<semaphore_mem>>) src(%arg15 : memref<10000xf32, #tpu.memory_space<vmem>>) dst(%dma_wait3A_360 : memref<100096xf32, #tpu.memory_space<vmem_shared>>)
    %dma_wait3A_361 = arith.constant 0 : i32
    %dma_wait3A_362 = tpu.memref_slice %arg8[%dma_wait3A_361] : memref<100096xf32, #tpu.memory_space<vmem_shared>> -> memref<100096xf32, #tpu.memory_space<vmem_shared>>
    tpu.wait_indirect_dma semaphore(%arg29 : memref<!tpu.dma_semaphore, #tpu.memory_space<semaphore_mem>>) src(%arg16 : memref<10000xf32, #tpu.memory_space<vmem>>) dst(%dma_wait3A_362 : memref<100096xf32, #tpu.memory_space<vmem_shared>>)
    %barrier3A_363 = arith.constant 0 : index
    tpu.barrier barrier_id(%barrier3A_363)
    %mul3A_364 = arith.constant 100096 : i32
    %mul3A_365 = arith.muli %arg0, %mul3A_364 : i32
    %add3A_366 = arith.addi %mul3A_365, %mul3A_0 : i32
    "tpu.region"() ({
      %run_scoped3A = tpu.sem_alloc : memref<!tpu.dma_semaphore, #tpu.memory_space<semaphore_mem>>
      %dma_start3A_367 = tpu.memref_slice %arg8[%mul3A_0] : memref<100096xf32, #tpu.memory_space<vmem_shared>> -> memref<6256xf32, #tpu.memory_space<vmem_shared>>
      %dma_start3A_368 = tpu.memref_slice %arg8[%mul3A_0] : memref<100096xf32, #tpu.memory_space<vmem_shared>> -> memref<6256xf32, #tpu.memory_space<vmem_shared>>
      tpu.enqueue_dma source(%dma_start3A_368 : memref<6256xf32, #tpu.memory_space<vmem_shared>>) target(%arg18 : memref<6256xf32, #tpu.memory_space<vmem>>) target_semaphore(%run_scoped3A : memref<!tpu.dma_semaphore, #tpu.memory_space<semaphore_mem>>)
      %dma_wait3A_369 = tpu.memref_slice %arg8[%mul3A_0] : memref<100096xf32, #tpu.memory_space<vmem_shared>> -> memref<6256xf32, #tpu.memory_space<vmem_shared>>
      %dma_wait3A_370 = tpu.memref_slice %arg8[%mul3A_0] : memref<100096xf32, #tpu.memory_space<vmem_shared>> -> memref<6256xf32, #tpu.memory_space<vmem_shared>>
      tpu.wait_dma2 semaphore(%run_scoped3A : memref<!tpu.dma_semaphore, #tpu.memory_space<semaphore_mem>>) src(%dma_wait3A_370 : memref<6256xf32, #tpu.memory_space<vmem_shared>>) dst(%arg18 : memref<6256xf32, #tpu.memory_space<vmem>>)
      tpu.yield
    }) : () -> ()
    "tpu.region"() ({
      %run_scoped3A = tpu.sem_alloc : memref<!tpu.dma_semaphore, #tpu.memory_space<semaphore_mem>>
      %dma_start3A_367 = tpu.memref_slice %arg6[%add3A_366] : memref<200192xf32, #tpu.memory_space<hbm>> -> memref<6256xf32, #tpu.memory_space<hbm>>
      %dma_start3A_368 = tpu.memref_slice %arg6[%add3A_366] : memref<200192xf32, #tpu.memory_space<hbm>> -> memref<6256xf32, #tpu.memory_space<hbm>>
      tpu.enqueue_dma source(%arg18 : memref<6256xf32, #tpu.memory_space<vmem>>) target(%dma_start3A_368 : memref<6256xf32, #tpu.memory_space<hbm>>) target_semaphore(%run_scoped3A : memref<!tpu.dma_semaphore, #tpu.memory_space<semaphore_mem>>)
      %dma_wait3A_369 = tpu.memref_slice %arg6[%add3A_366] : memref<200192xf32, #tpu.memory_space<hbm>> -> memref<6256xf32, #tpu.memory_space<hbm>>
      %dma_wait3A_370 = tpu.memref_slice %arg6[%add3A_366] : memref<200192xf32, #tpu.memory_space<hbm>> -> memref<6256xf32, #tpu.memory_space<hbm>>
      tpu.wait_dma2 semaphore(%run_scoped3A : memref<!tpu.dma_semaphore, #tpu.memory_space<semaphore_mem>>) src(%arg18 : memref<6256xf32, #tpu.memory_space<vmem>>) dst(%dma_wait3A_370 : memref<6256xf32, #tpu.memory_space<hbm>>)
      tpu.yield
    }) : () -> ()
    return
  }
}

#map = affine_map<(d0, d1) -> (0)>
module attributes {stable_mosaic.version = 14 : i64} {
  func.func @body(%arg0: i32, %arg1: i32, %arg2: memref<100096xf32, #tpu.memory_space<hbm>>, %arg3: memref<100096xf32, #tpu.memory_space<hbm>>, %arg4: memref<10000xf32, #tpu.memory_space<hbm>>, %arg5: memref<6400000xi32, #tpu.memory_space<hbm>>, %arg6: memref<6400000xi32, #tpu.memory_space<hbm>>, %arg7: memref<200192xf32, #tpu.memory_space<hbm>>, %arg8: memref<200192xf32, #tpu.memory_space<hbm>>, %arg9: memref<100096xf32, #tpu.memory_space<vmem_shared>>, %arg10: memref<100096xf32, #tpu.memory_space<vmem_shared>>, %arg11: memref<10000xi32, #tpu.memory_space<vmem>>, %arg12: memref<10000xi32, #tpu.memory_space<vmem>>, %arg13: memref<10000xi32, #tpu.memory_space<vmem>>, %arg14: memref<10000xi32, #tpu.memory_space<vmem>>, %arg15: memref<10000xi32, #tpu.memory_space<vmem>>, %arg16: memref<10000xi32, #tpu.memory_space<vmem>>, %arg17: memref<10000xf32, #tpu.memory_space<vmem>>, %arg18: memref<10000xf32, #tpu.memory_space<vmem>>, %arg19: memref<10000xf32, #tpu.memory_space<vmem>>, %arg20: memref<6256xf32, #tpu.memory_space<vmem>>, %arg21: memref<!tpu.dma_semaphore, #tpu.memory_space<semaphore_mem>>, %arg22: memref<!tpu.dma_semaphore, #tpu.memory_space<semaphore_mem>>, %arg23: memref<!tpu.dma_semaphore, #tpu.memory_space<semaphore_mem>>, %arg24: memref<!tpu.dma_semaphore, #tpu.memory_space<semaphore_mem>>, %arg25: memref<!tpu.dma_semaphore, #tpu.memory_space<semaphore_mem>>, %arg26: memref<!tpu.dma_semaphore, #tpu.memory_space<semaphore_mem>>, %arg27: memref<!tpu.dma_semaphore, #tpu.memory_space<semaphore_mem>>, %arg28: memref<!tpu.dma_semaphore, #tpu.memory_space<semaphore_mem>>, %arg29: memref<!tpu.dma_semaphore, #tpu.memory_space<semaphore_mem>>, %arg30: memref<!tpu.dma_semaphore, #tpu.memory_space<semaphore_mem>>, %arg31: memref<!tpu.dma_semaphore, #tpu.memory_space<semaphore_mem>>, %arg32: memref<!tpu.dma_semaphore, #tpu.memory_space<semaphore_mem>>, %arg33: memref<!tpu.dma_semaphore, #tpu.memory_space<semaphore_mem>>, %arg34: memref<!tpu.dma_semaphore, #tpu.memory_space<semaphore_mem>>, %arg35: memref<!tpu.dma_semaphore, #tpu.memory_space<semaphore_mem>>, %arg36: memref<100096xf32, #tpu.memory_space<vmem_shared>>, %arg37: memref<10000xf32, #tpu.memory_space<vmem>>) attributes {dimension_semantics = [#tpu.dimension_semantics<core_parallel>, #tpu.dimension_semantics<subcore_parallel>], iteration_bounds = array<i64: 2, 16>, scalar_prefetch = 0 : i64, scratch_operands = 29 : i64, tpu.core_type = #tpu.core_type<sc_vector_subcore>, window_params = [{transform_indices = #map}, {transform_indices = #map}, {transform_indices = #map}, {transform_indices = #map}, {transform_indices = #map}, {transform_indices = #map}, {transform_indices = #map}]} {
    %mul3A = arith.constant 6256 : i32
    %mul3A_0 = arith.muli %arg1, %mul3A : i32
    "tpu.region"() ({
      %run_scoped3A = tpu.sem_alloc : memref<!tpu.dma_semaphore, #tpu.memory_space<semaphore_mem>>
      %dma_start3A_447 = tpu.memref_slice %arg2[%mul3A_0] : memref<100096xf32, #tpu.memory_space<hbm>> -> memref<6256xf32, #tpu.memory_space<hbm>>
      %dma_start3A_448 = tpu.memref_slice %arg2[%mul3A_0] : memref<100096xf32, #tpu.memory_space<hbm>> -> memref<6256xf32, #tpu.memory_space<hbm>>
      tpu.enqueue_dma source(%dma_start3A_448 : memref<6256xf32, #tpu.memory_space<hbm>>) target(%arg20 : memref<6256xf32, #tpu.memory_space<vmem>>) target_semaphore(%run_scoped3A : memref<!tpu.dma_semaphore, #tpu.memory_space<semaphore_mem>>)
      %dma_wait3A_449 = tpu.memref_slice %arg2[%mul3A_0] : memref<100096xf32, #tpu.memory_space<hbm>> -> memref<6256xf32, #tpu.memory_space<hbm>>
      %dma_wait3A_450 = tpu.memref_slice %arg2[%mul3A_0] : memref<100096xf32, #tpu.memory_space<hbm>> -> memref<6256xf32, #tpu.memory_space<hbm>>
      tpu.wait_dma2 semaphore(%run_scoped3A : memref<!tpu.dma_semaphore, #tpu.memory_space<semaphore_mem>>) src(%dma_wait3A_450 : memref<6256xf32, #tpu.memory_space<hbm>>) dst(%arg20 : memref<6256xf32, #tpu.memory_space<vmem>>)
      tpu.yield
    }) : () -> ()
    "tpu.region"() ({
      %run_scoped3A = tpu.sem_alloc : memref<!tpu.dma_semaphore, #tpu.memory_space<semaphore_mem>>
      %dma_start3A_447 = tpu.memref_slice %arg9[%mul3A_0] : memref<100096xf32, #tpu.memory_space<vmem_shared>> -> memref<6256xf32, #tpu.memory_space<vmem_shared>>
      %dma_start3A_448 = tpu.memref_slice %arg9[%mul3A_0] : memref<100096xf32, #tpu.memory_space<vmem_shared>> -> memref<6256xf32, #tpu.memory_space<vmem_shared>>
      tpu.enqueue_dma source(%arg20 : memref<6256xf32, #tpu.memory_space<vmem>>) target(%dma_start3A_448 : memref<6256xf32, #tpu.memory_space<vmem_shared>>) target_semaphore(%run_scoped3A : memref<!tpu.dma_semaphore, #tpu.memory_space<semaphore_mem>>)
      %dma_wait3A_449 = tpu.memref_slice %arg9[%mul3A_0] : memref<100096xf32, #tpu.memory_space<vmem_shared>> -> memref<6256xf32, #tpu.memory_space<vmem_shared>>
      %dma_wait3A_450 = tpu.memref_slice %arg9[%mul3A_0] : memref<100096xf32, #tpu.memory_space<vmem_shared>> -> memref<6256xf32, #tpu.memory_space<vmem_shared>>
      tpu.wait_dma2 semaphore(%run_scoped3A : memref<!tpu.dma_semaphore, #tpu.memory_space<semaphore_mem>>) src(%arg20 : memref<6256xf32, #tpu.memory_space<vmem>>) dst(%dma_wait3A_450 : memref<6256xf32, #tpu.memory_space<vmem_shared>>)
      tpu.yield
    }) : () -> ()
    "tpu.region"() ({
      %run_scoped3A = tpu.sem_alloc : memref<!tpu.dma_semaphore, #tpu.memory_space<semaphore_mem>>
      %dma_start3A_447 = tpu.memref_slice %arg3[%mul3A_0] : memref<100096xf32, #tpu.memory_space<hbm>> -> memref<6256xf32, #tpu.memory_space<hbm>>
      %dma_start3A_448 = tpu.memref_slice %arg3[%mul3A_0] : memref<100096xf32, #tpu.memory_space<hbm>> -> memref<6256xf32, #tpu.memory_space<hbm>>
      tpu.enqueue_dma source(%dma_start3A_448 : memref<6256xf32, #tpu.memory_space<hbm>>) target(%arg20 : memref<6256xf32, #tpu.memory_space<vmem>>) target_semaphore(%run_scoped3A : memref<!tpu.dma_semaphore, #tpu.memory_space<semaphore_mem>>)
      %dma_wait3A_449 = tpu.memref_slice %arg3[%mul3A_0] : memref<100096xf32, #tpu.memory_space<hbm>> -> memref<6256xf32, #tpu.memory_space<hbm>>
      %dma_wait3A_450 = tpu.memref_slice %arg3[%mul3A_0] : memref<100096xf32, #tpu.memory_space<hbm>> -> memref<6256xf32, #tpu.memory_space<hbm>>
      tpu.wait_dma2 semaphore(%run_scoped3A : memref<!tpu.dma_semaphore, #tpu.memory_space<semaphore_mem>>) src(%dma_wait3A_450 : memref<6256xf32, #tpu.memory_space<hbm>>) dst(%arg20 : memref<6256xf32, #tpu.memory_space<vmem>>)
      tpu.yield
    }) : () -> ()
    "tpu.region"() ({
      %run_scoped3A = tpu.sem_alloc : memref<!tpu.dma_semaphore, #tpu.memory_space<semaphore_mem>>
      %dma_start3A_447 = tpu.memref_slice %arg10[%mul3A_0] : memref<100096xf32, #tpu.memory_space<vmem_shared>> -> memref<6256xf32, #tpu.memory_space<vmem_shared>>
      %dma_start3A_448 = tpu.memref_slice %arg10[%mul3A_0] : memref<100096xf32, #tpu.memory_space<vmem_shared>> -> memref<6256xf32, #tpu.memory_space<vmem_shared>>
      tpu.enqueue_dma source(%arg20 : memref<6256xf32, #tpu.memory_space<vmem>>) target(%dma_start3A_448 : memref<6256xf32, #tpu.memory_space<vmem_shared>>) target_semaphore(%run_scoped3A : memref<!tpu.dma_semaphore, #tpu.memory_space<semaphore_mem>>)
      %dma_wait3A_449 = tpu.memref_slice %arg10[%mul3A_0] : memref<100096xf32, #tpu.memory_space<vmem_shared>> -> memref<6256xf32, #tpu.memory_space<vmem_shared>>
      %dma_wait3A_450 = tpu.memref_slice %arg10[%mul3A_0] : memref<100096xf32, #tpu.memory_space<vmem_shared>> -> memref<6256xf32, #tpu.memory_space<vmem_shared>>
      tpu.wait_dma2 semaphore(%run_scoped3A : memref<!tpu.dma_semaphore, #tpu.memory_space<semaphore_mem>>) src(%arg20 : memref<6256xf32, #tpu.memory_space<vmem>>) dst(%dma_wait3A_450 : memref<6256xf32, #tpu.memory_space<vmem_shared>>)
      tpu.yield
    }) : () -> ()
    "tpu.region"() ({
      %run_scoped3A = tpu.sem_alloc : memref<!tpu.dma_semaphore, #tpu.memory_space<semaphore_mem>>
      %dma_start3A_447 = tpu.memref_slice %arg36[%mul3A_0] : memref<100096xf32, #tpu.memory_space<vmem_shared>> -> memref<6256xf32, #tpu.memory_space<vmem_shared>>
      %dma_start3A_448 = tpu.memref_slice %arg36[%mul3A_0] : memref<100096xf32, #tpu.memory_space<vmem_shared>> -> memref<6256xf32, #tpu.memory_space<vmem_shared>>
      tpu.enqueue_dma source(%arg20 : memref<6256xf32, #tpu.memory_space<vmem>>) target(%dma_start3A_448 : memref<6256xf32, #tpu.memory_space<vmem_shared>>) target_semaphore(%run_scoped3A : memref<!tpu.dma_semaphore, #tpu.memory_space<semaphore_mem>>)
      %dma_wait3A_449 = tpu.memref_slice %arg36[%mul3A_0] : memref<100096xf32, #tpu.memory_space<vmem_shared>> -> memref<6256xf32, #tpu.memory_space<vmem_shared>>
      %dma_wait3A_450 = tpu.memref_slice %arg36[%mul3A_0] : memref<100096xf32, #tpu.memory_space<vmem_shared>> -> memref<6256xf32, #tpu.memory_space<vmem_shared>>
      tpu.wait_dma2 semaphore(%run_scoped3A : memref<!tpu.dma_semaphore, #tpu.memory_space<semaphore_mem>>) src(%arg20 : memref<6256xf32, #tpu.memory_space<vmem>>) dst(%dma_wait3A_450 : memref<6256xf32, #tpu.memory_space<vmem_shared>>)
      tpu.yield
    }) : () -> ()
    "tpu.region"() ({
      %run_scoped3A = tpu.sem_alloc : memref<!tpu.dma_semaphore, #tpu.memory_space<semaphore_mem>>
      tpu.enqueue_dma source(%arg4 : memref<10000xf32, #tpu.memory_space<hbm>>) target(%arg37 : memref<10000xf32, #tpu.memory_space<vmem>>) target_semaphore(%run_scoped3A : memref<!tpu.dma_semaphore, #tpu.memory_space<semaphore_mem>>)
      tpu.wait_dma2 semaphore(%run_scoped3A : memref<!tpu.dma_semaphore, #tpu.memory_space<semaphore_mem>>) src(%arg4 : memref<10000xf32, #tpu.memory_space<hbm>>) dst(%arg37 : memref<10000xf32, #tpu.memory_space<vmem>>)
      tpu.yield
    }) : () -> ()
    %barrier3A = arith.constant 0 : index
    tpu.barrier barrier_id(%barrier3A)
    %mul3A_1 = arith.constant 16 : i32
    %mul3A_2 = arith.muli %arg0, %mul3A_1 : i32
    %add3A = arith.addi %mul3A_2, %arg1 : i32
    %mul3A_3 = arith.constant 200000 : i32
    %mul3A_4 = arith.muli %add3A, %mul3A_3 : i32
    %add3A_5 = arith.constant 0 : i32
    %add3A_6 = arith.addi %mul3A_4, %add3A_5 : i32
    %dma_start3A = tpu.memref_slice %arg5[%add3A_6] : memref<6400000xi32, #tpu.memory_space<hbm>> -> memref<10000xi32, #tpu.memory_space<hbm>>
    %dma_start3A_7 = tpu.memref_slice %arg5[%add3A_6] : memref<6400000xi32, #tpu.memory_space<hbm>> -> memref<10000xi32, #tpu.memory_space<hbm>>
    tpu.enqueue_dma source(%dma_start3A_7 : memref<10000xi32, #tpu.memory_space<hbm>>) target(%arg11 : memref<10000xi32, #tpu.memory_space<vmem>>) target_semaphore(%arg21 : memref<!tpu.dma_semaphore, #tpu.memory_space<semaphore_mem>>)
    %dma_start3A_8 = tpu.memref_slice %arg6[%add3A_6] : memref<6400000xi32, #tpu.memory_space<hbm>> -> memref<10000xi32, #tpu.memory_space<hbm>>
    %dma_start3A_9 = tpu.memref_slice %arg6[%add3A_6] : memref<6400000xi32, #tpu.memory_space<hbm>> -> memref<10000xi32, #tpu.memory_space<hbm>>
    tpu.enqueue_dma source(%dma_start3A_9 : memref<10000xi32, #tpu.memory_space<hbm>>) target(%arg14 : memref<10000xi32, #tpu.memory_space<vmem>>) target_semaphore(%arg24 : memref<!tpu.dma_semaphore, #tpu.memory_space<semaphore_mem>>)
    %add3A_10 = arith.constant 10000 : i32
    %add3A_11 = arith.addi %mul3A_4, %add3A_10 : i32
    %dma_start3A_12 = tpu.memref_slice %arg5[%add3A_11] : memref<6400000xi32, #tpu.memory_space<hbm>> -> memref<10000xi32, #tpu.memory_space<hbm>>
    %dma_start3A_13 = tpu.memref_slice %arg5[%add3A_11] : memref<6400000xi32, #tpu.memory_space<hbm>> -> memref<10000xi32, #tpu.memory_space<hbm>>
    tpu.enqueue_dma source(%dma_start3A_13 : memref<10000xi32, #tpu.memory_space<hbm>>) target(%arg12 : memref<10000xi32, #tpu.memory_space<vmem>>) target_semaphore(%arg22 : memref<!tpu.dma_semaphore, #tpu.memory_space<semaphore_mem>>)
    %dma_start3A_14 = tpu.memref_slice %arg6[%add3A_11] : memref<6400000xi32, #tpu.memory_space<hbm>> -> memref<10000xi32, #tpu.memory_space<hbm>>
    %dma_start3A_15 = tpu.memref_slice %arg6[%add3A_11] : memref<6400000xi32, #tpu.memory_space<hbm>> -> memref<10000xi32, #tpu.memory_space<hbm>>
    tpu.enqueue_dma source(%dma_start3A_15 : memref<10000xi32, #tpu.memory_space<hbm>>) target(%arg15 : memref<10000xi32, #tpu.memory_space<vmem>>) target_semaphore(%arg25 : memref<!tpu.dma_semaphore, #tpu.memory_space<semaphore_mem>>)
    %dma_wait3A = tpu.memref_slice %arg5[%add3A_6] : memref<6400000xi32, #tpu.memory_space<hbm>> -> memref<10000xi32, #tpu.memory_space<hbm>>
    %dma_wait3A_16 = tpu.memref_slice %arg5[%add3A_6] : memref<6400000xi32, #tpu.memory_space<hbm>> -> memref<10000xi32, #tpu.memory_space<hbm>>
    tpu.wait_dma2 semaphore(%arg21 : memref<!tpu.dma_semaphore, #tpu.memory_space<semaphore_mem>>) src(%dma_wait3A_16 : memref<10000xi32, #tpu.memory_space<hbm>>) dst(%arg11 : memref<10000xi32, #tpu.memory_space<vmem>>)
    %dma_wait3A_17 = tpu.memref_slice %arg6[%add3A_6] : memref<6400000xi32, #tpu.memory_space<hbm>> -> memref<10000xi32, #tpu.memory_space<hbm>>
    %dma_wait3A_18 = tpu.memref_slice %arg6[%add3A_6] : memref<6400000xi32, #tpu.memory_space<hbm>> -> memref<10000xi32, #tpu.memory_space<hbm>>
    tpu.wait_dma2 semaphore(%arg24 : memref<!tpu.dma_semaphore, #tpu.memory_space<semaphore_mem>>) src(%dma_wait3A_18 : memref<10000xi32, #tpu.memory_space<hbm>>) dst(%arg14 : memref<10000xi32, #tpu.memory_space<vmem>>)
    %dma_start3A_19 = arith.constant 0 : i32
    %dma_start3A_20 = tpu.memref_slice %arg9[%dma_start3A_19] : memref<100096xf32, #tpu.memory_space<vmem_shared>> -> memref<100096xf32, #tpu.memory_space<vmem_shared>>
    tpu.enqueue_indirect_dma source(%dma_start3A_20 : memref<100096xf32, #tpu.memory_space<vmem_shared>>) target(%arg17 : memref<10000xf32, #tpu.memory_space<vmem>>) offsets(%arg11 : memref<10000xi32, #tpu.memory_space<vmem>>) semaphore(%arg27 : memref<!tpu.dma_semaphore, #tpu.memory_space<semaphore_mem>>)
    %dma_wait3A_21 = arith.constant 0 : i32
    %dma_wait3A_22 = tpu.memref_slice %arg9[%dma_wait3A_21] : memref<100096xf32, #tpu.memory_space<vmem_shared>> -> memref<100096xf32, #tpu.memory_space<vmem_shared>>
    tpu.wait_indirect_dma semaphore(%arg27 : memref<!tpu.dma_semaphore, #tpu.memory_space<semaphore_mem>>) src(%dma_wait3A_22 : memref<100096xf32, #tpu.memory_space<vmem_shared>>) dst(%arg17 : memref<10000xf32, #tpu.memory_space<vmem>>)
    %dma_start3A_23 = arith.constant 0 : i32
    %dma_start3A_24 = tpu.memref_slice %arg10[%dma_start3A_23] : memref<100096xf32, #tpu.memory_space<vmem_shared>> -> memref<100096xf32, #tpu.memory_space<vmem_shared>>
    tpu.enqueue_indirect_dma source(%arg17 : memref<10000xf32, #tpu.memory_space<vmem>>) target(%dma_start3A_24 : memref<100096xf32, #tpu.memory_space<vmem_shared>>) offsets(%arg14 : memref<10000xi32, #tpu.memory_space<vmem>>) semaphore(%arg30 : memref<!tpu.dma_semaphore, #tpu.memory_space<semaphore_mem>>) {add = true}
    %dma_start3A_25 = arith.constant 0 : i32
    %dma_start3A_26 = tpu.memref_slice %arg36[%dma_start3A_25] : memref<100096xf32, #tpu.memory_space<vmem_shared>> -> memref<100096xf32, #tpu.memory_space<vmem_shared>>
    tpu.enqueue_indirect_dma source(%arg37 : memref<10000xf32, #tpu.memory_space<vmem>>) target(%dma_start3A_26 : memref<100096xf32, #tpu.memory_space<vmem_shared>>) offsets(%arg14 : memref<10000xi32, #tpu.memory_space<vmem>>) semaphore(%arg33 : memref<!tpu.dma_semaphore, #tpu.memory_space<semaphore_mem>>) {add = true}
    %add3A_27 = arith.constant 20000 : i32
    %add3A_28 = arith.addi %mul3A_4, %add3A_27 : i32
    %dma_start3A_29 = tpu.memref_slice %arg5[%add3A_28] : memref<6400000xi32, #tpu.memory_space<hbm>> -> memref<10000xi32, #tpu.memory_space<hbm>>
    %dma_start3A_30 = tpu.memref_slice %arg5[%add3A_28] : memref<6400000xi32, #tpu.memory_space<hbm>> -> memref<10000xi32, #tpu.memory_space<hbm>>
    tpu.enqueue_dma source(%dma_start3A_30 : memref<10000xi32, #tpu.memory_space<hbm>>) target(%arg13 : memref<10000xi32, #tpu.memory_space<vmem>>) target_semaphore(%arg23 : memref<!tpu.dma_semaphore, #tpu.memory_space<semaphore_mem>>)
    %dma_start3A_31 = tpu.memref_slice %arg6[%add3A_28] : memref<6400000xi32, #tpu.memory_space<hbm>> -> memref<10000xi32, #tpu.memory_space<hbm>>
    %dma_start3A_32 = tpu.memref_slice %arg6[%add3A_28] : memref<6400000xi32, #tpu.memory_space<hbm>> -> memref<10000xi32, #tpu.memory_space<hbm>>
    tpu.enqueue_dma source(%dma_start3A_32 : memref<10000xi32, #tpu.memory_space<hbm>>) target(%arg16 : memref<10000xi32, #tpu.memory_space<vmem>>) target_semaphore(%arg26 : memref<!tpu.dma_semaphore, #tpu.memory_space<semaphore_mem>>)
    %dma_wait3A_33 = tpu.memref_slice %arg5[%add3A_11] : memref<6400000xi32, #tpu.memory_space<hbm>> -> memref<10000xi32, #tpu.memory_space<hbm>>
    %dma_wait3A_34 = tpu.memref_slice %arg5[%add3A_11] : memref<6400000xi32, #tpu.memory_space<hbm>> -> memref<10000xi32, #tpu.memory_space<hbm>>
    tpu.wait_dma2 semaphore(%arg22 : memref<!tpu.dma_semaphore, #tpu.memory_space<semaphore_mem>>) src(%dma_wait3A_34 : memref<10000xi32, #tpu.memory_space<hbm>>) dst(%arg12 : memref<10000xi32, #tpu.memory_space<vmem>>)
    %dma_wait3A_35 = tpu.memref_slice %arg6[%add3A_11] : memref<6400000xi32, #tpu.memory_space<hbm>> -> memref<10000xi32, #tpu.memory_space<hbm>>
    %dma_wait3A_36 = tpu.memref_slice %arg6[%add3A_11] : memref<6400000xi32, #tpu.memory_space<hbm>> -> memref<10000xi32, #tpu.memory_space<hbm>>
    tpu.wait_dma2 semaphore(%arg25 : memref<!tpu.dma_semaphore, #tpu.memory_space<semaphore_mem>>) src(%dma_wait3A_36 : memref<10000xi32, #tpu.memory_space<hbm>>) dst(%arg15 : memref<10000xi32, #tpu.memory_space<vmem>>)
    %dma_start3A_37 = arith.constant 0 : i32
    %dma_start3A_38 = tpu.memref_slice %arg9[%dma_start3A_37] : memref<100096xf32, #tpu.memory_space<vmem_shared>> -> memref<100096xf32, #tpu.memory_space<vmem_shared>>
    tpu.enqueue_indirect_dma source(%dma_start3A_38 : memref<100096xf32, #tpu.memory_space<vmem_shared>>) target(%arg18 : memref<10000xf32, #tpu.memory_space<vmem>>) offsets(%arg12 : memref<10000xi32, #tpu.memory_space<vmem>>) semaphore(%arg28 : memref<!tpu.dma_semaphore, #tpu.memory_space<semaphore_mem>>)
    %dma_wait3A_39 = arith.constant 0 : i32
    %dma_wait3A_40 = tpu.memref_slice %arg9[%dma_wait3A_39] : memref<100096xf32, #tpu.memory_space<vmem_shared>> -> memref<100096xf32, #tpu.memory_space<vmem_shared>>
    tpu.wait_indirect_dma semaphore(%arg28 : memref<!tpu.dma_semaphore, #tpu.memory_space<semaphore_mem>>) src(%dma_wait3A_40 : memref<100096xf32, #tpu.memory_space<vmem_shared>>) dst(%arg18 : memref<10000xf32, #tpu.memory_space<vmem>>)
    %dma_start3A_41 = arith.constant 0 : i32
    %dma_start3A_42 = tpu.memref_slice %arg10[%dma_start3A_41] : memref<100096xf32, #tpu.memory_space<vmem_shared>> -> memref<100096xf32, #tpu.memory_space<vmem_shared>>
    tpu.enqueue_indirect_dma source(%arg18 : memref<10000xf32, #tpu.memory_space<vmem>>) target(%dma_start3A_42 : memref<100096xf32, #tpu.memory_space<vmem_shared>>) offsets(%arg15 : memref<10000xi32, #tpu.memory_space<vmem>>) semaphore(%arg31 : memref<!tpu.dma_semaphore, #tpu.memory_space<semaphore_mem>>) {add = true}
    %dma_start3A_43 = arith.constant 0 : i32
    %dma_start3A_44 = tpu.memref_slice %arg36[%dma_start3A_43] : memref<100096xf32, #tpu.memory_space<vmem_shared>> -> memref<100096xf32, #tpu.memory_space<vmem_shared>>
    tpu.enqueue_indirect_dma source(%arg37 : memref<10000xf32, #tpu.memory_space<vmem>>) target(%dma_start3A_44 : memref<100096xf32, #tpu.memory_space<vmem_shared>>) offsets(%arg15 : memref<10000xi32, #tpu.memory_space<vmem>>) semaphore(%arg34 : memref<!tpu.dma_semaphore, #tpu.memory_space<semaphore_mem>>) {add = true}
    %dma_wait3A_45 = arith.constant 0 : i32
    %dma_wait3A_46 = tpu.memref_slice %arg10[%dma_wait3A_45] : memref<100096xf32, #tpu.memory_space<vmem_shared>> -> memref<100096xf32, #tpu.memory_space<vmem_shared>>
    tpu.wait_indirect_dma semaphore(%arg30 : memref<!tpu.dma_semaphore, #tpu.memory_space<semaphore_mem>>) src(%arg17 : memref<10000xf32, #tpu.memory_space<vmem>>) dst(%dma_wait3A_46 : memref<100096xf32, #tpu.memory_space<vmem_shared>>)
    %dma_wait3A_47 = arith.constant 0 : i32
    %dma_wait3A_48 = tpu.memref_slice %arg36[%dma_wait3A_47] : memref<100096xf32, #tpu.memory_space<vmem_shared>> -> memref<100096xf32, #tpu.memory_space<vmem_shared>>
    tpu.wait_indirect_dma semaphore(%arg33 : memref<!tpu.dma_semaphore, #tpu.memory_space<semaphore_mem>>) src(%arg37 : memref<10000xf32, #tpu.memory_space<vmem>>) dst(%dma_wait3A_48 : memref<100096xf32, #tpu.memory_space<vmem_shared>>)
    %add3A_49 = arith.constant 30000 : i32
    %add3A_50 = arith.addi %mul3A_4, %add3A_49 : i32
    %dma_start3A_51 = tpu.memref_slice %arg5[%add3A_50] : memref<6400000xi32, #tpu.memory_space<hbm>> -> memref<10000xi32, #tpu.memory_space<hbm>>
    %dma_start3A_52 = tpu.memref_slice %arg5[%add3A_50] : memref<6400000xi32, #tpu.memory_space<hbm>> -> memref<10000xi32, #tpu.memory_space<hbm>>
    tpu.enqueue_dma source(%dma_start3A_52 : memref<10000xi32, #tpu.memory_space<hbm>>) target(%arg11 : memref<10000xi32, #tpu.memory_space<vmem>>) target_semaphore(%arg21 : memref<!tpu.dma_semaphore, #tpu.memory_space<semaphore_mem>>)
    %dma_start3A_53 = tpu.memref_slice %arg6[%add3A_50] : memref<6400000xi32, #tpu.memory_space<hbm>> -> memref<10000xi32, #tpu.memory_space<hbm>>
    %dma_start3A_54 = tpu.memref_slice %arg6[%add3A_50] : memref<6400000xi32, #tpu.memory_space<hbm>> -> memref<10000xi32, #tpu.memory_space<hbm>>
    tpu.enqueue_dma source(%dma_start3A_54 : memref<10000xi32, #tpu.memory_space<hbm>>) target(%arg14 : memref<10000xi32, #tpu.memory_space<vmem>>) target_semaphore(%arg24 : memref<!tpu.dma_semaphore, #tpu.memory_space<semaphore_mem>>)
    %dma_wait3A_55 = tpu.memref_slice %arg5[%add3A_28] : memref<6400000xi32, #tpu.memory_space<hbm>> -> memref<10000xi32, #tpu.memory_space<hbm>>
    %dma_wait3A_56 = tpu.memref_slice %arg5[%add3A_28] : memref<6400000xi32, #tpu.memory_space<hbm>> -> memref<10000xi32, #tpu.memory_space<hbm>>
    tpu.wait_dma2 semaphore(%arg23 : memref<!tpu.dma_semaphore, #tpu.memory_space<semaphore_mem>>) src(%dma_wait3A_56 : memref<10000xi32, #tpu.memory_space<hbm>>) dst(%arg13 : memref<10000xi32, #tpu.memory_space<vmem>>)
    %dma_wait3A_57 = tpu.memref_slice %arg6[%add3A_28] : memref<6400000xi32, #tpu.memory_space<hbm>> -> memref<10000xi32, #tpu.memory_space<hbm>>
    %dma_wait3A_58 = tpu.memref_slice %arg6[%add3A_28] : memref<6400000xi32, #tpu.memory_space<hbm>> -> memref<10000xi32, #tpu.memory_space<hbm>>
    tpu.wait_dma2 semaphore(%arg26 : memref<!tpu.dma_semaphore, #tpu.memory_space<semaphore_mem>>) src(%dma_wait3A_58 : memref<10000xi32, #tpu.memory_space<hbm>>) dst(%arg16 : memref<10000xi32, #tpu.memory_space<vmem>>)
    %dma_start3A_59 = arith.constant 0 : i32
    %dma_start3A_60 = tpu.memref_slice %arg9[%dma_start3A_59] : memref<100096xf32, #tpu.memory_space<vmem_shared>> -> memref<100096xf32, #tpu.memory_space<vmem_shared>>
    tpu.enqueue_indirect_dma source(%dma_start3A_60 : memref<100096xf32, #tpu.memory_space<vmem_shared>>) target(%arg19 : memref<10000xf32, #tpu.memory_space<vmem>>) offsets(%arg13 : memref<10000xi32, #tpu.memory_space<vmem>>) semaphore(%arg29 : memref<!tpu.dma_semaphore, #tpu.memory_space<semaphore_mem>>)
    %dma_wait3A_61 = arith.constant 0 : i32
    %dma_wait3A_62 = tpu.memref_slice %arg9[%dma_wait3A_61] : memref<100096xf32, #tpu.memory_space<vmem_shared>> -> memref<100096xf32, #tpu.memory_space<vmem_shared>>
    tpu.wait_indirect_dma semaphore(%arg29 : memref<!tpu.dma_semaphore, #tpu.memory_space<semaphore_mem>>) src(%dma_wait3A_62 : memref<100096xf32, #tpu.memory_space<vmem_shared>>) dst(%arg19 : memref<10000xf32, #tpu.memory_space<vmem>>)
    %dma_start3A_63 = arith.constant 0 : i32
    %dma_start3A_64 = tpu.memref_slice %arg10[%dma_start3A_63] : memref<100096xf32, #tpu.memory_space<vmem_shared>> -> memref<100096xf32, #tpu.memory_space<vmem_shared>>
    tpu.enqueue_indirect_dma source(%arg19 : memref<10000xf32, #tpu.memory_space<vmem>>) target(%dma_start3A_64 : memref<100096xf32, #tpu.memory_space<vmem_shared>>) offsets(%arg16 : memref<10000xi32, #tpu.memory_space<vmem>>) semaphore(%arg32 : memref<!tpu.dma_semaphore, #tpu.memory_space<semaphore_mem>>) {add = true}
    %dma_start3A_65 = arith.constant 0 : i32
    %dma_start3A_66 = tpu.memref_slice %arg36[%dma_start3A_65] : memref<100096xf32, #tpu.memory_space<vmem_shared>> -> memref<100096xf32, #tpu.memory_space<vmem_shared>>
    tpu.enqueue_indirect_dma source(%arg37 : memref<10000xf32, #tpu.memory_space<vmem>>) target(%dma_start3A_66 : memref<100096xf32, #tpu.memory_space<vmem_shared>>) offsets(%arg16 : memref<10000xi32, #tpu.memory_space<vmem>>) semaphore(%arg35 : memref<!tpu.dma_semaphore, #tpu.memory_space<semaphore_mem>>) {add = true}
    %dma_wait3A_67 = arith.constant 0 : i32
    %dma_wait3A_68 = tpu.memref_slice %arg10[%dma_wait3A_67] : memref<100096xf32, #tpu.memory_space<vmem_shared>> -> memref<100096xf32, #tpu.memory_space<vmem_shared>>
    tpu.wait_indirect_dma semaphore(%arg31 : memref<!tpu.dma_semaphore, #tpu.memory_space<semaphore_mem>>) src(%arg18 : memref<10000xf32, #tpu.memory_space<vmem>>) dst(%dma_wait3A_68 : memref<100096xf32, #tpu.memory_space<vmem_shared>>)
    %dma_wait3A_69 = arith.constant 0 : i32
    %dma_wait3A_70 = tpu.memref_slice %arg36[%dma_wait3A_69] : memref<100096xf32, #tpu.memory_space<vmem_shared>> -> memref<100096xf32, #tpu.memory_space<vmem_shared>>
    tpu.wait_indirect_dma semaphore(%arg34 : memref<!tpu.dma_semaphore, #tpu.memory_space<semaphore_mem>>) src(%arg37 : memref<10000xf32, #tpu.memory_space<vmem>>) dst(%dma_wait3A_70 : memref<100096xf32, #tpu.memory_space<vmem_shared>>)
    %add3A_71 = arith.constant 40000 : i32
    %add3A_72 = arith.addi %mul3A_4, %add3A_71 : i32
    %dma_start3A_73 = tpu.memref_slice %arg5[%add3A_72] : memref<6400000xi32, #tpu.memory_space<hbm>> -> memref<10000xi32, #tpu.memory_space<hbm>>
    %dma_start3A_74 = tpu.memref_slice %arg5[%add3A_72] : memref<6400000xi32, #tpu.memory_space<hbm>> -> memref<10000xi32, #tpu.memory_space<hbm>>
    tpu.enqueue_dma source(%dma_start3A_74 : memref<10000xi32, #tpu.memory_space<hbm>>) target(%arg12 : memref<10000xi32, #tpu.memory_space<vmem>>) target_semaphore(%arg22 : memref<!tpu.dma_semaphore, #tpu.memory_space<semaphore_mem>>)
    %dma_start3A_75 = tpu.memref_slice %arg6[%add3A_72] : memref<6400000xi32, #tpu.memory_space<hbm>> -> memref<10000xi32, #tpu.memory_space<hbm>>
    %dma_start3A_76 = tpu.memref_slice %arg6[%add3A_72] : memref<6400000xi32, #tpu.memory_space<hbm>> -> memref<10000xi32, #tpu.memory_space<hbm>>
    tpu.enqueue_dma source(%dma_start3A_76 : memref<10000xi32, #tpu.memory_space<hbm>>) target(%arg15 : memref<10000xi32, #tpu.memory_space<vmem>>) target_semaphore(%arg25 : memref<!tpu.dma_semaphore, #tpu.memory_space<semaphore_mem>>)
    %dma_wait3A_77 = tpu.memref_slice %arg5[%add3A_50] : memref<6400000xi32, #tpu.memory_space<hbm>> -> memref<10000xi32, #tpu.memory_space<hbm>>
    %dma_wait3A_78 = tpu.memref_slice %arg5[%add3A_50] : memref<6400000xi32, #tpu.memory_space<hbm>> -> memref<10000xi32, #tpu.memory_space<hbm>>
    tpu.wait_dma2 semaphore(%arg21 : memref<!tpu.dma_semaphore, #tpu.memory_space<semaphore_mem>>) src(%dma_wait3A_78 : memref<10000xi32, #tpu.memory_space<hbm>>) dst(%arg11 : memref<10000xi32, #tpu.memory_space<vmem>>)
    %dma_wait3A_79 = tpu.memref_slice %arg6[%add3A_50] : memref<6400000xi32, #tpu.memory_space<hbm>> -> memref<10000xi32, #tpu.memory_space<hbm>>
    %dma_wait3A_80 = tpu.memref_slice %arg6[%add3A_50] : memref<6400000xi32, #tpu.memory_space<hbm>> -> memref<10000xi32, #tpu.memory_space<hbm>>
    tpu.wait_dma2 semaphore(%arg24 : memref<!tpu.dma_semaphore, #tpu.memory_space<semaphore_mem>>) src(%dma_wait3A_80 : memref<10000xi32, #tpu.memory_space<hbm>>) dst(%arg14 : memref<10000xi32, #tpu.memory_space<vmem>>)
    %dma_start3A_81 = arith.constant 0 : i32
    %dma_start3A_82 = tpu.memref_slice %arg9[%dma_start3A_81] : memref<100096xf32, #tpu.memory_space<vmem_shared>> -> memref<100096xf32, #tpu.memory_space<vmem_shared>>
    tpu.enqueue_indirect_dma source(%dma_start3A_82 : memref<100096xf32, #tpu.memory_space<vmem_shared>>) target(%arg17 : memref<10000xf32, #tpu.memory_space<vmem>>) offsets(%arg11 : memref<10000xi32, #tpu.memory_space<vmem>>) semaphore(%arg27 : memref<!tpu.dma_semaphore, #tpu.memory_space<semaphore_mem>>)
    %dma_wait3A_83 = arith.constant 0 : i32
    %dma_wait3A_84 = tpu.memref_slice %arg9[%dma_wait3A_83] : memref<100096xf32, #tpu.memory_space<vmem_shared>> -> memref<100096xf32, #tpu.memory_space<vmem_shared>>
    tpu.wait_indirect_dma semaphore(%arg27 : memref<!tpu.dma_semaphore, #tpu.memory_space<semaphore_mem>>) src(%dma_wait3A_84 : memref<100096xf32, #tpu.memory_space<vmem_shared>>) dst(%arg17 : memref<10000xf32, #tpu.memory_space<vmem>>)
    %dma_start3A_85 = arith.constant 0 : i32
    %dma_start3A_86 = tpu.memref_slice %arg10[%dma_start3A_85] : memref<100096xf32, #tpu.memory_space<vmem_shared>> -> memref<100096xf32, #tpu.memory_space<vmem_shared>>
    tpu.enqueue_indirect_dma source(%arg17 : memref<10000xf32, #tpu.memory_space<vmem>>) target(%dma_start3A_86 : memref<100096xf32, #tpu.memory_space<vmem_shared>>) offsets(%arg14 : memref<10000xi32, #tpu.memory_space<vmem>>) semaphore(%arg30 : memref<!tpu.dma_semaphore, #tpu.memory_space<semaphore_mem>>) {add = true}
    %dma_start3A_87 = arith.constant 0 : i32
    %dma_start3A_88 = tpu.memref_slice %arg36[%dma_start3A_87] : memref<100096xf32, #tpu.memory_space<vmem_shared>> -> memref<100096xf32, #tpu.memory_space<vmem_shared>>
    tpu.enqueue_indirect_dma source(%arg37 : memref<10000xf32, #tpu.memory_space<vmem>>) target(%dma_start3A_88 : memref<100096xf32, #tpu.memory_space<vmem_shared>>) offsets(%arg14 : memref<10000xi32, #tpu.memory_space<vmem>>) semaphore(%arg33 : memref<!tpu.dma_semaphore, #tpu.memory_space<semaphore_mem>>) {add = true}
    %dma_wait3A_89 = arith.constant 0 : i32
    %dma_wait3A_90 = tpu.memref_slice %arg10[%dma_wait3A_89] : memref<100096xf32, #tpu.memory_space<vmem_shared>> -> memref<100096xf32, #tpu.memory_space<vmem_shared>>
    tpu.wait_indirect_dma semaphore(%arg32 : memref<!tpu.dma_semaphore, #tpu.memory_space<semaphore_mem>>) src(%arg19 : memref<10000xf32, #tpu.memory_space<vmem>>) dst(%dma_wait3A_90 : memref<100096xf32, #tpu.memory_space<vmem_shared>>)
    %dma_wait3A_91 = arith.constant 0 : i32
    %dma_wait3A_92 = tpu.memref_slice %arg36[%dma_wait3A_91] : memref<100096xf32, #tpu.memory_space<vmem_shared>> -> memref<100096xf32, #tpu.memory_space<vmem_shared>>
    tpu.wait_indirect_dma semaphore(%arg35 : memref<!tpu.dma_semaphore, #tpu.memory_space<semaphore_mem>>) src(%arg37 : memref<10000xf32, #tpu.memory_space<vmem>>) dst(%dma_wait3A_92 : memref<100096xf32, #tpu.memory_space<vmem_shared>>)
    %add3A_93 = arith.constant 50000 : i32
    %add3A_94 = arith.addi %mul3A_4, %add3A_93 : i32
    %dma_start3A_95 = tpu.memref_slice %arg5[%add3A_94] : memref<6400000xi32, #tpu.memory_space<hbm>> -> memref<10000xi32, #tpu.memory_space<hbm>>
    %dma_start3A_96 = tpu.memref_slice %arg5[%add3A_94] : memref<6400000xi32, #tpu.memory_space<hbm>> -> memref<10000xi32, #tpu.memory_space<hbm>>
    tpu.enqueue_dma source(%dma_start3A_96 : memref<10000xi32, #tpu.memory_space<hbm>>) target(%arg13 : memref<10000xi32, #tpu.memory_space<vmem>>) target_semaphore(%arg23 : memref<!tpu.dma_semaphore, #tpu.memory_space<semaphore_mem>>)
    %dma_start3A_97 = tpu.memref_slice %arg6[%add3A_94] : memref<6400000xi32, #tpu.memory_space<hbm>> -> memref<10000xi32, #tpu.memory_space<hbm>>
    %dma_start3A_98 = tpu.memref_slice %arg6[%add3A_94] : memref<6400000xi32, #tpu.memory_space<hbm>> -> memref<10000xi32, #tpu.memory_space<hbm>>
    tpu.enqueue_dma source(%dma_start3A_98 : memref<10000xi32, #tpu.memory_space<hbm>>) target(%arg16 : memref<10000xi32, #tpu.memory_space<vmem>>) target_semaphore(%arg26 : memref<!tpu.dma_semaphore, #tpu.memory_space<semaphore_mem>>)
    %dma_wait3A_99 = tpu.memref_slice %arg5[%add3A_72] : memref<6400000xi32, #tpu.memory_space<hbm>> -> memref<10000xi32, #tpu.memory_space<hbm>>
    %dma_wait3A_100 = tpu.memref_slice %arg5[%add3A_72] : memref<6400000xi32, #tpu.memory_space<hbm>> -> memref<10000xi32, #tpu.memory_space<hbm>>
    tpu.wait_dma2 semaphore(%arg22 : memref<!tpu.dma_semaphore, #tpu.memory_space<semaphore_mem>>) src(%dma_wait3A_100 : memref<10000xi32, #tpu.memory_space<hbm>>) dst(%arg12 : memref<10000xi32, #tpu.memory_space<vmem>>)
    %dma_wait3A_101 = tpu.memref_slice %arg6[%add3A_72] : memref<6400000xi32, #tpu.memory_space<hbm>> -> memref<10000xi32, #tpu.memory_space<hbm>>
    %dma_wait3A_102 = tpu.memref_slice %arg6[%add3A_72] : memref<6400000xi32, #tpu.memory_space<hbm>> -> memref<10000xi32, #tpu.memory_space<hbm>>
    tpu.wait_dma2 semaphore(%arg25 : memref<!tpu.dma_semaphore, #tpu.memory_space<semaphore_mem>>) src(%dma_wait3A_102 : memref<10000xi32, #tpu.memory_space<hbm>>) dst(%arg15 : memref<10000xi32, #tpu.memory_space<vmem>>)
    %dma_start3A_103 = arith.constant 0 : i32
    %dma_start3A_104 = tpu.memref_slice %arg9[%dma_start3A_103] : memref<100096xf32, #tpu.memory_space<vmem_shared>> -> memref<100096xf32, #tpu.memory_space<vmem_shared>>
    tpu.enqueue_indirect_dma source(%dma_start3A_104 : memref<100096xf32, #tpu.memory_space<vmem_shared>>) target(%arg18 : memref<10000xf32, #tpu.memory_space<vmem>>) offsets(%arg12 : memref<10000xi32, #tpu.memory_space<vmem>>) semaphore(%arg28 : memref<!tpu.dma_semaphore, #tpu.memory_space<semaphore_mem>>)
    %dma_wait3A_105 = arith.constant 0 : i32
    %dma_wait3A_106 = tpu.memref_slice %arg9[%dma_wait3A_105] : memref<100096xf32, #tpu.memory_space<vmem_shared>> -> memref<100096xf32, #tpu.memory_space<vmem_shared>>
    tpu.wait_indirect_dma semaphore(%arg28 : memref<!tpu.dma_semaphore, #tpu.memory_space<semaphore_mem>>) src(%dma_wait3A_106 : memref<100096xf32, #tpu.memory_space<vmem_shared>>) dst(%arg18 : memref<10000xf32, #tpu.memory_space<vmem>>)
    %dma_start3A_107 = arith.constant 0 : i32
    %dma_start3A_108 = tpu.memref_slice %arg10[%dma_start3A_107] : memref<100096xf32, #tpu.memory_space<vmem_shared>> -> memref<100096xf32, #tpu.memory_space<vmem_shared>>
    tpu.enqueue_indirect_dma source(%arg18 : memref<10000xf32, #tpu.memory_space<vmem>>) target(%dma_start3A_108 : memref<100096xf32, #tpu.memory_space<vmem_shared>>) offsets(%arg15 : memref<10000xi32, #tpu.memory_space<vmem>>) semaphore(%arg31 : memref<!tpu.dma_semaphore, #tpu.memory_space<semaphore_mem>>) {add = true}
    %dma_start3A_109 = arith.constant 0 : i32
    %dma_start3A_110 = tpu.memref_slice %arg36[%dma_start3A_109] : memref<100096xf32, #tpu.memory_space<vmem_shared>> -> memref<100096xf32, #tpu.memory_space<vmem_shared>>
    tpu.enqueue_indirect_dma source(%arg37 : memref<10000xf32, #tpu.memory_space<vmem>>) target(%dma_start3A_110 : memref<100096xf32, #tpu.memory_space<vmem_shared>>) offsets(%arg15 : memref<10000xi32, #tpu.memory_space<vmem>>) semaphore(%arg34 : memref<!tpu.dma_semaphore, #tpu.memory_space<semaphore_mem>>) {add = true}
    %dma_wait3A_111 = arith.constant 0 : i32
    %dma_wait3A_112 = tpu.memref_slice %arg10[%dma_wait3A_111] : memref<100096xf32, #tpu.memory_space<vmem_shared>> -> memref<100096xf32, #tpu.memory_space<vmem_shared>>
    tpu.wait_indirect_dma semaphore(%arg30 : memref<!tpu.dma_semaphore, #tpu.memory_space<semaphore_mem>>) src(%arg17 : memref<10000xf32, #tpu.memory_space<vmem>>) dst(%dma_wait3A_112 : memref<100096xf32, #tpu.memory_space<vmem_shared>>)
    %dma_wait3A_113 = arith.constant 0 : i32
    %dma_wait3A_114 = tpu.memref_slice %arg36[%dma_wait3A_113] : memref<100096xf32, #tpu.memory_space<vmem_shared>> -> memref<100096xf32, #tpu.memory_space<vmem_shared>>
    tpu.wait_indirect_dma semaphore(%arg33 : memref<!tpu.dma_semaphore, #tpu.memory_space<semaphore_mem>>) src(%arg37 : memref<10000xf32, #tpu.memory_space<vmem>>) dst(%dma_wait3A_114 : memref<100096xf32, #tpu.memory_space<vmem_shared>>)
    %add3A_115 = arith.constant 60000 : i32
    %add3A_116 = arith.addi %mul3A_4, %add3A_115 : i32
    %dma_start3A_117 = tpu.memref_slice %arg5[%add3A_116] : memref<6400000xi32, #tpu.memory_space<hbm>> -> memref<10000xi32, #tpu.memory_space<hbm>>
    %dma_start3A_118 = tpu.memref_slice %arg5[%add3A_116] : memref<6400000xi32, #tpu.memory_space<hbm>> -> memref<10000xi32, #tpu.memory_space<hbm>>
    tpu.enqueue_dma source(%dma_start3A_118 : memref<10000xi32, #tpu.memory_space<hbm>>) target(%arg11 : memref<10000xi32, #tpu.memory_space<vmem>>) target_semaphore(%arg21 : memref<!tpu.dma_semaphore, #tpu.memory_space<semaphore_mem>>)
    %dma_start3A_119 = tpu.memref_slice %arg6[%add3A_116] : memref<6400000xi32, #tpu.memory_space<hbm>> -> memref<10000xi32, #tpu.memory_space<hbm>>
    %dma_start3A_120 = tpu.memref_slice %arg6[%add3A_116] : memref<6400000xi32, #tpu.memory_space<hbm>> -> memref<10000xi32, #tpu.memory_space<hbm>>
    tpu.enqueue_dma source(%dma_start3A_120 : memref<10000xi32, #tpu.memory_space<hbm>>) target(%arg14 : memref<10000xi32, #tpu.memory_space<vmem>>) target_semaphore(%arg24 : memref<!tpu.dma_semaphore, #tpu.memory_space<semaphore_mem>>)
    %dma_wait3A_121 = tpu.memref_slice %arg5[%add3A_94] : memref<6400000xi32, #tpu.memory_space<hbm>> -> memref<10000xi32, #tpu.memory_space<hbm>>
    %dma_wait3A_122 = tpu.memref_slice %arg5[%add3A_94] : memref<6400000xi32, #tpu.memory_space<hbm>> -> memref<10000xi32, #tpu.memory_space<hbm>>
    tpu.wait_dma2 semaphore(%arg23 : memref<!tpu.dma_semaphore, #tpu.memory_space<semaphore_mem>>) src(%dma_wait3A_122 : memref<10000xi32, #tpu.memory_space<hbm>>) dst(%arg13 : memref<10000xi32, #tpu.memory_space<vmem>>)
    %dma_wait3A_123 = tpu.memref_slice %arg6[%add3A_94] : memref<6400000xi32, #tpu.memory_space<hbm>> -> memref<10000xi32, #tpu.memory_space<hbm>>
    %dma_wait3A_124 = tpu.memref_slice %arg6[%add3A_94] : memref<6400000xi32, #tpu.memory_space<hbm>> -> memref<10000xi32, #tpu.memory_space<hbm>>
    tpu.wait_dma2 semaphore(%arg26 : memref<!tpu.dma_semaphore, #tpu.memory_space<semaphore_mem>>) src(%dma_wait3A_124 : memref<10000xi32, #tpu.memory_space<hbm>>) dst(%arg16 : memref<10000xi32, #tpu.memory_space<vmem>>)
    %dma_start3A_125 = arith.constant 0 : i32
    %dma_start3A_126 = tpu.memref_slice %arg9[%dma_start3A_125] : memref<100096xf32, #tpu.memory_space<vmem_shared>> -> memref<100096xf32, #tpu.memory_space<vmem_shared>>
    tpu.enqueue_indirect_dma source(%dma_start3A_126 : memref<100096xf32, #tpu.memory_space<vmem_shared>>) target(%arg19 : memref<10000xf32, #tpu.memory_space<vmem>>) offsets(%arg13 : memref<10000xi32, #tpu.memory_space<vmem>>) semaphore(%arg29 : memref<!tpu.dma_semaphore, #tpu.memory_space<semaphore_mem>>)
    %dma_wait3A_127 = arith.constant 0 : i32
    %dma_wait3A_128 = tpu.memref_slice %arg9[%dma_wait3A_127] : memref<100096xf32, #tpu.memory_space<vmem_shared>> -> memref<100096xf32, #tpu.memory_space<vmem_shared>>
    tpu.wait_indirect_dma semaphore(%arg29 : memref<!tpu.dma_semaphore, #tpu.memory_space<semaphore_mem>>) src(%dma_wait3A_128 : memref<100096xf32, #tpu.memory_space<vmem_shared>>) dst(%arg19 : memref<10000xf32, #tpu.memory_space<vmem>>)
    %dma_start3A_129 = arith.constant 0 : i32
    %dma_start3A_130 = tpu.memref_slice %arg10[%dma_start3A_129] : memref<100096xf32, #tpu.memory_space<vmem_shared>> -> memref<100096xf32, #tpu.memory_space<vmem_shared>>
    tpu.enqueue_indirect_dma source(%arg19 : memref<10000xf32, #tpu.memory_space<vmem>>) target(%dma_start3A_130 : memref<100096xf32, #tpu.memory_space<vmem_shared>>) offsets(%arg16 : memref<10000xi32, #tpu.memory_space<vmem>>) semaphore(%arg32 : memref<!tpu.dma_semaphore, #tpu.memory_space<semaphore_mem>>) {add = true}
    %dma_start3A_131 = arith.constant 0 : i32
    %dma_start3A_132 = tpu.memref_slice %arg36[%dma_start3A_131] : memref<100096xf32, #tpu.memory_space<vmem_shared>> -> memref<100096xf32, #tpu.memory_space<vmem_shared>>
    tpu.enqueue_indirect_dma source(%arg37 : memref<10000xf32, #tpu.memory_space<vmem>>) target(%dma_start3A_132 : memref<100096xf32, #tpu.memory_space<vmem_shared>>) offsets(%arg16 : memref<10000xi32, #tpu.memory_space<vmem>>) semaphore(%arg35 : memref<!tpu.dma_semaphore, #tpu.memory_space<semaphore_mem>>) {add = true}
    %dma_wait3A_133 = arith.constant 0 : i32
    %dma_wait3A_134 = tpu.memref_slice %arg10[%dma_wait3A_133] : memref<100096xf32, #tpu.memory_space<vmem_shared>> -> memref<100096xf32, #tpu.memory_space<vmem_shared>>
    tpu.wait_indirect_dma semaphore(%arg31 : memref<!tpu.dma_semaphore, #tpu.memory_space<semaphore_mem>>) src(%arg18 : memref<10000xf32, #tpu.memory_space<vmem>>) dst(%dma_wait3A_134 : memref<100096xf32, #tpu.memory_space<vmem_shared>>)
    %dma_wait3A_135 = arith.constant 0 : i32
    %dma_wait3A_136 = tpu.memref_slice %arg36[%dma_wait3A_135] : memref<100096xf32, #tpu.memory_space<vmem_shared>> -> memref<100096xf32, #tpu.memory_space<vmem_shared>>
    tpu.wait_indirect_dma semaphore(%arg34 : memref<!tpu.dma_semaphore, #tpu.memory_space<semaphore_mem>>) src(%arg37 : memref<10000xf32, #tpu.memory_space<vmem>>) dst(%dma_wait3A_136 : memref<100096xf32, #tpu.memory_space<vmem_shared>>)
    %add3A_137 = arith.constant 70000 : i32
    %add3A_138 = arith.addi %mul3A_4, %add3A_137 : i32
    %dma_start3A_139 = tpu.memref_slice %arg5[%add3A_138] : memref<6400000xi32, #tpu.memory_space<hbm>> -> memref<10000xi32, #tpu.memory_space<hbm>>
    %dma_start3A_140 = tpu.memref_slice %arg5[%add3A_138] : memref<6400000xi32, #tpu.memory_space<hbm>> -> memref<10000xi32, #tpu.memory_space<hbm>>
    tpu.enqueue_dma source(%dma_start3A_140 : memref<10000xi32, #tpu.memory_space<hbm>>) target(%arg12 : memref<10000xi32, #tpu.memory_space<vmem>>) target_semaphore(%arg22 : memref<!tpu.dma_semaphore, #tpu.memory_space<semaphore_mem>>)
    %dma_start3A_141 = tpu.memref_slice %arg6[%add3A_138] : memref<6400000xi32, #tpu.memory_space<hbm>> -> memref<10000xi32, #tpu.memory_space<hbm>>
    %dma_start3A_142 = tpu.memref_slice %arg6[%add3A_138] : memref<6400000xi32, #tpu.memory_space<hbm>> -> memref<10000xi32, #tpu.memory_space<hbm>>
    tpu.enqueue_dma source(%dma_start3A_142 : memref<10000xi32, #tpu.memory_space<hbm>>) target(%arg15 : memref<10000xi32, #tpu.memory_space<vmem>>) target_semaphore(%arg25 : memref<!tpu.dma_semaphore, #tpu.memory_space<semaphore_mem>>)
    %dma_wait3A_143 = tpu.memref_slice %arg5[%add3A_116] : memref<6400000xi32, #tpu.memory_space<hbm>> -> memref<10000xi32, #tpu.memory_space<hbm>>
    %dma_wait3A_144 = tpu.memref_slice %arg5[%add3A_116] : memref<6400000xi32, #tpu.memory_space<hbm>> -> memref<10000xi32, #tpu.memory_space<hbm>>
    tpu.wait_dma2 semaphore(%arg21 : memref<!tpu.dma_semaphore, #tpu.memory_space<semaphore_mem>>) src(%dma_wait3A_144 : memref<10000xi32, #tpu.memory_space<hbm>>) dst(%arg11 : memref<10000xi32, #tpu.memory_space<vmem>>)
    %dma_wait3A_145 = tpu.memref_slice %arg6[%add3A_116] : memref<6400000xi32, #tpu.memory_space<hbm>> -> memref<10000xi32, #tpu.memory_space<hbm>>
    %dma_wait3A_146 = tpu.memref_slice %arg6[%add3A_116] : memref<6400000xi32, #tpu.memory_space<hbm>> -> memref<10000xi32, #tpu.memory_space<hbm>>
    tpu.wait_dma2 semaphore(%arg24 : memref<!tpu.dma_semaphore, #tpu.memory_space<semaphore_mem>>) src(%dma_wait3A_146 : memref<10000xi32, #tpu.memory_space<hbm>>) dst(%arg14 : memref<10000xi32, #tpu.memory_space<vmem>>)
    %dma_start3A_147 = arith.constant 0 : i32
    %dma_start3A_148 = tpu.memref_slice %arg9[%dma_start3A_147] : memref<100096xf32, #tpu.memory_space<vmem_shared>> -> memref<100096xf32, #tpu.memory_space<vmem_shared>>
    tpu.enqueue_indirect_dma source(%dma_start3A_148 : memref<100096xf32, #tpu.memory_space<vmem_shared>>) target(%arg17 : memref<10000xf32, #tpu.memory_space<vmem>>) offsets(%arg11 : memref<10000xi32, #tpu.memory_space<vmem>>) semaphore(%arg27 : memref<!tpu.dma_semaphore, #tpu.memory_space<semaphore_mem>>)
    %dma_wait3A_149 = arith.constant 0 : i32
    %dma_wait3A_150 = tpu.memref_slice %arg9[%dma_wait3A_149] : memref<100096xf32, #tpu.memory_space<vmem_shared>> -> memref<100096xf32, #tpu.memory_space<vmem_shared>>
    tpu.wait_indirect_dma semaphore(%arg27 : memref<!tpu.dma_semaphore, #tpu.memory_space<semaphore_mem>>) src(%dma_wait3A_150 : memref<100096xf32, #tpu.memory_space<vmem_shared>>) dst(%arg17 : memref<10000xf32, #tpu.memory_space<vmem>>)
    %dma_start3A_151 = arith.constant 0 : i32
    %dma_start3A_152 = tpu.memref_slice %arg10[%dma_start3A_151] : memref<100096xf32, #tpu.memory_space<vmem_shared>> -> memref<100096xf32, #tpu.memory_space<vmem_shared>>
    tpu.enqueue_indirect_dma source(%arg17 : memref<10000xf32, #tpu.memory_space<vmem>>) target(%dma_start3A_152 : memref<100096xf32, #tpu.memory_space<vmem_shared>>) offsets(%arg14 : memref<10000xi32, #tpu.memory_space<vmem>>) semaphore(%arg30 : memref<!tpu.dma_semaphore, #tpu.memory_space<semaphore_mem>>) {add = true}
    %dma_start3A_153 = arith.constant 0 : i32
    %dma_start3A_154 = tpu.memref_slice %arg36[%dma_start3A_153] : memref<100096xf32, #tpu.memory_space<vmem_shared>> -> memref<100096xf32, #tpu.memory_space<vmem_shared>>
    tpu.enqueue_indirect_dma source(%arg37 : memref<10000xf32, #tpu.memory_space<vmem>>) target(%dma_start3A_154 : memref<100096xf32, #tpu.memory_space<vmem_shared>>) offsets(%arg14 : memref<10000xi32, #tpu.memory_space<vmem>>) semaphore(%arg33 : memref<!tpu.dma_semaphore, #tpu.memory_space<semaphore_mem>>) {add = true}
    %dma_wait3A_155 = arith.constant 0 : i32
    %dma_wait3A_156 = tpu.memref_slice %arg10[%dma_wait3A_155] : memref<100096xf32, #tpu.memory_space<vmem_shared>> -> memref<100096xf32, #tpu.memory_space<vmem_shared>>
    tpu.wait_indirect_dma semaphore(%arg32 : memref<!tpu.dma_semaphore, #tpu.memory_space<semaphore_mem>>) src(%arg19 : memref<10000xf32, #tpu.memory_space<vmem>>) dst(%dma_wait3A_156 : memref<100096xf32, #tpu.memory_space<vmem_shared>>)
    %dma_wait3A_157 = arith.constant 0 : i32
    %dma_wait3A_158 = tpu.memref_slice %arg36[%dma_wait3A_157] : memref<100096xf32, #tpu.memory_space<vmem_shared>> -> memref<100096xf32, #tpu.memory_space<vmem_shared>>
    tpu.wait_indirect_dma semaphore(%arg35 : memref<!tpu.dma_semaphore, #tpu.memory_space<semaphore_mem>>) src(%arg37 : memref<10000xf32, #tpu.memory_space<vmem>>) dst(%dma_wait3A_158 : memref<100096xf32, #tpu.memory_space<vmem_shared>>)
    %add3A_159 = arith.constant 80000 : i32
    %add3A_160 = arith.addi %mul3A_4, %add3A_159 : i32
    %dma_start3A_161 = tpu.memref_slice %arg5[%add3A_160] : memref<6400000xi32, #tpu.memory_space<hbm>> -> memref<10000xi32, #tpu.memory_space<hbm>>
    %dma_start3A_162 = tpu.memref_slice %arg5[%add3A_160] : memref<6400000xi32, #tpu.memory_space<hbm>> -> memref<10000xi32, #tpu.memory_space<hbm>>
    tpu.enqueue_dma source(%dma_start3A_162 : memref<10000xi32, #tpu.memory_space<hbm>>) target(%arg13 : memref<10000xi32, #tpu.memory_space<vmem>>) target_semaphore(%arg23 : memref<!tpu.dma_semaphore, #tpu.memory_space<semaphore_mem>>)
    %dma_start3A_163 = tpu.memref_slice %arg6[%add3A_160] : memref<6400000xi32, #tpu.memory_space<hbm>> -> memref<10000xi32, #tpu.memory_space<hbm>>
    %dma_start3A_164 = tpu.memref_slice %arg6[%add3A_160] : memref<6400000xi32, #tpu.memory_space<hbm>> -> memref<10000xi32, #tpu.memory_space<hbm>>
    tpu.enqueue_dma source(%dma_start3A_164 : memref<10000xi32, #tpu.memory_space<hbm>>) target(%arg16 : memref<10000xi32, #tpu.memory_space<vmem>>) target_semaphore(%arg26 : memref<!tpu.dma_semaphore, #tpu.memory_space<semaphore_mem>>)
    %dma_wait3A_165 = tpu.memref_slice %arg5[%add3A_138] : memref<6400000xi32, #tpu.memory_space<hbm>> -> memref<10000xi32, #tpu.memory_space<hbm>>
    %dma_wait3A_166 = tpu.memref_slice %arg5[%add3A_138] : memref<6400000xi32, #tpu.memory_space<hbm>> -> memref<10000xi32, #tpu.memory_space<hbm>>
    tpu.wait_dma2 semaphore(%arg22 : memref<!tpu.dma_semaphore, #tpu.memory_space<semaphore_mem>>) src(%dma_wait3A_166 : memref<10000xi32, #tpu.memory_space<hbm>>) dst(%arg12 : memref<10000xi32, #tpu.memory_space<vmem>>)
    %dma_wait3A_167 = tpu.memref_slice %arg6[%add3A_138] : memref<6400000xi32, #tpu.memory_space<hbm>> -> memref<10000xi32, #tpu.memory_space<hbm>>
    %dma_wait3A_168 = tpu.memref_slice %arg6[%add3A_138] : memref<6400000xi32, #tpu.memory_space<hbm>> -> memref<10000xi32, #tpu.memory_space<hbm>>
    tpu.wait_dma2 semaphore(%arg25 : memref<!tpu.dma_semaphore, #tpu.memory_space<semaphore_mem>>) src(%dma_wait3A_168 : memref<10000xi32, #tpu.memory_space<hbm>>) dst(%arg15 : memref<10000xi32, #tpu.memory_space<vmem>>)
    %dma_start3A_169 = arith.constant 0 : i32
    %dma_start3A_170 = tpu.memref_slice %arg9[%dma_start3A_169] : memref<100096xf32, #tpu.memory_space<vmem_shared>> -> memref<100096xf32, #tpu.memory_space<vmem_shared>>
    tpu.enqueue_indirect_dma source(%dma_start3A_170 : memref<100096xf32, #tpu.memory_space<vmem_shared>>) target(%arg18 : memref<10000xf32, #tpu.memory_space<vmem>>) offsets(%arg12 : memref<10000xi32, #tpu.memory_space<vmem>>) semaphore(%arg28 : memref<!tpu.dma_semaphore, #tpu.memory_space<semaphore_mem>>)
    %dma_wait3A_171 = arith.constant 0 : i32
    %dma_wait3A_172 = tpu.memref_slice %arg9[%dma_wait3A_171] : memref<100096xf32, #tpu.memory_space<vmem_shared>> -> memref<100096xf32, #tpu.memory_space<vmem_shared>>
    tpu.wait_indirect_dma semaphore(%arg28 : memref<!tpu.dma_semaphore, #tpu.memory_space<semaphore_mem>>) src(%dma_wait3A_172 : memref<100096xf32, #tpu.memory_space<vmem_shared>>) dst(%arg18 : memref<10000xf32, #tpu.memory_space<vmem>>)
    %dma_start3A_173 = arith.constant 0 : i32
    %dma_start3A_174 = tpu.memref_slice %arg10[%dma_start3A_173] : memref<100096xf32, #tpu.memory_space<vmem_shared>> -> memref<100096xf32, #tpu.memory_space<vmem_shared>>
    tpu.enqueue_indirect_dma source(%arg18 : memref<10000xf32, #tpu.memory_space<vmem>>) target(%dma_start3A_174 : memref<100096xf32, #tpu.memory_space<vmem_shared>>) offsets(%arg15 : memref<10000xi32, #tpu.memory_space<vmem>>) semaphore(%arg31 : memref<!tpu.dma_semaphore, #tpu.memory_space<semaphore_mem>>) {add = true}
    %dma_start3A_175 = arith.constant 0 : i32
    %dma_start3A_176 = tpu.memref_slice %arg36[%dma_start3A_175] : memref<100096xf32, #tpu.memory_space<vmem_shared>> -> memref<100096xf32, #tpu.memory_space<vmem_shared>>
    tpu.enqueue_indirect_dma source(%arg37 : memref<10000xf32, #tpu.memory_space<vmem>>) target(%dma_start3A_176 : memref<100096xf32, #tpu.memory_space<vmem_shared>>) offsets(%arg15 : memref<10000xi32, #tpu.memory_space<vmem>>) semaphore(%arg34 : memref<!tpu.dma_semaphore, #tpu.memory_space<semaphore_mem>>) {add = true}
    %dma_wait3A_177 = arith.constant 0 : i32
    %dma_wait3A_178 = tpu.memref_slice %arg10[%dma_wait3A_177] : memref<100096xf32, #tpu.memory_space<vmem_shared>> -> memref<100096xf32, #tpu.memory_space<vmem_shared>>
    tpu.wait_indirect_dma semaphore(%arg30 : memref<!tpu.dma_semaphore, #tpu.memory_space<semaphore_mem>>) src(%arg17 : memref<10000xf32, #tpu.memory_space<vmem>>) dst(%dma_wait3A_178 : memref<100096xf32, #tpu.memory_space<vmem_shared>>)
    %dma_wait3A_179 = arith.constant 0 : i32
    %dma_wait3A_180 = tpu.memref_slice %arg36[%dma_wait3A_179] : memref<100096xf32, #tpu.memory_space<vmem_shared>> -> memref<100096xf32, #tpu.memory_space<vmem_shared>>
    tpu.wait_indirect_dma semaphore(%arg33 : memref<!tpu.dma_semaphore, #tpu.memory_space<semaphore_mem>>) src(%arg37 : memref<10000xf32, #tpu.memory_space<vmem>>) dst(%dma_wait3A_180 : memref<100096xf32, #tpu.memory_space<vmem_shared>>)
    %add3A_181 = arith.constant 90000 : i32
    %add3A_182 = arith.addi %mul3A_4, %add3A_181 : i32
    %dma_start3A_183 = tpu.memref_slice %arg5[%add3A_182] : memref<6400000xi32, #tpu.memory_space<hbm>> -> memref<10000xi32, #tpu.memory_space<hbm>>
    %dma_start3A_184 = tpu.memref_slice %arg5[%add3A_182] : memref<6400000xi32, #tpu.memory_space<hbm>> -> memref<10000xi32, #tpu.memory_space<hbm>>
    tpu.enqueue_dma source(%dma_start3A_184 : memref<10000xi32, #tpu.memory_space<hbm>>) target(%arg11 : memref<10000xi32, #tpu.memory_space<vmem>>) target_semaphore(%arg21 : memref<!tpu.dma_semaphore, #tpu.memory_space<semaphore_mem>>)
    %dma_start3A_185 = tpu.memref_slice %arg6[%add3A_182] : memref<6400000xi32, #tpu.memory_space<hbm>> -> memref<10000xi32, #tpu.memory_space<hbm>>
    %dma_start3A_186 = tpu.memref_slice %arg6[%add3A_182] : memref<6400000xi32, #tpu.memory_space<hbm>> -> memref<10000xi32, #tpu.memory_space<hbm>>
    tpu.enqueue_dma source(%dma_start3A_186 : memref<10000xi32, #tpu.memory_space<hbm>>) target(%arg14 : memref<10000xi32, #tpu.memory_space<vmem>>) target_semaphore(%arg24 : memref<!tpu.dma_semaphore, #tpu.memory_space<semaphore_mem>>)
    %dma_wait3A_187 = tpu.memref_slice %arg5[%add3A_160] : memref<6400000xi32, #tpu.memory_space<hbm>> -> memref<10000xi32, #tpu.memory_space<hbm>>
    %dma_wait3A_188 = tpu.memref_slice %arg5[%add3A_160] : memref<6400000xi32, #tpu.memory_space<hbm>> -> memref<10000xi32, #tpu.memory_space<hbm>>
    tpu.wait_dma2 semaphore(%arg23 : memref<!tpu.dma_semaphore, #tpu.memory_space<semaphore_mem>>) src(%dma_wait3A_188 : memref<10000xi32, #tpu.memory_space<hbm>>) dst(%arg13 : memref<10000xi32, #tpu.memory_space<vmem>>)
    %dma_wait3A_189 = tpu.memref_slice %arg6[%add3A_160] : memref<6400000xi32, #tpu.memory_space<hbm>> -> memref<10000xi32, #tpu.memory_space<hbm>>
    %dma_wait3A_190 = tpu.memref_slice %arg6[%add3A_160] : memref<6400000xi32, #tpu.memory_space<hbm>> -> memref<10000xi32, #tpu.memory_space<hbm>>
    tpu.wait_dma2 semaphore(%arg26 : memref<!tpu.dma_semaphore, #tpu.memory_space<semaphore_mem>>) src(%dma_wait3A_190 : memref<10000xi32, #tpu.memory_space<hbm>>) dst(%arg16 : memref<10000xi32, #tpu.memory_space<vmem>>)
    %dma_start3A_191 = arith.constant 0 : i32
    %dma_start3A_192 = tpu.memref_slice %arg9[%dma_start3A_191] : memref<100096xf32, #tpu.memory_space<vmem_shared>> -> memref<100096xf32, #tpu.memory_space<vmem_shared>>
    tpu.enqueue_indirect_dma source(%dma_start3A_192 : memref<100096xf32, #tpu.memory_space<vmem_shared>>) target(%arg19 : memref<10000xf32, #tpu.memory_space<vmem>>) offsets(%arg13 : memref<10000xi32, #tpu.memory_space<vmem>>) semaphore(%arg29 : memref<!tpu.dma_semaphore, #tpu.memory_space<semaphore_mem>>)
    %dma_wait3A_193 = arith.constant 0 : i32
    %dma_wait3A_194 = tpu.memref_slice %arg9[%dma_wait3A_193] : memref<100096xf32, #tpu.memory_space<vmem_shared>> -> memref<100096xf32, #tpu.memory_space<vmem_shared>>
    tpu.wait_indirect_dma semaphore(%arg29 : memref<!tpu.dma_semaphore, #tpu.memory_space<semaphore_mem>>) src(%dma_wait3A_194 : memref<100096xf32, #tpu.memory_space<vmem_shared>>) dst(%arg19 : memref<10000xf32, #tpu.memory_space<vmem>>)
    %dma_start3A_195 = arith.constant 0 : i32
    %dma_start3A_196 = tpu.memref_slice %arg10[%dma_start3A_195] : memref<100096xf32, #tpu.memory_space<vmem_shared>> -> memref<100096xf32, #tpu.memory_space<vmem_shared>>
    tpu.enqueue_indirect_dma source(%arg19 : memref<10000xf32, #tpu.memory_space<vmem>>) target(%dma_start3A_196 : memref<100096xf32, #tpu.memory_space<vmem_shared>>) offsets(%arg16 : memref<10000xi32, #tpu.memory_space<vmem>>) semaphore(%arg32 : memref<!tpu.dma_semaphore, #tpu.memory_space<semaphore_mem>>) {add = true}
    %dma_start3A_197 = arith.constant 0 : i32
    %dma_start3A_198 = tpu.memref_slice %arg36[%dma_start3A_197] : memref<100096xf32, #tpu.memory_space<vmem_shared>> -> memref<100096xf32, #tpu.memory_space<vmem_shared>>
    tpu.enqueue_indirect_dma source(%arg37 : memref<10000xf32, #tpu.memory_space<vmem>>) target(%dma_start3A_198 : memref<100096xf32, #tpu.memory_space<vmem_shared>>) offsets(%arg16 : memref<10000xi32, #tpu.memory_space<vmem>>) semaphore(%arg35 : memref<!tpu.dma_semaphore, #tpu.memory_space<semaphore_mem>>) {add = true}
    %dma_wait3A_199 = arith.constant 0 : i32
    %dma_wait3A_200 = tpu.memref_slice %arg10[%dma_wait3A_199] : memref<100096xf32, #tpu.memory_space<vmem_shared>> -> memref<100096xf32, #tpu.memory_space<vmem_shared>>
    tpu.wait_indirect_dma semaphore(%arg31 : memref<!tpu.dma_semaphore, #tpu.memory_space<semaphore_mem>>) src(%arg18 : memref<10000xf32, #tpu.memory_space<vmem>>) dst(%dma_wait3A_200 : memref<100096xf32, #tpu.memory_space<vmem_shared>>)
    %dma_wait3A_201 = arith.constant 0 : i32
    %dma_wait3A_202 = tpu.memref_slice %arg36[%dma_wait3A_201] : memref<100096xf32, #tpu.memory_space<vmem_shared>> -> memref<100096xf32, #tpu.memory_space<vmem_shared>>
    tpu.wait_indirect_dma semaphore(%arg34 : memref<!tpu.dma_semaphore, #tpu.memory_space<semaphore_mem>>) src(%arg37 : memref<10000xf32, #tpu.memory_space<vmem>>) dst(%dma_wait3A_202 : memref<100096xf32, #tpu.memory_space<vmem_shared>>)
    %add3A_203 = arith.constant 100000 : i32
    %add3A_204 = arith.addi %mul3A_4, %add3A_203 : i32
    %dma_start3A_205 = tpu.memref_slice %arg5[%add3A_204] : memref<6400000xi32, #tpu.memory_space<hbm>> -> memref<10000xi32, #tpu.memory_space<hbm>>
    %dma_start3A_206 = tpu.memref_slice %arg5[%add3A_204] : memref<6400000xi32, #tpu.memory_space<hbm>> -> memref<10000xi32, #tpu.memory_space<hbm>>
    tpu.enqueue_dma source(%dma_start3A_206 : memref<10000xi32, #tpu.memory_space<hbm>>) target(%arg12 : memref<10000xi32, #tpu.memory_space<vmem>>) target_semaphore(%arg22 : memref<!tpu.dma_semaphore, #tpu.memory_space<semaphore_mem>>)
    %dma_start3A_207 = tpu.memref_slice %arg6[%add3A_204] : memref<6400000xi32, #tpu.memory_space<hbm>> -> memref<10000xi32, #tpu.memory_space<hbm>>
    %dma_start3A_208 = tpu.memref_slice %arg6[%add3A_204] : memref<6400000xi32, #tpu.memory_space<hbm>> -> memref<10000xi32, #tpu.memory_space<hbm>>
    tpu.enqueue_dma source(%dma_start3A_208 : memref<10000xi32, #tpu.memory_space<hbm>>) target(%arg15 : memref<10000xi32, #tpu.memory_space<vmem>>) target_semaphore(%arg25 : memref<!tpu.dma_semaphore, #tpu.memory_space<semaphore_mem>>)
    %dma_wait3A_209 = tpu.memref_slice %arg5[%add3A_182] : memref<6400000xi32, #tpu.memory_space<hbm>> -> memref<10000xi32, #tpu.memory_space<hbm>>
    %dma_wait3A_210 = tpu.memref_slice %arg5[%add3A_182] : memref<6400000xi32, #tpu.memory_space<hbm>> -> memref<10000xi32, #tpu.memory_space<hbm>>
    tpu.wait_dma2 semaphore(%arg21 : memref<!tpu.dma_semaphore, #tpu.memory_space<semaphore_mem>>) src(%dma_wait3A_210 : memref<10000xi32, #tpu.memory_space<hbm>>) dst(%arg11 : memref<10000xi32, #tpu.memory_space<vmem>>)
    %dma_wait3A_211 = tpu.memref_slice %arg6[%add3A_182] : memref<6400000xi32, #tpu.memory_space<hbm>> -> memref<10000xi32, #tpu.memory_space<hbm>>
    %dma_wait3A_212 = tpu.memref_slice %arg6[%add3A_182] : memref<6400000xi32, #tpu.memory_space<hbm>> -> memref<10000xi32, #tpu.memory_space<hbm>>
    tpu.wait_dma2 semaphore(%arg24 : memref<!tpu.dma_semaphore, #tpu.memory_space<semaphore_mem>>) src(%dma_wait3A_212 : memref<10000xi32, #tpu.memory_space<hbm>>) dst(%arg14 : memref<10000xi32, #tpu.memory_space<vmem>>)
    %dma_start3A_213 = arith.constant 0 : i32
    %dma_start3A_214 = tpu.memref_slice %arg9[%dma_start3A_213] : memref<100096xf32, #tpu.memory_space<vmem_shared>> -> memref<100096xf32, #tpu.memory_space<vmem_shared>>
    tpu.enqueue_indirect_dma source(%dma_start3A_214 : memref<100096xf32, #tpu.memory_space<vmem_shared>>) target(%arg17 : memref<10000xf32, #tpu.memory_space<vmem>>) offsets(%arg11 : memref<10000xi32, #tpu.memory_space<vmem>>) semaphore(%arg27 : memref<!tpu.dma_semaphore, #tpu.memory_space<semaphore_mem>>)
    %dma_wait3A_215 = arith.constant 0 : i32
    %dma_wait3A_216 = tpu.memref_slice %arg9[%dma_wait3A_215] : memref<100096xf32, #tpu.memory_space<vmem_shared>> -> memref<100096xf32, #tpu.memory_space<vmem_shared>>
    tpu.wait_indirect_dma semaphore(%arg27 : memref<!tpu.dma_semaphore, #tpu.memory_space<semaphore_mem>>) src(%dma_wait3A_216 : memref<100096xf32, #tpu.memory_space<vmem_shared>>) dst(%arg17 : memref<10000xf32, #tpu.memory_space<vmem>>)
    %dma_start3A_217 = arith.constant 0 : i32
    %dma_start3A_218 = tpu.memref_slice %arg10[%dma_start3A_217] : memref<100096xf32, #tpu.memory_space<vmem_shared>> -> memref<100096xf32, #tpu.memory_space<vmem_shared>>
    tpu.enqueue_indirect_dma source(%arg17 : memref<10000xf32, #tpu.memory_space<vmem>>) target(%dma_start3A_218 : memref<100096xf32, #tpu.memory_space<vmem_shared>>) offsets(%arg14 : memref<10000xi32, #tpu.memory_space<vmem>>) semaphore(%arg30 : memref<!tpu.dma_semaphore, #tpu.memory_space<semaphore_mem>>) {add = true}
    %dma_start3A_219 = arith.constant 0 : i32
    %dma_start3A_220 = tpu.memref_slice %arg36[%dma_start3A_219] : memref<100096xf32, #tpu.memory_space<vmem_shared>> -> memref<100096xf32, #tpu.memory_space<vmem_shared>>
    tpu.enqueue_indirect_dma source(%arg37 : memref<10000xf32, #tpu.memory_space<vmem>>) target(%dma_start3A_220 : memref<100096xf32, #tpu.memory_space<vmem_shared>>) offsets(%arg14 : memref<10000xi32, #tpu.memory_space<vmem>>) semaphore(%arg33 : memref<!tpu.dma_semaphore, #tpu.memory_space<semaphore_mem>>) {add = true}
    %dma_wait3A_221 = arith.constant 0 : i32
    %dma_wait3A_222 = tpu.memref_slice %arg10[%dma_wait3A_221] : memref<100096xf32, #tpu.memory_space<vmem_shared>> -> memref<100096xf32, #tpu.memory_space<vmem_shared>>
    tpu.wait_indirect_dma semaphore(%arg32 : memref<!tpu.dma_semaphore, #tpu.memory_space<semaphore_mem>>) src(%arg19 : memref<10000xf32, #tpu.memory_space<vmem>>) dst(%dma_wait3A_222 : memref<100096xf32, #tpu.memory_space<vmem_shared>>)
    %dma_wait3A_223 = arith.constant 0 : i32
    %dma_wait3A_224 = tpu.memref_slice %arg36[%dma_wait3A_223] : memref<100096xf32, #tpu.memory_space<vmem_shared>> -> memref<100096xf32, #tpu.memory_space<vmem_shared>>
    tpu.wait_indirect_dma semaphore(%arg35 : memref<!tpu.dma_semaphore, #tpu.memory_space<semaphore_mem>>) src(%arg37 : memref<10000xf32, #tpu.memory_space<vmem>>) dst(%dma_wait3A_224 : memref<100096xf32, #tpu.memory_space<vmem_shared>>)
    %add3A_225 = arith.constant 110000 : i32
    %add3A_226 = arith.addi %mul3A_4, %add3A_225 : i32
    %dma_start3A_227 = tpu.memref_slice %arg5[%add3A_226] : memref<6400000xi32, #tpu.memory_space<hbm>> -> memref<10000xi32, #tpu.memory_space<hbm>>
    %dma_start3A_228 = tpu.memref_slice %arg5[%add3A_226] : memref<6400000xi32, #tpu.memory_space<hbm>> -> memref<10000xi32, #tpu.memory_space<hbm>>
    tpu.enqueue_dma source(%dma_start3A_228 : memref<10000xi32, #tpu.memory_space<hbm>>) target(%arg13 : memref<10000xi32, #tpu.memory_space<vmem>>) target_semaphore(%arg23 : memref<!tpu.dma_semaphore, #tpu.memory_space<semaphore_mem>>)
    %dma_start3A_229 = tpu.memref_slice %arg6[%add3A_226] : memref<6400000xi32, #tpu.memory_space<hbm>> -> memref<10000xi32, #tpu.memory_space<hbm>>
    %dma_start3A_230 = tpu.memref_slice %arg6[%add3A_226] : memref<6400000xi32, #tpu.memory_space<hbm>> -> memref<10000xi32, #tpu.memory_space<hbm>>
    tpu.enqueue_dma source(%dma_start3A_230 : memref<10000xi32, #tpu.memory_space<hbm>>) target(%arg16 : memref<10000xi32, #tpu.memory_space<vmem>>) target_semaphore(%arg26 : memref<!tpu.dma_semaphore, #tpu.memory_space<semaphore_mem>>)
    %dma_wait3A_231 = tpu.memref_slice %arg5[%add3A_204] : memref<6400000xi32, #tpu.memory_space<hbm>> -> memref<10000xi32, #tpu.memory_space<hbm>>
    %dma_wait3A_232 = tpu.memref_slice %arg5[%add3A_204] : memref<6400000xi32, #tpu.memory_space<hbm>> -> memref<10000xi32, #tpu.memory_space<hbm>>
    tpu.wait_dma2 semaphore(%arg22 : memref<!tpu.dma_semaphore, #tpu.memory_space<semaphore_mem>>) src(%dma_wait3A_232 : memref<10000xi32, #tpu.memory_space<hbm>>) dst(%arg12 : memref<10000xi32, #tpu.memory_space<vmem>>)
    %dma_wait3A_233 = tpu.memref_slice %arg6[%add3A_204] : memref<6400000xi32, #tpu.memory_space<hbm>> -> memref<10000xi32, #tpu.memory_space<hbm>>
    %dma_wait3A_234 = tpu.memref_slice %arg6[%add3A_204] : memref<6400000xi32, #tpu.memory_space<hbm>> -> memref<10000xi32, #tpu.memory_space<hbm>>
    tpu.wait_dma2 semaphore(%arg25 : memref<!tpu.dma_semaphore, #tpu.memory_space<semaphore_mem>>) src(%dma_wait3A_234 : memref<10000xi32, #tpu.memory_space<hbm>>) dst(%arg15 : memref<10000xi32, #tpu.memory_space<vmem>>)
    %dma_start3A_235 = arith.constant 0 : i32
    %dma_start3A_236 = tpu.memref_slice %arg9[%dma_start3A_235] : memref<100096xf32, #tpu.memory_space<vmem_shared>> -> memref<100096xf32, #tpu.memory_space<vmem_shared>>
    tpu.enqueue_indirect_dma source(%dma_start3A_236 : memref<100096xf32, #tpu.memory_space<vmem_shared>>) target(%arg18 : memref<10000xf32, #tpu.memory_space<vmem>>) offsets(%arg12 : memref<10000xi32, #tpu.memory_space<vmem>>) semaphore(%arg28 : memref<!tpu.dma_semaphore, #tpu.memory_space<semaphore_mem>>)
    %dma_wait3A_237 = arith.constant 0 : i32
    %dma_wait3A_238 = tpu.memref_slice %arg9[%dma_wait3A_237] : memref<100096xf32, #tpu.memory_space<vmem_shared>> -> memref<100096xf32, #tpu.memory_space<vmem_shared>>
    tpu.wait_indirect_dma semaphore(%arg28 : memref<!tpu.dma_semaphore, #tpu.memory_space<semaphore_mem>>) src(%dma_wait3A_238 : memref<100096xf32, #tpu.memory_space<vmem_shared>>) dst(%arg18 : memref<10000xf32, #tpu.memory_space<vmem>>)
    %dma_start3A_239 = arith.constant 0 : i32
    %dma_start3A_240 = tpu.memref_slice %arg10[%dma_start3A_239] : memref<100096xf32, #tpu.memory_space<vmem_shared>> -> memref<100096xf32, #tpu.memory_space<vmem_shared>>
    tpu.enqueue_indirect_dma source(%arg18 : memref<10000xf32, #tpu.memory_space<vmem>>) target(%dma_start3A_240 : memref<100096xf32, #tpu.memory_space<vmem_shared>>) offsets(%arg15 : memref<10000xi32, #tpu.memory_space<vmem>>) semaphore(%arg31 : memref<!tpu.dma_semaphore, #tpu.memory_space<semaphore_mem>>) {add = true}
    %dma_start3A_241 = arith.constant 0 : i32
    %dma_start3A_242 = tpu.memref_slice %arg36[%dma_start3A_241] : memref<100096xf32, #tpu.memory_space<vmem_shared>> -> memref<100096xf32, #tpu.memory_space<vmem_shared>>
    tpu.enqueue_indirect_dma source(%arg37 : memref<10000xf32, #tpu.memory_space<vmem>>) target(%dma_start3A_242 : memref<100096xf32, #tpu.memory_space<vmem_shared>>) offsets(%arg15 : memref<10000xi32, #tpu.memory_space<vmem>>) semaphore(%arg34 : memref<!tpu.dma_semaphore, #tpu.memory_space<semaphore_mem>>) {add = true}
    %dma_wait3A_243 = arith.constant 0 : i32
    %dma_wait3A_244 = tpu.memref_slice %arg10[%dma_wait3A_243] : memref<100096xf32, #tpu.memory_space<vmem_shared>> -> memref<100096xf32, #tpu.memory_space<vmem_shared>>
    tpu.wait_indirect_dma semaphore(%arg30 : memref<!tpu.dma_semaphore, #tpu.memory_space<semaphore_mem>>) src(%arg17 : memref<10000xf32, #tpu.memory_space<vmem>>) dst(%dma_wait3A_244 : memref<100096xf32, #tpu.memory_space<vmem_shared>>)
    %dma_wait3A_245 = arith.constant 0 : i32
    %dma_wait3A_246 = tpu.memref_slice %arg36[%dma_wait3A_245] : memref<100096xf32, #tpu.memory_space<vmem_shared>> -> memref<100096xf32, #tpu.memory_space<vmem_shared>>
    tpu.wait_indirect_dma semaphore(%arg33 : memref<!tpu.dma_semaphore, #tpu.memory_space<semaphore_mem>>) src(%arg37 : memref<10000xf32, #tpu.memory_space<vmem>>) dst(%dma_wait3A_246 : memref<100096xf32, #tpu.memory_space<vmem_shared>>)
    %add3A_247 = arith.constant 120000 : i32
    %add3A_248 = arith.addi %mul3A_4, %add3A_247 : i32
    %dma_start3A_249 = tpu.memref_slice %arg5[%add3A_248] : memref<6400000xi32, #tpu.memory_space<hbm>> -> memref<10000xi32, #tpu.memory_space<hbm>>
    %dma_start3A_250 = tpu.memref_slice %arg5[%add3A_248] : memref<6400000xi32, #tpu.memory_space<hbm>> -> memref<10000xi32, #tpu.memory_space<hbm>>
    tpu.enqueue_dma source(%dma_start3A_250 : memref<10000xi32, #tpu.memory_space<hbm>>) target(%arg11 : memref<10000xi32, #tpu.memory_space<vmem>>) target_semaphore(%arg21 : memref<!tpu.dma_semaphore, #tpu.memory_space<semaphore_mem>>)
    %dma_start3A_251 = tpu.memref_slice %arg6[%add3A_248] : memref<6400000xi32, #tpu.memory_space<hbm>> -> memref<10000xi32, #tpu.memory_space<hbm>>
    %dma_start3A_252 = tpu.memref_slice %arg6[%add3A_248] : memref<6400000xi32, #tpu.memory_space<hbm>> -> memref<10000xi32, #tpu.memory_space<hbm>>
    tpu.enqueue_dma source(%dma_start3A_252 : memref<10000xi32, #tpu.memory_space<hbm>>) target(%arg14 : memref<10000xi32, #tpu.memory_space<vmem>>) target_semaphore(%arg24 : memref<!tpu.dma_semaphore, #tpu.memory_space<semaphore_mem>>)
    %dma_wait3A_253 = tpu.memref_slice %arg5[%add3A_226] : memref<6400000xi32, #tpu.memory_space<hbm>> -> memref<10000xi32, #tpu.memory_space<hbm>>
    %dma_wait3A_254 = tpu.memref_slice %arg5[%add3A_226] : memref<6400000xi32, #tpu.memory_space<hbm>> -> memref<10000xi32, #tpu.memory_space<hbm>>
    tpu.wait_dma2 semaphore(%arg23 : memref<!tpu.dma_semaphore, #tpu.memory_space<semaphore_mem>>) src(%dma_wait3A_254 : memref<10000xi32, #tpu.memory_space<hbm>>) dst(%arg13 : memref<10000xi32, #tpu.memory_space<vmem>>)
    %dma_wait3A_255 = tpu.memref_slice %arg6[%add3A_226] : memref<6400000xi32, #tpu.memory_space<hbm>> -> memref<10000xi32, #tpu.memory_space<hbm>>
    %dma_wait3A_256 = tpu.memref_slice %arg6[%add3A_226] : memref<6400000xi32, #tpu.memory_space<hbm>> -> memref<10000xi32, #tpu.memory_space<hbm>>
    tpu.wait_dma2 semaphore(%arg26 : memref<!tpu.dma_semaphore, #tpu.memory_space<semaphore_mem>>) src(%dma_wait3A_256 : memref<10000xi32, #tpu.memory_space<hbm>>) dst(%arg16 : memref<10000xi32, #tpu.memory_space<vmem>>)
    %dma_start3A_257 = arith.constant 0 : i32
    %dma_start3A_258 = tpu.memref_slice %arg9[%dma_start3A_257] : memref<100096xf32, #tpu.memory_space<vmem_shared>> -> memref<100096xf32, #tpu.memory_space<vmem_shared>>
    tpu.enqueue_indirect_dma source(%dma_start3A_258 : memref<100096xf32, #tpu.memory_space<vmem_shared>>) target(%arg19 : memref<10000xf32, #tpu.memory_space<vmem>>) offsets(%arg13 : memref<10000xi32, #tpu.memory_space<vmem>>) semaphore(%arg29 : memref<!tpu.dma_semaphore, #tpu.memory_space<semaphore_mem>>)
    %dma_wait3A_259 = arith.constant 0 : i32
    %dma_wait3A_260 = tpu.memref_slice %arg9[%dma_wait3A_259] : memref<100096xf32, #tpu.memory_space<vmem_shared>> -> memref<100096xf32, #tpu.memory_space<vmem_shared>>
    tpu.wait_indirect_dma semaphore(%arg29 : memref<!tpu.dma_semaphore, #tpu.memory_space<semaphore_mem>>) src(%dma_wait3A_260 : memref<100096xf32, #tpu.memory_space<vmem_shared>>) dst(%arg19 : memref<10000xf32, #tpu.memory_space<vmem>>)
    %dma_start3A_261 = arith.constant 0 : i32
    %dma_start3A_262 = tpu.memref_slice %arg10[%dma_start3A_261] : memref<100096xf32, #tpu.memory_space<vmem_shared>> -> memref<100096xf32, #tpu.memory_space<vmem_shared>>
    tpu.enqueue_indirect_dma source(%arg19 : memref<10000xf32, #tpu.memory_space<vmem>>) target(%dma_start3A_262 : memref<100096xf32, #tpu.memory_space<vmem_shared>>) offsets(%arg16 : memref<10000xi32, #tpu.memory_space<vmem>>) semaphore(%arg32 : memref<!tpu.dma_semaphore, #tpu.memory_space<semaphore_mem>>) {add = true}
    %dma_start3A_263 = arith.constant 0 : i32
    %dma_start3A_264 = tpu.memref_slice %arg36[%dma_start3A_263] : memref<100096xf32, #tpu.memory_space<vmem_shared>> -> memref<100096xf32, #tpu.memory_space<vmem_shared>>
    tpu.enqueue_indirect_dma source(%arg37 : memref<10000xf32, #tpu.memory_space<vmem>>) target(%dma_start3A_264 : memref<100096xf32, #tpu.memory_space<vmem_shared>>) offsets(%arg16 : memref<10000xi32, #tpu.memory_space<vmem>>) semaphore(%arg35 : memref<!tpu.dma_semaphore, #tpu.memory_space<semaphore_mem>>) {add = true}
    %dma_wait3A_265 = arith.constant 0 : i32
    %dma_wait3A_266 = tpu.memref_slice %arg10[%dma_wait3A_265] : memref<100096xf32, #tpu.memory_space<vmem_shared>> -> memref<100096xf32, #tpu.memory_space<vmem_shared>>
    tpu.wait_indirect_dma semaphore(%arg31 : memref<!tpu.dma_semaphore, #tpu.memory_space<semaphore_mem>>) src(%arg18 : memref<10000xf32, #tpu.memory_space<vmem>>) dst(%dma_wait3A_266 : memref<100096xf32, #tpu.memory_space<vmem_shared>>)
    %dma_wait3A_267 = arith.constant 0 : i32
    %dma_wait3A_268 = tpu.memref_slice %arg36[%dma_wait3A_267] : memref<100096xf32, #tpu.memory_space<vmem_shared>> -> memref<100096xf32, #tpu.memory_space<vmem_shared>>
    tpu.wait_indirect_dma semaphore(%arg34 : memref<!tpu.dma_semaphore, #tpu.memory_space<semaphore_mem>>) src(%arg37 : memref<10000xf32, #tpu.memory_space<vmem>>) dst(%dma_wait3A_268 : memref<100096xf32, #tpu.memory_space<vmem_shared>>)
    %add3A_269 = arith.constant 130000 : i32
    %add3A_270 = arith.addi %mul3A_4, %add3A_269 : i32
    %dma_start3A_271 = tpu.memref_slice %arg5[%add3A_270] : memref<6400000xi32, #tpu.memory_space<hbm>> -> memref<10000xi32, #tpu.memory_space<hbm>>
    %dma_start3A_272 = tpu.memref_slice %arg5[%add3A_270] : memref<6400000xi32, #tpu.memory_space<hbm>> -> memref<10000xi32, #tpu.memory_space<hbm>>
    tpu.enqueue_dma source(%dma_start3A_272 : memref<10000xi32, #tpu.memory_space<hbm>>) target(%arg12 : memref<10000xi32, #tpu.memory_space<vmem>>) target_semaphore(%arg22 : memref<!tpu.dma_semaphore, #tpu.memory_space<semaphore_mem>>)
    %dma_start3A_273 = tpu.memref_slice %arg6[%add3A_270] : memref<6400000xi32, #tpu.memory_space<hbm>> -> memref<10000xi32, #tpu.memory_space<hbm>>
    %dma_start3A_274 = tpu.memref_slice %arg6[%add3A_270] : memref<6400000xi32, #tpu.memory_space<hbm>> -> memref<10000xi32, #tpu.memory_space<hbm>>
    tpu.enqueue_dma source(%dma_start3A_274 : memref<10000xi32, #tpu.memory_space<hbm>>) target(%arg15 : memref<10000xi32, #tpu.memory_space<vmem>>) target_semaphore(%arg25 : memref<!tpu.dma_semaphore, #tpu.memory_space<semaphore_mem>>)
    %dma_wait3A_275 = tpu.memref_slice %arg5[%add3A_248] : memref<6400000xi32, #tpu.memory_space<hbm>> -> memref<10000xi32, #tpu.memory_space<hbm>>
    %dma_wait3A_276 = tpu.memref_slice %arg5[%add3A_248] : memref<6400000xi32, #tpu.memory_space<hbm>> -> memref<10000xi32, #tpu.memory_space<hbm>>
    tpu.wait_dma2 semaphore(%arg21 : memref<!tpu.dma_semaphore, #tpu.memory_space<semaphore_mem>>) src(%dma_wait3A_276 : memref<10000xi32, #tpu.memory_space<hbm>>) dst(%arg11 : memref<10000xi32, #tpu.memory_space<vmem>>)
    %dma_wait3A_277 = tpu.memref_slice %arg6[%add3A_248] : memref<6400000xi32, #tpu.memory_space<hbm>> -> memref<10000xi32, #tpu.memory_space<hbm>>
    %dma_wait3A_278 = tpu.memref_slice %arg6[%add3A_248] : memref<6400000xi32, #tpu.memory_space<hbm>> -> memref<10000xi32, #tpu.memory_space<hbm>>
    tpu.wait_dma2 semaphore(%arg24 : memref<!tpu.dma_semaphore, #tpu.memory_space<semaphore_mem>>) src(%dma_wait3A_278 : memref<10000xi32, #tpu.memory_space<hbm>>) dst(%arg14 : memref<10000xi32, #tpu.memory_space<vmem>>)
    %dma_start3A_279 = arith.constant 0 : i32
    %dma_start3A_280 = tpu.memref_slice %arg9[%dma_start3A_279] : memref<100096xf32, #tpu.memory_space<vmem_shared>> -> memref<100096xf32, #tpu.memory_space<vmem_shared>>
    tpu.enqueue_indirect_dma source(%dma_start3A_280 : memref<100096xf32, #tpu.memory_space<vmem_shared>>) target(%arg17 : memref<10000xf32, #tpu.memory_space<vmem>>) offsets(%arg11 : memref<10000xi32, #tpu.memory_space<vmem>>) semaphore(%arg27 : memref<!tpu.dma_semaphore, #tpu.memory_space<semaphore_mem>>)
    %dma_wait3A_281 = arith.constant 0 : i32
    %dma_wait3A_282 = tpu.memref_slice %arg9[%dma_wait3A_281] : memref<100096xf32, #tpu.memory_space<vmem_shared>> -> memref<100096xf32, #tpu.memory_space<vmem_shared>>
    tpu.wait_indirect_dma semaphore(%arg27 : memref<!tpu.dma_semaphore, #tpu.memory_space<semaphore_mem>>) src(%dma_wait3A_282 : memref<100096xf32, #tpu.memory_space<vmem_shared>>) dst(%arg17 : memref<10000xf32, #tpu.memory_space<vmem>>)
    %dma_start3A_283 = arith.constant 0 : i32
    %dma_start3A_284 = tpu.memref_slice %arg10[%dma_start3A_283] : memref<100096xf32, #tpu.memory_space<vmem_shared>> -> memref<100096xf32, #tpu.memory_space<vmem_shared>>
    tpu.enqueue_indirect_dma source(%arg17 : memref<10000xf32, #tpu.memory_space<vmem>>) target(%dma_start3A_284 : memref<100096xf32, #tpu.memory_space<vmem_shared>>) offsets(%arg14 : memref<10000xi32, #tpu.memory_space<vmem>>) semaphore(%arg30 : memref<!tpu.dma_semaphore, #tpu.memory_space<semaphore_mem>>) {add = true}
    %dma_start3A_285 = arith.constant 0 : i32
    %dma_start3A_286 = tpu.memref_slice %arg36[%dma_start3A_285] : memref<100096xf32, #tpu.memory_space<vmem_shared>> -> memref<100096xf32, #tpu.memory_space<vmem_shared>>
    tpu.enqueue_indirect_dma source(%arg37 : memref<10000xf32, #tpu.memory_space<vmem>>) target(%dma_start3A_286 : memref<100096xf32, #tpu.memory_space<vmem_shared>>) offsets(%arg14 : memref<10000xi32, #tpu.memory_space<vmem>>) semaphore(%arg33 : memref<!tpu.dma_semaphore, #tpu.memory_space<semaphore_mem>>) {add = true}
    %dma_wait3A_287 = arith.constant 0 : i32
    %dma_wait3A_288 = tpu.memref_slice %arg10[%dma_wait3A_287] : memref<100096xf32, #tpu.memory_space<vmem_shared>> -> memref<100096xf32, #tpu.memory_space<vmem_shared>>
    tpu.wait_indirect_dma semaphore(%arg32 : memref<!tpu.dma_semaphore, #tpu.memory_space<semaphore_mem>>) src(%arg19 : memref<10000xf32, #tpu.memory_space<vmem>>) dst(%dma_wait3A_288 : memref<100096xf32, #tpu.memory_space<vmem_shared>>)
    %dma_wait3A_289 = arith.constant 0 : i32
    %dma_wait3A_290 = tpu.memref_slice %arg36[%dma_wait3A_289] : memref<100096xf32, #tpu.memory_space<vmem_shared>> -> memref<100096xf32, #tpu.memory_space<vmem_shared>>
    tpu.wait_indirect_dma semaphore(%arg35 : memref<!tpu.dma_semaphore, #tpu.memory_space<semaphore_mem>>) src(%arg37 : memref<10000xf32, #tpu.memory_space<vmem>>) dst(%dma_wait3A_290 : memref<100096xf32, #tpu.memory_space<vmem_shared>>)
    %add3A_291 = arith.constant 140000 : i32
    %add3A_292 = arith.addi %mul3A_4, %add3A_291 : i32
    %dma_start3A_293 = tpu.memref_slice %arg5[%add3A_292] : memref<6400000xi32, #tpu.memory_space<hbm>> -> memref<10000xi32, #tpu.memory_space<hbm>>
    %dma_start3A_294 = tpu.memref_slice %arg5[%add3A_292] : memref<6400000xi32, #tpu.memory_space<hbm>> -> memref<10000xi32, #tpu.memory_space<hbm>>
    tpu.enqueue_dma source(%dma_start3A_294 : memref<10000xi32, #tpu.memory_space<hbm>>) target(%arg13 : memref<10000xi32, #tpu.memory_space<vmem>>) target_semaphore(%arg23 : memref<!tpu.dma_semaphore, #tpu.memory_space<semaphore_mem>>)
    %dma_start3A_295 = tpu.memref_slice %arg6[%add3A_292] : memref<6400000xi32, #tpu.memory_space<hbm>> -> memref<10000xi32, #tpu.memory_space<hbm>>
    %dma_start3A_296 = tpu.memref_slice %arg6[%add3A_292] : memref<6400000xi32, #tpu.memory_space<hbm>> -> memref<10000xi32, #tpu.memory_space<hbm>>
    tpu.enqueue_dma source(%dma_start3A_296 : memref<10000xi32, #tpu.memory_space<hbm>>) target(%arg16 : memref<10000xi32, #tpu.memory_space<vmem>>) target_semaphore(%arg26 : memref<!tpu.dma_semaphore, #tpu.memory_space<semaphore_mem>>)
    %dma_wait3A_297 = tpu.memref_slice %arg5[%add3A_270] : memref<6400000xi32, #tpu.memory_space<hbm>> -> memref<10000xi32, #tpu.memory_space<hbm>>
    %dma_wait3A_298 = tpu.memref_slice %arg5[%add3A_270] : memref<6400000xi32, #tpu.memory_space<hbm>> -> memref<10000xi32, #tpu.memory_space<hbm>>
    tpu.wait_dma2 semaphore(%arg22 : memref<!tpu.dma_semaphore, #tpu.memory_space<semaphore_mem>>) src(%dma_wait3A_298 : memref<10000xi32, #tpu.memory_space<hbm>>) dst(%arg12 : memref<10000xi32, #tpu.memory_space<vmem>>)
    %dma_wait3A_299 = tpu.memref_slice %arg6[%add3A_270] : memref<6400000xi32, #tpu.memory_space<hbm>> -> memref<10000xi32, #tpu.memory_space<hbm>>
    %dma_wait3A_300 = tpu.memref_slice %arg6[%add3A_270] : memref<6400000xi32, #tpu.memory_space<hbm>> -> memref<10000xi32, #tpu.memory_space<hbm>>
    tpu.wait_dma2 semaphore(%arg25 : memref<!tpu.dma_semaphore, #tpu.memory_space<semaphore_mem>>) src(%dma_wait3A_300 : memref<10000xi32, #tpu.memory_space<hbm>>) dst(%arg15 : memref<10000xi32, #tpu.memory_space<vmem>>)
    %dma_start3A_301 = arith.constant 0 : i32
    %dma_start3A_302 = tpu.memref_slice %arg9[%dma_start3A_301] : memref<100096xf32, #tpu.memory_space<vmem_shared>> -> memref<100096xf32, #tpu.memory_space<vmem_shared>>
    tpu.enqueue_indirect_dma source(%dma_start3A_302 : memref<100096xf32, #tpu.memory_space<vmem_shared>>) target(%arg18 : memref<10000xf32, #tpu.memory_space<vmem>>) offsets(%arg12 : memref<10000xi32, #tpu.memory_space<vmem>>) semaphore(%arg28 : memref<!tpu.dma_semaphore, #tpu.memory_space<semaphore_mem>>)
    %dma_wait3A_303 = arith.constant 0 : i32
    %dma_wait3A_304 = tpu.memref_slice %arg9[%dma_wait3A_303] : memref<100096xf32, #tpu.memory_space<vmem_shared>> -> memref<100096xf32, #tpu.memory_space<vmem_shared>>
    tpu.wait_indirect_dma semaphore(%arg28 : memref<!tpu.dma_semaphore, #tpu.memory_space<semaphore_mem>>) src(%dma_wait3A_304 : memref<100096xf32, #tpu.memory_space<vmem_shared>>) dst(%arg18 : memref<10000xf32, #tpu.memory_space<vmem>>)
    %dma_start3A_305 = arith.constant 0 : i32
    %dma_start3A_306 = tpu.memref_slice %arg10[%dma_start3A_305] : memref<100096xf32, #tpu.memory_space<vmem_shared>> -> memref<100096xf32, #tpu.memory_space<vmem_shared>>
    tpu.enqueue_indirect_dma source(%arg18 : memref<10000xf32, #tpu.memory_space<vmem>>) target(%dma_start3A_306 : memref<100096xf32, #tpu.memory_space<vmem_shared>>) offsets(%arg15 : memref<10000xi32, #tpu.memory_space<vmem>>) semaphore(%arg31 : memref<!tpu.dma_semaphore, #tpu.memory_space<semaphore_mem>>) {add = true}
    %dma_start3A_307 = arith.constant 0 : i32
    %dma_start3A_308 = tpu.memref_slice %arg36[%dma_start3A_307] : memref<100096xf32, #tpu.memory_space<vmem_shared>> -> memref<100096xf32, #tpu.memory_space<vmem_shared>>
    tpu.enqueue_indirect_dma source(%arg37 : memref<10000xf32, #tpu.memory_space<vmem>>) target(%dma_start3A_308 : memref<100096xf32, #tpu.memory_space<vmem_shared>>) offsets(%arg15 : memref<10000xi32, #tpu.memory_space<vmem>>) semaphore(%arg34 : memref<!tpu.dma_semaphore, #tpu.memory_space<semaphore_mem>>) {add = true}
    %dma_wait3A_309 = arith.constant 0 : i32
    %dma_wait3A_310 = tpu.memref_slice %arg10[%dma_wait3A_309] : memref<100096xf32, #tpu.memory_space<vmem_shared>> -> memref<100096xf32, #tpu.memory_space<vmem_shared>>
    tpu.wait_indirect_dma semaphore(%arg30 : memref<!tpu.dma_semaphore, #tpu.memory_space<semaphore_mem>>) src(%arg17 : memref<10000xf32, #tpu.memory_space<vmem>>) dst(%dma_wait3A_310 : memref<100096xf32, #tpu.memory_space<vmem_shared>>)
    %dma_wait3A_311 = arith.constant 0 : i32
    %dma_wait3A_312 = tpu.memref_slice %arg36[%dma_wait3A_311] : memref<100096xf32, #tpu.memory_space<vmem_shared>> -> memref<100096xf32, #tpu.memory_space<vmem_shared>>
    tpu.wait_indirect_dma semaphore(%arg33 : memref<!tpu.dma_semaphore, #tpu.memory_space<semaphore_mem>>) src(%arg37 : memref<10000xf32, #tpu.memory_space<vmem>>) dst(%dma_wait3A_312 : memref<100096xf32, #tpu.memory_space<vmem_shared>>)
    %add3A_313 = arith.constant 150000 : i32
    %add3A_314 = arith.addi %mul3A_4, %add3A_313 : i32
    %dma_start3A_315 = tpu.memref_slice %arg5[%add3A_314] : memref<6400000xi32, #tpu.memory_space<hbm>> -> memref<10000xi32, #tpu.memory_space<hbm>>
    %dma_start3A_316 = tpu.memref_slice %arg5[%add3A_314] : memref<6400000xi32, #tpu.memory_space<hbm>> -> memref<10000xi32, #tpu.memory_space<hbm>>
    tpu.enqueue_dma source(%dma_start3A_316 : memref<10000xi32, #tpu.memory_space<hbm>>) target(%arg11 : memref<10000xi32, #tpu.memory_space<vmem>>) target_semaphore(%arg21 : memref<!tpu.dma_semaphore, #tpu.memory_space<semaphore_mem>>)
    %dma_start3A_317 = tpu.memref_slice %arg6[%add3A_314] : memref<6400000xi32, #tpu.memory_space<hbm>> -> memref<10000xi32, #tpu.memory_space<hbm>>
    %dma_start3A_318 = tpu.memref_slice %arg6[%add3A_314] : memref<6400000xi32, #tpu.memory_space<hbm>> -> memref<10000xi32, #tpu.memory_space<hbm>>
    tpu.enqueue_dma source(%dma_start3A_318 : memref<10000xi32, #tpu.memory_space<hbm>>) target(%arg14 : memref<10000xi32, #tpu.memory_space<vmem>>) target_semaphore(%arg24 : memref<!tpu.dma_semaphore, #tpu.memory_space<semaphore_mem>>)
    %dma_wait3A_319 = tpu.memref_slice %arg5[%add3A_292] : memref<6400000xi32, #tpu.memory_space<hbm>> -> memref<10000xi32, #tpu.memory_space<hbm>>
    %dma_wait3A_320 = tpu.memref_slice %arg5[%add3A_292] : memref<6400000xi32, #tpu.memory_space<hbm>> -> memref<10000xi32, #tpu.memory_space<hbm>>
    tpu.wait_dma2 semaphore(%arg23 : memref<!tpu.dma_semaphore, #tpu.memory_space<semaphore_mem>>) src(%dma_wait3A_320 : memref<10000xi32, #tpu.memory_space<hbm>>) dst(%arg13 : memref<10000xi32, #tpu.memory_space<vmem>>)
    %dma_wait3A_321 = tpu.memref_slice %arg6[%add3A_292] : memref<6400000xi32, #tpu.memory_space<hbm>> -> memref<10000xi32, #tpu.memory_space<hbm>>
    %dma_wait3A_322 = tpu.memref_slice %arg6[%add3A_292] : memref<6400000xi32, #tpu.memory_space<hbm>> -> memref<10000xi32, #tpu.memory_space<hbm>>
    tpu.wait_dma2 semaphore(%arg26 : memref<!tpu.dma_semaphore, #tpu.memory_space<semaphore_mem>>) src(%dma_wait3A_322 : memref<10000xi32, #tpu.memory_space<hbm>>) dst(%arg16 : memref<10000xi32, #tpu.memory_space<vmem>>)
    %dma_start3A_323 = arith.constant 0 : i32
    %dma_start3A_324 = tpu.memref_slice %arg9[%dma_start3A_323] : memref<100096xf32, #tpu.memory_space<vmem_shared>> -> memref<100096xf32, #tpu.memory_space<vmem_shared>>
    tpu.enqueue_indirect_dma source(%dma_start3A_324 : memref<100096xf32, #tpu.memory_space<vmem_shared>>) target(%arg19 : memref<10000xf32, #tpu.memory_space<vmem>>) offsets(%arg13 : memref<10000xi32, #tpu.memory_space<vmem>>) semaphore(%arg29 : memref<!tpu.dma_semaphore, #tpu.memory_space<semaphore_mem>>)
    %dma_wait3A_325 = arith.constant 0 : i32
    %dma_wait3A_326 = tpu.memref_slice %arg9[%dma_wait3A_325] : memref<100096xf32, #tpu.memory_space<vmem_shared>> -> memref<100096xf32, #tpu.memory_space<vmem_shared>>
    tpu.wait_indirect_dma semaphore(%arg29 : memref<!tpu.dma_semaphore, #tpu.memory_space<semaphore_mem>>) src(%dma_wait3A_326 : memref<100096xf32, #tpu.memory_space<vmem_shared>>) dst(%arg19 : memref<10000xf32, #tpu.memory_space<vmem>>)
    %dma_start3A_327 = arith.constant 0 : i32
    %dma_start3A_328 = tpu.memref_slice %arg10[%dma_start3A_327] : memref<100096xf32, #tpu.memory_space<vmem_shared>> -> memref<100096xf32, #tpu.memory_space<vmem_shared>>
    tpu.enqueue_indirect_dma source(%arg19 : memref<10000xf32, #tpu.memory_space<vmem>>) target(%dma_start3A_328 : memref<100096xf32, #tpu.memory_space<vmem_shared>>) offsets(%arg16 : memref<10000xi32, #tpu.memory_space<vmem>>) semaphore(%arg32 : memref<!tpu.dma_semaphore, #tpu.memory_space<semaphore_mem>>) {add = true}
    %dma_start3A_329 = arith.constant 0 : i32
    %dma_start3A_330 = tpu.memref_slice %arg36[%dma_start3A_329] : memref<100096xf32, #tpu.memory_space<vmem_shared>> -> memref<100096xf32, #tpu.memory_space<vmem_shared>>
    tpu.enqueue_indirect_dma source(%arg37 : memref<10000xf32, #tpu.memory_space<vmem>>) target(%dma_start3A_330 : memref<100096xf32, #tpu.memory_space<vmem_shared>>) offsets(%arg16 : memref<10000xi32, #tpu.memory_space<vmem>>) semaphore(%arg35 : memref<!tpu.dma_semaphore, #tpu.memory_space<semaphore_mem>>) {add = true}
    %dma_wait3A_331 = arith.constant 0 : i32
    %dma_wait3A_332 = tpu.memref_slice %arg10[%dma_wait3A_331] : memref<100096xf32, #tpu.memory_space<vmem_shared>> -> memref<100096xf32, #tpu.memory_space<vmem_shared>>
    tpu.wait_indirect_dma semaphore(%arg31 : memref<!tpu.dma_semaphore, #tpu.memory_space<semaphore_mem>>) src(%arg18 : memref<10000xf32, #tpu.memory_space<vmem>>) dst(%dma_wait3A_332 : memref<100096xf32, #tpu.memory_space<vmem_shared>>)
    %dma_wait3A_333 = arith.constant 0 : i32
    %dma_wait3A_334 = tpu.memref_slice %arg36[%dma_wait3A_333] : memref<100096xf32, #tpu.memory_space<vmem_shared>> -> memref<100096xf32, #tpu.memory_space<vmem_shared>>
    tpu.wait_indirect_dma semaphore(%arg34 : memref<!tpu.dma_semaphore, #tpu.memory_space<semaphore_mem>>) src(%arg37 : memref<10000xf32, #tpu.memory_space<vmem>>) dst(%dma_wait3A_334 : memref<100096xf32, #tpu.memory_space<vmem_shared>>)
    %add3A_335 = arith.constant 160000 : i32
    %add3A_336 = arith.addi %mul3A_4, %add3A_335 : i32
    %dma_start3A_337 = tpu.memref_slice %arg5[%add3A_336] : memref<6400000xi32, #tpu.memory_space<hbm>> -> memref<10000xi32, #tpu.memory_space<hbm>>
    %dma_start3A_338 = tpu.memref_slice %arg5[%add3A_336] : memref<6400000xi32, #tpu.memory_space<hbm>> -> memref<10000xi32, #tpu.memory_space<hbm>>
    tpu.enqueue_dma source(%dma_start3A_338 : memref<10000xi32, #tpu.memory_space<hbm>>) target(%arg12 : memref<10000xi32, #tpu.memory_space<vmem>>) target_semaphore(%arg22 : memref<!tpu.dma_semaphore, #tpu.memory_space<semaphore_mem>>)
    %dma_start3A_339 = tpu.memref_slice %arg6[%add3A_336] : memref<6400000xi32, #tpu.memory_space<hbm>> -> memref<10000xi32, #tpu.memory_space<hbm>>
    %dma_start3A_340 = tpu.memref_slice %arg6[%add3A_336] : memref<6400000xi32, #tpu.memory_space<hbm>> -> memref<10000xi32, #tpu.memory_space<hbm>>
    tpu.enqueue_dma source(%dma_start3A_340 : memref<10000xi32, #tpu.memory_space<hbm>>) target(%arg15 : memref<10000xi32, #tpu.memory_space<vmem>>) target_semaphore(%arg25 : memref<!tpu.dma_semaphore, #tpu.memory_space<semaphore_mem>>)
    %dma_wait3A_341 = tpu.memref_slice %arg5[%add3A_314] : memref<6400000xi32, #tpu.memory_space<hbm>> -> memref<10000xi32, #tpu.memory_space<hbm>>
    %dma_wait3A_342 = tpu.memref_slice %arg5[%add3A_314] : memref<6400000xi32, #tpu.memory_space<hbm>> -> memref<10000xi32, #tpu.memory_space<hbm>>
    tpu.wait_dma2 semaphore(%arg21 : memref<!tpu.dma_semaphore, #tpu.memory_space<semaphore_mem>>) src(%dma_wait3A_342 : memref<10000xi32, #tpu.memory_space<hbm>>) dst(%arg11 : memref<10000xi32, #tpu.memory_space<vmem>>)
    %dma_wait3A_343 = tpu.memref_slice %arg6[%add3A_314] : memref<6400000xi32, #tpu.memory_space<hbm>> -> memref<10000xi32, #tpu.memory_space<hbm>>
    %dma_wait3A_344 = tpu.memref_slice %arg6[%add3A_314] : memref<6400000xi32, #tpu.memory_space<hbm>> -> memref<10000xi32, #tpu.memory_space<hbm>>
    tpu.wait_dma2 semaphore(%arg24 : memref<!tpu.dma_semaphore, #tpu.memory_space<semaphore_mem>>) src(%dma_wait3A_344 : memref<10000xi32, #tpu.memory_space<hbm>>) dst(%arg14 : memref<10000xi32, #tpu.memory_space<vmem>>)
    %dma_start3A_345 = arith.constant 0 : i32
    %dma_start3A_346 = tpu.memref_slice %arg9[%dma_start3A_345] : memref<100096xf32, #tpu.memory_space<vmem_shared>> -> memref<100096xf32, #tpu.memory_space<vmem_shared>>
    tpu.enqueue_indirect_dma source(%dma_start3A_346 : memref<100096xf32, #tpu.memory_space<vmem_shared>>) target(%arg17 : memref<10000xf32, #tpu.memory_space<vmem>>) offsets(%arg11 : memref<10000xi32, #tpu.memory_space<vmem>>) semaphore(%arg27 : memref<!tpu.dma_semaphore, #tpu.memory_space<semaphore_mem>>)
    %dma_wait3A_347 = arith.constant 0 : i32
    %dma_wait3A_348 = tpu.memref_slice %arg9[%dma_wait3A_347] : memref<100096xf32, #tpu.memory_space<vmem_shared>> -> memref<100096xf32, #tpu.memory_space<vmem_shared>>
    tpu.wait_indirect_dma semaphore(%arg27 : memref<!tpu.dma_semaphore, #tpu.memory_space<semaphore_mem>>) src(%dma_wait3A_348 : memref<100096xf32, #tpu.memory_space<vmem_shared>>) dst(%arg17 : memref<10000xf32, #tpu.memory_space<vmem>>)
    %dma_start3A_349 = arith.constant 0 : i32
    %dma_start3A_350 = tpu.memref_slice %arg10[%dma_start3A_349] : memref<100096xf32, #tpu.memory_space<vmem_shared>> -> memref<100096xf32, #tpu.memory_space<vmem_shared>>
    tpu.enqueue_indirect_dma source(%arg17 : memref<10000xf32, #tpu.memory_space<vmem>>) target(%dma_start3A_350 : memref<100096xf32, #tpu.memory_space<vmem_shared>>) offsets(%arg14 : memref<10000xi32, #tpu.memory_space<vmem>>) semaphore(%arg30 : memref<!tpu.dma_semaphore, #tpu.memory_space<semaphore_mem>>) {add = true}
    %dma_start3A_351 = arith.constant 0 : i32
    %dma_start3A_352 = tpu.memref_slice %arg36[%dma_start3A_351] : memref<100096xf32, #tpu.memory_space<vmem_shared>> -> memref<100096xf32, #tpu.memory_space<vmem_shared>>
    tpu.enqueue_indirect_dma source(%arg37 : memref<10000xf32, #tpu.memory_space<vmem>>) target(%dma_start3A_352 : memref<100096xf32, #tpu.memory_space<vmem_shared>>) offsets(%arg14 : memref<10000xi32, #tpu.memory_space<vmem>>) semaphore(%arg33 : memref<!tpu.dma_semaphore, #tpu.memory_space<semaphore_mem>>) {add = true}
    %dma_wait3A_353 = arith.constant 0 : i32
    %dma_wait3A_354 = tpu.memref_slice %arg10[%dma_wait3A_353] : memref<100096xf32, #tpu.memory_space<vmem_shared>> -> memref<100096xf32, #tpu.memory_space<vmem_shared>>
    tpu.wait_indirect_dma semaphore(%arg32 : memref<!tpu.dma_semaphore, #tpu.memory_space<semaphore_mem>>) src(%arg19 : memref<10000xf32, #tpu.memory_space<vmem>>) dst(%dma_wait3A_354 : memref<100096xf32, #tpu.memory_space<vmem_shared>>)
    %dma_wait3A_355 = arith.constant 0 : i32
    %dma_wait3A_356 = tpu.memref_slice %arg36[%dma_wait3A_355] : memref<100096xf32, #tpu.memory_space<vmem_shared>> -> memref<100096xf32, #tpu.memory_space<vmem_shared>>
    tpu.wait_indirect_dma semaphore(%arg35 : memref<!tpu.dma_semaphore, #tpu.memory_space<semaphore_mem>>) src(%arg37 : memref<10000xf32, #tpu.memory_space<vmem>>) dst(%dma_wait3A_356 : memref<100096xf32, #tpu.memory_space<vmem_shared>>)
    %add3A_357 = arith.constant 170000 : i32
    %add3A_358 = arith.addi %mul3A_4, %add3A_357 : i32
    %dma_start3A_359 = tpu.memref_slice %arg5[%add3A_358] : memref<6400000xi32, #tpu.memory_space<hbm>> -> memref<10000xi32, #tpu.memory_space<hbm>>
    %dma_start3A_360 = tpu.memref_slice %arg5[%add3A_358] : memref<6400000xi32, #tpu.memory_space<hbm>> -> memref<10000xi32, #tpu.memory_space<hbm>>
    tpu.enqueue_dma source(%dma_start3A_360 : memref<10000xi32, #tpu.memory_space<hbm>>) target(%arg13 : memref<10000xi32, #tpu.memory_space<vmem>>) target_semaphore(%arg23 : memref<!tpu.dma_semaphore, #tpu.memory_space<semaphore_mem>>)
    %dma_start3A_361 = tpu.memref_slice %arg6[%add3A_358] : memref<6400000xi32, #tpu.memory_space<hbm>> -> memref<10000xi32, #tpu.memory_space<hbm>>
    %dma_start3A_362 = tpu.memref_slice %arg6[%add3A_358] : memref<6400000xi32, #tpu.memory_space<hbm>> -> memref<10000xi32, #tpu.memory_space<hbm>>
    tpu.enqueue_dma source(%dma_start3A_362 : memref<10000xi32, #tpu.memory_space<hbm>>) target(%arg16 : memref<10000xi32, #tpu.memory_space<vmem>>) target_semaphore(%arg26 : memref<!tpu.dma_semaphore, #tpu.memory_space<semaphore_mem>>)
    %dma_wait3A_363 = tpu.memref_slice %arg5[%add3A_336] : memref<6400000xi32, #tpu.memory_space<hbm>> -> memref<10000xi32, #tpu.memory_space<hbm>>
    %dma_wait3A_364 = tpu.memref_slice %arg5[%add3A_336] : memref<6400000xi32, #tpu.memory_space<hbm>> -> memref<10000xi32, #tpu.memory_space<hbm>>
    tpu.wait_dma2 semaphore(%arg22 : memref<!tpu.dma_semaphore, #tpu.memory_space<semaphore_mem>>) src(%dma_wait3A_364 : memref<10000xi32, #tpu.memory_space<hbm>>) dst(%arg12 : memref<10000xi32, #tpu.memory_space<vmem>>)
    %dma_wait3A_365 = tpu.memref_slice %arg6[%add3A_336] : memref<6400000xi32, #tpu.memory_space<hbm>> -> memref<10000xi32, #tpu.memory_space<hbm>>
    %dma_wait3A_366 = tpu.memref_slice %arg6[%add3A_336] : memref<6400000xi32, #tpu.memory_space<hbm>> -> memref<10000xi32, #tpu.memory_space<hbm>>
    tpu.wait_dma2 semaphore(%arg25 : memref<!tpu.dma_semaphore, #tpu.memory_space<semaphore_mem>>) src(%dma_wait3A_366 : memref<10000xi32, #tpu.memory_space<hbm>>) dst(%arg15 : memref<10000xi32, #tpu.memory_space<vmem>>)
    %dma_start3A_367 = arith.constant 0 : i32
    %dma_start3A_368 = tpu.memref_slice %arg9[%dma_start3A_367] : memref<100096xf32, #tpu.memory_space<vmem_shared>> -> memref<100096xf32, #tpu.memory_space<vmem_shared>>
    tpu.enqueue_indirect_dma source(%dma_start3A_368 : memref<100096xf32, #tpu.memory_space<vmem_shared>>) target(%arg18 : memref<10000xf32, #tpu.memory_space<vmem>>) offsets(%arg12 : memref<10000xi32, #tpu.memory_space<vmem>>) semaphore(%arg28 : memref<!tpu.dma_semaphore, #tpu.memory_space<semaphore_mem>>)
    %dma_wait3A_369 = arith.constant 0 : i32
    %dma_wait3A_370 = tpu.memref_slice %arg9[%dma_wait3A_369] : memref<100096xf32, #tpu.memory_space<vmem_shared>> -> memref<100096xf32, #tpu.memory_space<vmem_shared>>
    tpu.wait_indirect_dma semaphore(%arg28 : memref<!tpu.dma_semaphore, #tpu.memory_space<semaphore_mem>>) src(%dma_wait3A_370 : memref<100096xf32, #tpu.memory_space<vmem_shared>>) dst(%arg18 : memref<10000xf32, #tpu.memory_space<vmem>>)
    %dma_start3A_371 = arith.constant 0 : i32
    %dma_start3A_372 = tpu.memref_slice %arg10[%dma_start3A_371] : memref<100096xf32, #tpu.memory_space<vmem_shared>> -> memref<100096xf32, #tpu.memory_space<vmem_shared>>
    tpu.enqueue_indirect_dma source(%arg18 : memref<10000xf32, #tpu.memory_space<vmem>>) target(%dma_start3A_372 : memref<100096xf32, #tpu.memory_space<vmem_shared>>) offsets(%arg15 : memref<10000xi32, #tpu.memory_space<vmem>>) semaphore(%arg31 : memref<!tpu.dma_semaphore, #tpu.memory_space<semaphore_mem>>) {add = true}
    %dma_start3A_373 = arith.constant 0 : i32
    %dma_start3A_374 = tpu.memref_slice %arg36[%dma_start3A_373] : memref<100096xf32, #tpu.memory_space<vmem_shared>> -> memref<100096xf32, #tpu.memory_space<vmem_shared>>
    tpu.enqueue_indirect_dma source(%arg37 : memref<10000xf32, #tpu.memory_space<vmem>>) target(%dma_start3A_374 : memref<100096xf32, #tpu.memory_space<vmem_shared>>) offsets(%arg15 : memref<10000xi32, #tpu.memory_space<vmem>>) semaphore(%arg34 : memref<!tpu.dma_semaphore, #tpu.memory_space<semaphore_mem>>) {add = true}
    %dma_wait3A_375 = arith.constant 0 : i32
    %dma_wait3A_376 = tpu.memref_slice %arg10[%dma_wait3A_375] : memref<100096xf32, #tpu.memory_space<vmem_shared>> -> memref<100096xf32, #tpu.memory_space<vmem_shared>>
    tpu.wait_indirect_dma semaphore(%arg30 : memref<!tpu.dma_semaphore, #tpu.memory_space<semaphore_mem>>) src(%arg17 : memref<10000xf32, #tpu.memory_space<vmem>>) dst(%dma_wait3A_376 : memref<100096xf32, #tpu.memory_space<vmem_shared>>)
    %dma_wait3A_377 = arith.constant 0 : i32
    %dma_wait3A_378 = tpu.memref_slice %arg36[%dma_wait3A_377] : memref<100096xf32, #tpu.memory_space<vmem_shared>> -> memref<100096xf32, #tpu.memory_space<vmem_shared>>
    tpu.wait_indirect_dma semaphore(%arg33 : memref<!tpu.dma_semaphore, #tpu.memory_space<semaphore_mem>>) src(%arg37 : memref<10000xf32, #tpu.memory_space<vmem>>) dst(%dma_wait3A_378 : memref<100096xf32, #tpu.memory_space<vmem_shared>>)
    %add3A_379 = arith.constant 180000 : i32
    %add3A_380 = arith.addi %mul3A_4, %add3A_379 : i32
    %dma_start3A_381 = tpu.memref_slice %arg5[%add3A_380] : memref<6400000xi32, #tpu.memory_space<hbm>> -> memref<10000xi32, #tpu.memory_space<hbm>>
    %dma_start3A_382 = tpu.memref_slice %arg5[%add3A_380] : memref<6400000xi32, #tpu.memory_space<hbm>> -> memref<10000xi32, #tpu.memory_space<hbm>>
    tpu.enqueue_dma source(%dma_start3A_382 : memref<10000xi32, #tpu.memory_space<hbm>>) target(%arg11 : memref<10000xi32, #tpu.memory_space<vmem>>) target_semaphore(%arg21 : memref<!tpu.dma_semaphore, #tpu.memory_space<semaphore_mem>>)
    %dma_start3A_383 = tpu.memref_slice %arg6[%add3A_380] : memref<6400000xi32, #tpu.memory_space<hbm>> -> memref<10000xi32, #tpu.memory_space<hbm>>
    %dma_start3A_384 = tpu.memref_slice %arg6[%add3A_380] : memref<6400000xi32, #tpu.memory_space<hbm>> -> memref<10000xi32, #tpu.memory_space<hbm>>
    tpu.enqueue_dma source(%dma_start3A_384 : memref<10000xi32, #tpu.memory_space<hbm>>) target(%arg14 : memref<10000xi32, #tpu.memory_space<vmem>>) target_semaphore(%arg24 : memref<!tpu.dma_semaphore, #tpu.memory_space<semaphore_mem>>)
    %dma_wait3A_385 = tpu.memref_slice %arg5[%add3A_358] : memref<6400000xi32, #tpu.memory_space<hbm>> -> memref<10000xi32, #tpu.memory_space<hbm>>
    %dma_wait3A_386 = tpu.memref_slice %arg5[%add3A_358] : memref<6400000xi32, #tpu.memory_space<hbm>> -> memref<10000xi32, #tpu.memory_space<hbm>>
    tpu.wait_dma2 semaphore(%arg23 : memref<!tpu.dma_semaphore, #tpu.memory_space<semaphore_mem>>) src(%dma_wait3A_386 : memref<10000xi32, #tpu.memory_space<hbm>>) dst(%arg13 : memref<10000xi32, #tpu.memory_space<vmem>>)
    %dma_wait3A_387 = tpu.memref_slice %arg6[%add3A_358] : memref<6400000xi32, #tpu.memory_space<hbm>> -> memref<10000xi32, #tpu.memory_space<hbm>>
    %dma_wait3A_388 = tpu.memref_slice %arg6[%add3A_358] : memref<6400000xi32, #tpu.memory_space<hbm>> -> memref<10000xi32, #tpu.memory_space<hbm>>
    tpu.wait_dma2 semaphore(%arg26 : memref<!tpu.dma_semaphore, #tpu.memory_space<semaphore_mem>>) src(%dma_wait3A_388 : memref<10000xi32, #tpu.memory_space<hbm>>) dst(%arg16 : memref<10000xi32, #tpu.memory_space<vmem>>)
    %dma_start3A_389 = arith.constant 0 : i32
    %dma_start3A_390 = tpu.memref_slice %arg9[%dma_start3A_389] : memref<100096xf32, #tpu.memory_space<vmem_shared>> -> memref<100096xf32, #tpu.memory_space<vmem_shared>>
    tpu.enqueue_indirect_dma source(%dma_start3A_390 : memref<100096xf32, #tpu.memory_space<vmem_shared>>) target(%arg19 : memref<10000xf32, #tpu.memory_space<vmem>>) offsets(%arg13 : memref<10000xi32, #tpu.memory_space<vmem>>) semaphore(%arg29 : memref<!tpu.dma_semaphore, #tpu.memory_space<semaphore_mem>>)
    %dma_wait3A_391 = arith.constant 0 : i32
    %dma_wait3A_392 = tpu.memref_slice %arg9[%dma_wait3A_391] : memref<100096xf32, #tpu.memory_space<vmem_shared>> -> memref<100096xf32, #tpu.memory_space<vmem_shared>>
    tpu.wait_indirect_dma semaphore(%arg29 : memref<!tpu.dma_semaphore, #tpu.memory_space<semaphore_mem>>) src(%dma_wait3A_392 : memref<100096xf32, #tpu.memory_space<vmem_shared>>) dst(%arg19 : memref<10000xf32, #tpu.memory_space<vmem>>)
    %dma_start3A_393 = arith.constant 0 : i32
    %dma_start3A_394 = tpu.memref_slice %arg10[%dma_start3A_393] : memref<100096xf32, #tpu.memory_space<vmem_shared>> -> memref<100096xf32, #tpu.memory_space<vmem_shared>>
    tpu.enqueue_indirect_dma source(%arg19 : memref<10000xf32, #tpu.memory_space<vmem>>) target(%dma_start3A_394 : memref<100096xf32, #tpu.memory_space<vmem_shared>>) offsets(%arg16 : memref<10000xi32, #tpu.memory_space<vmem>>) semaphore(%arg32 : memref<!tpu.dma_semaphore, #tpu.memory_space<semaphore_mem>>) {add = true}
    %dma_start3A_395 = arith.constant 0 : i32
    %dma_start3A_396 = tpu.memref_slice %arg36[%dma_start3A_395] : memref<100096xf32, #tpu.memory_space<vmem_shared>> -> memref<100096xf32, #tpu.memory_space<vmem_shared>>
    tpu.enqueue_indirect_dma source(%arg37 : memref<10000xf32, #tpu.memory_space<vmem>>) target(%dma_start3A_396 : memref<100096xf32, #tpu.memory_space<vmem_shared>>) offsets(%arg16 : memref<10000xi32, #tpu.memory_space<vmem>>) semaphore(%arg35 : memref<!tpu.dma_semaphore, #tpu.memory_space<semaphore_mem>>) {add = true}
    %dma_wait3A_397 = arith.constant 0 : i32
    %dma_wait3A_398 = tpu.memref_slice %arg10[%dma_wait3A_397] : memref<100096xf32, #tpu.memory_space<vmem_shared>> -> memref<100096xf32, #tpu.memory_space<vmem_shared>>
    tpu.wait_indirect_dma semaphore(%arg31 : memref<!tpu.dma_semaphore, #tpu.memory_space<semaphore_mem>>) src(%arg18 : memref<10000xf32, #tpu.memory_space<vmem>>) dst(%dma_wait3A_398 : memref<100096xf32, #tpu.memory_space<vmem_shared>>)
    %dma_wait3A_399 = arith.constant 0 : i32
    %dma_wait3A_400 = tpu.memref_slice %arg36[%dma_wait3A_399] : memref<100096xf32, #tpu.memory_space<vmem_shared>> -> memref<100096xf32, #tpu.memory_space<vmem_shared>>
    tpu.wait_indirect_dma semaphore(%arg34 : memref<!tpu.dma_semaphore, #tpu.memory_space<semaphore_mem>>) src(%arg37 : memref<10000xf32, #tpu.memory_space<vmem>>) dst(%dma_wait3A_400 : memref<100096xf32, #tpu.memory_space<vmem_shared>>)
    %add3A_401 = arith.constant 190000 : i32
    %add3A_402 = arith.addi %mul3A_4, %add3A_401 : i32
    %dma_start3A_403 = tpu.memref_slice %arg5[%add3A_402] : memref<6400000xi32, #tpu.memory_space<hbm>> -> memref<10000xi32, #tpu.memory_space<hbm>>
    %dma_start3A_404 = tpu.memref_slice %arg5[%add3A_402] : memref<6400000xi32, #tpu.memory_space<hbm>> -> memref<10000xi32, #tpu.memory_space<hbm>>
    tpu.enqueue_dma source(%dma_start3A_404 : memref<10000xi32, #tpu.memory_space<hbm>>) target(%arg12 : memref<10000xi32, #tpu.memory_space<vmem>>) target_semaphore(%arg22 : memref<!tpu.dma_semaphore, #tpu.memory_space<semaphore_mem>>)
    %dma_start3A_405 = tpu.memref_slice %arg6[%add3A_402] : memref<6400000xi32, #tpu.memory_space<hbm>> -> memref<10000xi32, #tpu.memory_space<hbm>>
    %dma_start3A_406 = tpu.memref_slice %arg6[%add3A_402] : memref<6400000xi32, #tpu.memory_space<hbm>> -> memref<10000xi32, #tpu.memory_space<hbm>>
    tpu.enqueue_dma source(%dma_start3A_406 : memref<10000xi32, #tpu.memory_space<hbm>>) target(%arg15 : memref<10000xi32, #tpu.memory_space<vmem>>) target_semaphore(%arg25 : memref<!tpu.dma_semaphore, #tpu.memory_space<semaphore_mem>>)
    %dma_wait3A_407 = tpu.memref_slice %arg5[%add3A_380] : memref<6400000xi32, #tpu.memory_space<hbm>> -> memref<10000xi32, #tpu.memory_space<hbm>>
    %dma_wait3A_408 = tpu.memref_slice %arg5[%add3A_380] : memref<6400000xi32, #tpu.memory_space<hbm>> -> memref<10000xi32, #tpu.memory_space<hbm>>
    tpu.wait_dma2 semaphore(%arg21 : memref<!tpu.dma_semaphore, #tpu.memory_space<semaphore_mem>>) src(%dma_wait3A_408 : memref<10000xi32, #tpu.memory_space<hbm>>) dst(%arg11 : memref<10000xi32, #tpu.memory_space<vmem>>)
    %dma_wait3A_409 = tpu.memref_slice %arg6[%add3A_380] : memref<6400000xi32, #tpu.memory_space<hbm>> -> memref<10000xi32, #tpu.memory_space<hbm>>
    %dma_wait3A_410 = tpu.memref_slice %arg6[%add3A_380] : memref<6400000xi32, #tpu.memory_space<hbm>> -> memref<10000xi32, #tpu.memory_space<hbm>>
    tpu.wait_dma2 semaphore(%arg24 : memref<!tpu.dma_semaphore, #tpu.memory_space<semaphore_mem>>) src(%dma_wait3A_410 : memref<10000xi32, #tpu.memory_space<hbm>>) dst(%arg14 : memref<10000xi32, #tpu.memory_space<vmem>>)
    %dma_start3A_411 = arith.constant 0 : i32
    %dma_start3A_412 = tpu.memref_slice %arg9[%dma_start3A_411] : memref<100096xf32, #tpu.memory_space<vmem_shared>> -> memref<100096xf32, #tpu.memory_space<vmem_shared>>
    tpu.enqueue_indirect_dma source(%dma_start3A_412 : memref<100096xf32, #tpu.memory_space<vmem_shared>>) target(%arg17 : memref<10000xf32, #tpu.memory_space<vmem>>) offsets(%arg11 : memref<10000xi32, #tpu.memory_space<vmem>>) semaphore(%arg27 : memref<!tpu.dma_semaphore, #tpu.memory_space<semaphore_mem>>)
    %dma_wait3A_413 = arith.constant 0 : i32
    %dma_wait3A_414 = tpu.memref_slice %arg9[%dma_wait3A_413] : memref<100096xf32, #tpu.memory_space<vmem_shared>> -> memref<100096xf32, #tpu.memory_space<vmem_shared>>
    tpu.wait_indirect_dma semaphore(%arg27 : memref<!tpu.dma_semaphore, #tpu.memory_space<semaphore_mem>>) src(%dma_wait3A_414 : memref<100096xf32, #tpu.memory_space<vmem_shared>>) dst(%arg17 : memref<10000xf32, #tpu.memory_space<vmem>>)
    %dma_start3A_415 = arith.constant 0 : i32
    %dma_start3A_416 = tpu.memref_slice %arg10[%dma_start3A_415] : memref<100096xf32, #tpu.memory_space<vmem_shared>> -> memref<100096xf32, #tpu.memory_space<vmem_shared>>
    tpu.enqueue_indirect_dma source(%arg17 : memref<10000xf32, #tpu.memory_space<vmem>>) target(%dma_start3A_416 : memref<100096xf32, #tpu.memory_space<vmem_shared>>) offsets(%arg14 : memref<10000xi32, #tpu.memory_space<vmem>>) semaphore(%arg30 : memref<!tpu.dma_semaphore, #tpu.memory_space<semaphore_mem>>) {add = true}
    %dma_start3A_417 = arith.constant 0 : i32
    %dma_start3A_418 = tpu.memref_slice %arg36[%dma_start3A_417] : memref<100096xf32, #tpu.memory_space<vmem_shared>> -> memref<100096xf32, #tpu.memory_space<vmem_shared>>
    tpu.enqueue_indirect_dma source(%arg37 : memref<10000xf32, #tpu.memory_space<vmem>>) target(%dma_start3A_418 : memref<100096xf32, #tpu.memory_space<vmem_shared>>) offsets(%arg14 : memref<10000xi32, #tpu.memory_space<vmem>>) semaphore(%arg33 : memref<!tpu.dma_semaphore, #tpu.memory_space<semaphore_mem>>) {add = true}
    %dma_wait3A_419 = arith.constant 0 : i32
    %dma_wait3A_420 = tpu.memref_slice %arg10[%dma_wait3A_419] : memref<100096xf32, #tpu.memory_space<vmem_shared>> -> memref<100096xf32, #tpu.memory_space<vmem_shared>>
    tpu.wait_indirect_dma semaphore(%arg32 : memref<!tpu.dma_semaphore, #tpu.memory_space<semaphore_mem>>) src(%arg19 : memref<10000xf32, #tpu.memory_space<vmem>>) dst(%dma_wait3A_420 : memref<100096xf32, #tpu.memory_space<vmem_shared>>)
    %dma_wait3A_421 = arith.constant 0 : i32
    %dma_wait3A_422 = tpu.memref_slice %arg36[%dma_wait3A_421] : memref<100096xf32, #tpu.memory_space<vmem_shared>> -> memref<100096xf32, #tpu.memory_space<vmem_shared>>
    tpu.wait_indirect_dma semaphore(%arg35 : memref<!tpu.dma_semaphore, #tpu.memory_space<semaphore_mem>>) src(%arg37 : memref<10000xf32, #tpu.memory_space<vmem>>) dst(%dma_wait3A_422 : memref<100096xf32, #tpu.memory_space<vmem_shared>>)
    %dma_wait3A_423 = tpu.memref_slice %arg5[%add3A_402] : memref<6400000xi32, #tpu.memory_space<hbm>> -> memref<10000xi32, #tpu.memory_space<hbm>>
    %dma_wait3A_424 = tpu.memref_slice %arg5[%add3A_402] : memref<6400000xi32, #tpu.memory_space<hbm>> -> memref<10000xi32, #tpu.memory_space<hbm>>
    tpu.wait_dma2 semaphore(%arg22 : memref<!tpu.dma_semaphore, #tpu.memory_space<semaphore_mem>>) src(%dma_wait3A_424 : memref<10000xi32, #tpu.memory_space<hbm>>) dst(%arg12 : memref<10000xi32, #tpu.memory_space<vmem>>)
    %dma_wait3A_425 = tpu.memref_slice %arg6[%add3A_402] : memref<6400000xi32, #tpu.memory_space<hbm>> -> memref<10000xi32, #tpu.memory_space<hbm>>
    %dma_wait3A_426 = tpu.memref_slice %arg6[%add3A_402] : memref<6400000xi32, #tpu.memory_space<hbm>> -> memref<10000xi32, #tpu.memory_space<hbm>>
    tpu.wait_dma2 semaphore(%arg25 : memref<!tpu.dma_semaphore, #tpu.memory_space<semaphore_mem>>) src(%dma_wait3A_426 : memref<10000xi32, #tpu.memory_space<hbm>>) dst(%arg15 : memref<10000xi32, #tpu.memory_space<vmem>>)
    %dma_start3A_427 = arith.constant 0 : i32
    %dma_start3A_428 = tpu.memref_slice %arg9[%dma_start3A_427] : memref<100096xf32, #tpu.memory_space<vmem_shared>> -> memref<100096xf32, #tpu.memory_space<vmem_shared>>
    tpu.enqueue_indirect_dma source(%dma_start3A_428 : memref<100096xf32, #tpu.memory_space<vmem_shared>>) target(%arg18 : memref<10000xf32, #tpu.memory_space<vmem>>) offsets(%arg12 : memref<10000xi32, #tpu.memory_space<vmem>>) semaphore(%arg28 : memref<!tpu.dma_semaphore, #tpu.memory_space<semaphore_mem>>)
    %dma_wait3A_429 = arith.constant 0 : i32
    %dma_wait3A_430 = tpu.memref_slice %arg9[%dma_wait3A_429] : memref<100096xf32, #tpu.memory_space<vmem_shared>> -> memref<100096xf32, #tpu.memory_space<vmem_shared>>
    tpu.wait_indirect_dma semaphore(%arg28 : memref<!tpu.dma_semaphore, #tpu.memory_space<semaphore_mem>>) src(%dma_wait3A_430 : memref<100096xf32, #tpu.memory_space<vmem_shared>>) dst(%arg18 : memref<10000xf32, #tpu.memory_space<vmem>>)
    %dma_start3A_431 = arith.constant 0 : i32
    %dma_start3A_432 = tpu.memref_slice %arg10[%dma_start3A_431] : memref<100096xf32, #tpu.memory_space<vmem_shared>> -> memref<100096xf32, #tpu.memory_space<vmem_shared>>
    tpu.enqueue_indirect_dma source(%arg18 : memref<10000xf32, #tpu.memory_space<vmem>>) target(%dma_start3A_432 : memref<100096xf32, #tpu.memory_space<vmem_shared>>) offsets(%arg15 : memref<10000xi32, #tpu.memory_space<vmem>>) semaphore(%arg31 : memref<!tpu.dma_semaphore, #tpu.memory_space<semaphore_mem>>) {add = true}
    %dma_start3A_433 = arith.constant 0 : i32
    %dma_start3A_434 = tpu.memref_slice %arg36[%dma_start3A_433] : memref<100096xf32, #tpu.memory_space<vmem_shared>> -> memref<100096xf32, #tpu.memory_space<vmem_shared>>
    tpu.enqueue_indirect_dma source(%arg37 : memref<10000xf32, #tpu.memory_space<vmem>>) target(%dma_start3A_434 : memref<100096xf32, #tpu.memory_space<vmem_shared>>) offsets(%arg15 : memref<10000xi32, #tpu.memory_space<vmem>>) semaphore(%arg34 : memref<!tpu.dma_semaphore, #tpu.memory_space<semaphore_mem>>) {add = true}
    %dma_wait3A_435 = arith.constant 0 : i32
    %dma_wait3A_436 = tpu.memref_slice %arg10[%dma_wait3A_435] : memref<100096xf32, #tpu.memory_space<vmem_shared>> -> memref<100096xf32, #tpu.memory_space<vmem_shared>>
    tpu.wait_indirect_dma semaphore(%arg30 : memref<!tpu.dma_semaphore, #tpu.memory_space<semaphore_mem>>) src(%arg17 : memref<10000xf32, #tpu.memory_space<vmem>>) dst(%dma_wait3A_436 : memref<100096xf32, #tpu.memory_space<vmem_shared>>)
    %dma_wait3A_437 = arith.constant 0 : i32
    %dma_wait3A_438 = tpu.memref_slice %arg36[%dma_wait3A_437] : memref<100096xf32, #tpu.memory_space<vmem_shared>> -> memref<100096xf32, #tpu.memory_space<vmem_shared>>
    tpu.wait_indirect_dma semaphore(%arg33 : memref<!tpu.dma_semaphore, #tpu.memory_space<semaphore_mem>>) src(%arg37 : memref<10000xf32, #tpu.memory_space<vmem>>) dst(%dma_wait3A_438 : memref<100096xf32, #tpu.memory_space<vmem_shared>>)
    %dma_wait3A_439 = arith.constant 0 : i32
    %dma_wait3A_440 = tpu.memref_slice %arg10[%dma_wait3A_439] : memref<100096xf32, #tpu.memory_space<vmem_shared>> -> memref<100096xf32, #tpu.memory_space<vmem_shared>>
    tpu.wait_indirect_dma semaphore(%arg31 : memref<!tpu.dma_semaphore, #tpu.memory_space<semaphore_mem>>) src(%arg18 : memref<10000xf32, #tpu.memory_space<vmem>>) dst(%dma_wait3A_440 : memref<100096xf32, #tpu.memory_space<vmem_shared>>)
    %dma_wait3A_441 = arith.constant 0 : i32
    %dma_wait3A_442 = tpu.memref_slice %arg36[%dma_wait3A_441] : memref<100096xf32, #tpu.memory_space<vmem_shared>> -> memref<100096xf32, #tpu.memory_space<vmem_shared>>
    tpu.wait_indirect_dma semaphore(%arg34 : memref<!tpu.dma_semaphore, #tpu.memory_space<semaphore_mem>>) src(%arg37 : memref<10000xf32, #tpu.memory_space<vmem>>) dst(%dma_wait3A_442 : memref<100096xf32, #tpu.memory_space<vmem_shared>>)
    %barrier3A_443 = arith.constant 0 : index
    tpu.barrier barrier_id(%barrier3A_443)
    %mul3A_444 = arith.constant 100096 : i32
    %mul3A_445 = arith.muli %arg0, %mul3A_444 : i32
    %add3A_446 = arith.addi %mul3A_445, %mul3A_0 : i32
    "tpu.region"() ({
      %run_scoped3A = tpu.sem_alloc : memref<!tpu.dma_semaphore, #tpu.memory_space<semaphore_mem>>
      %dma_start3A_447 = tpu.memref_slice %arg10[%mul3A_0] : memref<100096xf32, #tpu.memory_space<vmem_shared>> -> memref<6256xf32, #tpu.memory_space<vmem_shared>>
      %dma_start3A_448 = tpu.memref_slice %arg10[%mul3A_0] : memref<100096xf32, #tpu.memory_space<vmem_shared>> -> memref<6256xf32, #tpu.memory_space<vmem_shared>>
      tpu.enqueue_dma source(%dma_start3A_448 : memref<6256xf32, #tpu.memory_space<vmem_shared>>) target(%arg20 : memref<6256xf32, #tpu.memory_space<vmem>>) target_semaphore(%run_scoped3A : memref<!tpu.dma_semaphore, #tpu.memory_space<semaphore_mem>>)
      %dma_wait3A_449 = tpu.memref_slice %arg10[%mul3A_0] : memref<100096xf32, #tpu.memory_space<vmem_shared>> -> memref<6256xf32, #tpu.memory_space<vmem_shared>>
      %dma_wait3A_450 = tpu.memref_slice %arg10[%mul3A_0] : memref<100096xf32, #tpu.memory_space<vmem_shared>> -> memref<6256xf32, #tpu.memory_space<vmem_shared>>
      tpu.wait_dma2 semaphore(%run_scoped3A : memref<!tpu.dma_semaphore, #tpu.memory_space<semaphore_mem>>) src(%dma_wait3A_450 : memref<6256xf32, #tpu.memory_space<vmem_shared>>) dst(%arg20 : memref<6256xf32, #tpu.memory_space<vmem>>)
      tpu.yield
    }) : () -> ()
    "tpu.region"() ({
      %run_scoped3A = tpu.sem_alloc : memref<!tpu.dma_semaphore, #tpu.memory_space<semaphore_mem>>
      %dma_start3A_447 = tpu.memref_slice %arg7[%add3A_446] : memref<200192xf32, #tpu.memory_space<hbm>> -> memref<6256xf32, #tpu.memory_space<hbm>>
      %dma_start3A_448 = tpu.memref_slice %arg7[%add3A_446] : memref<200192xf32, #tpu.memory_space<hbm>> -> memref<6256xf32, #tpu.memory_space<hbm>>
      tpu.enqueue_dma source(%arg20 : memref<6256xf32, #tpu.memory_space<vmem>>) target(%dma_start3A_448 : memref<6256xf32, #tpu.memory_space<hbm>>) target_semaphore(%run_scoped3A : memref<!tpu.dma_semaphore, #tpu.memory_space<semaphore_mem>>)
      %dma_wait3A_449 = tpu.memref_slice %arg7[%add3A_446] : memref<200192xf32, #tpu.memory_space<hbm>> -> memref<6256xf32, #tpu.memory_space<hbm>>
      %dma_wait3A_450 = tpu.memref_slice %arg7[%add3A_446] : memref<200192xf32, #tpu.memory_space<hbm>> -> memref<6256xf32, #tpu.memory_space<hbm>>
      tpu.wait_dma2 semaphore(%run_scoped3A : memref<!tpu.dma_semaphore, #tpu.memory_space<semaphore_mem>>) src(%arg20 : memref<6256xf32, #tpu.memory_space<vmem>>) dst(%dma_wait3A_450 : memref<6256xf32, #tpu.memory_space<hbm>>)
      tpu.yield
    }) : () -> ()
    "tpu.region"() ({
      %run_scoped3A = tpu.sem_alloc : memref<!tpu.dma_semaphore, #tpu.memory_space<semaphore_mem>>
      %dma_start3A_447 = tpu.memref_slice %arg36[%mul3A_0] : memref<100096xf32, #tpu.memory_space<vmem_shared>> -> memref<6256xf32, #tpu.memory_space<vmem_shared>>
      %dma_start3A_448 = tpu.memref_slice %arg36[%mul3A_0] : memref<100096xf32, #tpu.memory_space<vmem_shared>> -> memref<6256xf32, #tpu.memory_space<vmem_shared>>
      tpu.enqueue_dma source(%dma_start3A_448 : memref<6256xf32, #tpu.memory_space<vmem_shared>>) target(%arg20 : memref<6256xf32, #tpu.memory_space<vmem>>) target_semaphore(%run_scoped3A : memref<!tpu.dma_semaphore, #tpu.memory_space<semaphore_mem>>)
      %dma_wait3A_449 = tpu.memref_slice %arg36[%mul3A_0] : memref<100096xf32, #tpu.memory_space<vmem_shared>> -> memref<6256xf32, #tpu.memory_space<vmem_shared>>
      %dma_wait3A_450 = tpu.memref_slice %arg36[%mul3A_0] : memref<100096xf32, #tpu.memory_space<vmem_shared>> -> memref<6256xf32, #tpu.memory_space<vmem_shared>>
      tpu.wait_dma2 semaphore(%run_scoped3A : memref<!tpu.dma_semaphore, #tpu.memory_space<semaphore_mem>>) src(%dma_wait3A_450 : memref<6256xf32, #tpu.memory_space<vmem_shared>>) dst(%arg20 : memref<6256xf32, #tpu.memory_space<vmem>>)
      tpu.yield
    }) : () -> ()
    "tpu.region"() ({
      %run_scoped3A = tpu.sem_alloc : memref<!tpu.dma_semaphore, #tpu.memory_space<semaphore_mem>>
      %dma_start3A_447 = tpu.memref_slice %arg8[%add3A_446] : memref<200192xf32, #tpu.memory_space<hbm>> -> memref<6256xf32, #tpu.memory_space<hbm>>
      %dma_start3A_448 = tpu.memref_slice %arg8[%add3A_446] : memref<200192xf32, #tpu.memory_space<hbm>> -> memref<6256xf32, #tpu.memory_space<hbm>>
      tpu.enqueue_dma source(%arg20 : memref<6256xf32, #tpu.memory_space<vmem>>) target(%dma_start3A_448 : memref<6256xf32, #tpu.memory_space<hbm>>) target_semaphore(%run_scoped3A : memref<!tpu.dma_semaphore, #tpu.memory_space<semaphore_mem>>)
      %dma_wait3A_449 = tpu.memref_slice %arg8[%add3A_446] : memref<200192xf32, #tpu.memory_space<hbm>> -> memref<6256xf32, #tpu.memory_space<hbm>>
      %dma_wait3A_450 = tpu.memref_slice %arg8[%add3A_446] : memref<200192xf32, #tpu.memory_space<hbm>> -> memref<6256xf32, #tpu.memory_space<hbm>>
      tpu.wait_dma2 semaphore(%run_scoped3A : memref<!tpu.dma_semaphore, #tpu.memory_space<semaphore_mem>>) src(%arg20 : memref<6256xf32, #tpu.memory_space<vmem>>) dst(%dma_wait3A_450 : memref<6256xf32, #tpu.memory_space<hbm>>)
      tpu.yield
    }) : () -> ()
    return
  }
}

</mosaic_0001>

<sc_bundles>
// kernel: kernel.4.cloned.1.call-start
scs
__scs_entry_jumppad:
0x0: {  	(pc) =	sbr.rel $0x88, $3  }
0x1: {  	(tag) =	ssettag $0x0;
	lr =	simm.s32 $0x1  }
0x2: {  	[smem:$0x3F9E] =	sst lr;
	_ =	strace $0xD0000000  }
0x3: {  	_ = 	snop  }
0x4: {  	_ = 	snop  }
0x5: {  	_ = 	snop  }
0x6: {  	_ = 	snop  }
0x7: {  	_ = 	snop  }
__scs_overlays_trampoline_lowered:
0x8: {  	[smem:$0x3FAD] =	sst s0  }
0x9: {  	[smem:$0x3FAE] =	sst s1  }
0xa: {  	[smem:$0x3FAF] =	sst s2  }
0xb: {  	[smem:$0x3FB0] =	sst s3  }
0xc: {  	[smem:$0x3FB1] =	sst s4  }
0xd: {  	[smem:$0x3FB2] =	sst s5  }
0xe: {  	[smem:$0x3FB3] =	sst s6  }
0xf: {  	[smem:$0x3FB4] =	sst s7  }
0x10: {  	[smem:$0x3FB5] =	sst s8  }
0x11: {  	[smem:$0x3FB6] =	sst s9;
	s0 =	simm.s32 @!p0 $0x0  }
0x12: {  	s1 =	sld [smem:$0x3F9C];
	s0 =	simm.s32 @p0 $0x1  }
0x13: {  	[smem:$0x3FB7] =	sst s0;
	s0 =	simm.s32 @!p1 $0x0  }
0x14: {  	s2 =	sld [smem:$0x3F9B];
	s0 =	simm.s32 @p1 $0x1  }
0x15: {  	[smem:$0x3FB8] =	sst s0;
	s0 =	simm.s32 @!p2 $0x0  }
0x16: {  	s3 =	sld [smem:$0x3FDB];
	s0 =	simm.s32 @p2 $0x1  }
0x17: {  	s4 =	simm.s32 $0x1BF5;
	[smem:$0x3FBA] =	sst s0  }
0x18: {  	s0 =	sld [smem:$0x3F9D];
	_ =	swait.ge [sflag:s4], $0x0  }
0x19: {  	s7 =	sld [smem:$0x3F9E]  }
0x1a: {  	s8 =	sadd.s32 $0xFFFFE003, lr  }
0x1b: {  	s9 =	sadd.s32 $0xFFFFFEF7, lr;
	s5 =	simm.s32 $0xFFFFFFFF;
	p2 =	slt.u32 s8, $0xFFFFF086  }
0x1c: {  	p1 =	slt.u32 s9, $0xF7A;
	s5 =	simm.s32 @!p2 $0x0  }
0x1d: {  	s5 =	simm.s32 @p1 $0x1;
	p0 =	seq.s32 s7, s2  }
0x1e: {  	s7 =	smul.u32 @!p0 $0xF7A, s2;
	p2 =	seq.s32 @!p0 s5, $0x0  }
0x1f: {  	s9 =	smul.u32 $0xF7A, s1;
	s8 =	simm.s32 @!p0 $0x1BF5;
	p2 =	por !p2, p0  }
0x20: {  	[sflag:s8] =	ssyncset.s32 @!p0 $0xFFFFF086;
	s6 =	sadd.s32 @!p0 s3, s7;
	s7 =	simm.s32 @!p0 $0x108  }
0x21: {  	s3 =	sadd.s32 s3, s9;
	s6 =	sadd.s32 @!p0 $0x88, s6;
	s7 =	simm.s32 @p2 $0x1082  }
0x22: {  	[simem:s7], [sflag:s8] =	dma.local @!p0 [hbm:s6], $0xF7A  }
0x23: {  	s9 =	sor.u32 $0xD0000000, s2;
	s6 =	simm.s32 $0x108;
	_ =	swait.ge @!p0 [sflag:s8], $0x0  }
0x24: {  	s3 =	sadd.s32 $0x88, s3;
	s6 =	simm.s32 @!p1 $0x1082;
	[sflag:s4] =	ssyncset.s32 $0xFFFFF086  }
0x25: {  	[simem:s6], [sflag:s4] =	dma.local [hbm:s3], $0xF7A  }
0x26: {  	[smem:$0x3F9E] =	sst s1;
	(tag) =	ssettag s2;
	_ =	strace s9  }
0x27: {  	s1 =	sld [smem:$0x3FAE]  }
0x28: {  	s2 =	sld [smem:$0x3FAF]  }
0x29: {  	s4 =	sld [smem:$0x3FB1]  }
0x2a: {  	p0 =	seq.s32 s5, $0x0;
	s5 =	sld [smem:$0x3FB2]  }
0x2b: {  	s6 =	sld [smem:$0x3FB3]  }
0x2c: {  	s7 =	sld [smem:$0x3FB4]  }
0x2d: {  	s3 =	simm.s32 $0x108;
	s8 =	sld [smem:$0x3FB5]  }
0x2e: {  	s3 =	simm.s32 @!p0 $0x1082;
	s9 =	sld [smem:$0x3FB6]  }
0x2f: {  	lr =	sadd.s32 s0, s3;
	s0 =	sld [smem:$0x3FAD]  }
0x30: {  	s3 =	sld [smem:$0x3FB0]  }
0x31: {  	[smem:$0x3FB9] =	sst s10  }
0x32: {  	s10 =	sld [smem:$0x3FB7];
	_ =	sdelay $0x3  }
0x33: {  	p0 =	seq.s32 s10, $0x1;
	s10 =	sld [smem:$0x3FB9];
	_ =	sdelay $0x3  }
0x34: {  	[smem:$0x3FB9] =	sst s10  }
0x35: {  	s10 =	sld [smem:$0x3FB8];
	_ =	sdelay $0x3  }
0x36: {  	p1 =	seq.s32 s10, $0x1;
	s10 =	sld [smem:$0x3FB9];
	_ =	sdelay $0x3  }
0x37: {  	[smem:$0x3FB9] =	sst s10  }
0x38: {  	s10 =	sld [smem:$0x3FBA]  }
0x39: {  	_ = 	snop;
	(pc) =	sbr.ind lr, $3  }
0x3a: {  	_ = 	snop  }
0x3b: {  	_ = 	snop  }
0x3c: {  	p2 =	seq.s32 s10, $0x1;
	s10 =	sld [smem:$0x3FB9]  }
0x3d: {  	_ =	shalt  }
0x3e: {  	_ =	shalt  }
0x3f: {  	_ =	shalt  }
0x40: {  	_ =	shalt  }
0x41: {  	_ =	shalt  }
0x42: {  	_ =	shalt  }
0x43: {  	_ =	shalt  }
0x44: {  	_ =	shalt  }
0x45: {  	_ =	shalt  }
0x46: {  	_ =	shalt  }
0x47: {  	_ =	shalt  }
0x48: {  	_ =	shalt  }
0x49: {  	_ =	shalt  }
0x4a: {  	_ =	shalt  }
0x4b: {  	_ =	shalt  }
0x4c: {  	_ =	shalt  }
0x4d: {  	_ =	shalt  }
0x4e: {  	_ =	shalt  }
0x4f: {  	_ =	shalt  }
0x50: {  	_ =	shalt  }
0x51: {  	_ =	shalt  }
0x52: {  	_ =	shalt  }
0x53: {  	_ =	shalt  }
0x54: {  	_ =	shalt  }
0x55: {  	_ =	shalt  }
0x56: {  	_ =	shalt  }
0x57: {  	_ =	shalt  }
0x58: {  	_ =	shalt  }
0x59: {  	_ =	shalt  }
0x5a: {  	_ =	shalt  }
0x5b: {  	_ =	shalt  }
0x5c: {  	_ =	shalt  }
0x5d: {  	_ =	shalt  }
0x5e: {  	_ =	shalt  }
0x5f: {  	_ =	shalt  }
0x60: {  	_ =	shalt  }
0x61: {  	_ =	shalt  }
0x62: {  	_ =	shalt  }
0x63: {  	_ =	shalt  }
0x64: {  	_ =	shalt  }
0x65: {  	_ =	shalt  }
0x66: {  	_ =	shalt  }
0x67: {  	_ =	shalt  }
0x68: {  	_ =	shalt  }
0x69: {  	_ =	shalt  }
0x6a: {  	_ =	shalt  }
0x6b: {  	_ =	shalt  }
0x6c: {  	_ =	shalt  }
0x6d: {  	_ =	shalt  }
0x6e: {  	_ =	shalt  }
0x6f: {  	_ =	shalt  }
0x70: {  	_ =	shalt  }
0x71: {  	_ =	shalt  }
0x72: {  	_ =	shalt  }
0x73: {  	_ =	shalt  }
0x74: {  	_ =	shalt  }
0x75: {  	_ =	shalt  }
0x76: {  	_ =	shalt  }
0x77: {  	_ =	shalt  }
0x78: {  	_ =	shalt  }
0x79: {  	_ =	shalt  }
0x7a: {  	_ =	shalt  }
0x7b: {  	_ =	shalt  }
0x7c: {  	_ =	shalt  }
0x7d: {  	_ =	shalt  }
0x7e: {  	_ =	shalt  }
0x7f: {  	_ =	shalt  }
0x80: {  	_ =	shalt  }
0x81: {  	_ =	shalt  }
0x82: {  	_ =	shalt  }
0x83: {  	_ =	shalt  }
0x84: {  	_ =	shalt  }
0x85: {  	_ =	shalt  }
0x86: {  	_ =	shalt  }
0x87: {  	_ =	shalt  }
.Lfunc_end0:
.L_simem_size_0:
called_computation_lowered:
.L_overlay_start_0:
0x88: {  	s2 =	sld [smem:$0x3FD9]  }
0x89: {  	s3 =	sld [smem:$0x3FFE];
	_ =	sdelay $0x1  }
0x8a: {  	s1 =	srdreg.scid  }
0x8b: {  	s0 =	sand.u32 $0x1, s1  }
0x8c: {  	s17 =	sshll.u32 s0, $0xA;
	s2 =	sadd.s32 s3, s2  }
0x8d: {  	s2 =	sadd.s32 s2, s17  }
0x8e: {  	[smem:$0x3FC5] =	sst s2  }
0x8f: {  	_ = 	snop  }
0x90: {  	s2 =	sld [smem:$0x3FD0];
	(tm) =	ssettm $0x1  }
0x91: {  	s18 =	sld [smem:$0x3FFB];
	_ =	sdelay $0x3  }
0x92: {  	_ =	strace s18  }
0x93: {  	s3 =	sld [smem:$0x3FFC];
	_ =	sdelay $0x3  }
0x94: {  	_ =	strace s3  }
0x95: {  	s3 =	sld [smem:$0x3FFD];
	_ =	sdelay $0x3  }
0x96: {  	_ =	strace s3  }
0x97: {  	_ =	strace $0x8FFFFFFF  }
0x98: {  	s19 =	sld [smem:$0x3FDB];
	_ =	sdelay $0x1  }
0x99: {  	s4 =	simm.s32 $_scs_section_size  }
0x9a: {  	s5 =	simm.s32 $_size__tile_overlayer_lowered;
	s6 =	simm.s32 $_tile_overlayer_lowered  }
0x9b: {  	s22 =	simm.s32 $0x1BFF;
	s21 =	sshll.u32 s6, $0x1;
	s3 =	sadd.s32 s4, s19  }
0x9c: {  	s7 =	simm.s32 $0x0;
	s20 =	sshll.u32 s5, $0x1;
	s5 =	sadd.s32 s21, s3  }
0x9d: {  	[timem:s7], [sflag:s22] =	dma.local [hbm:s5], s20  }
0x9e: {  	_ =	swait.ge [sflag:s22], s20  }
0x9f: {  	s4 =	ssub.s32 $0x0, s20;
	[sflag:s22] =	ssyncset.done $0x0  }
0xa0: {  	[sflag:s22] =	ssyncadd.s32 s4;
	_ =	sdelay $0x1  }
0xa1: {  	s23 =	simm.s32 $0x1B8B  }
0xa2: {  	_ =	swait.ge [sflag:s23], $0x1  }
0xa3: {  	[sflag:s23] =	ssyncset.done $0x0  }
0xa4: {  	s25 =	simm.s32 $0x1B8E;
	s24 =	sld [smem:$0x3FFE];
	[sflag:s23] =	ssyncadd.s32 $0xFFFFFFFF  }
0xa5: {  	s26 =	simm.s32 $execute0_lowered;
	[smem:$0x3FD2] =	sst s25  }
0xa6: {  	s5 =	sshll.u32 s26, $0x1;
	_ =	strace $0x80000046;
	[dreg:$0x1] =	wrdreg $0xFFFFFFFF  }
0xa7: {  	s28 =	simm.s32 $_size_execute0_lowered;
	s3 =	sadd.s32 s3, s5;
	[dreg:$0x0] =	wrdreg $0x0  }
0xa8: {  	s5 =	sshll.u32 s28, $0x1;
	[dreg:$0x2] =	wrdreg s3  }
0xa9: {  	[dreg:$0x3] =	wrdreg s5  }
0xaa: {  	[dreg:$0x4] =	wrdreg $0xC0  }
0xab: {  	_ =	task [dreg:s7], $0x5FFFF  }
0xac: {  	[dreg:$0x1] =	wrdreg $0xFFFFFFFF  }
0xad: {  	[dreg:$0x0] =	wrdreg $0x60  }
0xae: {  	[dreg:$0x2] =	wrdreg s2  }
0xaf: {  	[dreg:$0x3] =	wrdreg s24  }
0xb0: {  	[dreg:$0x4] =	wrdreg $0x0  }
0xb1: {  	[dreg:$0x5] =	wrdreg $0x18700  }
0xb2: {  	[dreg:$0x6] =	wrdreg $0x1ACE00  }
0xb3: {  	[dreg:$0x7] =	wrdreg $0x9  }
0xb4: {  	_ =	task.clear_ibuf [dreg:s7], $0x8FFFF;
	_ =	strace $0x90000046  }
0xb5: {  	s29 =	simm.s32 $0x9;
	_ =	strace $0x80000048  }
0xb6: {  	_ =	swait.ge [sflag:s29], $0x1  }
0xb7: {  	[sflag:s29] =	ssyncadd.s32 $0xFFFFFFFF  }
0xb8: {  	_ =	strace $0x90000048  }
0xb9: {  	_ =	sfence  }
0xba: {  	s30 =	sld [smem:$0x0];
	_ =	sdelay $0x2  }
0xbb: {  	s31 =	sshll.u32 s1, $0xD;
	s1 =	sshrl.u32 s1, $0x2  }
0xbc: {  	s3 =	sand.u32 $0x4000, s31;
	s1 =	sadd.s32 s1, s30  }
0xbd: {  	s0 =	sor.u32 s3, s0;
	s1 =	sshll.u32 s1, $0x11  }
0xbe: {  	s0 =	sor.u32 s1, s0  }
0xbf: {  	s0 =	sadd.s32 $0x8F2B, s0  }
0xc0: {  	[sflag:s0] =	ssyncadd.remote.s32 $0x1  }
0xc1: {  	_ =	sfence.sel $0xFFFF  }
0xc2: {  	[dreg:$0x0] =	wrdreg $0xFFFFFFFF;
	(pc) =	sbr.abs _section_cstart, $3  }
0xc3: {  	[dreg:$0x1] =	wrdreg $0xFFFFFFFF  }
0xc4: {  	_ =	task.clear_ibuf [dreg:s7], $0x2FFFF;
	_ =	strace $0x9FFFFFFF  }
0xc5: {  	(tm) =	ssettm $0x7FFFFFFF  }
tec
execute0_lowered:
.L_overlay_start_1:
0x0: {  	(tag) =	ssettag $0x1  }
0x1: {  	s7 =	rddreg [dreg:$0x0]  }
0x2: {  	s1 =	rddreg [dreg:$0x1]  }
0x3: {  	s5 =	rddreg [dreg:$0x2]  }
0x4: {  	s3 =	rddreg [dreg:$0x3]  }
0x5: {  	s24 =	rddreg [dreg:$0x4]  }
0x6: {  	s12 =	stileid.u32;
	s2 =	simm.s32 $0x0;
	s6 =	srdreg.scid  }
0x7: {  	s0 =	smul.u32 $0x1870, s12;
	[smem:$0x7FF] =	sst s2;
	s6 =	sand.u32 $0x1, s6  }
0x8: {  	s11 =	sadd.s32 $0x188200, s1;
	_ =	strace $0x80000047;
	s9 =	sshll.u32 s6, $0x4  }
0x9: {  	[dreg:$0x6] =	wrdreg s11;
	s8 =	sshrl.u32 s0, $0x3;
	s9 =	sor.u32 s12, s9  }
0xa: {  	s22 =	sadd.s32 s0, s5;
	s10 =	sadd.s32 s8, s1;
	s9 =	smul.u32 $0x30D40, s9  }
0xb: {  	s8 =	sadd.s32 s7, s8;
	s7 =	sadd.s32 $0xC4C00, s1;
	[dreg:$0x8] =	wrdreg s22  }
0xc: {  	[dreg:$0x7] =	wrdreg s8;
	s10 =	sadd.s32 $0x188800, s10;
	s9 =	sshrl.u32 s9, $0x3  }
0xd: {  	s8 =	sadd.s32 $0x1600, s1;
	[dreg:$0x9] =	wrdreg s10;
	s23 =	sadd.s32 s7, s9  }
0xe: {  	s25 =	sadd.s32 s8, s9;
	s26 =	sadd.s32 $0x4E2, s9;
	[dreg:$0xa] =	wrdreg s23  }
0xf: {  	[dreg:$0xb] =	wrdreg s25;
	s4 =	sadd.s32 s7, s26  }
0x10: {  	s13 =	sadd.s32 $0x9C4, s9;
	s12 =	sadd.s32 s8, s26;
	[dreg:$0xc] =	wrdreg s4  }
0x11: {  	s14 =	sadd.s32 s7, s13;
	[dreg:$0xd] =	wrdreg s12  }
0x12: {  	s16 =	sadd.s32 $0xEA6, s9;
	s15 =	sadd.s32 s8, s13;
	[dreg:$0xe] =	wrdreg s14  }
0x13: {  	s17 =	sadd.s32 s7, s16;
	[dreg:$0xf] =	wrdreg s15  }
0x14: {  	s19 =	sadd.s32 $0x1388, s9;
	s18 =	sadd.s32 s8, s16;
	[dreg:$0x10] =	wrdreg s17  }
0x15: {  	s20 =	sadd.s32 s7, s19;
	[dreg:$0x11] =	wrdreg s18  }
0x16: {  	s22 =	sadd.s32 $0x186A, s9;
	s21 =	sadd.s32 s8, s19;
	[dreg:$0x12] =	wrdreg s20  }
0x17: {  	s23 =	sadd.s32 s7, s22;
	[dreg:$0x13] =	wrdreg s21  }
0x18: {  	s25 =	sadd.s32 s8, s22;
	s26 =	sadd.s32 $0x1D4C, s9;
	[dreg:$0x14] =	wrdreg s23  }
0x19: {  	[dreg:$0x15] =	wrdreg s25;
	s4 =	sadd.s32 s7, s26  }
0x1a: {  	s13 =	sadd.s32 $0x222E, s9;
	s12 =	sadd.s32 s8, s26;
	[dreg:$0x16] =	wrdreg s4  }
0x1b: {  	s28 =	simm.s32 $0x1;
	s14 =	sadd.s32 s7, s13;
	[dreg:$0x17] =	wrdreg s12  }
0x1c: {  	s16 =	sadd.s32 $0x2710, s9;
	s15 =	sadd.s32 s8, s13;
	[dreg:$0x18] =	wrdreg s14  }
0x1d: {  	s31 =	simm.s32 $0xF660;
	s17 =	sadd.s32 s7, s16;
	[dreg:$0x19] =	wrdreg s15  }
0x1e: {  	s19 =	sadd.s32 $0x2BF2, s9;
	s18 =	sadd.s32 s8, s16;
	[dreg:$0x1a] =	wrdreg s17  }
0x1f: {  	p0 =	por $0x0, $0x0;
	s20 =	sadd.s32 s7, s19;
	[dreg:$0x1b] =	wrdreg s18  }
0x20: {  	s22 =	sadd.s32 $0x30D4, s9;
	s21 =	sadd.s32 s8, s19;
	[dreg:$0x1c] =	wrdreg s20  }
0x21: {  	s30 =	simm.s32 $0xC;
	s23 =	sadd.s32 s7, s22;
	[dreg:$0x1d] =	wrdreg s21  }
0x22: {  	s25 =	sadd.s32 s8, s22;
	s26 =	sadd.s32 $0x35B6, s9;
	[dreg:$0x1e] =	wrdreg s23  }
0x23: {  	s29 =	simm.s32 $0xF;
	[dreg:$0x1f] =	wrdreg s25;
	s4 =	sadd.s32 s7, s26  }
0x24: {  	s11 =	sadd.s32 s8, s26;
	s12 =	sadd.s32 $0x3A98, s9;
	[smem:$0x7E8] =	sst s4  }
0x25: {  	s10 =	simm.s32 $0x1C550;
	[smem:$0x7E9] =	sst s11;
	s13 =	sadd.s32 s7, s12  }
0x26: {  	s15 =	sadd.s32 $0x3F7A, s9;
	s14 =	sadd.s32 s8, s12;
	[smem:$0x7EA] =	sst s13  }
0x27: {  	s18 =	sadd.s32 $0x445C, s9;
	s16 =	sadd.s32 s7, s15;
	[smem:$0x7EB] =	sst s14  }
0x28: {  	s21 =	sadd.s32 $0x493E, s9;
	s17 =	sadd.s32 s8, s15;
	[smem:$0x7EC] =	sst s16  }
0x29: {  	s25 =	sadd.s32 $0x4E20, s9;
	s19 =	sadd.s32 s7, s18;
	[smem:$0x7ED] =	sst s17  }
0x2a: {  	s26 =	smul.u32 $0x18700, s6;
	s20 =	sadd.s32 s8, s18;
	[smem:$0x7EE] =	sst s19  }
0x2b: {  	s6 =	ssub.s32 $0x2, s6;
	s22 =	sadd.s32 s7, s21;
	[smem:$0x7EF] =	sst s20  }
0x2c: {  	s23 =	sadd.s32 s8, s21;
	s4 =	sadd.s32 s7, s25;
	[smem:$0x7F0] =	sst s22  }
0x2d: {  	s11 =	sadd.s32 s8, s25;
	s25 =	simm.s32 $0x7;
	[smem:$0x7F1] =	sst s23  }
0x2e: {  	[smem:$0x7F2] =	sst s4;
	s13 =	sadd.s32 $0x5302, s9;
	s12 =	sadd.s32 s0, s26  }
0x2f: {  	[smem:$0x7F3] =	sst s11;
	s16 =	sadd.s32 $0x57E4, s9;
	s9 =	sadd.s32 $0x5CC6, s9  }
0x30: {  	s20 =	sshrl.u32 s6, $0x1;
	s22 =	sadd.s32 s0, s3;
	s0 =	sadd.s32 s0, s24  }
0x31: {  	s4 =	simm.s32 $0x10;
	s11 =	simm.s32 $0xCEE0;
	s26 =	simm.s32 $0x4  }
0x32: {  	s14 =	sadd.s32 s7, s13;
	s15 =	sadd.s32 s8, s13;
	[smem:$0x7FB] =	sst s22  }
0x33: {  	s12 =	sshrl.u32 s12, $0x3;
	s17 =	sadd.s32 s7, s16;
	[smem:$0x7FC] =	sst s0  }
0x34: {  	s18 =	sadd.s32 s8, s16;
	s7 =	sadd.s32 s7, s9;
	[smem:$0x7F4] =	sst s14  }
0x35: {  	s19 =	sadd.s32 s8, s9;
	s6 =	ssub.s32 s6, s20;
	[smem:$0x7F5] =	sst s15  }
0x36: {  	s20 =	simm.s32 $0xA760;
	s22 =	simm.s32 $0x2;
	[smem:$0x7F6] =	sst s17  }
0x37: {  	s9 =	simm.s32 $0x6;
	s8 =	simm.s32 $0x9;
	[smem:$0x7F7] =	sst s18  }
0x38: {  	s1 =	sadd.s32 s12, s1;
	[smem:$0x7F8] =	sst s7;
	s23 =	smax.u32 s6, $0x1  }
0x39: {  	[smem:$0x7F9] =	sst s19;
	s6 =	simm.s32 $0x19460;
	p1 =	sne.s32 s23, $0x1  }
.Ltmp0:
0x3a: {  	s12 =	simm.s32 $0x2710;
	s19 =	simm.s32 $0x5;
	(pc) =	sbr.rel @!p1 .LBB2_5-.Ltmp0, $4  }
0x3b: {  	s17 =	simm.s32 $0xA;
	s14 =	simm.s32 $0xD;
	s21 =	sadd.s32 $0x18BA00, s1  }
0x3c: {  	s7 =	simm.s32 $0x3;
	s1 =	sadd.s32 $0x191C00, s1;
	[smem:$0x7FA] =	sst s21  }
0x3d: {  	s18 =	simm.s32 $0xB;
	s15 =	simm.s32 $0xE;
	[smem:$0x7FD] =	sst s1  }
0x3e: {  	s0 =	sadd.s32 $0xFFFFFFFF, s23;
	s21 =	simm.s32 $0x8;
	s1 =	rddreg [dreg:$0x7]  }
0x3f: {  	[tilespmem:s6], [sflag:$0x10] =	stream.linear.gather [hbm4b:s1+s2], $0x1870, $0x38;
	[tilespmem:$0x1ECD0] =	vst v63  }
0x40: {  	_ =	swait.ge [sflag:s4], $0x1870  }
0x41: {  	[sflag:s4] =	ssyncset.done $0x0  }
0x42: {  	s9 =	rddreg [dreg:$0x8];
	[sflag:s4] =	ssyncadd.s32 $0xFFFFE790  }
0x43: {  	[spmem:s9] =	stream.linear.scatter [tilespmem:s6], [sflag:$0x10], $0x1870, $0x38;
	[tilespmem:$0x1ECD0] =	vst v63  }
0x44: {  	_ =	swait.ge [sflag:s4], $0x1870  }
0x45: {  	[sflag:s4] =	ssyncset.done $0x0  }
0x46: {  	s13 =	rddreg [dreg:$0x9];
	[sflag:s4] =	ssyncadd.s32 $0xFFFFE790  }
0x47: {  	[tilespmem:s6], [sflag:$0x10] =	stream.linear.gather [hbm4b:s13+s2], $0x1870, $0x38;
	[tilespmem:$0x1ECD0] =	vst v63  }
0x48: {  	_ =	swait.ge [sflag:s4], $0x1870  }
0x49: {  	s14 =	sld [smem:$0x7FB]  }
0x4a: {  	[sflag:s4] =	ssyncset.done $0x0  }
0x4b: {  	[sflag:s4] =	ssyncadd.s32 $0xFFFFE790  }
0x4c: {  	[spmem:s14] =	stream.linear.scatter [tilespmem:s6], [sflag:$0x10], $0x1870, $0x38;
	[tilespmem:$0x1ECD0] =	vst v63  }
0x4d: {  	_ =	swait.ge [sflag:s4], $0x1870  }
0x4e: {  	s15 =	sld [smem:$0x7FC]  }
0x4f: {  	[sflag:s4] =	ssyncset.done $0x0  }
0x50: {  	[sflag:s4] =	ssyncadd.s32 $0xFFFFE790  }
0x51: {  	[spmem:s15] =	stream.linear.scatter [tilespmem:s6], [sflag:$0x10], $0x1870, $0x38;
	[tilespmem:$0x1ECD0] =	vst v63  }
0x52: {  	_ =	swait.ge [sflag:s4], $0x1870  }
0x53: {  	[sflag:s4] =	ssyncset.done $0x0  }
0x54: {  	s16 =	rddreg [dreg:$0x6];
	[sflag:s4] =	ssyncadd.s32 $0xFFFFE790  }
0x55: {  	[tilespmem:s10], [sflag:$0x10] =	stream.linear.gather [hbm4b:s16+s2], $0x2780, $0x38;
	[tilespmem:$0x1ECD0] =	vst v63  }
0x56: {  	_ =	swait.ge [sflag:s4], $0x2780  }
0x57: {  	[sflag:s4] =	ssyncset.done $0x0  }
0x58: {  	[sflag:s4] =	ssyncadd.s32 $0xFFFFD880  }
0x59: {  	[bflag:$0x0] =	sbarrier.arrive $0xFFFF  }
0x5a: {  	s17 =	rddreg [dreg:$0xa]  }
0x5b: {  	s16 =	simm.s32 $0x30E0;
	[smem:$0x7E7] =	sst s0  }
0x5c: {  	[tilespmem:s16], [sflag:$0x1] =	stream.linear.gather [hbm4b:s17+s2], $0x2710, $0x38;
	[tilespmem:$0x1ECD0] =	vst v63  }
0x5d: {  	s18 =	rddreg [dreg:$0xb]  }
0x5e: {  	[tilespmem:s20], [sflag:$0x4] =	stream.linear.gather [hbm4b:s18+s2], $0x2710, $0x38;
	[tilespmem:$0x1ECD0] =	vst v63  }
0x5f: {  	s6 =	simm.s32 $0x5860;
	s21 =	rddreg [dreg:$0xc]  }
0x60: {  	[tilespmem:s6], [sflag:$0x2] =	stream.linear.gather [hbm4b:s21+s2], $0x2710, $0x38;
	[tilespmem:$0x1ECD0] =	vst v63  }
0x61: {  	s23 =	rddreg [dreg:$0xd]  }
0x62: {  	[tilespmem:s11], [sflag:$0x5] =	stream.linear.gather [hbm4b:s23+s2], $0x2710, $0x38;
	[tilespmem:$0x1ECD0] =	vst v63  }
0x63: {  	_ =	swait.ge [sflag:s28], $0x2710  }
0x64: {  	[sflag:s28] =	ssyncset.done $0x0  }
0x65: {  	[sflag:s28] =	ssyncadd.s32 $0xFFFFD8F0  }
0x66: {  	_ =	swait.ge [sflag:s26], $0x2710  }
0x67: {  	[sflag:s26] =	ssyncset.done $0x0  }
0x68: {  	s29 =	simm.s32 $0x11DE0;
	[sflag:s26] =	ssyncadd.s32 $0xFFFFD8F0  }
0x69: {  	[tilespmem:s29], [sflag:$0x7] =	stream.indirect.gather [spmem:s5], $0x1, s16, s12, $0xb8;
	[tilespmem:$0x1ECD0] =	vst v63  }
0x6a: {  	_ =	swait.ge [sflag:s25], $0x2710  }
0x6b: {  	[sflag:s25] =	ssyncset.done $0x0  }
0x6c: {  	[sflag:s25] =	ssyncadd.s32 $0xFFFFD8F0  }
0x6d: {  	[spmem:s3] =	stream.indirect.scatter.add.f32 [tilespmem:s29], [sflag:$0xA], $0x1, s20, s12, $0xb8;
	[tilespmem:$0x1ECD0] =	vst v63  }
0x6e: {  	_ = 	snop  }
0x6f: {  	[spmem:s24] =	stream.indirect.scatter.add.f32 [tilespmem:s10], [sflag:$0xD], $0x1, s20, s12, $0xb8;
	[tilespmem:$0x1ECD0] =	vst v63  }
0x70: {  	s30 =	simm.s32 $0x7FE0;
	s25 =	rddreg [dreg:$0xe]  }
0x71: {  	[tilespmem:s30], [sflag:$0x3] =	stream.linear.gather [hbm4b:s25+s2], $0x2710, $0x38;
	[tilespmem:$0x1ECD0] =	vst v63  }
0x72: {  	s8 =	simm.s32 $0xF660;
	s26 =	rddreg [dreg:$0xf]  }
0x73: {  	[tilespmem:s8], [sflag:$0x6] =	stream.linear.gather [hbm4b:s26+s2], $0x2710, $0x38;
	[tilespmem:$0x1ECD0] =	vst v63  }
0x74: {  	_ =	swait.ge [sflag:s22], $0x2710  }
0x75: {  	[sflag:s22] =	ssyncset.done $0x0  }
0x76: {  	[sflag:s22] =	ssyncadd.s32 $0xFFFFD8F0  }
0x77: {  	_ =	swait.ge [sflag:s19], $0x2710  }
0x78: {  	[sflag:s19] =	ssyncset.done $0x0  }
0x79: {  	s10 =	simm.s32 $0x14560;
	s22 =	simm.s32 $0x8;
	[sflag:s19] =	ssyncadd.s32 $0xFFFFD8F0  }
0x7a: {  	[tilespmem:s10], [sflag:$0x8] =	stream.indirect.gather [spmem:s5], $0x1, s6, s12, $0xb8;
	[tilespmem:$0x1ECD0] =	vst v63  }
0x7b: {  	_ =	swait.ge [sflag:s22], $0x2710  }
0x7c: {  	[sflag:s22] =	ssyncset.done $0x0  }
0x7d: {  	[sflag:s22] =	ssyncadd.s32 $0xFFFFD8F0  }
0x7e: {  	s14 =	simm.s32 $0xCEE0;
	s4 =	rddreg [dreg:$0x3]  }
0x7f: {  	[spmem:s4] =	stream.indirect.scatter.add.f32 [tilespmem:s10], [sflag:$0xB], $0x1, s14, s12, $0xb8;
	[tilespmem:$0x1ECD0] =	vst v63  }
0x80: {  	s18 =	simm.s32 $0xA;
	s11 =	simm.s32 $0x1C550  }
0x81: {  	[spmem:s24] =	stream.indirect.scatter.add.f32 [tilespmem:s11], [sflag:$0xE], $0x1, s14, s12, $0xb8;
	[tilespmem:$0x1ECD0] =	vst v63  }
0x82: {  	_ =	swait.ge [sflag:s18], $0x2710  }
0x83: {  	[sflag:s18] =	ssyncset.done $0x0  }
0x84: {  	s15 =	simm.s32 $0xD;
	[sflag:s18] =	ssyncadd.s32 $0xFFFFD8F0  }
0x85: {  	_ =	swait.ge [sflag:s15], $0x2710  }
0x86: {  	[sflag:s15] =	ssyncset.done $0x0  }
0x87: {  	s1 =	rddreg [dreg:$0x10];
	[sflag:s15] =	ssyncadd.s32 $0xFFFFD8F0  }
0x88: {  	[tilespmem:s16], [sflag:$0x1] =	stream.linear.gather [hbm4b:s1+s2], $0x2710, $0x38;
	[tilespmem:$0x1ECD0] =	vst v63  }
0x89: {  	s21 =	simm.s32 $0xA760;
	s3 =	simm.s32 $0x3;
	s4 =	rddreg [dreg:$0x11]  }
0x8a: {  	[tilespmem:s21], [sflag:$0x4] =	stream.linear.gather [hbm4b:s4+s2], $0x2710, $0x38;
	[tilespmem:$0x1ECD0] =	vst v63  }
0x8b: {  	_ =	swait.ge [sflag:s3], $0x2710  }
0x8c: {  	[sflag:s3] =	ssyncset.done $0x0  }
0x8d: {  	s7 =	simm.s32 $0x6;
	[sflag:s3] =	ssyncadd.s32 $0xFFFFD8F0  }
0x8e: {  	_ =	swait.ge [sflag:s7], $0x2710  }
0x8f: {  	[sflag:s7] =	ssyncset.done $0x0  }
0x90: {  	s9 =	simm.s32 $0x9;
	s4 =	simm.s32 $0x16CE0;
	[sflag:s7] =	ssyncadd.s32 $0xFFFFD8F0  }
0x91: {  	[tilespmem:s4], [sflag:$0x9] =	stream.indirect.gather [spmem:s5], $0x1, s30, s12, $0xb8;
	[tilespmem:$0x1ECD0] =	vst v63  }
0x92: {  	_ =	swait.ge [sflag:s9], $0x2710  }
0x93: {  	[sflag:s9] =	ssyncset.done $0x0  }
0x94: {  	[sflag:s9] =	ssyncadd.s32 $0xFFFFD8F0  }
0x95: {  	s1 =	rddreg [dreg:$0x3]  }
0x96: {  	[spmem:s1] =	stream.indirect.scatter.add.f32 [tilespmem:s4], [sflag:$0xC], $0x1, s8, s12, $0xb8;
	[tilespmem:$0x1ECD0] =	vst v63  }
0x97: {  	s19 =	simm.s32 $0xB  }
0x98: {  	[spmem:s24] =	stream.indirect.scatter.add.f32 [tilespmem:s11], [sflag:$0xF], $0x1, s8, s12, $0xb8;
	[tilespmem:$0x1ECD0] =	vst v63  }
0x99: {  	_ =	swait.ge [sflag:s19], $0x2710  }
0x9a: {  	[sflag:s19] =	ssyncset.done $0x0  }
0x9b: {  	s17 =	simm.s32 $0xE;
	[sflag:s19] =	ssyncadd.s32 $0xFFFFD8F0  }
0x9c: {  	_ =	swait.ge [sflag:s17], $0x2710  }
0x9d: {  	[sflag:s17] =	ssyncset.done $0x0  }
0x9e: {  	s0 =	rddreg [dreg:$0x12];
	[sflag:s17] =	ssyncadd.s32 $0xFFFFD8F0  }
0x9f: {  	[tilespmem:s6], [sflag:$0x2] =	stream.linear.gather [hbm4b:s0+s2], $0x2710, $0x38;
	[tilespmem:$0x1ECD0] =	vst v63  }
0xa0: {  	s13 =	simm.s32 $0x1;
	s1 =	rddreg [dreg:$0x13]  }
0xa1: {  	[tilespmem:s14], [sflag:$0x5] =	stream.linear.gather [hbm4b:s1+s2], $0x2710, $0x38;
	[tilespmem:$0x1ECD0] =	vst v63  }
0xa2: {  	_ =	swait.ge [sflag:s13], $0x2710  }
0xa3: {  	[sflag:s13] =	ssyncset.done $0x0  }
0xa4: {  	s28 =	simm.s32 $0x4;
	[sflag:s13] =	ssyncadd.s32 $0xFFFFD8F0  }
0xa5: {  	_ =	swait.ge [sflag:s28], $0x2710  }
0xa6: {  	[sflag:s28] =	ssyncset.done $0x0  }
0xa7: {  	s26 =	simm.s32 $0x7;
	[sflag:s28] =	ssyncadd.s32 $0xFFFFD8F0  }
0xa8: {  	[tilespmem:s29], [sflag:$0x7] =	stream.indirect.gather [spmem:s5], $0x1, s16, s12, $0xb8;
	[tilespmem:$0x1ECD0] =	vst v63  }
0xa9: {  	_ =	swait.ge [sflag:s26], $0x2710  }
0xaa: {  	[sflag:s26] =	ssyncset.done $0x0  }
0xab: {  	[sflag:s26] =	ssyncadd.s32 $0xFFFFD8F0  }
0xac: {  	s1 =	rddreg [dreg:$0x3]  }
0xad: {  	[spmem:s1] =	stream.indirect.scatter.add.f32 [tilespmem:s29], [sflag:$0xA], $0x1, s21, s12, $0xb8;
	[tilespmem:$0x1ECD0] =	vst v63  }
0xae: {  	s31 =	simm.s32 $0xC  }
0xaf: {  	[spmem:s24] =	stream.indirect.scatter.add.f32 [tilespmem:s11], [sflag:$0xD], $0x1, s21, s12, $0xb8;
	[tilespmem:$0x1ECD0] =	vst v63  }
0xb0: {  	_ =	swait.ge [sflag:s31], $0x2710  }
0xb1: {  	[sflag:s31] =	ssyncset.done $0x0  }
0xb2: {  	s23 =	simm.s32 $0xF;
	[sflag:s31] =	ssyncadd.s32 $0xFFFFD8F0  }
0xb3: {  	_ =	swait.ge [sflag:s23], $0x2710  }
0xb4: {  	[sflag:s23] =	ssyncset.done $0x0  }
0xb5: {  	s0 =	rddreg [dreg:$0x14];
	[sflag:s23] =	ssyncadd.s32 $0xFFFFD8F0  }
0xb6: {  	[tilespmem:s30], [sflag:$0x3] =	stream.linear.gather [hbm4b:s0+s2], $0x2710, $0x38;
	[tilespmem:$0x1ECD0] =	vst v63  }
0xb7: {  	s25 =	simm.s32 $0x2;
	s1 =	rddreg [dreg:$0x15]  }
0xb8: {  	[tilespmem:s8], [sflag:$0x6] =	stream.linear.gather [hbm4b:s1+s2], $0x2710, $0x38;
	[tilespmem:$0x1ECD0] =	vst v63  }
0xb9: {  	_ =	swait.ge [sflag:s25], $0x2710  }
0xba: {  	[sflag:s25] =	ssyncset.done $0x0  }
0xbb: {  	s20 =	simm.s32 $0x5;
	[sflag:s25] =	ssyncadd.s32 $0xFFFFD8F0  }
0xbc: {  	_ =	swait.ge [sflag:s20], $0x2710  }
0xbd: {  	[sflag:s20] =	ssyncset.done $0x0  }
0xbe: {  	[sflag:s20] =	ssyncadd.s32 $0xFFFFD8F0  }
0xbf: {  	[tilespmem:s10], [sflag:$0x8] =	stream.indirect.gather [spmem:s5], $0x1, s6, s12, $0xb8;
	[tilespmem:$0x1ECD0] =	vst v63  }
0xc0: {  	_ =	swait.ge [sflag:s22], $0x2710  }
0xc1: {  	[sflag:s22] =	ssyncset.done $0x0  }
0xc2: {  	[sflag:s22] =	ssyncadd.s32 $0xFFFFD8F0  }
0xc3: {  	s1 =	rddreg [dreg:$0x3]  }
0xc4: {  	[spmem:s1] =	stream.indirect.scatter.add.f32 [tilespmem:s10], [sflag:$0xB], $0x1, s14, s12, $0xb8;
	[tilespmem:$0x1ECD0] =	vst v63  }
0xc5: {  	_ = 	snop  }
0xc6: {  	[spmem:s24] =	stream.indirect.scatter.add.f32 [tilespmem:s11], [sflag:$0xE], $0x1, s14, s12, $0xb8;
	[tilespmem:$0x1ECD0] =	vst v63  }
0xc7: {  	_ =	swait.ge [sflag:s18], $0x2710  }
0xc8: {  	[sflag:s18] =	ssyncset.done $0x0  }
0xc9: {  	[sflag:s18] =	ssyncadd.s32 $0xFFFFD8F0  }
0xca: {  	_ =	swait.ge [sflag:s15], $0x2710  }
0xcb: {  	[sflag:s15] =	ssyncset.done $0x0  }
0xcc: {  	s0 =	rddreg [dreg:$0x16];
	[sflag:s15] =	ssyncadd.s32 $0xFFFFD8F0  }
0xcd: {  	[tilespmem:s16], [sflag:$0x1] =	stream.linear.gather [hbm4b:s0+s2], $0x2710, $0x38;
	[tilespmem:$0x1ECD0] =	vst v63  }
0xce: {  	s1 =	rddreg [dreg:$0x17]  }
0xcf: {  	[tilespmem:s21], [sflag:$0x4] =	stream.linear.gather [hbm4b:s1+s2], $0x2710, $0x38;
	[tilespmem:$0x1ECD0] =	vst v63  }
0xd0: {  	_ =	swait.ge [sflag:s3], $0x2710  }
0xd1: {  	[sflag:s3] =	ssyncset.done $0x0  }
0xd2: {  	[sflag:s3] =	ssyncadd.s32 $0xFFFFD8F0  }
0xd3: {  	_ =	swait.ge [sflag:s7], $0x2710  }
0xd4: {  	[sflag:s7] =	ssyncset.done $0x0  }
0xd5: {  	[sflag:s7] =	ssyncadd.s32 $0xFFFFD8F0  }
0xd6: {  	[tilespmem:s4], [sflag:$0x9] =	stream.indirect.gather [spmem:s5], $0x1, s30, s12, $0xb8;
	[tilespmem:$0x1ECD0] =	vst v63  }
0xd7: {  	_ =	swait.ge [sflag:s9], $0x2710  }
0xd8: {  	[sflag:s9] =	ssyncset.done $0x0  }
0xd9: {  	[sflag:s9] =	ssyncadd.s32 $0xFFFFD8F0  }
0xda: {  	s1 =	rddreg [dreg:$0x3]  }
0xdb: {  	[spmem:s1] =	stream.indirect.scatter.add.f32 [tilespmem:s4], [sflag:$0xC], $0x1, s8, s12, $0xb8;
	[tilespmem:$0x1ECD0] =	vst v63  }
0xdc: {  	_ = 	snop  }
0xdd: {  	[spmem:s24] =	stream.indirect.scatter.add.f32 [tilespmem:s11], [sflag:$0xF], $0x1, s8, s12, $0xb8;
	[tilespmem:$0x1ECD0] =	vst v63  }
0xde: {  	_ =	swait.ge [sflag:s19], $0x2710  }
0xdf: {  	[sflag:s19] =	ssyncset.done $0x0  }
0xe0: {  	[sflag:s19] =	ssyncadd.s32 $0xFFFFD8F0  }
0xe1: {  	_ =	swait.ge [sflag:s17], $0x2710  }
0xe2: {  	[sflag:s17] =	ssyncset.done $0x0  }
0xe3: {  	s0 =	rddreg [dreg:$0x18];
	[sflag:s17] =	ssyncadd.s32 $0xFFFFD8F0  }
0xe4: {  	[tilespmem:s6], [sflag:$0x2] =	stream.linear.gather [hbm4b:s0+s2], $0x2710, $0x38;
	[tilespmem:$0x1ECD0] =	vst v63  }
0xe5: {  	s1 =	rddreg [dreg:$0x19]  }
0xe6: {  	[tilespmem:s14], [sflag:$0x5] =	stream.linear.gather [hbm4b:s1+s2], $0x2710, $0x38;
	[tilespmem:$0x1ECD0] =	vst v63  }
0xe7: {  	_ =	swait.ge [sflag:s13], $0x2710  }
0xe8: {  	[sflag:s13] =	ssyncset.done $0x0  }
0xe9: {  	[sflag:s13] =	ssyncadd.s32 $0xFFFFD8F0  }
0xea: {  	_ =	swait.ge [sflag:s28], $0x2710  }
0xeb: {  	[sflag:s28] =	ssyncset.done $0x0  }
0xec: {  	[sflag:s28] =	ssyncadd.s32 $0xFFFFD8F0  }
0xed: {  	[tilespmem:s29], [sflag:$0x7] =	stream.indirect.gather [spmem:s5], $0x1, s16, s12, $0xb8;
	[tilespmem:$0x1ECD0] =	vst v63  }
0xee: {  	_ =	swait.ge [sflag:s26], $0x2710  }
0xef: {  	[sflag:s26] =	ssyncset.done $0x0  }
0xf0: {  	[sflag:s26] =	ssyncadd.s32 $0xFFFFD8F0  }
0xf1: {  	s13 =	rddreg [dreg:$0x3]  }
0xf2: {  	[spmem:s13] =	stream.indirect.scatter.add.f32 [tilespmem:s29], [sflag:$0xA], $0x1, s21, s12, $0xb8;
	[tilespmem:$0x1ECD0] =	vst v63  }
0xf3: {  	_ = 	snop  }
0xf4: {  	[spmem:s24] =	stream.indirect.scatter.add.f32 [tilespmem:s11], [sflag:$0xD], $0x1, s21, s12, $0xb8;
	[tilespmem:$0x1ECD0] =	vst v63  }
0xf5: {  	_ =	swait.ge [sflag:s31], $0x2710  }
0xf6: {  	[sflag:s31] =	ssyncset.done $0x0  }
0xf7: {  	[sflag:s31] =	ssyncadd.s32 $0xFFFFD8F0  }
0xf8: {  	_ =	swait.ge [sflag:s23], $0x2710  }
0xf9: {  	[sflag:s23] =	ssyncset.done $0x0  }
0xfa: {  	s1 =	rddreg [dreg:$0x1a];
	[sflag:s23] =	ssyncadd.s32 $0xFFFFD8F0  }
0xfb: {  	[tilespmem:s30], [sflag:$0x3] =	stream.linear.gather [hbm4b:s1+s2], $0x2710, $0x38;
	[tilespmem:$0x1ECD0] =	vst v63  }
0xfc: {  	s13 =	rddreg [dreg:$0x1b]  }
0xfd: {  	[tilespmem:s8], [sflag:$0x6] =	stream.linear.gather [hbm4b:s13+s2], $0x2710, $0x38;
	[tilespmem:$0x1ECD0] =	vst v63  }
0xfe: {  	_ =	swait.ge [sflag:s25], $0x2710  }
0xff: {  	[sflag:s25] =	ssyncset.done $0x0  }
0x100: {  	[sflag:s25] =	ssyncadd.s32 $0xFFFFD8F0  }
0x101: {  	_ =	swait.ge [sflag:s20], $0x2710  }
0x102: {  	[sflag:s20] =	ssyncset.done $0x0  }
0x103: {  	[sflag:s20] =	ssyncadd.s32 $0xFFFFD8F0  }
0x104: {  	[tilespmem:s10], [sflag:$0x8] =	stream.indirect.gather [spmem:s5], $0x1, s6, s12, $0xb8;
	[tilespmem:$0x1ECD0] =	vst v63  }
0x105: {  	_ =	swait.ge [sflag:s22], $0x2710  }
0x106: {  	[sflag:s22] =	ssyncset.done $0x0  }
0x107: {  	[sflag:s22] =	ssyncadd.s32 $0xFFFFD8F0  }
0x108: {  	s13 =	rddreg [dreg:$0x3]  }
0x109: {  	[spmem:s13] =	stream.indirect.scatter.add.f32 [tilespmem:s10], [sflag:$0xB], $0x1, s14, s12, $0xb8;
	[tilespmem:$0x1ECD0] =	vst v63  }
0x10a: {  	_ = 	snop  }
0x10b: {  	[spmem:s24] =	stream.indirect.scatter.add.f32 [tilespmem:s11], [sflag:$0xE], $0x1, s14, s12, $0xb8;
	[tilespmem:$0x1ECD0] =	vst v63  }
0x10c: {  	_ =	swait.ge [sflag:s18], $0x2710  }
0x10d: {  	[sflag:s18] =	ssyncset.done $0x0  }
0x10e: {  	[sflag:s18] =	ssyncadd.s32 $0xFFFFD8F0  }
0x10f: {  	_ =	swait.ge [sflag:s15], $0x2710  }
0x110: {  	[sflag:s15] =	ssyncset.done $0x0  }
0x111: {  	s1 =	rddreg [dreg:$0x1c];
	[sflag:s15] =	ssyncadd.s32 $0xFFFFD8F0  }
0x112: {  	[tilespmem:s16], [sflag:$0x1] =	stream.linear.gather [hbm4b:s1+s2], $0x2710, $0x38;
	[tilespmem:$0x1ECD0] =	vst v63  }
0x113: {  	s13 =	rddreg [dreg:$0x1d]  }
0x114: {  	[tilespmem:s21], [sflag:$0x4] =	stream.linear.gather [hbm4b:s13+s2], $0x2710, $0x38;
	[tilespmem:$0x1ECD0] =	vst v63  }
0x115: {  	_ =	swait.ge [sflag:s3], $0x2710  }
0x116: {  	[sflag:s3] =	ssyncset.done $0x0  }
0x117: {  	[sflag:s3] =	ssyncadd.s32 $0xFFFFD8F0  }
0x118: {  	_ =	swait.ge [sflag:s7], $0x2710  }
0x119: {  	[sflag:s7] =	ssyncset.done $0x0  }
0x11a: {  	[sflag:s7] =	ssyncadd.s32 $0xFFFFD8F0  }
0x11b: {  	[tilespmem:s4], [sflag:$0x9] =	stream.indirect.gather [spmem:s5], $0x1, s30, s12, $0xb8;
	[tilespmem:$0x1ECD0] =	vst v63  }
0x11c: {  	_ =	swait.ge [sflag:s9], $0x2710  }
0x11d: {  	[sflag:s9] =	ssyncset.done $0x0  }
0x11e: {  	[sflag:s9] =	ssyncadd.s32 $0xFFFFD8F0  }
0x11f: {  	s13 =	rddreg [dreg:$0x3]  }
0x120: {  	[spmem:s13] =	stream.indirect.scatter.add.f32 [tilespmem:s4], [sflag:$0xC], $0x1, s8, s12, $0xb8;
	[tilespmem:$0x1ECD0] =	vst v63  }
0x121: {  	_ = 	snop  }
0x122: {  	[spmem:s24] =	stream.indirect.scatter.add.f32 [tilespmem:s11], [sflag:$0xF], $0x1, s8, s12, $0xb8;
	[tilespmem:$0x1ECD0] =	vst v63  }
0x123: {  	_ =	swait.ge [sflag:s19], $0x2710  }
0x124: {  	[sflag:s19] =	ssyncset.done $0x0  }
0x125: {  	[sflag:s19] =	ssyncadd.s32 $0xFFFFD8F0  }
0x126: {  	_ =	swait.ge [sflag:s17], $0x2710  }
0x127: {  	[sflag:s17] =	ssyncset.done $0x0  }
0x128: {  	s1 =	rddreg [dreg:$0x1e];
	[sflag:s17] =	ssyncadd.s32 $0xFFFFD8F0  }
0x129: {  	[tilespmem:s6], [sflag:$0x2] =	stream.linear.gather [hbm4b:s1+s2], $0x2710, $0x38;
	[tilespmem:$0x1ECD0] =	vst v63  }
0x12a: {  	s28 =	simm.s32 $0x1;
	s13 =	rddreg [dreg:$0x1f]  }
0x12b: {  	[tilespmem:s14], [sflag:$0x5] =	stream.linear.gather [hbm4b:s13+s2], $0x2710, $0x38;
	[tilespmem:$0x1ECD0] =	vst v63  }
0x12c: {  	_ =	swait.ge [sflag:s28], $0x2710  }
0x12d: {  	[sflag:s28] =	ssyncset.done $0x0  }
0x12e: {  	s26 =	simm.s32 $0x4;
	[sflag:s28] =	ssyncadd.s32 $0xFFFFD8F0  }
0x12f: {  	_ =	swait.ge [sflag:s26], $0x2710  }
0x130: {  	[sflag:s26] =	ssyncset.done $0x0  }
0x131: {  	s25 =	simm.s32 $0x7;
	[sflag:s26] =	ssyncadd.s32 $0xFFFFD8F0  }
0x132: {  	[tilespmem:s29], [sflag:$0x7] =	stream.indirect.gather [spmem:s5], $0x1, s16, s12, $0xb8;
	[tilespmem:$0x1ECD0] =	vst v63  }
0x133: {  	_ =	swait.ge [sflag:s25], $0x2710  }
0x134: {  	[sflag:s25] =	ssyncset.done $0x0  }
0x135: {  	[sflag:s25] =	ssyncadd.s32 $0xFFFFD8F0  }
0x136: {  	s13 =	rddreg [dreg:$0x3]  }
0x137: {  	[spmem:s13] =	stream.indirect.scatter.add.f32 [tilespmem:s29], [sflag:$0xA], $0x1, s21, s12, $0xb8;
	[tilespmem:$0x1ECD0] =	vst v63  }
0x138: {  	_ = 	snop  }
0x139: {  	[spmem:s24] =	stream.indirect.scatter.add.f32 [tilespmem:s11], [sflag:$0xD], $0x1, s21, s12, $0xb8;
	[tilespmem:$0x1ECD0] =	vst v63  }
0x13a: {  	_ =	swait.ge [sflag:s31], $0x2710  }
0x13b: {  	[sflag:s31] =	ssyncset.done $0x0  }
0x13c: {  	[sflag:s31] =	ssyncadd.s32 $0xFFFFD8F0  }
0x13d: {  	_ =	swait.ge [sflag:s23], $0x2710  }
0x13e: {  	s1 =	sld [smem:$0x7E8]  }
0x13f: {  	[sflag:s23] =	ssyncset.done $0x0  }
0x140: {  	s13 =	sld [smem:$0x7E9];
	[sflag:s23] =	ssyncadd.s32 $0xFFFFD8F0  }
0x141: {  	[tilespmem:s30], [sflag:$0x3] =	stream.linear.gather [hbm4b:s1+s2], $0x2710, $0x38;
	[tilespmem:$0x1ECD0] =	vst v63  }
0x142: {  	s22 =	simm.s32 $0x2  }
0x143: {  	[tilespmem:s8], [sflag:$0x6] =	stream.linear.gather [hbm4b:s13+s2], $0x2710, $0x38;
	[tilespmem:$0x1ECD0] =	vst v63  }
0x144: {  	_ =	swait.ge [sflag:s22], $0x2710  }
0x145: {  	[sflag:s22] =	ssyncset.done $0x0  }
0x146: {  	[sflag:s22] =	ssyncadd.s32 $0xFFFFD8F0  }
0x147: {  	_ =	swait.ge [sflag:s20], $0x2710  }
0x148: {  	[sflag:s20] =	ssyncset.done $0x0  }
0x149: {  	s21 =	simm.s32 $0x8;
	[sflag:s20] =	ssyncadd.s32 $0xFFFFD8F0  }
0x14a: {  	[tilespmem:s10], [sflag:$0x8] =	stream.indirect.gather [spmem:s5], $0x1, s6, s12, $0xb8;
	[tilespmem:$0x1ECD0] =	vst v63  }
0x14b: {  	_ =	swait.ge [sflag:s21], $0x2710  }
0x14c: {  	[sflag:s21] =	ssyncset.done $0x0  }
0x14d: {  	[sflag:s21] =	ssyncadd.s32 $0xFFFFD8F0  }
0x14e: {  	s13 =	rddreg [dreg:$0x3]  }
0x14f: {  	[spmem:s13] =	stream.indirect.scatter.add.f32 [tilespmem:s10], [sflag:$0xB], $0x1, s14, s12, $0xb8;
	[tilespmem:$0x1ECD0] =	vst v63  }
0x150: {  	_ = 	snop  }
0x151: {  	[spmem:s24] =	stream.indirect.scatter.add.f32 [tilespmem:s11], [sflag:$0xE], $0x1, s14, s12, $0xb8;
	[tilespmem:$0x1ECD0] =	vst v63  }
0x152: {  	_ =	swait.ge [sflag:s18], $0x2710  }
0x153: {  	[sflag:s18] =	ssyncset.done $0x0  }
0x154: {  	[sflag:s18] =	ssyncadd.s32 $0xFFFFD8F0  }
0x155: {  	_ =	swait.ge [sflag:s15], $0x2710  }
0x156: {  	s1 =	sld [smem:$0x7EA]  }
0x157: {  	[sflag:s15] =	ssyncset.done $0x0  }
0x158: {  	s13 =	sld [smem:$0x7EB];
	[sflag:s15] =	ssyncadd.s32 $0xFFFFD8F0  }
0x159: {  	[tilespmem:s16], [sflag:$0x1] =	stream.linear.gather [hbm4b:s1+s2], $0x2710, $0x38;
	[tilespmem:$0x1ECD0] =	vst v63  }
0x15a: {  	s20 =	simm.s32 $0xA760  }
0x15b: {  	[tilespmem:s20], [sflag:$0x4] =	stream.linear.gather [hbm4b:s13+s2], $0x2710, $0x38;
	[tilespmem:$0x1ECD0] =	vst v63  }
0x15c: {  	_ =	swait.ge [sflag:s3], $0x2710  }
0x15d: {  	[sflag:s3] =	ssyncset.done $0x0  }
0x15e: {  	[sflag:s3] =	ssyncadd.s32 $0xFFFFD8F0  }
0x15f: {  	_ =	swait.ge [sflag:s7], $0x2710  }
0x160: {  	[sflag:s7] =	ssyncset.done $0x0  }
0x161: {  	[sflag:s7] =	ssyncadd.s32 $0xFFFFD8F0  }
0x162: {  	[tilespmem:s4], [sflag:$0x9] =	stream.indirect.gather [spmem:s5], $0x1, s30, s12, $0xb8;
	[tilespmem:$0x1ECD0] =	vst v63  }
0x163: {  	_ =	swait.ge [sflag:s9], $0x2710  }
0x164: {  	[sflag:s9] =	ssyncset.done $0x0  }
0x165: {  	[sflag:s9] =	ssyncadd.s32 $0xFFFFD8F0  }
0x166: {  	s13 =	rddreg [dreg:$0x3]  }
0x167: {  	[spmem:s13] =	stream.indirect.scatter.add.f32 [tilespmem:s4], [sflag:$0xC], $0x1, s8, s12, $0xb8;
	[tilespmem:$0x1ECD0] =	vst v63  }
0x168: {  	_ = 	snop  }
0x169: {  	[spmem:s24] =	stream.indirect.scatter.add.f32 [tilespmem:s11], [sflag:$0xF], $0x1, s8, s12, $0xb8;
	[tilespmem:$0x1ECD0] =	vst v63  }
0x16a: {  	_ =	swait.ge [sflag:s19], $0x2710  }
0x16b: {  	[sflag:s19] =	ssyncset.done $0x0  }
0x16c: {  	[sflag:s19] =	ssyncadd.s32 $0xFFFFD8F0  }
0x16d: {  	_ =	swait.ge [sflag:s17], $0x2710  }
0x16e: {  	s1 =	sld [smem:$0x7EC]  }
0x16f: {  	[sflag:s17] =	ssyncset.done $0x0  }
0x170: {  	s13 =	sld [smem:$0x7ED];
	[sflag:s17] =	ssyncadd.s32 $0xFFFFD8F0  }
0x171: {  	[tilespmem:s6], [sflag:$0x2] =	stream.linear.gather [hbm4b:s1+s2], $0x2710, $0x38;
	[tilespmem:$0x1ECD0] =	vst v63  }
0x172: {  	_ = 	snop  }
0x173: {  	[tilespmem:s14], [sflag:$0x5] =	stream.linear.gather [hbm4b:s13+s2], $0x2710, $0x38;
	[tilespmem:$0x1ECD0] =	vst v63  }
0x174: {  	_ =	swait.ge [sflag:s28], $0x2710  }
0x175: {  	[sflag:s28] =	ssyncset.done $0x0  }
0x176: {  	[sflag:s28] =	ssyncadd.s32 $0xFFFFD8F0  }
0x177: {  	_ =	swait.ge [sflag:s26], $0x2710  }
0x178: {  	[sflag:s26] =	ssyncset.done $0x0  }
0x179: {  	[sflag:s26] =	ssyncadd.s32 $0xFFFFD8F0  }
0x17a: {  	[tilespmem:s29], [sflag:$0x7] =	stream.indirect.gather [spmem:s5], $0x1, s16, s12, $0xb8;
	[tilespmem:$0x1ECD0] =	vst v63  }
0x17b: {  	_ =	swait.ge [sflag:s25], $0x2710  }
0x17c: {  	[sflag:s25] =	ssyncset.done $0x0  }
0x17d: {  	[sflag:s25] =	ssyncadd.s32 $0xFFFFD8F0  }
0x17e: {  	s13 =	rddreg [dreg:$0x3]  }
0x17f: {  	[spmem:s13] =	stream.indirect.scatter.add.f32 [tilespmem:s29], [sflag:$0xA], $0x1, s20, s12, $0xb8;
	[tilespmem:$0x1ECD0] =	vst v63  }
0x180: {  	_ = 	snop  }
0x181: {  	[spmem:s24] =	stream.indirect.scatter.add.f32 [tilespmem:s11], [sflag:$0xD], $0x1, s20, s12, $0xb8;
	[tilespmem:$0x1ECD0] =	vst v63  }
0x182: {  	_ =	swait.ge [sflag:s31], $0x2710  }
0x183: {  	[sflag:s31] =	ssyncset.done $0x0  }
0x184: {  	[sflag:s31] =	ssyncadd.s32 $0xFFFFD8F0  }
0x185: {  	_ =	swait.ge [sflag:s23], $0x2710  }
0x186: {  	s1 =	sld [smem:$0x7EE]  }
0x187: {  	[sflag:s23] =	ssyncset.done $0x0  }
0x188: {  	s13 =	sld [smem:$0x7EF];
	[sflag:s23] =	ssyncadd.s32 $0xFFFFD8F0  }
0x189: {  	[tilespmem:s30], [sflag:$0x3] =	stream.linear.gather [hbm4b:s1+s2], $0x2710, $0x38;
	[tilespmem:$0x1ECD0] =	vst v63  }
0x18a: {  	_ = 	snop  }
0x18b: {  	[tilespmem:s8], [sflag:$0x6] =	stream.linear.gather [hbm4b:s13+s2], $0x2710, $0x38;
	[tilespmem:$0x1ECD0] =	vst v63  }
0x18c: {  	_ =	swait.ge [sflag:s22], $0x2710  }
0x18d: {  	[sflag:s22] =	ssyncset.done $0x0  }
0x18e: {  	s19 =	simm.s32 $0x5;
	[sflag:s22] =	ssyncadd.s32 $0xFFFFD8F0  }
0x18f: {  	_ =	swait.ge [sflag:s19], $0x2710  }
0x190: {  	[sflag:s19] =	ssyncset.done $0x0  }
0x191: {  	[sflag:s19] =	ssyncadd.s32 $0xFFFFD8F0  }
0x192: {  	[tilespmem:s10], [sflag:$0x8] =	stream.indirect.gather [spmem:s5], $0x1, s6, s12, $0xb8;
	[tilespmem:$0x1ECD0] =	vst v63  }
0x193: {  	_ =	swait.ge [sflag:s21], $0x2710  }
0x194: {  	[sflag:s21] =	ssyncset.done $0x0  }
0x195: {  	[sflag:s21] =	ssyncadd.s32 $0xFFFFD8F0  }
0x196: {  	s13 =	rddreg [dreg:$0x3]  }
0x197: {  	[spmem:s13] =	stream.indirect.scatter.add.f32 [tilespmem:s10], [sflag:$0xB], $0x1, s14, s12, $0xb8;
	[tilespmem:$0x1ECD0] =	vst v63  }
0x198: {  	_ = 	snop  }
0x199: {  	[spmem:s24] =	stream.indirect.scatter.add.f32 [tilespmem:s11], [sflag:$0xE], $0x1, s14, s12, $0xb8;
	[tilespmem:$0x1ECD0] =	vst v63  }
0x19a: {  	_ =	swait.ge [sflag:s18], $0x2710  }
0x19b: {  	[sflag:s18] =	ssyncset.done $0x0  }
0x19c: {  	[sflag:s18] =	ssyncadd.s32 $0xFFFFD8F0  }
0x19d: {  	_ =	swait.ge [sflag:s15], $0x2710  }
0x19e: {  	s1 =	sld [smem:$0x7F0]  }
0x19f: {  	[sflag:s15] =	ssyncset.done $0x0  }
0x1a0: {  	s13 =	sld [smem:$0x7F1];
	[sflag:s15] =	ssyncadd.s32 $0xFFFFD8F0  }
0x1a1: {  	[tilespmem:s16], [sflag:$0x1] =	stream.linear.gather [hbm4b:s1+s2], $0x2710, $0x38;
	[tilespmem:$0x1ECD0] =	vst v63  }
0x1a2: {  	_ = 	snop  }
0x1a3: {  	[tilespmem:s20], [sflag:$0x4] =	stream.linear.gather [hbm4b:s13+s2], $0x2710, $0x38;
	[tilespmem:$0x1ECD0] =	vst v63  }
0x1a4: {  	_ =	swait.ge [sflag:s3], $0x2710  }
0x1a5: {  	[sflag:s3] =	ssyncset.done $0x0  }
0x1a6: {  	[sflag:s3] =	ssyncadd.s32 $0xFFFFD8F0  }
0x1a7: {  	s3 =	rddreg [dreg:$0x3];
	_ =	swait.ge [sflag:s7], $0x2710  }
0x1a8: {  	[sflag:s7] =	ssyncset.done $0x0  }
0x1a9: {  	[sflag:s7] =	ssyncadd.s32 $0xFFFFD8F0  }
0x1aa: {  	[tilespmem:s4], [sflag:$0x9] =	stream.indirect.gather [spmem:s5], $0x1, s30, s12, $0xb8;
	[tilespmem:$0x1ECD0] =	vst v63  }
0x1ab: {  	_ =	swait.ge [sflag:s9], $0x2710  }
0x1ac: {  	[sflag:s9] =	ssyncset.done $0x0  }
0x1ad: {  	[sflag:s9] =	ssyncadd.s32 $0xFFFFD8F0  }
0x1ae: {  	[spmem:s3] =	stream.indirect.scatter.add.f32 [tilespmem:s4], [sflag:$0xC], $0x1, s8, s12, $0xb8;
	[tilespmem:$0x1ECD0] =	vst v63  }
0x1af: {  	s18 =	simm.s32 $0xB  }
0x1b0: {  	[spmem:s24] =	stream.indirect.scatter.add.f32 [tilespmem:s11], [sflag:$0xF], $0x1, s8, s12, $0xb8;
	[tilespmem:$0x1ECD0] =	vst v63  }
0x1b1: {  	_ =	swait.ge [sflag:s18], $0x2710  }
0x1b2: {  	[sflag:s18] =	ssyncset.done $0x0  }
0x1b3: {  	[sflag:s18] =	ssyncadd.s32 $0xFFFFD8F0  }
0x1b4: {  	_ =	swait.ge [sflag:s17], $0x2710  }
0x1b5: {  	s1 =	sld [smem:$0x7F2]  }
0x1b6: {  	[sflag:s17] =	ssyncset.done $0x0  }
0x1b7: {  	s13 =	sld [smem:$0x7F3];
	[sflag:s17] =	ssyncadd.s32 $0xFFFFD8F0  }
0x1b8: {  	[tilespmem:s6], [sflag:$0x2] =	stream.linear.gather [hbm4b:s1+s2], $0x2710, $0x38;
	[tilespmem:$0x1ECD0] =	vst v63  }
0x1b9: {  	_ = 	snop  }
0x1ba: {  	[tilespmem:s14], [sflag:$0x5] =	stream.linear.gather [hbm4b:s13+s2], $0x2710, $0x38;
	[tilespmem:$0x1ECD0] =	vst v63  }
0x1bb: {  	_ =	swait.ge [sflag:s28], $0x2710  }
0x1bc: {  	[sflag:s28] =	ssyncset.done $0x0  }
0x1bd: {  	[sflag:s28] =	ssyncadd.s32 $0xFFFFD8F0  }
0x1be: {  	_ =	swait.ge [sflag:s26], $0x2710  }
0x1bf: {  	[sflag:s26] =	ssyncset.done $0x0  }
0x1c0: {  	[sflag:s26] =	ssyncadd.s32 $0xFFFFD8F0  }
0x1c1: {  	[tilespmem:s29], [sflag:$0x7] =	stream.indirect.gather [spmem:s5], $0x1, s16, s12, $0xb8;
	[tilespmem:$0x1ECD0] =	vst v63  }
0x1c2: {  	_ =	swait.ge [sflag:s25], $0x2710  }
0x1c3: {  	[sflag:s25] =	ssyncset.done $0x0  }
0x1c4: {  	[sflag:s25] =	ssyncadd.s32 $0xFFFFD8F0  }
0x1c5: {  	[spmem:s3] =	stream.indirect.scatter.add.f32 [tilespmem:s29], [sflag:$0xA], $0x1, s20, s12, $0xb8;
	[tilespmem:$0x1ECD0] =	vst v63  }
0x1c6: {  	_ = 	snop  }
0x1c7: {  	[spmem:s24] =	stream.indirect.scatter.add.f32 [tilespmem:s11], [sflag:$0xD], $0x1, s20, s12, $0xb8;
	[tilespmem:$0x1ECD0] =	vst v63  }
0x1c8: {  	_ =	swait.ge [sflag:s31], $0x2710  }
0x1c9: {  	[sflag:s31] =	ssyncset.done $0x0  }
0x1ca: {  	[sflag:s31] =	ssyncadd.s32 $0xFFFFD8F0  }
0x1cb: {  	_ =	swait.ge [sflag:s23], $0x2710  }
0x1cc: {  	s13 =	sld [smem:$0x7F4]  }
0x1cd: {  	[sflag:s23] =	ssyncset.done $0x0  }
0x1ce: {  	[sflag:s23] =	ssyncadd.s32 $0xFFFFD8F0;
	s23 =	sld [smem:$0x7F5]  }
0x1cf: {  	[tilespmem:s30], [sflag:$0x3] =	stream.linear.gather [hbm4b:s13+s2], $0x2710, $0x38;
	[tilespmem:$0x1ECD0] =	vst v63  }
0x1d0: {  	s31 =	simm.s32 $0xF660  }
0x1d1: {  	[tilespmem:s31], [sflag:$0x6] =	stream.linear.gather [hbm4b:s23+s2], $0x2710, $0x38;
	[tilespmem:$0x1ECD0] =	vst v63  }
0x1d2: {  	_ =	swait.ge [sflag:s22], $0x2710  }
0x1d3: {  	[sflag:s22] =	ssyncset.done $0x0  }
0x1d4: {  	[sflag:s22] =	ssyncadd.s32 $0xFFFFD8F0  }
0x1d5: {  	_ =	swait.ge [sflag:s19], $0x2710  }
0x1d6: {  	[sflag:s19] =	ssyncset.done $0x0  }
0x1d7: {  	[sflag:s19] =	ssyncadd.s32 $0xFFFFD8F0  }
0x1d8: {  	[tilespmem:s10], [sflag:$0x8] =	stream.indirect.gather [spmem:s5], $0x1, s6, s12, $0xb8;
	[tilespmem:$0x1ECD0] =	vst v63  }
0x1d9: {  	_ =	swait.ge [sflag:s21], $0x2710  }
0x1da: {  	[sflag:s21] =	ssyncset.done $0x0  }
0x1db: {  	[sflag:s21] =	ssyncadd.s32 $0xFFFFD8F0  }
0x1dc: {  	[spmem:s3] =	stream.indirect.scatter.add.f32 [tilespmem:s10], [sflag:$0xB], $0x1, s14, s12, $0xb8;
	[tilespmem:$0x1ECD0] =	vst v63  }
0x1dd: {  	s17 =	simm.s32 $0xA  }
0x1de: {  	[spmem:s24] =	stream.indirect.scatter.add.f32 [tilespmem:s11], [sflag:$0xE], $0x1, s14, s12, $0xb8;
	[tilespmem:$0x1ECD0] =	vst v63  }
0x1df: {  	_ =	swait.ge [sflag:s17], $0x2710  }
0x1e0: {  	[sflag:s17] =	ssyncset.done $0x0  }
0x1e1: {  	[sflag:s17] =	ssyncadd.s32 $0xFFFFD8F0  }
0x1e2: {  	_ =	swait.ge [sflag:s15], $0x2710  }
0x1e3: {  	s13 =	sld [smem:$0x7F6]  }
0x1e4: {  	[sflag:s15] =	ssyncset.done $0x0  }
0x1e5: {  	s23 =	sld [smem:$0x7F7];
	[sflag:s15] =	ssyncadd.s32 $0xFFFFD8F0  }
0x1e6: {  	[tilespmem:s16], [sflag:$0x1] =	stream.linear.gather [hbm4b:s13+s2], $0x2710, $0x38;
	[tilespmem:$0x1ECD0] =	vst v63  }
0x1e7: {  	s7 =	simm.s32 $0x3  }
0x1e8: {  	[tilespmem:s20], [sflag:$0x4] =	stream.linear.gather [hbm4b:s23+s2], $0x2710, $0x38;
	[tilespmem:$0x1ECD0] =	vst v63  }
0x1e9: {  	_ =	swait.ge [sflag:s7], $0x2710  }
0x1ea: {  	[sflag:s7] =	ssyncset.done $0x0  }
0x1eb: {  	s9 =	simm.s32 $0x6;
	[sflag:s7] =	ssyncadd.s32 $0xFFFFD8F0  }
0x1ec: {  	_ =	swait.ge [sflag:s9], $0x2710  }
0x1ed: {  	[sflag:s9] =	ssyncset.done $0x0  }
0x1ee: {  	s8 =	simm.s32 $0x9;
	[sflag:s9] =	ssyncadd.s32 $0xFFFFD8F0  }
0x1ef: {  	[tilespmem:s4], [sflag:$0x9] =	stream.indirect.gather [spmem:s5], $0x1, s30, s12, $0xb8;
	[tilespmem:$0x1ECD0] =	vst v63  }
0x1f0: {  	_ =	swait.ge [sflag:s8], $0x2710  }
0x1f1: {  	[sflag:s8] =	ssyncset.done $0x0  }
0x1f2: {  	[sflag:s8] =	ssyncadd.s32 $0xFFFFD8F0  }
0x1f3: {  	[spmem:s3] =	stream.indirect.scatter.add.f32 [tilespmem:s4], [sflag:$0xC], $0x1, s31, s12, $0xb8;
	[tilespmem:$0x1ECD0] =	vst v63  }
0x1f4: {  	_ = 	snop  }
0x1f5: {  	[spmem:s24] =	stream.indirect.scatter.add.f32 [tilespmem:s11], [sflag:$0xF], $0x1, s31, s12, $0xb8;
	[tilespmem:$0x1ECD0] =	vst v63  }
0x1f6: {  	_ =	swait.ge [sflag:s18], $0x2710  }
0x1f7: {  	[sflag:s18] =	ssyncset.done $0x0  }
0x1f8: {  	s15 =	simm.s32 $0xE;
	[sflag:s18] =	ssyncadd.s32 $0xFFFFD8F0  }
0x1f9: {  	_ =	swait.ge [sflag:s15], $0x2710  }
0x1fa: {  	s13 =	sld [smem:$0x7F8]  }
0x1fb: {  	[sflag:s15] =	ssyncset.done $0x0  }
0x1fc: {  	s23 =	sld [smem:$0x7F9];
	[sflag:s15] =	ssyncadd.s32 $0xFFFFD8F0  }
0x1fd: {  	[tilespmem:s6], [sflag:$0x2] =	stream.linear.gather [hbm4b:s13+s2], $0x2710, $0x38;
	[tilespmem:$0x1ECD0] =	vst v63  }
0x1fe: {  	_ = 	snop  }
0x1ff: {  	[tilespmem:s14], [sflag:$0x5] =	stream.linear.gather [hbm4b:s23+s2], $0x2710, $0x38;
	[tilespmem:$0x1ECD0] =	vst v63  }
0x200: {  	_ =	swait.ge [sflag:s28], $0x2710  }
0x201: {  	[sflag:s28] =	ssyncset.done $0x0  }
0x202: {  	[sflag:s28] =	ssyncadd.s32 $0xFFFFD8F0  }
0x203: {  	_ =	swait.ge [sflag:s26], $0x2710  }
0x204: {  	[sflag:s26] =	ssyncset.done $0x0  }
0x205: {  	[sflag:s26] =	ssyncadd.s32 $0xFFFFD8F0  }
0x206: {  	[tilespmem:s29], [sflag:$0x7] =	stream.indirect.gather [spmem:s5], $0x1, s16, s12, $0xb8;
	[tilespmem:$0x1ECD0] =	vst v63  }
0x207: {  	_ =	swait.ge [sflag:s25], $0x2710  }
0x208: {  	[sflag:s25] =	ssyncset.done $0x0  }
0x209: {  	[sflag:s25] =	ssyncadd.s32 $0xFFFFD8F0  }
0x20a: {  	[spmem:s3] =	stream.indirect.scatter.add.f32 [tilespmem:s29], [sflag:$0xA], $0x1, s20, s12, $0xb8;
	[tilespmem:$0x1ECD0] =	vst v63  }
0x20b: {  	s30 =	simm.s32 $0xC  }
0x20c: {  	[spmem:s24] =	stream.indirect.scatter.add.f32 [tilespmem:s11], [sflag:$0xD], $0x1, s20, s12, $0xb8;
	[tilespmem:$0x1ECD0] =	vst v63  }
0x20d: {  	_ =	swait.ge [sflag:s30], $0x2710  }
0x20e: {  	[sflag:s30] =	ssyncset.done $0x0  }
0x20f: {  	s29 =	simm.s32 $0xF;
	[sflag:s30] =	ssyncadd.s32 $0xFFFFD8F0  }
0x210: {  	_ =	swait.ge [sflag:s29], $0x2710  }
0x211: {  	[sflag:s29] =	ssyncset.done $0x0  }
0x212: {  	[sflag:s29] =	ssyncadd.s32 $0xFFFFD8F0  }
0x213: {  	_ =	swait.ge [sflag:s22], $0x2710  }
0x214: {  	[sflag:s22] =	ssyncset.done $0x0  }
0x215: {  	[sflag:s22] =	ssyncadd.s32 $0xFFFFD8F0  }
0x216: {  	_ =	swait.ge [sflag:s19], $0x2710  }
0x217: {  	[sflag:s19] =	ssyncset.done $0x0  }
0x218: {  	[sflag:s19] =	ssyncadd.s32 $0xFFFFD8F0  }
0x219: {  	[tilespmem:s10], [sflag:$0x8] =	stream.indirect.gather [spmem:s5], $0x1, s6, s12, $0xb8;
	[tilespmem:$0x1ECD0] =	vst v63  }
0x21a: {  	_ =	swait.ge [sflag:s21], $0x2710  }
0x21b: {  	[sflag:s21] =	ssyncset.done $0x0  }
0x21c: {  	s11 =	simm.s32 $0xCEE0;
	[sflag:s21] =	ssyncadd.s32 $0xFFFFD8F0  }
0x21d: {  	[spmem:s3] =	stream.indirect.scatter.add.f32 [tilespmem:s10], [sflag:$0xB], $0x1, s11, s12, $0xb8;
	[tilespmem:$0x1ECD0] =	vst v63  }
0x21e: {  	s10 =	simm.s32 $0x1C550  }
0x21f: {  	[spmem:s24] =	stream.indirect.scatter.add.f32 [tilespmem:s10], [sflag:$0xE], $0x1, s11, s12, $0xb8;
	[tilespmem:$0x1ECD0] =	vst v63  }
0x220: {  	_ =	swait.ge [sflag:s17], $0x2710  }
0x221: {  	[sflag:s17] =	ssyncset.done $0x0  }
0x222: {  	s14 =	simm.s32 $0xD;
	[sflag:s17] =	ssyncadd.s32 $0xFFFFD8F0  }
0x223: {  	_ =	swait.ge [sflag:s14], $0x2710  }
0x224: {  	[sflag:s14] =	ssyncset.done $0x0  }
0x225: {  	[sflag:s14] =	ssyncadd.s32 $0xFFFFD8F0  }
0x226: {  	_ =	swait.ge [sflag:s18], $0x2710  }
0x227: {  	[sflag:s18] =	ssyncset.done $0x0  }
0x228: {  	[sflag:s18] =	ssyncadd.s32 $0xFFFFD8F0  }
0x229: {  	_ =	swait.ge [sflag:s15], $0x2710  }
0x22a: {  	[sflag:s15] =	ssyncset.done $0x0  }
0x22b: {  	[sflag:s15] =	ssyncadd.s32 $0xFFFFD8F0  }
0x22c: {  	[bflag:$0x0] =	sbarrier.arrive $0xFFFF  }
0x22d: {  	s1 =	sld [smem:$0x7FB];
	_ =	sdelay $0x1  }
0x22e: {  	s4 =	simm.s32 $0x10;
	s5 =	simm.s32 $0x19460  }
0x22f: {  	[tilespmem:s5], [sflag:$0x10] =	stream.linear.gather [spmem:s1], $0x1870, $0x38;
	[tilespmem:$0x1ECD0] =	vst v63  }
0x230: {  	_ =	swait.ge [sflag:s4], $0x1870  }
0x231: {  	s6 =	sld [smem:$0x7FA]  }
0x232: {  	[sflag:s4] =	ssyncset.done $0x0  }
0x233: {  	[sflag:s4] =	ssyncadd.s32 $0xFFFFE790  }
0x234: {  	[hbm4b:s6+s2] =	stream.linear.scatter [tilespmem:s5], [sflag:$0x10], $0x1870, $0x38;
	[tilespmem:$0x1ECD0] =	vst v63  }
0x235: {  	_ =	swait.ge [sflag:s4], $0x1870  }
0x236: {  	s13 =	sld [smem:$0x7FC]  }
0x237: {  	[sflag:s4] =	ssyncset.done $0x0  }
0x238: {  	[sflag:s4] =	ssyncadd.s32 $0xFFFFE790  }
0x239: {  	[tilespmem:s5], [sflag:$0x10] =	stream.linear.gather [spmem:s13], $0x1870, $0x38;
	[tilespmem:$0x1ECD0] =	vst v63  }
0x23a: {  	_ =	swait.ge [sflag:s4], $0x1870  }
0x23b: {  	s24 =	sld [smem:$0x7E7];
	_ =	sdelay $0x2  }
0x23c: {  	s23 =	sld [smem:$0x7FD];
	p1 =	sne.s32 s24, $0x1  }
.Ltmp1:
0x23d: {  	[sflag:s4] =	ssyncset.done $0x0;
	(pc) =	sbr.rel @!p1 .LBB2_6-.Ltmp1, $4  }
0x23e: {  	s16 =	simm.s32 $0x19460;
	[sflag:s4] =	ssyncadd.s32 $0xFFFFE790  }
0x23f: {  	[hbm4b:s23+s2] =	stream.linear.scatter [tilespmem:s16], [sflag:$0x10], $0x1870, $0x38;
	[tilespmem:$0x1ECD0] =	vst v63  }
0x240: {  	p0 =	por $0x1, $0x1;
	s13 =	simm.s32 $0x19460;
	_ =	swait.ge [sflag:s4], $0x1870  }
0x241: {  	s0 =	sadd.s32 $0xFFFFFFFF, s24;
	s1 =	rddreg [dreg:$0x7];
	[sflag:s4] =	ssyncset.done $0x0  }
0x242: {  	s16 =	simm.s32 $0x30E0  }
0x243: {  	s24 =	simm.s32 $0x5860;
	s23 =	simm.s32 $0xF;
	s6 =	simm.s32 $0x16CE0  }
.LBB2_3:
0x244: {  	s21 =	sadd.s32 $0xFFFFFFFF, s0  }
0x245: {  	[sflag:s4] =	ssyncadd.s32 $0xFFFFE790;
	[smem:$0x7E6] =	sst s21  }
0x246: {  	[tilespmem:s13], [sflag:$0x10] =	stream.linear.gather [hbm4b:s1+s2], $0x1870, $0x38;
	[tilespmem:$0x1ECD0] =	vst v63  }
0x247: {  	_ =	swait.ge [sflag:s4], $0x1870  }
0x248: {  	[sflag:s4] =	ssyncset.done $0x0  }
0x249: {  	s5 =	rddreg [dreg:$0x8];
	[sflag:s4] =	ssyncadd.s32 $0xFFFFE790  }
0x24a: {  	[spmem:s5] =	stream.linear.scatter [tilespmem:s13], [sflag:$0x10], $0x1870, $0x38;
	[tilespmem:$0x1ECD0] =	vst v63  }
0x24b: {  	_ =	swait.ge [sflag:s4], $0x1870  }
0x24c: {  	[sflag:s4] =	ssyncset.done $0x0  }
0x24d: {  	s7 =	rddreg [dreg:$0x9];
	[sflag:s4] =	ssyncadd.s32 $0xFFFFE790  }
0x24e: {  	[tilespmem:s13], [sflag:$0x10] =	stream.linear.gather [hbm4b:s7+s2], $0x1870, $0x38;
	[tilespmem:$0x1ECD0] =	vst v63  }
0x24f: {  	_ =	swait.ge [sflag:s4], $0x1870  }
0x250: {  	s8 =	sld [smem:$0x7FB]  }
0x251: {  	[sflag:s4] =	ssyncset.done $0x0  }
0x252: {  	[sflag:s4] =	ssyncadd.s32 $0xFFFFE790  }
0x253: {  	[spmem:s8] =	stream.linear.scatter [tilespmem:s13], [sflag:$0x10], $0x1870, $0x38;
	[tilespmem:$0x1ECD0] =	vst v63  }
0x254: {  	_ =	swait.ge [sflag:s4], $0x1870  }
0x255: {  	s9 =	sld [smem:$0x7FC]  }
0x256: {  	[sflag:s4] =	ssyncset.done $0x0  }
0x257: {  	[sflag:s4] =	ssyncadd.s32 $0xFFFFE790  }
0x258: {  	[spmem:s9] =	stream.linear.scatter [tilespmem:s13], [sflag:$0x10], $0x1870, $0x38;
	[tilespmem:$0x1ECD0] =	vst v63  }
0x259: {  	_ =	swait.ge [sflag:s4], $0x1870  }
0x25a: {  	[sflag:s4] =	ssyncset.done $0x0  }
0x25b: {  	s14 =	rddreg [dreg:$0x6];
	[sflag:s4] =	ssyncadd.s32 $0xFFFFE790  }
0x25c: {  	[tilespmem:s10], [sflag:$0x10] =	stream.linear.gather [hbm4b:s14+s2], $0x2780, $0x38;
	[tilespmem:$0x1ECD0] =	vst v63  }
0x25d: {  	_ =	swait.ge [sflag:s4], $0x2780  }
0x25e: {  	[sflag:s4] =	ssyncset.done $0x0  }
0x25f: {  	[sflag:s4] =	ssyncadd.s32 $0xFFFFD880  }
0x260: {  	[bflag:$0x0] =	sbarrier.arrive $0xFFFF  }
0x261: {  	s15 =	rddreg [dreg:$0xa]  }
0x262: {  	[tilespmem:s16], [sflag:$0x1] =	stream.linear.gather [hbm4b:s15+s2], $0x2710, $0x38;
	[tilespmem:$0x1ECD0] =	vst v63  }
0x263: {  	s17 =	rddreg [dreg:$0xb]  }
0x264: {  	[tilespmem:s20], [sflag:$0x4] =	stream.linear.gather [hbm4b:s17+s2], $0x2710, $0x38;
	[tilespmem:$0x1ECD0] =	vst v63  }
0x265: {  	s18 =	rddreg [dreg:$0xc]  }
0x266: {  	[tilespmem:s24], [sflag:$0x2] =	stream.linear.gather [hbm4b:s18+s2], $0x2710, $0x38;
	[tilespmem:$0x1ECD0] =	vst v63  }
0x267: {  	s21 =	rddreg [dreg:$0xd]  }
0x268: {  	[tilespmem:s11], [sflag:$0x5] =	stream.linear.gather [hbm4b:s21+s2], $0x2710, $0x38;
	[tilespmem:$0x1ECD0] =	vst v63  }
0x269: {  	_ =	swait.ge [sflag:s28], $0x2710  }
0x26a: {  	[sflag:s28] =	ssyncset.done $0x0  }
0x26b: {  	[sflag:s28] =	ssyncadd.s32 $0xFFFFD8F0  }
0x26c: {  	_ =	swait.ge [sflag:s26], $0x2710  }
0x26d: {  	[sflag:s26] =	ssyncset.done $0x0  }
0x26e: {  	[sflag:s26] =	ssyncadd.s32 $0xFFFFD8F0  }
0x26f: {  	s29 =	simm.s32 $0x11DE0;
	s4 =	rddreg [dreg:$0x2]  }
0x270: {  	[tilespmem:s29], [sflag:$0x7] =	stream.indirect.gather [spmem:s4], $0x1, s16, s12, $0xb8;
	[tilespmem:$0x1ECD0] =	vst v63  }
0x271: {  	_ =	swait.ge [sflag:s25], $0x2710  }
0x272: {  	[sflag:s25] =	ssyncset.done $0x0  }
0x273: {  	[sflag:s25] =	ssyncadd.s32 $0xFFFFD8F0  }
0x274: {  	[spmem:s3] =	stream.indirect.scatter.add.f32 [tilespmem:s29], [sflag:$0xA], $0x1, s20, s12, $0xb8;
	[tilespmem:$0x1ECD0] =	vst v63  }
0x275: {  	s5 =	rddreg [dreg:$0x4]  }
0x276: {  	[spmem:s5] =	stream.indirect.scatter.add.f32 [tilespmem:s10], [sflag:$0xD], $0x1, s20, s12, $0xb8;
	[tilespmem:$0x1ECD0] =	vst v63  }
0x277: {  	p1 =	sne.s32 s0, $0x1;
	s30 =	simm.s32 $0x7FE0;
	s0 =	rddreg [dreg:$0xe]  }
0x278: {  	[tilespmem:s30], [sflag:$0x3] =	stream.linear.gather [hbm4b:s0+s2], $0x2710, $0x38;
	[tilespmem:$0x1ECD0] =	vst v63  }
0x279: {  	s8 =	simm.s32 $0xF660;
	s11 =	rddreg [dreg:$0xf]  }
0x27a: {  	[tilespmem:s8], [sflag:$0x6] =	stream.linear.gather [hbm4b:s11+s2], $0x2710, $0x38;
	[tilespmem:$0x1ECD0] =	vst v63  }
0x27b: {  	_ =	swait.ge [sflag:s22], $0x2710  }
0x27c: {  	[sflag:s22] =	ssyncset.done $0x0  }
0x27d: {  	[sflag:s22] =	ssyncadd.s32 $0xFFFFD8F0  }
0x27e: {  	_ =	swait.ge [sflag:s19], $0x2710  }
0x27f: {  	[sflag:s19] =	ssyncset.done $0x0  }
0x280: {  	s10 =	simm.s32 $0x14560;
	s22 =	simm.s32 $0x8;
	[sflag:s19] =	ssyncadd.s32 $0xFFFFD8F0  }
0x281: {  	[tilespmem:s10], [sflag:$0x8] =	stream.indirect.gather [spmem:s4], $0x1, s24, s12, $0xb8;
	[tilespmem:$0x1ECD0] =	vst v63  }
0x282: {  	_ =	swait.ge [sflag:s22], $0x2710  }
0x283: {  	[sflag:s22] =	ssyncset.done $0x0  }
0x284: {  	[sflag:s22] =	ssyncadd.s32 $0xFFFFD8F0  }
0x285: {  	s14 =	simm.s32 $0xCEE0;
	s13 =	rddreg [dreg:$0x3]  }
0x286: {  	[spmem:s13] =	stream.indirect.scatter.add.f32 [tilespmem:s10], [sflag:$0xB], $0x1, s14, s12, $0xb8;
	[tilespmem:$0x1ECD0] =	vst v63  }
0x287: {  	s18 =	simm.s32 $0xA;
	s11 =	simm.s32 $0x1C550  }
0x288: {  	[spmem:s5] =	stream.indirect.scatter.add.f32 [tilespmem:s11], [sflag:$0xE], $0x1, s14, s12, $0xb8;
	[tilespmem:$0x1ECD0] =	vst v63  }
0x289: {  	_ =	swait.ge [sflag:s18], $0x2710  }
0x28a: {  	[sflag:s18] =	ssyncset.done $0x0  }
0x28b: {  	s15 =	simm.s32 $0xD;
	[sflag:s18] =	ssyncadd.s32 $0xFFFFD8F0  }
0x28c: {  	_ =	swait.ge [sflag:s15], $0x2710  }
0x28d: {  	[sflag:s15] =	ssyncset.done $0x0  }
0x28e: {  	s1 =	rddreg [dreg:$0x10];
	[sflag:s15] =	ssyncadd.s32 $0xFFFFD8F0  }
0x28f: {  	[tilespmem:s16], [sflag:$0x1] =	stream.linear.gather [hbm4b:s1+s2], $0x2710, $0x38;
	[tilespmem:$0x1ECD0] =	vst v63  }
0x290: {  	s21 =	simm.s32 $0xA760;
	s3 =	simm.s32 $0x3;
	s13 =	rddreg [dreg:$0x11]  }
0x291: {  	[tilespmem:s21], [sflag:$0x4] =	stream.linear.gather [hbm4b:s13+s2], $0x2710, $0x38;
	[tilespmem:$0x1ECD0] =	vst v63  }
0x292: {  	_ =	swait.ge [sflag:s3], $0x2710  }
0x293: {  	[sflag:s3] =	ssyncset.done $0x0  }
0x294: {  	s7 =	simm.s32 $0x6;
	[sflag:s3] =	ssyncadd.s32 $0xFFFFD8F0  }
0x295: {  	_ =	swait.ge [sflag:s7], $0x2710  }
0x296: {  	[sflag:s7] =	ssyncset.done $0x0  }
0x297: {  	s9 =	simm.s32 $0x9;
	[sflag:s7] =	ssyncadd.s32 $0xFFFFD8F0  }
0x298: {  	[tilespmem:s6], [sflag:$0x9] =	stream.indirect.gather [spmem:s4], $0x1, s30, s12, $0xb8;
	[tilespmem:$0x1ECD0] =	vst v63  }
0x299: {  	_ =	swait.ge [sflag:s9], $0x2710  }
0x29a: {  	[sflag:s9] =	ssyncset.done $0x0  }
0x29b: {  	[sflag:s9] =	ssyncadd.s32 $0xFFFFD8F0  }
0x29c: {  	s13 =	rddreg [dreg:$0x3]  }
0x29d: {  	[spmem:s13] =	stream.indirect.scatter.add.f32 [tilespmem:s6], [sflag:$0xC], $0x1, s8, s12, $0xb8;
	[tilespmem:$0x1ECD0] =	vst v63  }
0x29e: {  	s19 =	simm.s32 $0xB  }
0x29f: {  	[spmem:s5] =	stream.indirect.scatter.add.f32 [tilespmem:s11], [sflag:$0xF], $0x1, s8, s12, $0xb8;
	[tilespmem:$0x1ECD0] =	vst v63  }
0x2a0: {  	_ =	swait.ge [sflag:s19], $0x2710  }
0x2a1: {  	[sflag:s19] =	ssyncset.done $0x0  }
0x2a2: {  	s17 =	simm.s32 $0xE;
	[sflag:s19] =	ssyncadd.s32 $0xFFFFD8F0  }
0x2a3: {  	_ =	swait.ge [sflag:s17], $0x2710  }
0x2a4: {  	[sflag:s17] =	ssyncset.done $0x0  }
0x2a5: {  	s1 =	rddreg [dreg:$0x12];
	[sflag:s17] =	ssyncadd.s32 $0xFFFFD8F0  }
0x2a6: {  	[tilespmem:s24], [sflag:$0x2] =	stream.linear.gather [hbm4b:s1+s2], $0x2710, $0x38;
	[tilespmem:$0x1ECD0] =	vst v63  }
0x2a7: {  	s0 =	simm.s32 $0x1;
	s13 =	rddreg [dreg:$0x13]  }
0x2a8: {  	[tilespmem:s14], [sflag:$0x5] =	stream.linear.gather [hbm4b:s13+s2], $0x2710, $0x38;
	[tilespmem:$0x1ECD0] =	vst v63  }
0x2a9: {  	_ =	swait.ge [sflag:s0], $0x2710  }
0x2aa: {  	[sflag:s0] =	ssyncset.done $0x0  }
0x2ab: {  	s28 =	simm.s32 $0x4;
	[sflag:s0] =	ssyncadd.s32 $0xFFFFD8F0  }
0x2ac: {  	_ =	swait.ge [sflag:s28], $0x2710  }
0x2ad: {  	[sflag:s28] =	ssyncset.done $0x0  }
0x2ae: {  	s26 =	simm.s32 $0x7;
	[sflag:s28] =	ssyncadd.s32 $0xFFFFD8F0  }
0x2af: {  	[tilespmem:s29], [sflag:$0x7] =	stream.indirect.gather [spmem:s4], $0x1, s16, s12, $0xb8;
	[tilespmem:$0x1ECD0] =	vst v63  }
0x2b0: {  	_ =	swait.ge [sflag:s26], $0x2710  }
0x2b1: {  	[sflag:s26] =	ssyncset.done $0x0  }
0x2b2: {  	[sflag:s26] =	ssyncadd.s32 $0xFFFFD8F0  }
0x2b3: {  	s13 =	rddreg [dreg:$0x3]  }
0x2b4: {  	[spmem:s13] =	stream.indirect.scatter.add.f32 [tilespmem:s29], [sflag:$0xA], $0x1, s21, s12, $0xb8;
	[tilespmem:$0x1ECD0] =	vst v63  }
0x2b5: {  	s31 =	simm.s32 $0xC  }
0x2b6: {  	[spmem:s5] =	stream.indirect.scatter.add.f32 [tilespmem:s11], [sflag:$0xD], $0x1, s21, s12, $0xb8;
	[tilespmem:$0x1ECD0] =	vst v63  }
0x2b7: {  	_ =	swait.ge [sflag:s31], $0x2710  }
0x2b8: {  	[sflag:s31] =	ssyncset.done $0x0  }
0x2b9: {  	[sflag:s31] =	ssyncadd.s32 $0xFFFFD8F0  }
0x2ba: {  	_ =	swait.ge [sflag:s23], $0x2710  }
0x2bb: {  	[sflag:s23] =	ssyncset.done $0x0  }
0x2bc: {  	s1 =	rddreg [dreg:$0x14];
	[sflag:s23] =	ssyncadd.s32 $0xFFFFD8F0  }
0x2bd: {  	[tilespmem:s30], [sflag:$0x3] =	stream.linear.gather [hbm4b:s1+s2], $0x2710, $0x38;
	[tilespmem:$0x1ECD0] =	vst v63  }
0x2be: {  	s25 =	simm.s32 $0x2;
	s13 =	rddreg [dreg:$0x15]  }
0x2bf: {  	[tilespmem:s8], [sflag:$0x6] =	stream.linear.gather [hbm4b:s13+s2], $0x2710, $0x38;
	[tilespmem:$0x1ECD0] =	vst v63  }
0x2c0: {  	_ =	swait.ge [sflag:s25], $0x2710  }
0x2c1: {  	[sflag:s25] =	ssyncset.done $0x0  }
0x2c2: {  	s20 =	simm.s32 $0x5;
	[sflag:s25] =	ssyncadd.s32 $0xFFFFD8F0  }
0x2c3: {  	_ =	swait.ge [sflag:s20], $0x2710  }
0x2c4: {  	[sflag:s20] =	ssyncset.done $0x0  }
0x2c5: {  	[sflag:s20] =	ssyncadd.s32 $0xFFFFD8F0  }
0x2c6: {  	[tilespmem:s10], [sflag:$0x8] =	stream.indirect.gather [spmem:s4], $0x1, s24, s12, $0xb8;
	[tilespmem:$0x1ECD0] =	vst v63  }
0x2c7: {  	_ =	swait.ge [sflag:s22], $0x2710  }
0x2c8: {  	[sflag:s22] =	ssyncset.done $0x0  }
0x2c9: {  	[sflag:s22] =	ssyncadd.s32 $0xFFFFD8F0  }
0x2ca: {  	s13 =	rddreg [dreg:$0x3]  }
0x2cb: {  	[spmem:s13] =	stream.indirect.scatter.add.f32 [tilespmem:s10], [sflag:$0xB], $0x1, s14, s12, $0xb8;
	[tilespmem:$0x1ECD0] =	vst v63  }
0x2cc: {  	_ = 	snop  }
0x2cd: {  	[spmem:s5] =	stream.indirect.scatter.add.f32 [tilespmem:s11], [sflag:$0xE], $0x1, s14, s12, $0xb8;
	[tilespmem:$0x1ECD0] =	vst v63  }
0x2ce: {  	_ =	swait.ge [sflag:s18], $0x2710  }
0x2cf: {  	[sflag:s18] =	ssyncset.done $0x0  }
0x2d0: {  	[sflag:s18] =	ssyncadd.s32 $0xFFFFD8F0  }
0x2d1: {  	_ =	swait.ge [sflag:s15], $0x2710  }
0x2d2: {  	[sflag:s15] =	ssyncset.done $0x0  }
0x2d3: {  	s1 =	rddreg [dreg:$0x16];
	[sflag:s15] =	ssyncadd.s32 $0xFFFFD8F0  }
0x2d4: {  	[tilespmem:s16], [sflag:$0x1] =	stream.linear.gather [hbm4b:s1+s2], $0x2710, $0x38;
	[tilespmem:$0x1ECD0] =	vst v63  }
0x2d5: {  	s13 =	rddreg [dreg:$0x17]  }
0x2d6: {  	[tilespmem:s21], [sflag:$0x4] =	stream.linear.gather [hbm4b:s13+s2], $0x2710, $0x38;
	[tilespmem:$0x1ECD0] =	vst v63  }
0x2d7: {  	_ =	swait.ge [sflag:s3], $0x2710  }
0x2d8: {  	[sflag:s3] =	ssyncset.done $0x0  }
0x2d9: {  	[sflag:s3] =	ssyncadd.s32 $0xFFFFD8F0  }
0x2da: {  	_ =	swait.ge [sflag:s7], $0x2710  }
0x2db: {  	[sflag:s7] =	ssyncset.done $0x0  }
0x2dc: {  	[sflag:s7] =	ssyncadd.s32 $0xFFFFD8F0  }
0x2dd: {  	[tilespmem:s6], [sflag:$0x9] =	stream.indirect.gather [spmem:s4], $0x1, s30, s12, $0xb8;
	[tilespmem:$0x1ECD0] =	vst v63  }
0x2de: {  	_ =	swait.ge [sflag:s9], $0x2710  }
0x2df: {  	[sflag:s9] =	ssyncset.done $0x0  }
0x2e0: {  	[sflag:s9] =	ssyncadd.s32 $0xFFFFD8F0  }
0x2e1: {  	s13 =	rddreg [dreg:$0x3]  }
0x2e2: {  	[spmem:s13] =	stream.indirect.scatter.add.f32 [tilespmem:s6], [sflag:$0xC], $0x1, s8, s12, $0xb8;
	[tilespmem:$0x1ECD0] =	vst v63  }
0x2e3: {  	_ = 	snop  }
0x2e4: {  	[spmem:s5] =	stream.indirect.scatter.add.f32 [tilespmem:s11], [sflag:$0xF], $0x1, s8, s12, $0xb8;
	[tilespmem:$0x1ECD0] =	vst v63  }
0x2e5: {  	_ =	swait.ge [sflag:s19], $0x2710  }
0x2e6: {  	[sflag:s19] =	ssyncset.done $0x0  }
0x2e7: {  	[sflag:s19] =	ssyncadd.s32 $0xFFFFD8F0  }
0x2e8: {  	_ =	swait.ge [sflag:s17], $0x2710  }
0x2e9: {  	[sflag:s17] =	ssyncset.done $0x0  }
0x2ea: {  	s1 =	rddreg [dreg:$0x18];
	[sflag:s17] =	ssyncadd.s32 $0xFFFFD8F0  }
0x2eb: {  	[tilespmem:s24], [sflag:$0x2] =	stream.linear.gather [hbm4b:s1+s2], $0x2710, $0x38;
	[tilespmem:$0x1ECD0] =	vst v63  }
0x2ec: {  	s13 =	rddreg [dreg:$0x19]  }
0x2ed: {  	[tilespmem:s14], [sflag:$0x5] =	stream.linear.gather [hbm4b:s13+s2], $0x2710, $0x38;
	[tilespmem:$0x1ECD0] =	vst v63  }
0x2ee: {  	_ =	swait.ge [sflag:s0], $0x2710  }
0x2ef: {  	[sflag:s0] =	ssyncset.done $0x0  }
0x2f0: {  	[sflag:s0] =	ssyncadd.s32 $0xFFFFD8F0  }
0x2f1: {  	s0 =	sld [smem:$0x7E6];
	_ =	swait.ge [sflag:s28], $0x2710  }
0x2f2: {  	[sflag:s28] =	ssyncset.done $0x0  }
0x2f3: {  	[sflag:s28] =	ssyncadd.s32 $0xFFFFD8F0  }
0x2f4: {  	[tilespmem:s29], [sflag:$0x7] =	stream.indirect.gather [spmem:s4], $0x1, s16, s12, $0xb8;
	[tilespmem:$0x1ECD0] =	vst v63  }
0x2f5: {  	_ =	swait.ge [sflag:s26], $0x2710  }
0x2f6: {  	[sflag:s26] =	ssyncset.done $0x0  }
0x2f7: {  	[sflag:s26] =	ssyncadd.s32 $0xFFFFD8F0  }
0x2f8: {  	s13 =	rddreg [dreg:$0x3]  }
0x2f9: {  	[spmem:s13] =	stream.indirect.scatter.add.f32 [tilespmem:s29], [sflag:$0xA], $0x1, s21, s12, $0xb8;
	[tilespmem:$0x1ECD0] =	vst v63  }
0x2fa: {  	_ = 	snop  }
0x2fb: {  	[spmem:s5] =	stream.indirect.scatter.add.f32 [tilespmem:s11], [sflag:$0xD], $0x1, s21, s12, $0xb8;
	[tilespmem:$0x1ECD0] =	vst v63  }
0x2fc: {  	_ =	swait.ge [sflag:s31], $0x2710  }
0x2fd: {  	[sflag:s31] =	ssyncset.done $0x0  }
0x2fe: {  	[sflag:s31] =	ssyncadd.s32 $0xFFFFD8F0  }
0x2ff: {  	_ =	swait.ge [sflag:s23], $0x2710  }
0x300: {  	[sflag:s23] =	ssyncset.done $0x0  }
0x301: {  	s1 =	rddreg [dreg:$0x1a];
	[sflag:s23] =	ssyncadd.s32 $0xFFFFD8F0  }
0x302: {  	[tilespmem:s30], [sflag:$0x3] =	stream.linear.gather [hbm4b:s1+s2], $0x2710, $0x38;
	[tilespmem:$0x1ECD0] =	vst v63  }
0x303: {  	s13 =	rddreg [dreg:$0x1b]  }
0x304: {  	[tilespmem:s8], [sflag:$0x6] =	stream.linear.gather [hbm4b:s13+s2], $0x2710, $0x38;
	[tilespmem:$0x1ECD0] =	vst v63  }
0x305: {  	_ =	swait.ge [sflag:s25], $0x2710  }
0x306: {  	[sflag:s25] =	ssyncset.done $0x0  }
0x307: {  	[sflag:s25] =	ssyncadd.s32 $0xFFFFD8F0  }
0x308: {  	_ =	swait.ge [sflag:s20], $0x2710  }
0x309: {  	[sflag:s20] =	ssyncset.done $0x0  }
0x30a: {  	[sflag:s20] =	ssyncadd.s32 $0xFFFFD8F0  }
0x30b: {  	[tilespmem:s10], [sflag:$0x8] =	stream.indirect.gather [spmem:s4], $0x1, s24, s12, $0xb8;
	[tilespmem:$0x1ECD0] =	vst v63  }
0x30c: {  	_ =	swait.ge [sflag:s22], $0x2710  }
0x30d: {  	[sflag:s22] =	ssyncset.done $0x0  }
0x30e: {  	[sflag:s22] =	ssyncadd.s32 $0xFFFFD8F0  }
0x30f: {  	s13 =	rddreg [dreg:$0x3]  }
0x310: {  	[spmem:s13] =	stream.indirect.scatter.add.f32 [tilespmem:s10], [sflag:$0xB], $0x1, s14, s12, $0xb8;
	[tilespmem:$0x1ECD0] =	vst v63  }
0x311: {  	_ = 	snop  }
0x312: {  	[spmem:s5] =	stream.indirect.scatter.add.f32 [tilespmem:s11], [sflag:$0xE], $0x1, s14, s12, $0xb8;
	[tilespmem:$0x1ECD0] =	vst v63  }
0x313: {  	_ =	swait.ge [sflag:s18], $0x2710  }
0x314: {  	[sflag:s18] =	ssyncset.done $0x0  }
0x315: {  	[sflag:s18] =	ssyncadd.s32 $0xFFFFD8F0  }
0x316: {  	_ =	swait.ge [sflag:s15], $0x2710  }
0x317: {  	[sflag:s15] =	ssyncset.done $0x0  }
0x318: {  	s1 =	rddreg [dreg:$0x1c];
	[sflag:s15] =	ssyncadd.s32 $0xFFFFD8F0  }
0x319: {  	[tilespmem:s16], [sflag:$0x1] =	stream.linear.gather [hbm4b:s1+s2], $0x2710, $0x38;
	[tilespmem:$0x1ECD0] =	vst v63  }
0x31a: {  	s13 =	rddreg [dreg:$0x1d]  }
0x31b: {  	[tilespmem:s21], [sflag:$0x4] =	stream.linear.gather [hbm4b:s13+s2], $0x2710, $0x38;
	[tilespmem:$0x1ECD0] =	vst v63  }
0x31c: {  	_ =	swait.ge [sflag:s3], $0x2710  }
0x31d: {  	[sflag:s3] =	ssyncset.done $0x0  }
0x31e: {  	[sflag:s3] =	ssyncadd.s32 $0xFFFFD8F0  }
0x31f: {  	_ =	swait.ge [sflag:s7], $0x2710  }
0x320: {  	[sflag:s7] =	ssyncset.done $0x0  }
0x321: {  	[sflag:s7] =	ssyncadd.s32 $0xFFFFD8F0  }
0x322: {  	[tilespmem:s6], [sflag:$0x9] =	stream.indirect.gather [spmem:s4], $0x1, s30, s12, $0xb8;
	[tilespmem:$0x1ECD0] =	vst v63  }
0x323: {  	_ =	swait.ge [sflag:s9], $0x2710  }
0x324: {  	[sflag:s9] =	ssyncset.done $0x0  }
0x325: {  	[sflag:s9] =	ssyncadd.s32 $0xFFFFD8F0  }
0x326: {  	s13 =	rddreg [dreg:$0x3]  }
0x327: {  	[spmem:s13] =	stream.indirect.scatter.add.f32 [tilespmem:s6], [sflag:$0xC], $0x1, s8, s12, $0xb8;
	[tilespmem:$0x1ECD0] =	vst v63  }
0x328: {  	_ = 	snop  }
0x329: {  	[spmem:s5] =	stream.indirect.scatter.add.f32 [tilespmem:s11], [sflag:$0xF], $0x1, s8, s12, $0xb8;
	[tilespmem:$0x1ECD0] =	vst v63  }
0x32a: {  	_ =	swait.ge [sflag:s19], $0x2710  }
0x32b: {  	[sflag:s19] =	ssyncset.done $0x0  }
0x32c: {  	[sflag:s19] =	ssyncadd.s32 $0xFFFFD8F0  }
0x32d: {  	_ =	swait.ge [sflag:s17], $0x2710  }
0x32e: {  	[sflag:s17] =	ssyncset.done $0x0  }
0x32f: {  	s1 =	rddreg [dreg:$0x1e];
	[sflag:s17] =	ssyncadd.s32 $0xFFFFD8F0  }
0x330: {  	[tilespmem:s24], [sflag:$0x2] =	stream.linear.gather [hbm4b:s1+s2], $0x2710, $0x38;
	[tilespmem:$0x1ECD0] =	vst v63  }
0x331: {  	s28 =	simm.s32 $0x1;
	s13 =	rddreg [dreg:$0x1f]  }
0x332: {  	[tilespmem:s14], [sflag:$0x5] =	stream.linear.gather [hbm4b:s13+s2], $0x2710, $0x38;
	[tilespmem:$0x1ECD0] =	vst v63  }
0x333: {  	_ =	swait.ge [sflag:s28], $0x2710  }
0x334: {  	[sflag:s28] =	ssyncset.done $0x0  }
0x335: {  	s26 =	simm.s32 $0x4;
	[sflag:s28] =	ssyncadd.s32 $0xFFFFD8F0  }
0x336: {  	_ =	swait.ge [sflag:s26], $0x2710  }
0x337: {  	[sflag:s26] =	ssyncset.done $0x0  }
0x338: {  	s25 =	simm.s32 $0x7;
	[sflag:s26] =	ssyncadd.s32 $0xFFFFD8F0  }
0x339: {  	[tilespmem:s29], [sflag:$0x7] =	stream.indirect.gather [spmem:s4], $0x1, s16, s12, $0xb8;
	[tilespmem:$0x1ECD0] =	vst v63  }
0x33a: {  	_ =	swait.ge [sflag:s25], $0x2710  }
0x33b: {  	[sflag:s25] =	ssyncset.done $0x0  }
0x33c: {  	[sflag:s25] =	ssyncadd.s32 $0xFFFFD8F0  }
0x33d: {  	s13 =	rddreg [dreg:$0x3]  }
0x33e: {  	[spmem:s13] =	stream.indirect.scatter.add.f32 [tilespmem:s29], [sflag:$0xA], $0x1, s21, s12, $0xb8;
	[tilespmem:$0x1ECD0] =	vst v63  }
0x33f: {  	_ = 	snop  }
0x340: {  	[spmem:s5] =	stream.indirect.scatter.add.f32 [tilespmem:s11], [sflag:$0xD], $0x1, s21, s12, $0xb8;
	[tilespmem:$0x1ECD0] =	vst v63  }
0x341: {  	_ =	swait.ge [sflag:s31], $0x2710  }
0x342: {  	[sflag:s31] =	ssyncset.done $0x0  }
0x343: {  	[sflag:s31] =	ssyncadd.s32 $0xFFFFD8F0  }
0x344: {  	_ =	swait.ge [sflag:s23], $0x2710  }
0x345: {  	s1 =	sld [smem:$0x7E8]  }
0x346: {  	[sflag:s23] =	ssyncset.done $0x0  }
0x347: {  	s13 =	sld [smem:$0x7E9];
	[sflag:s23] =	ssyncadd.s32 $0xFFFFD8F0  }
0x348: {  	[tilespmem:s30], [sflag:$0x3] =	stream.linear.gather [hbm4b:s1+s2], $0x2710, $0x38;
	[tilespmem:$0x1ECD0] =	vst v63  }
0x349: {  	s22 =	simm.s32 $0x2  }
0x34a: {  	[tilespmem:s8], [sflag:$0x6] =	stream.linear.gather [hbm4b:s13+s2], $0x2710, $0x38;
	[tilespmem:$0x1ECD0] =	vst v63  }
0x34b: {  	_ =	swait.ge [sflag:s22], $0x2710  }
0x34c: {  	[sflag:s22] =	ssyncset.done $0x0  }
0x34d: {  	[sflag:s22] =	ssyncadd.s32 $0xFFFFD8F0  }
0x34e: {  	_ =	swait.ge [sflag:s20], $0x2710  }
0x34f: {  	[sflag:s20] =	ssyncset.done $0x0  }
0x350: {  	s21 =	simm.s32 $0x8;
	[sflag:s20] =	ssyncadd.s32 $0xFFFFD8F0  }
0x351: {  	[tilespmem:s10], [sflag:$0x8] =	stream.indirect.gather [spmem:s4], $0x1, s24, s12, $0xb8;
	[tilespmem:$0x1ECD0] =	vst v63  }
0x352: {  	_ =	swait.ge [sflag:s21], $0x2710  }
0x353: {  	[sflag:s21] =	ssyncset.done $0x0  }
0x354: {  	[sflag:s21] =	ssyncadd.s32 $0xFFFFD8F0  }
0x355: {  	s13 =	rddreg [dreg:$0x3]  }
0x356: {  	[spmem:s13] =	stream.indirect.scatter.add.f32 [tilespmem:s10], [sflag:$0xB], $0x1, s14, s12, $0xb8;
	[tilespmem:$0x1ECD0] =	vst v63  }
0x357: {  	_ = 	snop  }
0x358: {  	[spmem:s5] =	stream.indirect.scatter.add.f32 [tilespmem:s11], [sflag:$0xE], $0x1, s14, s12, $0xb8;
	[tilespmem:$0x1ECD0] =	vst v63  }
0x359: {  	_ =	swait.ge [sflag:s18], $0x2710  }
0x35a: {  	[sflag:s18] =	ssyncset.done $0x0  }
0x35b: {  	[sflag:s18] =	ssyncadd.s32 $0xFFFFD8F0  }
0x35c: {  	_ =	swait.ge [sflag:s15], $0x2710  }
0x35d: {  	s1 =	sld [smem:$0x7EA]  }
0x35e: {  	[sflag:s15] =	ssyncset.done $0x0  }
0x35f: {  	s13 =	sld [smem:$0x7EB];
	[sflag:s15] =	ssyncadd.s32 $0xFFFFD8F0  }
0x360: {  	[tilespmem:s16], [sflag:$0x1] =	stream.linear.gather [hbm4b:s1+s2], $0x2710, $0x38;
	[tilespmem:$0x1ECD0] =	vst v63  }
0x361: {  	s20 =	simm.s32 $0xA760  }
0x362: {  	[tilespmem:s20], [sflag:$0x4] =	stream.linear.gather [hbm4b:s13+s2], $0x2710, $0x38;
	[tilespmem:$0x1ECD0] =	vst v63  }
0x363: {  	_ =	swait.ge [sflag:s3], $0x2710  }
0x364: {  	[sflag:s3] =	ssyncset.done $0x0  }
0x365: {  	[sflag:s3] =	ssyncadd.s32 $0xFFFFD8F0  }
0x366: {  	_ =	swait.ge [sflag:s7], $0x2710  }
0x367: {  	[sflag:s7] =	ssyncset.done $0x0  }
0x368: {  	[sflag:s7] =	ssyncadd.s32 $0xFFFFD8F0  }
0x369: {  	[tilespmem:s6], [sflag:$0x9] =	stream.indirect.gather [spmem:s4], $0x1, s30, s12, $0xb8;
	[tilespmem:$0x1ECD0] =	vst v63  }
0x36a: {  	_ =	swait.ge [sflag:s9], $0x2710  }
0x36b: {  	[sflag:s9] =	ssyncset.done $0x0  }
0x36c: {  	[sflag:s9] =	ssyncadd.s32 $0xFFFFD8F0  }
0x36d: {  	s13 =	rddreg [dreg:$0x3]  }
0x36e: {  	[spmem:s13] =	stream.indirect.scatter.add.f32 [tilespmem:s6], [sflag:$0xC], $0x1, s8, s12, $0xb8;
	[tilespmem:$0x1ECD0] =	vst v63  }
0x36f: {  	_ = 	snop  }
0x370: {  	[spmem:s5] =	stream.indirect.scatter.add.f32 [tilespmem:s11], [sflag:$0xF], $0x1, s8, s12, $0xb8;
	[tilespmem:$0x1ECD0] =	vst v63  }
0x371: {  	_ =	swait.ge [sflag:s19], $0x2710  }
0x372: {  	[sflag:s19] =	ssyncset.done $0x0  }
0x373: {  	[sflag:s19] =	ssyncadd.s32 $0xFFFFD8F0  }
0x374: {  	_ =	swait.ge [sflag:s17], $0x2710  }
0x375: {  	s1 =	sld [smem:$0x7EC]  }
0x376: {  	[sflag:s17] =	ssyncset.done $0x0  }
0x377: {  	s13 =	sld [smem:$0x7ED];
	[sflag:s17] =	ssyncadd.s32 $0xFFFFD8F0  }
0x378: {  	[tilespmem:s24], [sflag:$0x2] =	stream.linear.gather [hbm4b:s1+s2], $0x2710, $0x38;
	[tilespmem:$0x1ECD0] =	vst v63  }
0x379: {  	_ = 	snop  }
0x37a: {  	[tilespmem:s14], [sflag:$0x5] =	stream.linear.gather [hbm4b:s13+s2], $0x2710, $0x38;
	[tilespmem:$0x1ECD0] =	vst v63  }
0x37b: {  	_ =	swait.ge [sflag:s28], $0x2710  }
0x37c: {  	[sflag:s28] =	ssyncset.done $0x0  }
0x37d: {  	[sflag:s28] =	ssyncadd.s32 $0xFFFFD8F0  }
0x37e: {  	_ =	swait.ge [sflag:s26], $0x2710  }
0x37f: {  	[sflag:s26] =	ssyncset.done $0x0  }
0x380: {  	[sflag:s26] =	ssyncadd.s32 $0xFFFFD8F0  }
0x381: {  	[tilespmem:s29], [sflag:$0x7] =	stream.indirect.gather [spmem:s4], $0x1, s16, s12, $0xb8;
	[tilespmem:$0x1ECD0] =	vst v63  }
0x382: {  	_ =	swait.ge [sflag:s25], $0x2710  }
0x383: {  	[sflag:s25] =	ssyncset.done $0x0  }
0x384: {  	[sflag:s25] =	ssyncadd.s32 $0xFFFFD8F0  }
0x385: {  	s13 =	rddreg [dreg:$0x3]  }
0x386: {  	[spmem:s13] =	stream.indirect.scatter.add.f32 [tilespmem:s29], [sflag:$0xA], $0x1, s20, s12, $0xb8;
	[tilespmem:$0x1ECD0] =	vst v63  }
0x387: {  	_ = 	snop  }
0x388: {  	[spmem:s5] =	stream.indirect.scatter.add.f32 [tilespmem:s11], [sflag:$0xD], $0x1, s20, s12, $0xb8;
	[tilespmem:$0x1ECD0] =	vst v63  }
0x389: {  	_ =	swait.ge [sflag:s31], $0x2710  }
0x38a: {  	[sflag:s31] =	ssyncset.done $0x0  }
0x38b: {  	[sflag:s31] =	ssyncadd.s32 $0xFFFFD8F0  }
0x38c: {  	_ =	swait.ge [sflag:s23], $0x2710  }
0x38d: {  	s1 =	sld [smem:$0x7EE]  }
0x38e: {  	[sflag:s23] =	ssyncset.done $0x0  }
0x38f: {  	s13 =	sld [smem:$0x7EF];
	[sflag:s23] =	ssyncadd.s32 $0xFFFFD8F0  }
0x390: {  	[tilespmem:s30], [sflag:$0x3] =	stream.linear.gather [hbm4b:s1+s2], $0x2710, $0x38;
	[tilespmem:$0x1ECD0] =	vst v63  }
0x391: {  	_ = 	snop  }
0x392: {  	[tilespmem:s8], [sflag:$0x6] =	stream.linear.gather [hbm4b:s13+s2], $0x2710, $0x38;
	[tilespmem:$0x1ECD0] =	vst v63  }
0x393: {  	_ =	swait.ge [sflag:s22], $0x2710  }
0x394: {  	[sflag:s22] =	ssyncset.done $0x0  }
0x395: {  	s19 =	simm.s32 $0x5;
	[sflag:s22] =	ssyncadd.s32 $0xFFFFD8F0  }
0x396: {  	_ =	swait.ge [sflag:s19], $0x2710  }
0x397: {  	[sflag:s19] =	ssyncset.done $0x0  }
0x398: {  	[sflag:s19] =	ssyncadd.s32 $0xFFFFD8F0  }
0x399: {  	[tilespmem:s10], [sflag:$0x8] =	stream.indirect.gather [spmem:s4], $0x1, s24, s12, $0xb8;
	[tilespmem:$0x1ECD0] =	vst v63  }
0x39a: {  	_ =	swait.ge [sflag:s21], $0x2710  }
0x39b: {  	[sflag:s21] =	ssyncset.done $0x0  }
0x39c: {  	[sflag:s21] =	ssyncadd.s32 $0xFFFFD8F0  }
0x39d: {  	s13 =	rddreg [dreg:$0x3]  }
0x39e: {  	[spmem:s13] =	stream.indirect.scatter.add.f32 [tilespmem:s10], [sflag:$0xB], $0x1, s14, s12, $0xb8;
	[tilespmem:$0x1ECD0] =	vst v63  }
0x39f: {  	_ = 	snop  }
0x3a0: {  	[spmem:s5] =	stream.indirect.scatter.add.f32 [tilespmem:s11], [sflag:$0xE], $0x1, s14, s12, $0xb8;
	[tilespmem:$0x1ECD0] =	vst v63  }
0x3a1: {  	_ =	swait.ge [sflag:s18], $0x2710  }
0x3a2: {  	[sflag:s18] =	ssyncset.done $0x0  }
0x3a3: {  	[sflag:s18] =	ssyncadd.s32 $0xFFFFD8F0  }
0x3a4: {  	_ =	swait.ge [sflag:s15], $0x2710  }
0x3a5: {  	s1 =	sld [smem:$0x7F0]  }
0x3a6: {  	[sflag:s15] =	ssyncset.done $0x0  }
0x3a7: {  	s13 =	sld [smem:$0x7F1];
	[sflag:s15] =	ssyncadd.s32 $0xFFFFD8F0  }
0x3a8: {  	[tilespmem:s16], [sflag:$0x1] =	stream.linear.gather [hbm4b:s1+s2], $0x2710, $0x38;
	[tilespmem:$0x1ECD0] =	vst v63  }
0x3a9: {  	_ = 	snop  }
0x3aa: {  	[tilespmem:s20], [sflag:$0x4] =	stream.linear.gather [hbm4b:s13+s2], $0x2710, $0x38;
	[tilespmem:$0x1ECD0] =	vst v63  }
0x3ab: {  	_ =	swait.ge [sflag:s3], $0x2710  }
0x3ac: {  	[sflag:s3] =	ssyncset.done $0x0  }
0x3ad: {  	[sflag:s3] =	ssyncadd.s32 $0xFFFFD8F0  }
0x3ae: {  	s3 =	rddreg [dreg:$0x3];
	_ =	swait.ge [sflag:s7], $0x2710  }
0x3af: {  	[sflag:s7] =	ssyncset.done $0x0  }
0x3b0: {  	[sflag:s7] =	ssyncadd.s32 $0xFFFFD8F0  }
0x3b1: {  	[tilespmem:s6], [sflag:$0x9] =	stream.indirect.gather [spmem:s4], $0x1, s30, s12, $0xb8;
	[tilespmem:$0x1ECD0] =	vst v63  }
0x3b2: {  	_ =	swait.ge [sflag:s9], $0x2710  }
0x3b3: {  	[sflag:s9] =	ssyncset.done $0x0  }
0x3b4: {  	[sflag:s9] =	ssyncadd.s32 $0xFFFFD8F0  }
0x3b5: {  	[spmem:s3] =	stream.indirect.scatter.add.f32 [tilespmem:s6], [sflag:$0xC], $0x1, s8, s12, $0xb8;
	[tilespmem:$0x1ECD0] =	vst v63  }
0x3b6: {  	s18 =	simm.s32 $0xB  }
0x3b7: {  	[spmem:s5] =	stream.indirect.scatter.add.f32 [tilespmem:s11], [sflag:$0xF], $0x1, s8, s12, $0xb8;
	[tilespmem:$0x1ECD0] =	vst v63  }
0x3b8: {  	_ =	swait.ge [sflag:s18], $0x2710  }
0x3b9: {  	[sflag:s18] =	ssyncset.done $0x0  }
0x3ba: {  	[sflag:s18] =	ssyncadd.s32 $0xFFFFD8F0  }
0x3bb: {  	_ =	swait.ge [sflag:s17], $0x2710  }
0x3bc: {  	s1 =	sld [smem:$0x7F2]  }
0x3bd: {  	[sflag:s17] =	ssyncset.done $0x0  }
0x3be: {  	s13 =	sld [smem:$0x7F3];
	[sflag:s17] =	ssyncadd.s32 $0xFFFFD8F0  }
0x3bf: {  	[tilespmem:s24], [sflag:$0x2] =	stream.linear.gather [hbm4b:s1+s2], $0x2710, $0x38;
	[tilespmem:$0x1ECD0] =	vst v63  }
0x3c0: {  	_ = 	snop  }
0x3c1: {  	[tilespmem:s14], [sflag:$0x5] =	stream.linear.gather [hbm4b:s13+s2], $0x2710, $0x38;
	[tilespmem:$0x1ECD0] =	vst v63  }
0x3c2: {  	_ =	swait.ge [sflag:s28], $0x2710  }
0x3c3: {  	[sflag:s28] =	ssyncset.done $0x0  }
0x3c4: {  	[sflag:s28] =	ssyncadd.s32 $0xFFFFD8F0  }
0x3c5: {  	_ =	swait.ge [sflag:s26], $0x2710  }
0x3c6: {  	[sflag:s26] =	ssyncset.done $0x0  }
0x3c7: {  	[sflag:s26] =	ssyncadd.s32 $0xFFFFD8F0  }
0x3c8: {  	[tilespmem:s29], [sflag:$0x7] =	stream.indirect.gather [spmem:s4], $0x1, s16, s12, $0xb8;
	[tilespmem:$0x1ECD0] =	vst v63  }
0x3c9: {  	_ =	swait.ge [sflag:s25], $0x2710  }
0x3ca: {  	[sflag:s25] =	ssyncset.done $0x0  }
0x3cb: {  	[sflag:s25] =	ssyncadd.s32 $0xFFFFD8F0  }
0x3cc: {  	[spmem:s3] =	stream.indirect.scatter.add.f32 [tilespmem:s29], [sflag:$0xA], $0x1, s20, s12, $0xb8;
	[tilespmem:$0x1ECD0] =	vst v63  }
0x3cd: {  	_ = 	snop  }
0x3ce: {  	[spmem:s5] =	stream.indirect.scatter.add.f32 [tilespmem:s11], [sflag:$0xD], $0x1, s20, s12, $0xb8;
	[tilespmem:$0x1ECD0] =	vst v63  }
0x3cf: {  	_ =	swait.ge [sflag:s31], $0x2710  }
0x3d0: {  	[sflag:s31] =	ssyncset.done $0x0  }
0x3d1: {  	[sflag:s31] =	ssyncadd.s32 $0xFFFFD8F0  }
0x3d2: {  	_ =	swait.ge [sflag:s23], $0x2710  }
0x3d3: {  	s1 =	sld [smem:$0x7F4]  }
0x3d4: {  	[sflag:s23] =	ssyncset.done $0x0  }
0x3d5: {  	s13 =	sld [smem:$0x7F5];
	[sflag:s23] =	ssyncadd.s32 $0xFFFFD8F0  }
0x3d6: {  	[tilespmem:s30], [sflag:$0x3] =	stream.linear.gather [hbm4b:s1+s2], $0x2710, $0x38;
	[tilespmem:$0x1ECD0] =	vst v63  }
0x3d7: {  	s31 =	simm.s32 $0xF660  }
0x3d8: {  	[tilespmem:s31], [sflag:$0x6] =	stream.linear.gather [hbm4b:s13+s2], $0x2710, $0x38;
	[tilespmem:$0x1ECD0] =	vst v63  }
0x3d9: {  	_ =	swait.ge [sflag:s22], $0x2710  }
0x3da: {  	[sflag:s22] =	ssyncset.done $0x0  }
0x3db: {  	[sflag:s22] =	ssyncadd.s32 $0xFFFFD8F0  }
0x3dc: {  	_ =	swait.ge [sflag:s19], $0x2710  }
0x3dd: {  	[sflag:s19] =	ssyncset.done $0x0  }
0x3de: {  	[sflag:s19] =	ssyncadd.s32 $0xFFFFD8F0  }
0x3df: {  	[tilespmem:s10], [sflag:$0x8] =	stream.indirect.gather [spmem:s4], $0x1, s24, s12, $0xb8;
	[tilespmem:$0x1ECD0] =	vst v63  }
0x3e0: {  	_ =	swait.ge [sflag:s21], $0x2710  }
0x3e1: {  	[sflag:s21] =	ssyncset.done $0x0  }
0x3e2: {  	[sflag:s21] =	ssyncadd.s32 $0xFFFFD8F0  }
0x3e3: {  	[spmem:s3] =	stream.indirect.scatter.add.f32 [tilespmem:s10], [sflag:$0xB], $0x1, s14, s12, $0xb8;
	[tilespmem:$0x1ECD0] =	vst v63  }
0x3e4: {  	s17 =	simm.s32 $0xA  }
0x3e5: {  	[spmem:s5] =	stream.indirect.scatter.add.f32 [tilespmem:s11], [sflag:$0xE], $0x1, s14, s12, $0xb8;
	[tilespmem:$0x1ECD0] =	vst v63  }
0x3e6: {  	_ =	swait.ge [sflag:s17], $0x2710  }
0x3e7: {  	[sflag:s17] =	ssyncset.done $0x0  }
0x3e8: {  	[sflag:s17] =	ssyncadd.s32 $0xFFFFD8F0  }
0x3e9: {  	_ =	swait.ge [sflag:s15], $0x2710  }
0x3ea: {  	s1 =	sld [smem:$0x7F6]  }
0x3eb: {  	[sflag:s15] =	ssyncset.done $0x0  }
0x3ec: {  	s13 =	sld [smem:$0x7F7];
	[sflag:s15] =	ssyncadd.s32 $0xFFFFD8F0  }
0x3ed: {  	[tilespmem:s16], [sflag:$0x1] =	stream.linear.gather [hbm4b:s1+s2], $0x2710, $0x38;
	[tilespmem:$0x1ECD0] =	vst v63  }
0x3ee: {  	s7 =	simm.s32 $0x3  }
0x3ef: {  	[tilespmem:s20], [sflag:$0x4] =	stream.linear.gather [hbm4b:s13+s2], $0x2710, $0x38;
	[tilespmem:$0x1ECD0] =	vst v63  }
0x3f0: {  	_ =	swait.ge [sflag:s7], $0x2710  }
0x3f1: {  	[sflag:s7] =	ssyncset.done $0x0  }
0x3f2: {  	s9 =	simm.s32 $0x6;
	[sflag:s7] =	ssyncadd.s32 $0xFFFFD8F0  }
0x3f3: {  	_ =	swait.ge [sflag:s9], $0x2710  }
0x3f4: {  	[sflag:s9] =	ssyncset.done $0x0  }
0x3f5: {  	s8 =	simm.s32 $0x9;
	[sflag:s9] =	ssyncadd.s32 $0xFFFFD8F0  }
0x3f6: {  	[tilespmem:s6], [sflag:$0x9] =	stream.indirect.gather [spmem:s4], $0x1, s30, s12, $0xb8;
	[tilespmem:$0x1ECD0] =	vst v63  }
0x3f7: {  	_ =	swait.ge [sflag:s8], $0x2710  }
0x3f8: {  	[sflag:s8] =	ssyncset.done $0x0  }
0x3f9: {  	[sflag:s8] =	ssyncadd.s32 $0xFFFFD8F0  }
0x3fa: {  	[spmem:s3] =	stream.indirect.scatter.add.f32 [tilespmem:s6], [sflag:$0xC], $0x1, s31, s12, $0xb8;
	[tilespmem:$0x1ECD0] =	vst v63  }
0x3fb: {  	_ = 	snop  }
0x3fc: {  	[spmem:s5] =	stream.indirect.scatter.add.f32 [tilespmem:s11], [sflag:$0xF], $0x1, s31, s12, $0xb8;
	[tilespmem:$0x1ECD0] =	vst v63  }
0x3fd: {  	_ =	swait.ge [sflag:s18], $0x2710  }
0x3fe: {  	[sflag:s18] =	ssyncset.done $0x0  }
0x3ff: {  	s15 =	simm.s32 $0xE;
	[sflag:s18] =	ssyncadd.s32 $0xFFFFD8F0  }
0x400: {  	_ =	swait.ge [sflag:s15], $0x2710  }
0x401: {  	s1 =	sld [smem:$0x7F8]  }
0x402: {  	[sflag:s15] =	ssyncset.done $0x0  }
0x403: {  	s13 =	sld [smem:$0x7F9];
	[sflag:s15] =	ssyncadd.s32 $0xFFFFD8F0  }
0x404: {  	[tilespmem:s24], [sflag:$0x2] =	stream.linear.gather [hbm4b:s1+s2], $0x2710, $0x38;
	[tilespmem:$0x1ECD0] =	vst v63  }
0x405: {  	_ = 	snop  }
0x406: {  	[tilespmem:s14], [sflag:$0x5] =	stream.linear.gather [hbm4b:s13+s2], $0x2710, $0x38;
	[tilespmem:$0x1ECD0] =	vst v63  }
0x407: {  	_ =	swait.ge [sflag:s28], $0x2710  }
0x408: {  	[sflag:s28] =	ssyncset.done $0x0  }
0x409: {  	[sflag:s28] =	ssyncadd.s32 $0xFFFFD8F0  }
0x40a: {  	_ =	swait.ge [sflag:s26], $0x2710  }
0x40b: {  	[sflag:s26] =	ssyncset.done $0x0  }
0x40c: {  	[sflag:s26] =	ssyncadd.s32 $0xFFFFD8F0  }
0x40d: {  	[tilespmem:s29], [sflag:$0x7] =	stream.indirect.gather [spmem:s4], $0x1, s16, s12, $0xb8;
	[tilespmem:$0x1ECD0] =	vst v63  }
0x40e: {  	_ =	swait.ge [sflag:s25], $0x2710  }
0x40f: {  	[sflag:s25] =	ssyncset.done $0x0  }
0x410: {  	[sflag:s25] =	ssyncadd.s32 $0xFFFFD8F0  }
0x411: {  	[spmem:s3] =	stream.indirect.scatter.add.f32 [tilespmem:s29], [sflag:$0xA], $0x1, s20, s12, $0xb8;
	[tilespmem:$0x1ECD0] =	vst v63  }
0x412: {  	s30 =	simm.s32 $0xC  }
0x413: {  	[spmem:s5] =	stream.indirect.scatter.add.f32 [tilespmem:s11], [sflag:$0xD], $0x1, s20, s12, $0xb8;
	[tilespmem:$0x1ECD0] =	vst v63  }
0x414: {  	_ =	swait.ge [sflag:s30], $0x2710  }
0x415: {  	[sflag:s30] =	ssyncset.done $0x0  }
0x416: {  	s29 =	simm.s32 $0xF;
	[sflag:s30] =	ssyncadd.s32 $0xFFFFD8F0  }
0x417: {  	_ =	swait.ge [sflag:s29], $0x2710  }
0x418: {  	[sflag:s29] =	ssyncset.done $0x0  }
0x419: {  	[sflag:s29] =	ssyncadd.s32 $0xFFFFD8F0  }
0x41a: {  	_ =	swait.ge [sflag:s22], $0x2710  }
0x41b: {  	[sflag:s22] =	ssyncset.done $0x0  }
0x41c: {  	[sflag:s22] =	ssyncadd.s32 $0xFFFFD8F0  }
0x41d: {  	_ =	swait.ge [sflag:s19], $0x2710  }
0x41e: {  	[sflag:s19] =	ssyncset.done $0x0  }
0x41f: {  	[sflag:s19] =	ssyncadd.s32 $0xFFFFD8F0  }
0x420: {  	[tilespmem:s10], [sflag:$0x8] =	stream.indirect.gather [spmem:s4], $0x1, s24, s12, $0xb8;
	[tilespmem:$0x1ECD0] =	vst v63  }
0x421: {  	_ =	swait.ge [sflag:s21], $0x2710  }
0x422: {  	[sflag:s21] =	ssyncset.done $0x0  }
0x423: {  	s11 =	simm.s32 $0xCEE0;
	[sflag:s21] =	ssyncadd.s32 $0xFFFFD8F0  }
0x424: {  	[spmem:s3] =	stream.indirect.scatter.add.f32 [tilespmem:s10], [sflag:$0xB], $0x1, s11, s12, $0xb8;
	[tilespmem:$0x1ECD0] =	vst v63  }
0x425: {  	s10 =	simm.s32 $0x1C550  }
0x426: {  	[spmem:s5] =	stream.indirect.scatter.add.f32 [tilespmem:s10], [sflag:$0xE], $0x1, s11, s12, $0xb8;
	[tilespmem:$0x1ECD0] =	vst v63  }
0x427: {  	_ =	swait.ge [sflag:s17], $0x2710  }
0x428: {  	[sflag:s17] =	ssyncset.done $0x0  }
0x429: {  	s14 =	simm.s32 $0xD;
	[sflag:s17] =	ssyncadd.s32 $0xFFFFD8F0  }
0x42a: {  	_ =	swait.ge [sflag:s14], $0x2710  }
0x42b: {  	[sflag:s14] =	ssyncset.done $0x0  }
0x42c: {  	[sflag:s14] =	ssyncadd.s32 $0xFFFFD8F0  }
0x42d: {  	_ =	swait.ge [sflag:s18], $0x2710  }
0x42e: {  	[sflag:s18] =	ssyncset.done $0x0  }
0x42f: {  	[sflag:s18] =	ssyncadd.s32 $0xFFFFD8F0  }
0x430: {  	_ =	swait.ge [sflag:s15], $0x2710  }
0x431: {  	[sflag:s15] =	ssyncset.done $0x0  }
0x432: {  	[sflag:s15] =	ssyncadd.s32 $0xFFFFD8F0  }
0x433: {  	[bflag:$0x0] =	sbarrier.arrive $0xFFFF  }
0x434: {  	s5 =	sld [smem:$0x7FB];
	_ =	sdelay $0x1  }
0x435: {  	s13 =	simm.s32 $0x19460;
	s4 =	simm.s32 $0x10  }
0x436: {  	[tilespmem:s13], [sflag:$0x10] =	stream.linear.gather [spmem:s5], $0x1870, $0x38;
	[tilespmem:$0x1ECD0] =	vst v63  }
0x437: {  	_ =	swait.ge [sflag:s4], $0x1870  }
0x438: {  	s5 =	sld [smem:$0x7FA]  }
0x439: {  	[sflag:s4] =	ssyncset.done $0x0  }
0x43a: {  	[sflag:s4] =	ssyncadd.s32 $0xFFFFE790  }
0x43b: {  	[hbm4b:s5+s2] =	stream.linear.scatter [tilespmem:s13], [sflag:$0x10], $0x1870, $0x38;
	[tilespmem:$0x1ECD0] =	vst v63  }
0x43c: {  	_ =	swait.ge [sflag:s4], $0x1870  }
0x43d: {  	s5 =	sld [smem:$0x7FC]  }
0x43e: {  	[sflag:s4] =	ssyncset.done $0x0  }
0x43f: {  	[sflag:s4] =	ssyncadd.s32 $0xFFFFE790  }
0x440: {  	[tilespmem:s13], [sflag:$0x10] =	stream.linear.gather [spmem:s5], $0x1870, $0x38;
	[tilespmem:$0x1ECD0] =	vst v63  }
0x441: {  	_ =	swait.ge [sflag:s4], $0x1870  }
0x442: {  	s5 =	sld [smem:$0x7FD]  }
.Ltmp2:
0x443: {  	[sflag:s4] =	ssyncset.done $0x0;
	(pc) =	sbr.rel @p1 .LBB2_3-.Ltmp2, $4  }
0x444: {  	[sflag:s4] =	ssyncadd.s32 $0xFFFFE790  }
0x445: {  	[hbm4b:s5+s2] =	stream.linear.scatter [tilespmem:s13], [sflag:$0x10], $0x1870, $0x38;
	[tilespmem:$0x1ECD0] =	vst v63  }
0x446: {  	_ =	swait.ge [sflag:s4], $0x1870  }
0x447: {  	s1 =	rddreg [dreg:$0x7];
	[sflag:s4] =	ssyncset.done $0x0  }
0x448: {  	s24 =	rddreg [dreg:$0x4]  }
0x449: {  	s5 =	rddreg [dreg:$0x2]  }
.LBB2_5:
0x44a: {  	[sflag:s4] =	ssyncadd.s32 @p0 $0xFFFFE790;
	s6 =	simm.s32 $0x19460  }
0x44b: {  	[tilespmem:s6], [sflag:$0x10] =	stream.linear.gather [hbm4b:s1+s2], $0x1870, $0x38;
	[tilespmem:$0x1ECD0] =	vst v63  }
0x44c: {  	_ =	swait.ge [sflag:s4], $0x1870  }
0x44d: {  	[sflag:s4] =	ssyncset.done $0x0  }
0x44e: {  	s0 =	rddreg [dreg:$0x8];
	[sflag:s4] =	ssyncadd.s32 $0xFFFFE790  }
0x44f: {  	[spmem:s0] =	stream.linear.scatter [tilespmem:s6], [sflag:$0x10], $0x1870, $0x38;
	[tilespmem:$0x1ECD0] =	vst v63  }
0x450: {  	_ =	swait.ge [sflag:s4], $0x1870  }
0x451: {  	[sflag:s4] =	ssyncset.done $0x0  }
0x452: {  	s13 =	rddreg [dreg:$0x9];
	[sflag:s4] =	ssyncadd.s32 $0xFFFFE790  }
0x453: {  	[tilespmem:s6], [sflag:$0x10] =	stream.linear.gather [hbm4b:s13+s2], $0x1870, $0x38;
	[tilespmem:$0x1ECD0] =	vst v63  }
0x454: {  	_ =	swait.ge [sflag:s4], $0x1870  }
0x455: {  	s16 =	sld [smem:$0x7FB]  }
0x456: {  	[sflag:s4] =	ssyncset.done $0x0  }
0x457: {  	[sflag:s4] =	ssyncadd.s32 $0xFFFFE790  }
0x458: {  	[spmem:s16] =	stream.linear.scatter [tilespmem:s6], [sflag:$0x10], $0x1870, $0x38;
	[tilespmem:$0x1ECD0] =	vst v63  }
0x459: {  	_ =	swait.ge [sflag:s4], $0x1870  }
0x45a: {  	s23 =	sld [smem:$0x7FC]  }
0x45b: {  	[sflag:s4] =	ssyncset.done $0x0  }
0x45c: {  	[sflag:s4] =	ssyncadd.s32 $0xFFFFE790  }
0x45d: {  	[spmem:s23] =	stream.linear.scatter [tilespmem:s6], [sflag:$0x10], $0x1870, $0x38;
	[tilespmem:$0x1ECD0] =	vst v63  }
0x45e: {  	_ =	swait.ge [sflag:s4], $0x1870  }
0x45f: {  	[sflag:s4] =	ssyncset.done $0x0  }
0x460: {  	s1 =	rddreg [dreg:$0x6];
	[sflag:s4] =	ssyncadd.s32 $0xFFFFE790  }
0x461: {  	[tilespmem:s10], [sflag:$0x10] =	stream.linear.gather [hbm4b:s1+s2], $0x2780, $0x38;
	[tilespmem:$0x1ECD0] =	vst v63  }
0x462: {  	_ =	swait.ge [sflag:s4], $0x2780  }
0x463: {  	[sflag:s4] =	ssyncset.done $0x0  }
0x464: {  	[sflag:s4] =	ssyncadd.s32 $0xFFFFD880  }
0x465: {  	[bflag:$0x0] =	sbarrier.arrive $0xFFFF  }
0x466: {  	s16 =	simm.s32 $0x30E0;
	s6 =	rddreg [dreg:$0xa]  }
0x467: {  	[tilespmem:s16], [sflag:$0x1] =	stream.linear.gather [hbm4b:s6+s2], $0x2710, $0x38;
	[tilespmem:$0x1ECD0] =	vst v63  }
0x468: {  	s13 =	rddreg [dreg:$0xb]  }
0x469: {  	[tilespmem:s20], [sflag:$0x4] =	stream.linear.gather [hbm4b:s13+s2], $0x2710, $0x38;
	[tilespmem:$0x1ECD0] =	vst v63  }
0x46a: {  	s23 =	rddreg [dreg:$0xc];
	s13 =	simm.s32 $0x5860  }
0x46b: {  	[tilespmem:s13], [sflag:$0x2] =	stream.linear.gather [hbm4b:s23+s2], $0x2710, $0x38;
	[tilespmem:$0x1ECD0] =	vst v63  }
0x46c: {  	s16 =	rddreg [dreg:$0xd]  }
0x46d: {  	[tilespmem:s11], [sflag:$0x5] =	stream.linear.gather [hbm4b:s16+s2], $0x2710, $0x38;
	[tilespmem:$0x1ECD0] =	vst v63  }
0x46e: {  	_ =	swait.ge [sflag:s28], $0x2710  }
0x46f: {  	[sflag:s28] =	ssyncset.done $0x0  }
0x470: {  	[sflag:s28] =	ssyncadd.s32 $0xFFFFD8F0  }
0x471: {  	_ =	swait.ge [sflag:s26], $0x2710  }
0x472: {  	[sflag:s26] =	ssyncset.done $0x0  }
0x473: {  	s6 =	simm.s32 $0x30E0;
	s23 =	simm.s32 $0x11DE0;
	[sflag:s26] =	ssyncadd.s32 $0xFFFFD8F0  }
0x474: {  	[tilespmem:s23], [sflag:$0x7] =	stream.indirect.gather [spmem:s5], $0x1, s6, s12, $0xb8;
	[tilespmem:$0x1ECD0] =	vst v63  }
0x475: {  	_ =	swait.ge [sflag:s25], $0x2710  }
0x476: {  	[sflag:s25] =	ssyncset.done $0x0  }
0x477: {  	[sflag:s25] =	ssyncadd.s32 $0xFFFFD8F0  }
0x478: {  	[spmem:s3] =	stream.indirect.scatter.add.f32 [tilespmem:s23], [sflag:$0xA], $0x1, s20, s12, $0xb8;
	[tilespmem:$0x1ECD0] =	vst v63  }
0x479: {  	_ = 	snop  }
0x47a: {  	[spmem:s24] =	stream.indirect.scatter.add.f32 [tilespmem:s10], [sflag:$0xD], $0x1, s20, s12, $0xb8;
	[tilespmem:$0x1ECD0] =	vst v63  }
0x47b: {  	s1 =	rddreg [dreg:$0xe];
	s23 =	simm.s32 $0x7FE0  }
0x47c: {  	[tilespmem:s23], [sflag:$0x3] =	stream.linear.gather [hbm4b:s1+s2], $0x2710, $0x38;
	[tilespmem:$0x1ECD0] =	vst v63  }
0x47d: {  	s6 =	rddreg [dreg:$0xf]  }
0x47e: {  	[tilespmem:s31], [sflag:$0x6] =	stream.linear.gather [hbm4b:s6+s2], $0x2710, $0x38;
	[tilespmem:$0x1ECD0] =	vst v63  }
0x47f: {  	_ =	swait.ge [sflag:s22], $0x2710  }
0x480: {  	[sflag:s22] =	ssyncset.done $0x0  }
0x481: {  	[sflag:s22] =	ssyncadd.s32 $0xFFFFD8F0  }
0x482: {  	_ =	swait.ge [sflag:s19], $0x2710  }
0x483: {  	[sflag:s19] =	ssyncset.done $0x0  }
0x484: {  	s13 =	simm.s32 $0x5860;
	s23 =	simm.s32 $0x14560;
	[sflag:s19] =	ssyncadd.s32 $0xFFFFD8F0  }
0x485: {  	[tilespmem:s23], [sflag:$0x8] =	stream.indirect.gather [spmem:s5], $0x1, s13, s12, $0xb8;
	[tilespmem:$0x1ECD0] =	vst v63  }
0x486: {  	_ =	swait.ge [sflag:s21], $0x2710  }
0x487: {  	[sflag:s21] =	ssyncset.done $0x0  }
0x488: {  	[sflag:s21] =	ssyncadd.s32 $0xFFFFD8F0  }
0x489: {  	[spmem:s3] =	stream.indirect.scatter.add.f32 [tilespmem:s23], [sflag:$0xB], $0x1, s11, s12, $0xb8;
	[tilespmem:$0x1ECD0] =	vst v63  }
0x48a: {  	_ = 	snop  }
0x48b: {  	[spmem:s24] =	stream.indirect.scatter.add.f32 [tilespmem:s10], [sflag:$0xE], $0x1, s11, s12, $0xb8;
	[tilespmem:$0x1ECD0] =	vst v63  }
0x48c: {  	_ =	swait.ge [sflag:s17], $0x2710  }
0x48d: {  	[sflag:s17] =	ssyncset.done $0x0  }
0x48e: {  	[sflag:s17] =	ssyncadd.s32 $0xFFFFD8F0  }
0x48f: {  	_ =	swait.ge [sflag:s14], $0x2710  }
0x490: {  	[sflag:s14] =	ssyncset.done $0x0  }
0x491: {  	s6 =	simm.s32 $0x30E0;
	s1 =	rddreg [dreg:$0x10];
	[sflag:s14] =	ssyncadd.s32 $0xFFFFD8F0  }
0x492: {  	[tilespmem:s6], [sflag:$0x1] =	stream.linear.gather [hbm4b:s1+s2], $0x2710, $0x38;
	[tilespmem:$0x1ECD0] =	vst v63  }
0x493: {  	s23 =	rddreg [dreg:$0x11]  }
0x494: {  	[tilespmem:s20], [sflag:$0x4] =	stream.linear.gather [hbm4b:s23+s2], $0x2710, $0x38;
	[tilespmem:$0x1ECD0] =	vst v63  }
0x495: {  	_ =	swait.ge [sflag:s7], $0x2710  }
0x496: {  	[sflag:s7] =	ssyncset.done $0x0  }
0x497: {  	[sflag:s7] =	ssyncadd.s32 $0xFFFFD8F0  }
0x498: {  	_ =	swait.ge [sflag:s9], $0x2710  }
0x499: {  	[sflag:s9] =	ssyncset.done $0x0  }
0x49a: {  	s16 =	simm.s32 $0x7FE0;
	s23 =	simm.s32 $0x16CE0;
	[sflag:s9] =	ssyncadd.s32 $0xFFFFD8F0  }
0x49b: {  	[tilespmem:s23], [sflag:$0x9] =	stream.indirect.gather [spmem:s5], $0x1, s16, s12, $0xb8;
	[tilespmem:$0x1ECD0] =	vst v63  }
0x49c: {  	_ =	swait.ge [sflag:s8], $0x2710  }
0x49d: {  	[sflag:s8] =	ssyncset.done $0x0  }
0x49e: {  	[sflag:s8] =	ssyncadd.s32 $0xFFFFD8F0  }
0x49f: {  	[spmem:s3] =	stream.indirect.scatter.add.f32 [tilespmem:s23], [sflag:$0xC], $0x1, s31, s12, $0xb8;
	[tilespmem:$0x1ECD0] =	vst v63  }
0x4a0: {  	_ = 	snop  }
0x4a1: {  	[spmem:s24] =	stream.indirect.scatter.add.f32 [tilespmem:s10], [sflag:$0xF], $0x1, s31, s12, $0xb8;
	[tilespmem:$0x1ECD0] =	vst v63  }
0x4a2: {  	_ =	swait.ge [sflag:s18], $0x2710  }
0x4a3: {  	[sflag:s18] =	ssyncset.done $0x0  }
0x4a4: {  	[sflag:s18] =	ssyncadd.s32 $0xFFFFD8F0  }
0x4a5: {  	_ =	swait.ge [sflag:s15], $0x2710  }
0x4a6: {  	[sflag:s15] =	ssyncset.done $0x0  }
0x4a7: {  	s13 =	simm.s32 $0x5860;
	s0 =	rddreg [dreg:$0x12];
	[sflag:s15] =	ssyncadd.s32 $0xFFFFD8F0  }
0x4a8: {  	[tilespmem:s13], [sflag:$0x2] =	stream.linear.gather [hbm4b:s0+s2], $0x2710, $0x38;
	[tilespmem:$0x1ECD0] =	vst v63  }
0x4a9: {  	s1 =	rddreg [dreg:$0x13]  }
0x4aa: {  	[tilespmem:s11], [sflag:$0x5] =	stream.linear.gather [hbm4b:s1+s2], $0x2710, $0x38;
	[tilespmem:$0x1ECD0] =	vst v63  }
0x4ab: {  	_ =	swait.ge [sflag:s28], $0x2710  }
0x4ac: {  	[sflag:s28] =	ssyncset.done $0x0  }
0x4ad: {  	[sflag:s28] =	ssyncadd.s32 $0xFFFFD8F0  }
0x4ae: {  	_ =	swait.ge [sflag:s26], $0x2710  }
0x4af: {  	[sflag:s26] =	ssyncset.done $0x0  }
0x4b0: {  	s1 =	simm.s32 $0x11DE0;
	[sflag:s26] =	ssyncadd.s32 $0xFFFFD8F0  }
0x4b1: {  	[tilespmem:s1], [sflag:$0x7] =	stream.indirect.gather [spmem:s5], $0x1, s6, s12, $0xb8;
	[tilespmem:$0x1ECD0] =	vst v63  }
0x4b2: {  	_ =	swait.ge [sflag:s25], $0x2710  }
0x4b3: {  	[sflag:s25] =	ssyncset.done $0x0  }
0x4b4: {  	[sflag:s25] =	ssyncadd.s32 $0xFFFFD8F0  }
0x4b5: {  	[spmem:s3] =	stream.indirect.scatter.add.f32 [tilespmem:s1], [sflag:$0xA], $0x1, s20, s12, $0xb8;
	[tilespmem:$0x1ECD0] =	vst v63  }
0x4b6: {  	_ = 	snop  }
0x4b7: {  	[spmem:s24] =	stream.indirect.scatter.add.f32 [tilespmem:s10], [sflag:$0xD], $0x1, s20, s12, $0xb8;
	[tilespmem:$0x1ECD0] =	vst v63  }
0x4b8: {  	_ =	swait.ge [sflag:s30], $0x2710  }
0x4b9: {  	[sflag:s30] =	ssyncset.done $0x0  }
0x4ba: {  	[sflag:s30] =	ssyncadd.s32 $0xFFFFD8F0  }
0x4bb: {  	_ =	swait.ge [sflag:s29], $0x2710  }
0x4bc: {  	[sflag:s29] =	ssyncset.done $0x0  }
0x4bd: {  	s16 =	simm.s32 $0x7FE0;
	s0 =	rddreg [dreg:$0x14];
	[sflag:s29] =	ssyncadd.s32 $0xFFFFD8F0  }
0x4be: {  	[tilespmem:s16], [sflag:$0x3] =	stream.linear.gather [hbm4b:s0+s2], $0x2710, $0x38;
	[tilespmem:$0x1ECD0] =	vst v63  }
0x4bf: {  	s1 =	rddreg [dreg:$0x15]  }
0x4c0: {  	[tilespmem:s31], [sflag:$0x6] =	stream.linear.gather [hbm4b:s1+s2], $0x2710, $0x38;
	[tilespmem:$0x1ECD0] =	vst v63  }
0x4c1: {  	_ =	swait.ge [sflag:s22], $0x2710  }
0x4c2: {  	[sflag:s22] =	ssyncset.done $0x0  }
0x4c3: {  	[sflag:s22] =	ssyncadd.s32 $0xFFFFD8F0  }
0x4c4: {  	_ =	swait.ge [sflag:s19], $0x2710  }
0x4c5: {  	[sflag:s19] =	ssyncset.done $0x0  }
0x4c6: {  	s13 =	simm.s32 $0x5860;
	s1 =	simm.s32 $0x14560;
	[sflag:s19] =	ssyncadd.s32 $0xFFFFD8F0  }
0x4c7: {  	[tilespmem:s1], [sflag:$0x8] =	stream.indirect.gather [spmem:s5], $0x1, s13, s12, $0xb8;
	[tilespmem:$0x1ECD0] =	vst v63  }
0x4c8: {  	_ =	swait.ge [sflag:s21], $0x2710  }
0x4c9: {  	[sflag:s21] =	ssyncset.done $0x0  }
0x4ca: {  	[sflag:s21] =	ssyncadd.s32 $0xFFFFD8F0  }
0x4cb: {  	[spmem:s3] =	stream.indirect.scatter.add.f32 [tilespmem:s1], [sflag:$0xB], $0x1, s11, s12, $0xb8;
	[tilespmem:$0x1ECD0] =	vst v63  }
0x4cc: {  	_ = 	snop  }
0x4cd: {  	[spmem:s24] =	stream.indirect.scatter.add.f32 [tilespmem:s10], [sflag:$0xE], $0x1, s11, s12, $0xb8;
	[tilespmem:$0x1ECD0] =	vst v63  }
0x4ce: {  	_ =	swait.ge [sflag:s17], $0x2710  }
0x4cf: {  	[sflag:s17] =	ssyncset.done $0x0  }
0x4d0: {  	[sflag:s17] =	ssyncadd.s32 $0xFFFFD8F0  }
0x4d1: {  	_ =	swait.ge [sflag:s14], $0x2710  }
0x4d2: {  	[sflag:s14] =	ssyncset.done $0x0  }
0x4d3: {  	s6 =	simm.s32 $0x30E0;
	s0 =	rddreg [dreg:$0x16];
	[sflag:s14] =	ssyncadd.s32 $0xFFFFD8F0  }
0x4d4: {  	[tilespmem:s6], [sflag:$0x1] =	stream.linear.gather [hbm4b:s0+s2], $0x2710, $0x38;
	[tilespmem:$0x1ECD0] =	vst v63  }
0x4d5: {  	s1 =	rddreg [dreg:$0x17]  }
0x4d6: {  	[tilespmem:s20], [sflag:$0x4] =	stream.linear.gather [hbm4b:s1+s2], $0x2710, $0x38;
	[tilespmem:$0x1ECD0] =	vst v63  }
0x4d7: {  	_ =	swait.ge [sflag:s7], $0x2710  }
0x4d8: {  	[sflag:s7] =	ssyncset.done $0x0  }
0x4d9: {  	[sflag:s7] =	ssyncadd.s32 $0xFFFFD8F0  }
0x4da: {  	_ =	swait.ge [sflag:s9], $0x2710  }
0x4db: {  	[sflag:s9] =	ssyncset.done $0x0  }
0x4dc: {  	s16 =	simm.s32 $0x7FE0;
	[sflag:s9] =	ssyncadd.s32 $0xFFFFD8F0  }
0x4dd: {  	[tilespmem:s23], [sflag:$0x9] =	stream.indirect.gather [spmem:s5], $0x1, s16, s12, $0xb8;
	[tilespmem:$0x1ECD0] =	vst v63  }
0x4de: {  	_ =	swait.ge [sflag:s8], $0x2710  }
0x4df: {  	[sflag:s8] =	ssyncset.done $0x0  }
0x4e0: {  	[sflag:s8] =	ssyncadd.s32 $0xFFFFD8F0  }
0x4e1: {  	[spmem:s3] =	stream.indirect.scatter.add.f32 [tilespmem:s23], [sflag:$0xC], $0x1, s31, s12, $0xb8;
	[tilespmem:$0x1ECD0] =	vst v63  }
0x4e2: {  	_ = 	snop  }
0x4e3: {  	[spmem:s24] =	stream.indirect.scatter.add.f32 [tilespmem:s10], [sflag:$0xF], $0x1, s31, s12, $0xb8;
	[tilespmem:$0x1ECD0] =	vst v63  }
0x4e4: {  	_ =	swait.ge [sflag:s18], $0x2710  }
0x4e5: {  	[sflag:s18] =	ssyncset.done $0x0  }
0x4e6: {  	[sflag:s18] =	ssyncadd.s32 $0xFFFFD8F0  }
0x4e7: {  	_ =	swait.ge [sflag:s15], $0x2710  }
0x4e8: {  	[sflag:s15] =	ssyncset.done $0x0  }
0x4e9: {  	s13 =	simm.s32 $0x5860;
	s0 =	rddreg [dreg:$0x18];
	[sflag:s15] =	ssyncadd.s32 $0xFFFFD8F0  }
0x4ea: {  	[tilespmem:s13], [sflag:$0x2] =	stream.linear.gather [hbm4b:s0+s2], $0x2710, $0x38;
	[tilespmem:$0x1ECD0] =	vst v63  }
0x4eb: {  	s1 =	rddreg [dreg:$0x19]  }
0x4ec: {  	[tilespmem:s11], [sflag:$0x5] =	stream.linear.gather [hbm4b:s1+s2], $0x2710, $0x38;
	[tilespmem:$0x1ECD0] =	vst v63  }
0x4ed: {  	_ =	swait.ge [sflag:s28], $0x2710  }
0x4ee: {  	[sflag:s28] =	ssyncset.done $0x0  }
0x4ef: {  	[sflag:s28] =	ssyncadd.s32 $0xFFFFD8F0  }
0x4f0: {  	_ =	swait.ge [sflag:s26], $0x2710  }
0x4f1: {  	[sflag:s26] =	ssyncset.done $0x0  }
0x4f2: {  	s6 =	simm.s32 $0x30E0;
	s1 =	simm.s32 $0x11DE0;
	[sflag:s26] =	ssyncadd.s32 $0xFFFFD8F0  }
0x4f3: {  	[tilespmem:s1], [sflag:$0x7] =	stream.indirect.gather [spmem:s5], $0x1, s6, s12, $0xb8;
	[tilespmem:$0x1ECD0] =	vst v63  }
0x4f4: {  	_ =	swait.ge [sflag:s25], $0x2710  }
0x4f5: {  	[sflag:s25] =	ssyncset.done $0x0  }
0x4f6: {  	[sflag:s25] =	ssyncadd.s32 $0xFFFFD8F0  }
0x4f7: {  	[spmem:s3] =	stream.indirect.scatter.add.f32 [tilespmem:s1], [sflag:$0xA], $0x1, s20, s12, $0xb8;
	[tilespmem:$0x1ECD0] =	vst v63  }
0x4f8: {  	_ = 	snop  }
0x4f9: {  	[spmem:s24] =	stream.indirect.scatter.add.f32 [tilespmem:s10], [sflag:$0xD], $0x1, s20, s12, $0xb8;
	[tilespmem:$0x1ECD0] =	vst v63  }
0x4fa: {  	_ =	swait.ge [sflag:s30], $0x2710  }
0x4fb: {  	[sflag:s30] =	ssyncset.done $0x0  }
0x4fc: {  	[sflag:s30] =	ssyncadd.s32 $0xFFFFD8F0  }
0x4fd: {  	_ =	swait.ge [sflag:s29], $0x2710  }
0x4fe: {  	[sflag:s29] =	ssyncset.done $0x0  }
0x4ff: {  	s16 =	simm.s32 $0x7FE0;
	s0 =	rddreg [dreg:$0x1a];
	[sflag:s29] =	ssyncadd.s32 $0xFFFFD8F0  }
0x500: {  	[tilespmem:s16], [sflag:$0x3] =	stream.linear.gather [hbm4b:s0+s2], $0x2710, $0x38;
	[tilespmem:$0x1ECD0] =	vst v63  }
0x501: {  	s1 =	rddreg [dreg:$0x1b]  }
0x502: {  	[tilespmem:s31], [sflag:$0x6] =	stream.linear.gather [hbm4b:s1+s2], $0x2710, $0x38;
	[tilespmem:$0x1ECD0] =	vst v63  }
0x503: {  	_ =	swait.ge [sflag:s22], $0x2710  }
0x504: {  	[sflag:s22] =	ssyncset.done $0x0  }
0x505: {  	[sflag:s22] =	ssyncadd.s32 $0xFFFFD8F0  }
0x506: {  	_ =	swait.ge [sflag:s19], $0x2710  }
0x507: {  	[sflag:s19] =	ssyncset.done $0x0  }
0x508: {  	s13 =	simm.s32 $0x5860;
	s1 =	simm.s32 $0x14560;
	[sflag:s19] =	ssyncadd.s32 $0xFFFFD8F0  }
0x509: {  	[tilespmem:s1], [sflag:$0x8] =	stream.indirect.gather [spmem:s5], $0x1, s13, s12, $0xb8;
	[tilespmem:$0x1ECD0] =	vst v63  }
0x50a: {  	_ =	swait.ge [sflag:s21], $0x2710  }
0x50b: {  	[sflag:s21] =	ssyncset.done $0x0  }
0x50c: {  	[sflag:s21] =	ssyncadd.s32 $0xFFFFD8F0  }
0x50d: {  	[spmem:s3] =	stream.indirect.scatter.add.f32 [tilespmem:s1], [sflag:$0xB], $0x1, s11, s12, $0xb8;
	[tilespmem:$0x1ECD0] =	vst v63  }
0x50e: {  	_ = 	snop  }
0x50f: {  	[spmem:s24] =	stream.indirect.scatter.add.f32 [tilespmem:s10], [sflag:$0xE], $0x1, s11, s12, $0xb8;
	[tilespmem:$0x1ECD0] =	vst v63  }
0x510: {  	_ =	swait.ge [sflag:s17], $0x2710  }
0x511: {  	[sflag:s17] =	ssyncset.done $0x0  }
0x512: {  	[sflag:s17] =	ssyncadd.s32 $0xFFFFD8F0  }
0x513: {  	_ =	swait.ge [sflag:s14], $0x2710  }
0x514: {  	[sflag:s14] =	ssyncset.done $0x0  }
0x515: {  	s6 =	simm.s32 $0x30E0;
	s1 =	rddreg [dreg:$0x1c];
	[sflag:s14] =	ssyncadd.s32 $0xFFFFD8F0  }
0x516: {  	[tilespmem:s6], [sflag:$0x1] =	stream.linear.gather [hbm4b:s1+s2], $0x2710, $0x38;
	[tilespmem:$0x1ECD0] =	vst v63  }
0x517: {  	s13 =	rddreg [dreg:$0x1d]  }
0x518: {  	[tilespmem:s20], [sflag:$0x4] =	stream.linear.gather [hbm4b:s13+s2], $0x2710, $0x38;
	[tilespmem:$0x1ECD0] =	vst v63  }
0x519: {  	_ =	swait.ge [sflag:s7], $0x2710  }
0x51a: {  	[sflag:s7] =	ssyncset.done $0x0  }
0x51b: {  	[sflag:s7] =	ssyncadd.s32 $0xFFFFD8F0  }
0x51c: {  	_ =	swait.ge [sflag:s9], $0x2710  }
0x51d: {  	[sflag:s9] =	ssyncset.done $0x0  }
0x51e: {  	s16 =	simm.s32 $0x7FE0;
	[sflag:s9] =	ssyncadd.s32 $0xFFFFD8F0  }
0x51f: {  	[tilespmem:s23], [sflag:$0x9] =	stream.indirect.gather [spmem:s5], $0x1, s16, s12, $0xb8;
	[tilespmem:$0x1ECD0] =	vst v63  }
0x520: {  	_ =	swait.ge [sflag:s8], $0x2710  }
0x521: {  	[sflag:s8] =	ssyncset.done $0x0  }
0x522: {  	[sflag:s8] =	ssyncadd.s32 $0xFFFFD8F0  }
0x523: {  	[spmem:s3] =	stream.indirect.scatter.add.f32 [tilespmem:s23], [sflag:$0xC], $0x1, s31, s12, $0xb8;
	[tilespmem:$0x1ECD0] =	vst v63  }
0x524: {  	_ = 	snop  }
0x525: {  	[spmem:s24] =	stream.indirect.scatter.add.f32 [tilespmem:s10], [sflag:$0xF], $0x1, s31, s12, $0xb8;
	[tilespmem:$0x1ECD0] =	vst v63  }
0x526: {  	_ =	swait.ge [sflag:s18], $0x2710  }
0x527: {  	[sflag:s18] =	ssyncset.done $0x0  }
0x528: {  	[sflag:s18] =	ssyncadd.s32 $0xFFFFD8F0  }
0x529: {  	_ =	swait.ge [sflag:s15], $0x2710  }
0x52a: {  	[sflag:s15] =	ssyncset.done $0x0  }
0x52b: {  	s16 =	simm.s32 $0x5860;
	s0 =	rddreg [dreg:$0x1e];
	[sflag:s15] =	ssyncadd.s32 $0xFFFFD8F0  }
0x52c: {  	[tilespmem:s16], [sflag:$0x2] =	stream.linear.gather [hbm4b:s0+s2], $0x2710, $0x38;
	[tilespmem:$0x1ECD0] =	vst v63  }
0x52d: {  	s1 =	rddreg [dreg:$0x1f]  }
0x52e: {  	[tilespmem:s11], [sflag:$0x5] =	stream.linear.gather [hbm4b:s1+s2], $0x2710, $0x38;
	[tilespmem:$0x1ECD0] =	vst v63  }
0x52f: {  	_ =	swait.ge [sflag:s28], $0x2710  }
0x530: {  	[sflag:s28] =	ssyncset.done $0x0  }
0x531: {  	[sflag:s28] =	ssyncadd.s32 $0xFFFFD8F0  }
0x532: {  	_ =	swait.ge [sflag:s26], $0x2710  }
0x533: {  	[sflag:s26] =	ssyncset.done $0x0  }
0x534: {  	s6 =	simm.s32 $0x30E0;
	s1 =	simm.s32 $0x11DE0;
	[sflag:s26] =	ssyncadd.s32 $0xFFFFD8F0  }
0x535: {  	[tilespmem:s1], [sflag:$0x7] =	stream.indirect.gather [spmem:s5], $0x1, s6, s12, $0xb8;
	[tilespmem:$0x1ECD0] =	vst v63  }
0x536: {  	_ =	swait.ge [sflag:s25], $0x2710  }
0x537: {  	[sflag:s25] =	ssyncset.done $0x0  }
0x538: {  	[sflag:s25] =	ssyncadd.s32 $0xFFFFD8F0  }
0x539: {  	[spmem:s3] =	stream.indirect.scatter.add.f32 [tilespmem:s1], [sflag:$0xA], $0x1, s20, s12, $0xb8;
	[tilespmem:$0x1ECD0] =	vst v63  }
0x53a: {  	_ = 	snop  }
0x53b: {  	[spmem:s24] =	stream.indirect.scatter.add.f32 [tilespmem:s10], [sflag:$0xD], $0x1, s20, s12, $0xb8;
	[tilespmem:$0x1ECD0] =	vst v63  }
0x53c: {  	_ =	swait.ge [sflag:s30], $0x2710  }
0x53d: {  	[sflag:s30] =	ssyncset.done $0x0  }
0x53e: {  	[sflag:s30] =	ssyncadd.s32 $0xFFFFD8F0  }
0x53f: {  	_ =	swait.ge [sflag:s29], $0x2710  }
0x540: {  	s0 =	sld [smem:$0x7E8]  }
0x541: {  	[sflag:s29] =	ssyncset.done $0x0  }
0x542: {  	s13 =	simm.s32 $0x7FE0;
	s1 =	sld [smem:$0x7E9];
	[sflag:s29] =	ssyncadd.s32 $0xFFFFD8F0  }
0x543: {  	[tilespmem:s13], [sflag:$0x3] =	stream.linear.gather [hbm4b:s0+s2], $0x2710, $0x38;
	[tilespmem:$0x1ECD0] =	vst v63  }
0x544: {  	_ = 	snop  }
0x545: {  	[tilespmem:s31], [sflag:$0x6] =	stream.linear.gather [hbm4b:s1+s2], $0x2710, $0x38;
	[tilespmem:$0x1ECD0] =	vst v63  }
0x546: {  	_ =	swait.ge [sflag:s22], $0x2710  }
0x547: {  	[sflag:s22] =	ssyncset.done $0x0  }
0x548: {  	[sflag:s22] =	ssyncadd.s32 $0xFFFFD8F0  }
0x549: {  	_ =	swait.ge [sflag:s19], $0x2710  }
0x54a: {  	[sflag:s19] =	ssyncset.done $0x0  }
0x54b: {  	s16 =	simm.s32 $0x5860;
	s1 =	simm.s32 $0x14560;
	[sflag:s19] =	ssyncadd.s32 $0xFFFFD8F0  }
0x54c: {  	[tilespmem:s1], [sflag:$0x8] =	stream.indirect.gather [spmem:s5], $0x1, s16, s12, $0xb8;
	[tilespmem:$0x1ECD0] =	vst v63  }
0x54d: {  	_ =	swait.ge [sflag:s21], $0x2710  }
0x54e: {  	[sflag:s21] =	ssyncset.done $0x0  }
0x54f: {  	[sflag:s21] =	ssyncadd.s32 $0xFFFFD8F0  }
0x550: {  	[spmem:s3] =	stream.indirect.scatter.add.f32 [tilespmem:s1], [sflag:$0xB], $0x1, s11, s12, $0xb8;
	[tilespmem:$0x1ECD0] =	vst v63  }
0x551: {  	_ = 	snop  }
0x552: {  	[spmem:s24] =	stream.indirect.scatter.add.f32 [tilespmem:s10], [sflag:$0xE], $0x1, s11, s12, $0xb8;
	[tilespmem:$0x1ECD0] =	vst v63  }
0x553: {  	_ =	swait.ge [sflag:s17], $0x2710  }
0x554: {  	[sflag:s17] =	ssyncset.done $0x0  }
0x555: {  	[sflag:s17] =	ssyncadd.s32 $0xFFFFD8F0  }
0x556: {  	_ =	swait.ge [sflag:s14], $0x2710  }
0x557: {  	s0 =	sld [smem:$0x7EA]  }
0x558: {  	[sflag:s14] =	ssyncset.done $0x0  }
0x559: {  	s6 =	simm.s32 $0x30E0;
	s1 =	sld [smem:$0x7EB];
	[sflag:s14] =	ssyncadd.s32 $0xFFFFD8F0  }
0x55a: {  	[tilespmem:s6], [sflag:$0x1] =	stream.linear.gather [hbm4b:s0+s2], $0x2710, $0x38;
	[tilespmem:$0x1ECD0] =	vst v63  }
0x55b: {  	_ = 	snop  }
0x55c: {  	[tilespmem:s20], [sflag:$0x4] =	stream.linear.gather [hbm4b:s1+s2], $0x2710, $0x38;
	[tilespmem:$0x1ECD0] =	vst v63  }
0x55d: {  	_ =	swait.ge [sflag:s7], $0x2710  }
0x55e: {  	[sflag:s7] =	ssyncset.done $0x0  }
0x55f: {  	[sflag:s7] =	ssyncadd.s32 $0xFFFFD8F0  }
0x560: {  	_ =	swait.ge [sflag:s9], $0x2710  }
0x561: {  	[sflag:s9] =	ssyncset.done $0x0  }
0x562: {  	s13 =	simm.s32 $0x7FE0;
	[sflag:s9] =	ssyncadd.s32 $0xFFFFD8F0  }
0x563: {  	[tilespmem:s23], [sflag:$0x9] =	stream.indirect.gather [spmem:s5], $0x1, s13, s12, $0xb8;
	[tilespmem:$0x1ECD0] =	vst v63  }
0x564: {  	_ =	swait.ge [sflag:s8], $0x2710  }
0x565: {  	[sflag:s8] =	ssyncset.done $0x0  }
0x566: {  	[sflag:s8] =	ssyncadd.s32 $0xFFFFD8F0  }
0x567: {  	[spmem:s3] =	stream.indirect.scatter.add.f32 [tilespmem:s23], [sflag:$0xC], $0x1, s31, s12, $0xb8;
	[tilespmem:$0x1ECD0] =	vst v63  }
0x568: {  	_ = 	snop  }
0x569: {  	[spmem:s24] =	stream.indirect.scatter.add.f32 [tilespmem:s10], [sflag:$0xF], $0x1, s31, s12, $0xb8;
	[tilespmem:$0x1ECD0] =	vst v63  }
0x56a: {  	_ =	swait.ge [sflag:s18], $0x2710  }
0x56b: {  	[sflag:s18] =	ssyncset.done $0x0  }
0x56c: {  	[sflag:s18] =	ssyncadd.s32 $0xFFFFD8F0  }
0x56d: {  	_ =	swait.ge [sflag:s15], $0x2710  }
0x56e: {  	s0 =	sld [smem:$0x7EC]  }
0x56f: {  	[sflag:s15] =	ssyncset.done $0x0  }
0x570: {  	s16 =	simm.s32 $0x5860;
	s1 =	sld [smem:$0x7ED];
	[sflag:s15] =	ssyncadd.s32 $0xFFFFD8F0  }
0x571: {  	[tilespmem:s16], [sflag:$0x2] =	stream.linear.gather [hbm4b:s0+s2], $0x2710, $0x38;
	[tilespmem:$0x1ECD0] =	vst v63  }
0x572: {  	_ = 	snop  }
0x573: {  	[tilespmem:s11], [sflag:$0x5] =	stream.linear.gather [hbm4b:s1+s2], $0x2710, $0x38;
	[tilespmem:$0x1ECD0] =	vst v63  }
0x574: {  	_ =	swait.ge [sflag:s28], $0x2710  }
0x575: {  	[sflag:s28] =	ssyncset.done $0x0  }
0x576: {  	[sflag:s28] =	ssyncadd.s32 $0xFFFFD8F0  }
0x577: {  	_ =	swait.ge [sflag:s26], $0x2710  }
0x578: {  	[sflag:s26] =	ssyncset.done $0x0  }
0x579: {  	s6 =	simm.s32 $0x30E0;
	s1 =	simm.s32 $0x11DE0;
	[sflag:s26] =	ssyncadd.s32 $0xFFFFD8F0  }
0x57a: {  	[tilespmem:s1], [sflag:$0x7] =	stream.indirect.gather [spmem:s5], $0x1, s6, s12, $0xb8;
	[tilespmem:$0x1ECD0] =	vst v63  }
0x57b: {  	_ =	swait.ge [sflag:s25], $0x2710  }
0x57c: {  	[sflag:s25] =	ssyncset.done $0x0  }
0x57d: {  	[sflag:s25] =	ssyncadd.s32 $0xFFFFD8F0  }
0x57e: {  	[spmem:s3] =	stream.indirect.scatter.add.f32 [tilespmem:s1], [sflag:$0xA], $0x1, s20, s12, $0xb8;
	[tilespmem:$0x1ECD0] =	vst v63  }
0x57f: {  	_ = 	snop  }
0x580: {  	[spmem:s24] =	stream.indirect.scatter.add.f32 [tilespmem:s10], [sflag:$0xD], $0x1, s20, s12, $0xb8;
	[tilespmem:$0x1ECD0] =	vst v63  }
0x581: {  	_ =	swait.ge [sflag:s30], $0x2710  }
0x582: {  	[sflag:s30] =	ssyncset.done $0x0  }
0x583: {  	[sflag:s30] =	ssyncadd.s32 $0xFFFFD8F0  }
0x584: {  	_ =	swait.ge [sflag:s29], $0x2710  }
0x585: {  	s1 =	sld [smem:$0x7EE]  }
0x586: {  	[sflag:s29] =	ssyncset.done $0x0  }
0x587: {  	s13 =	simm.s32 $0x7FE0;
	s6 =	sld [smem:$0x7EF];
	[sflag:s29] =	ssyncadd.s32 $0xFFFFD8F0  }
0x588: {  	[tilespmem:s13], [sflag:$0x3] =	stream.linear.gather [hbm4b:s1+s2], $0x2710, $0x38;
	[tilespmem:$0x1ECD0] =	vst v63  }
0x589: {  	_ = 	snop  }
0x58a: {  	[tilespmem:s31], [sflag:$0x6] =	stream.linear.gather [hbm4b:s6+s2], $0x2710, $0x38;
	[tilespmem:$0x1ECD0] =	vst v63  }
0x58b: {  	_ =	swait.ge [sflag:s22], $0x2710  }
0x58c: {  	[sflag:s22] =	ssyncset.done $0x0  }
0x58d: {  	[sflag:s22] =	ssyncadd.s32 $0xFFFFD8F0  }
0x58e: {  	_ =	swait.ge [sflag:s19], $0x2710  }
0x58f: {  	[sflag:s19] =	ssyncset.done $0x0  }
0x590: {  	s16 =	simm.s32 $0x5860;
	s1 =	simm.s32 $0x14560;
	[sflag:s19] =	ssyncadd.s32 $0xFFFFD8F0  }
0x591: {  	[tilespmem:s1], [sflag:$0x8] =	stream.indirect.gather [spmem:s5], $0x1, s16, s12, $0xb8;
	[tilespmem:$0x1ECD0] =	vst v63  }
0x592: {  	_ =	swait.ge [sflag:s21], $0x2710  }
0x593: {  	[sflag:s21] =	ssyncset.done $0x0  }
0x594: {  	[sflag:s21] =	ssyncadd.s32 $0xFFFFD8F0  }
0x595: {  	[spmem:s3] =	stream.indirect.scatter.add.f32 [tilespmem:s1], [sflag:$0xB], $0x1, s11, s12, $0xb8;
	[tilespmem:$0x1ECD0] =	vst v63  }
0x596: {  	_ = 	snop  }
0x597: {  	[spmem:s24] =	stream.indirect.scatter.add.f32 [tilespmem:s10], [sflag:$0xE], $0x1, s11, s12, $0xb8;
	[tilespmem:$0x1ECD0] =	vst v63  }
0x598: {  	_ =	swait.ge [sflag:s17], $0x2710  }
0x599: {  	[sflag:s17] =	ssyncset.done $0x0  }
0x59a: {  	[sflag:s17] =	ssyncadd.s32 $0xFFFFD8F0  }
0x59b: {  	_ =	swait.ge [sflag:s14], $0x2710  }
0x59c: {  	s0 =	sld [smem:$0x7F0]  }
0x59d: {  	[sflag:s14] =	ssyncset.done $0x0  }
0x59e: {  	s16 =	simm.s32 $0x30E0;
	s1 =	sld [smem:$0x7F1];
	[sflag:s14] =	ssyncadd.s32 $0xFFFFD8F0  }
0x59f: {  	[tilespmem:s16], [sflag:$0x1] =	stream.linear.gather [hbm4b:s0+s2], $0x2710, $0x38;
	[tilespmem:$0x1ECD0] =	vst v63  }
0x5a0: {  	_ = 	snop  }
0x5a1: {  	[tilespmem:s20], [sflag:$0x4] =	stream.linear.gather [hbm4b:s1+s2], $0x2710, $0x38;
	[tilespmem:$0x1ECD0] =	vst v63  }
0x5a2: {  	_ =	swait.ge [sflag:s7], $0x2710  }
0x5a3: {  	[sflag:s7] =	ssyncset.done $0x0  }
0x5a4: {  	[sflag:s7] =	ssyncadd.s32 $0xFFFFD8F0  }
0x5a5: {  	_ =	swait.ge [sflag:s9], $0x2710  }
0x5a6: {  	[sflag:s9] =	ssyncset.done $0x0  }
0x5a7: {  	s13 =	simm.s32 $0x7FE0;
	[sflag:s9] =	ssyncadd.s32 $0xFFFFD8F0  }
0x5a8: {  	[tilespmem:s23], [sflag:$0x9] =	stream.indirect.gather [spmem:s5], $0x1, s13, s12, $0xb8;
	[tilespmem:$0x1ECD0] =	vst v63  }
0x5a9: {  	_ =	swait.ge [sflag:s8], $0x2710  }
0x5aa: {  	[sflag:s8] =	ssyncset.done $0x0  }
0x5ab: {  	[sflag:s8] =	ssyncadd.s32 $0xFFFFD8F0  }
0x5ac: {  	[spmem:s3] =	stream.indirect.scatter.add.f32 [tilespmem:s23], [sflag:$0xC], $0x1, s31, s12, $0xb8;
	[tilespmem:$0x1ECD0] =	vst v63  }
0x5ad: {  	_ = 	snop  }
0x5ae: {  	[spmem:s24] =	stream.indirect.scatter.add.f32 [tilespmem:s10], [sflag:$0xF], $0x1, s31, s12, $0xb8;
	[tilespmem:$0x1ECD0] =	vst v63  }
0x5af: {  	_ =	swait.ge [sflag:s18], $0x2710  }
0x5b0: {  	[sflag:s18] =	ssyncset.done $0x0  }
0x5b1: {  	[sflag:s18] =	ssyncadd.s32 $0xFFFFD8F0  }
0x5b2: {  	_ =	swait.ge [sflag:s15], $0x2710  }
0x5b3: {  	s0 =	sld [smem:$0x7F2]  }
0x5b4: {  	[sflag:s15] =	ssyncset.done $0x0  }
0x5b5: {  	s6 =	simm.s32 $0x5860;
	s1 =	sld [smem:$0x7F3];
	[sflag:s15] =	ssyncadd.s32 $0xFFFFD8F0  }
0x5b6: {  	[tilespmem:s6], [sflag:$0x2] =	stream.linear.gather [hbm4b:s0+s2], $0x2710, $0x38;
	[tilespmem:$0x1ECD0] =	vst v63  }
0x5b7: {  	_ = 	snop  }
0x5b8: {  	[tilespmem:s11], [sflag:$0x5] =	stream.linear.gather [hbm4b:s1+s2], $0x2710, $0x38;
	[tilespmem:$0x1ECD0] =	vst v63  }
0x5b9: {  	_ =	swait.ge [sflag:s28], $0x2710  }
0x5ba: {  	[sflag:s28] =	ssyncset.done $0x0  }
0x5bb: {  	[sflag:s28] =	ssyncadd.s32 $0xFFFFD8F0  }
0x5bc: {  	_ =	swait.ge [sflag:s26], $0x2710  }
0x5bd: {  	[sflag:s26] =	ssyncset.done $0x0  }
0x5be: {  	s16 =	simm.s32 $0x30E0;
	s1 =	simm.s32 $0x11DE0;
	[sflag:s26] =	ssyncadd.s32 $0xFFFFD8F0  }
0x5bf: {  	[tilespmem:s1], [sflag:$0x7] =	stream.indirect.gather [spmem:s5], $0x1, s16, s12, $0xb8;
	[tilespmem:$0x1ECD0] =	vst v63  }
0x5c0: {  	_ =	swait.ge [sflag:s25], $0x2710  }
0x5c1: {  	[sflag:s25] =	ssyncset.done $0x0  }
0x5c2: {  	[sflag:s25] =	ssyncadd.s32 $0xFFFFD8F0  }
0x5c3: {  	[spmem:s3] =	stream.indirect.scatter.add.f32 [tilespmem:s1], [sflag:$0xA], $0x1, s20, s12, $0xb8;
	[tilespmem:$0x1ECD0] =	vst v63  }
0x5c4: {  	_ = 	snop  }
0x5c5: {  	[spmem:s24] =	stream.indirect.scatter.add.f32 [tilespmem:s10], [sflag:$0xD], $0x1, s20, s12, $0xb8;
	[tilespmem:$0x1ECD0] =	vst v63  }
0x5c6: {  	_ =	swait.ge [sflag:s30], $0x2710  }
0x5c7: {  	[sflag:s30] =	ssyncset.done $0x0  }
0x5c8: {  	[sflag:s30] =	ssyncadd.s32 $0xFFFFD8F0  }
0x5c9: {  	_ =	swait.ge [sflag:s29], $0x2710  }
0x5ca: {  	s0 =	sld [smem:$0x7F4]  }
0x5cb: {  	[sflag:s29] =	ssyncset.done $0x0  }
0x5cc: {  	s1 =	sld [smem:$0x7F5];
	[sflag:s29] =	ssyncadd.s32 $0xFFFFD8F0  }
0x5cd: {  	[tilespmem:s13], [sflag:$0x3] =	stream.linear.gather [hbm4b:s0+s2], $0x2710, $0x38;
	[tilespmem:$0x1ECD0] =	vst v63  }
0x5ce: {  	_ = 	snop  }
0x5cf: {  	[tilespmem:s31], [sflag:$0x6] =	stream.linear.gather [hbm4b:s1+s2], $0x2710, $0x38;
	[tilespmem:$0x1ECD0] =	vst v63  }
0x5d0: {  	_ =	swait.ge [sflag:s22], $0x2710  }
0x5d1: {  	[sflag:s22] =	ssyncset.done $0x0  }
0x5d2: {  	[sflag:s22] =	ssyncadd.s32 $0xFFFFD8F0  }
0x5d3: {  	_ =	swait.ge [sflag:s19], $0x2710  }
0x5d4: {  	[sflag:s19] =	ssyncset.done $0x0  }
0x5d5: {  	s1 =	simm.s32 $0x14560;
	[sflag:s19] =	ssyncadd.s32 $0xFFFFD8F0  }
0x5d6: {  	[tilespmem:s1], [sflag:$0x8] =	stream.indirect.gather [spmem:s5], $0x1, s6, s12, $0xb8;
	[tilespmem:$0x1ECD0] =	vst v63  }
0x5d7: {  	_ =	swait.ge [sflag:s21], $0x2710  }
0x5d8: {  	[sflag:s21] =	ssyncset.done $0x0  }
0x5d9: {  	[sflag:s21] =	ssyncadd.s32 $0xFFFFD8F0  }
0x5da: {  	[spmem:s3] =	stream.indirect.scatter.add.f32 [tilespmem:s1], [sflag:$0xB], $0x1, s11, s12, $0xb8;
	[tilespmem:$0x1ECD0] =	vst v63  }
0x5db: {  	_ = 	snop  }
0x5dc: {  	[spmem:s24] =	stream.indirect.scatter.add.f32 [tilespmem:s10], [sflag:$0xE], $0x1, s11, s12, $0xb8;
	[tilespmem:$0x1ECD0] =	vst v63  }
0x5dd: {  	_ =	swait.ge [sflag:s17], $0x2710  }
0x5de: {  	[sflag:s17] =	ssyncset.done $0x0  }
0x5df: {  	[sflag:s17] =	ssyncadd.s32 $0xFFFFD8F0  }
0x5e0: {  	_ =	swait.ge [sflag:s14], $0x2710  }
0x5e1: {  	s0 =	sld [smem:$0x7F6]  }
0x5e2: {  	[sflag:s14] =	ssyncset.done $0x0  }
0x5e3: {  	s1 =	sld [smem:$0x7F7];
	[sflag:s14] =	ssyncadd.s32 $0xFFFFD8F0  }
0x5e4: {  	[tilespmem:s16], [sflag:$0x1] =	stream.linear.gather [hbm4b:s0+s2], $0x2710, $0x38;
	[tilespmem:$0x1ECD0] =	vst v63  }
0x5e5: {  	_ = 	snop  }
0x5e6: {  	[tilespmem:s20], [sflag:$0x4] =	stream.linear.gather [hbm4b:s1+s2], $0x2710, $0x38;
	[tilespmem:$0x1ECD0] =	vst v63  }
0x5e7: {  	_ =	swait.ge [sflag:s7], $0x2710  }
0x5e8: {  	[sflag:s7] =	ssyncset.done $0x0  }
0x5e9: {  	[sflag:s7] =	ssyncadd.s32 $0xFFFFD8F0  }
0x5ea: {  	_ =	swait.ge [sflag:s9], $0x2710  }
0x5eb: {  	[sflag:s9] =	ssyncset.done $0x0  }
0x5ec: {  	[sflag:s9] =	ssyncadd.s32 $0xFFFFD8F0  }
0x5ed: {  	[tilespmem:s23], [sflag:$0x9] =	stream.indirect.gather [spmem:s5], $0x1, s13, s12, $0xb8;
	[tilespmem:$0x1ECD0] =	vst v63  }
0x5ee: {  	_ =	swait.ge [sflag:s8], $0x2710  }
0x5ef: {  	[sflag:s8] =	ssyncset.done $0x0  }
0x5f0: {  	[sflag:s8] =	ssyncadd.s32 $0xFFFFD8F0  }
0x5f1: {  	[spmem:s3] =	stream.indirect.scatter.add.f32 [tilespmem:s23], [sflag:$0xC], $0x1, s31, s12, $0xb8;
	[tilespmem:$0x1ECD0] =	vst v63  }
0x5f2: {  	_ = 	snop  }
0x5f3: {  	[spmem:s24] =	stream.indirect.scatter.add.f32 [tilespmem:s10], [sflag:$0xF], $0x1, s31, s12, $0xb8;
	[tilespmem:$0x1ECD0] =	vst v63  }
0x5f4: {  	_ =	swait.ge [sflag:s18], $0x2710  }
0x5f5: {  	[sflag:s18] =	ssyncset.done $0x0  }
0x5f6: {  	[sflag:s18] =	ssyncadd.s32 $0xFFFFD8F0  }
0x5f7: {  	_ =	swait.ge [sflag:s15], $0x2710  }
0x5f8: {  	s8 =	sld [smem:$0x7F8]  }
0x5f9: {  	[sflag:s15] =	ssyncset.done $0x0  }
0x5fa: {  	s13 =	simm.s32 $0x5860;
	s9 =	sld [smem:$0x7F9];
	[sflag:s15] =	ssyncadd.s32 $0xFFFFD8F0  }
0x5fb: {  	[tilespmem:s13], [sflag:$0x2] =	stream.linear.gather [hbm4b:s8+s2], $0x2710, $0x38;
	[tilespmem:$0x1ECD0] =	vst v63  }
0x5fc: {  	_ = 	snop  }
0x5fd: {  	[tilespmem:s11], [sflag:$0x5] =	stream.linear.gather [hbm4b:s9+s2], $0x2710, $0x38;
	[tilespmem:$0x1ECD0] =	vst v63  }
0x5fe: {  	_ =	swait.ge [sflag:s28], $0x2710  }
0x5ff: {  	[sflag:s28] =	ssyncset.done $0x0  }
0x600: {  	[sflag:s28] =	ssyncadd.s32 $0xFFFFD8F0  }
0x601: {  	_ =	swait.ge [sflag:s26], $0x2710  }
0x602: {  	[sflag:s26] =	ssyncset.done $0x0  }
0x603: {  	s23 =	simm.s32 $0x11DE0;
	[sflag:s26] =	ssyncadd.s32 $0xFFFFD8F0  }
0x604: {  	[tilespmem:s23], [sflag:$0x7] =	stream.indirect.gather [spmem:s5], $0x1, s16, s12, $0xb8;
	[tilespmem:$0x1ECD0] =	vst v63  }
0x605: {  	_ =	swait.ge [sflag:s25], $0x2710  }
0x606: {  	[sflag:s25] =	ssyncset.done $0x0  }
0x607: {  	[sflag:s25] =	ssyncadd.s32 $0xFFFFD8F0  }
0x608: {  	[spmem:s3] =	stream.indirect.scatter.add.f32 [tilespmem:s23], [sflag:$0xA], $0x1, s20, s12, $0xb8;
	[tilespmem:$0x1ECD0] =	vst v63  }
0x609: {  	_ = 	snop  }
0x60a: {  	[spmem:s24] =	stream.indirect.scatter.add.f32 [tilespmem:s10], [sflag:$0xD], $0x1, s20, s12, $0xb8;
	[tilespmem:$0x1ECD0] =	vst v63  }
0x60b: {  	_ =	swait.ge [sflag:s30], $0x2710  }
0x60c: {  	[sflag:s30] =	ssyncset.done $0x0  }
0x60d: {  	[sflag:s30] =	ssyncadd.s32 $0xFFFFD8F0  }
0x60e: {  	_ =	swait.ge [sflag:s29], $0x2710  }
0x60f: {  	[sflag:s29] =	ssyncset.done $0x0  }
0x610: {  	[sflag:s29] =	ssyncadd.s32 $0xFFFFD8F0  }
0x611: {  	_ =	swait.ge [sflag:s22], $0x2710  }
0x612: {  	[sflag:s22] =	ssyncset.done $0x0  }
0x613: {  	[sflag:s22] =	ssyncadd.s32 $0xFFFFD8F0  }
0x614: {  	_ =	swait.ge [sflag:s19], $0x2710  }
0x615: {  	[sflag:s19] =	ssyncset.done $0x0  }
0x616: {  	s6 =	simm.s32 $0x14560;
	[sflag:s19] =	ssyncadd.s32 $0xFFFFD8F0  }
0x617: {  	[tilespmem:s6], [sflag:$0x8] =	stream.indirect.gather [spmem:s5], $0x1, s13, s12, $0xb8;
	[tilespmem:$0x1ECD0] =	vst v63  }
0x618: {  	_ =	swait.ge [sflag:s21], $0x2710  }
0x619: {  	[sflag:s21] =	ssyncset.done $0x0  }
0x61a: {  	[sflag:s21] =	ssyncadd.s32 $0xFFFFD8F0  }
0x61b: {  	[spmem:s3] =	stream.indirect.scatter.add.f32 [tilespmem:s6], [sflag:$0xB], $0x1, s11, s12, $0xb8;
	[tilespmem:$0x1ECD0] =	vst v63  }
0x61c: {  	_ = 	snop  }
0x61d: {  	[spmem:s24] =	stream.indirect.scatter.add.f32 [tilespmem:s10], [sflag:$0xE], $0x1, s11, s12, $0xb8;
	[tilespmem:$0x1ECD0] =	vst v63  }
0x61e: {  	_ =	swait.ge [sflag:s17], $0x2710  }
0x61f: {  	[sflag:s17] =	ssyncset.done $0x0  }
0x620: {  	[sflag:s17] =	ssyncadd.s32 $0xFFFFD8F0  }
0x621: {  	_ =	swait.ge [sflag:s14], $0x2710  }
0x622: {  	[sflag:s14] =	ssyncset.done $0x0  }
0x623: {  	[sflag:s14] =	ssyncadd.s32 $0xFFFFD8F0  }
0x624: {  	_ =	swait.ge [sflag:s18], $0x2710  }
0x625: {  	[sflag:s18] =	ssyncset.done $0x0  }
0x626: {  	[sflag:s18] =	ssyncadd.s32 $0xFFFFD8F0  }
0x627: {  	_ =	swait.ge [sflag:s15], $0x2710  }
0x628: {  	[sflag:s15] =	ssyncset.done $0x0  }
0x629: {  	[sflag:s15] =	ssyncadd.s32 $0xFFFFD8F0  }
0x62a: {  	[bflag:$0x0] =	sbarrier.arrive $0xFFFF  }
0x62b: {  	s25 =	sld [smem:$0x7FB];
	_ =	sdelay $0x1  }
0x62c: {  	s24 =	simm.s32 $0x19460  }
0x62d: {  	[tilespmem:s24], [sflag:$0x10] =	stream.linear.gather [spmem:s25], $0x1870, $0x38;
	[tilespmem:$0x1ECD0] =	vst v63  }
0x62e: {  	_ =	swait.ge [sflag:s4], $0x1870  }
0x62f: {  	s26 =	sld [smem:$0x7FA]  }
0x630: {  	[sflag:s4] =	ssyncset.done $0x0  }
0x631: {  	[sflag:s4] =	ssyncadd.s32 $0xFFFFE790  }
0x632: {  	[hbm4b:s26+s2] =	stream.linear.scatter [tilespmem:s24], [sflag:$0x10], $0x1870, $0x38;
	[tilespmem:$0x1ECD0] =	vst v63  }
0x633: {  	_ =	swait.ge [sflag:s4], $0x1870  }
0x634: {  	s28 =	sld [smem:$0x7FC]  }
0x635: {  	[sflag:s4] =	ssyncset.done $0x0  }
0x636: {  	[sflag:s4] =	ssyncadd.s32 $0xFFFFE790  }
0x637: {  	[tilespmem:s24], [sflag:$0x10] =	stream.linear.gather [spmem:s28], $0x1870, $0x38;
	[tilespmem:$0x1ECD0] =	vst v63  }
0x638: {  	_ =	swait.ge [sflag:s4], $0x1870  }
0x639: {  	s30 =	sld [smem:$0x7FD]  }
0x63a: {  	[sflag:s4] =	ssyncset.done $0x0  }
0x63b: {  	s29 =	simm.s32 $0x19460;
	[sflag:s4] =	ssyncadd.s32 $0xFFFFE790  }
0x63c: {  	[hbm4b:s30+s2] =	stream.linear.scatter [tilespmem:s29], [sflag:$0x10], $0x1870, $0x38;
	[tilespmem:$0x1ECD0] =	vst v63  }
0x63d: {  	_ =	swait.ge [sflag:s4], $0x1870  }
0x63e: {  	[sflag:s4] =	ssyncset.done $0x0  }
0x63f: {  	[sflag:s4] =	ssyncadd.s32 $0xFFFFE790  }
0x640: {  	_ =	sfence.sel $0x180000  }
0x641: {  	[bflag:$0x0] =	sbarrier.arrive $0xFFFF  }
0x642: {  	_ =	strace $0x90000047  }
0x643: {  	s31 =	stileid.u32;
	[bflag:$0x2] =	sbarrier.arrive $0xFFFF  }
0x644: {  	p0 =	sne.s32 s31, $0x0;
	s0 =	rddreg [dreg:$0x5]  }
0x645: {  	s0 =	sadd.s32 @!p0 $0x100000, s0  }
0x646: {  	[sflag:s0] =	ssyncadd.tile.s32 @!p0 $0x1;
	_ =	shalt  }
.LBB2_6:
.Ltmp3:
0x647: {  	(pc) =	sbr.rel .LBB2_5-.Ltmp3, $3  }
0x648: {  	_ =	sdelay $0x1  }
0x649: {  	s24 =	rddreg [dreg:$0x4]  }
0x64a: {  	s5 =	rddreg [dreg:$0x2]  }
.Lfunc_end2:
_tile_overlayer_lowered:
.L_overlay_start_2:
0x64b: {  	(tag) =	ssettag $0x2  }
0x64c: {  	s0 =	rddreg [dreg:$0x0];
	s2 =	stileid.u32  }
0x64d: {  	s1 =	rddreg [dreg:$0x1];
	p0 =	sne.s32 s2, $0x0  }
0x64e: {  	s3 =	rddreg [dreg:$0x2];
	[bflag:$0x3] =	sbarrier.arrive $0xFFFF;
	s2 =	simm.s32 @!p0 $0x1C10  }
0x64f: {  	[timem:s3], [sflag:s2] =	dma.local @!p0 [hbm:s0], s1  }
0x650: {  	s0 =	simm.s32 @!p0 $0x10  }
0x651: {  	_ =	swait.ge @!p0 [sflag:s0], s1  }
0x652: {  	s1 =	ssub.s32 @!p0 $0x0, s1;
	[sflag:s0] =	ssyncset.done @!p0 $0x0  }
0x653: {  	[sflag:s0] =	ssyncadd.s32 @!p0 s1  }
0x654: {  	[bflag:$0x3] =	sbarrier.arrive $0xFFFF  }
0x655: {  	_ =	shalt  }

// kernel: kernel.7.cloned.1.call-start
scs
__scs_entry_jumppad:
0x0: {  	(pc) =	sbr.rel $0x88, $3  }
0x1: {  	(tag) =	ssettag $0x0;
	lr =	simm.s32 $0x1  }
0x2: {  	[smem:$0x3F9E] =	sst lr;
	_ =	strace $0xD0000000  }
0x3: {  	_ = 	snop  }
0x4: {  	_ = 	snop  }
0x5: {  	_ = 	snop  }
0x6: {  	_ = 	snop  }
0x7: {  	_ = 	snop  }
__scs_overlays_trampoline_lowered:
0x8: {  	[smem:$0x3FAD] =	sst s0  }
0x9: {  	[smem:$0x3FAE] =	sst s1  }
0xa: {  	[smem:$0x3FAF] =	sst s2  }
0xb: {  	[smem:$0x3FB0] =	sst s3  }
0xc: {  	[smem:$0x3FB1] =	sst s4  }
0xd: {  	[smem:$0x3FB2] =	sst s5  }
0xe: {  	[smem:$0x3FB3] =	sst s6  }
0xf: {  	[smem:$0x3FB4] =	sst s7  }
0x10: {  	[smem:$0x3FB5] =	sst s8  }
0x11: {  	[smem:$0x3FB6] =	sst s9;
	s0 =	simm.s32 @!p0 $0x0  }
0x12: {  	s1 =	sld [smem:$0x3F9C];
	s0 =	simm.s32 @p0 $0x1  }
0x13: {  	[smem:$0x3FB7] =	sst s0;
	s0 =	simm.s32 @!p1 $0x0  }
0x14: {  	s2 =	sld [smem:$0x3F9B];
	s0 =	simm.s32 @p1 $0x1  }
0x15: {  	[smem:$0x3FB8] =	sst s0;
	s0 =	simm.s32 @!p2 $0x0  }
0x16: {  	s3 =	sld [smem:$0x3FDB];
	s0 =	simm.s32 @p2 $0x1  }
0x17: {  	s4 =	simm.s32 $0x1BF5;
	[smem:$0x3FBA] =	sst s0  }
0x18: {  	s0 =	sld [smem:$0x3F9D];
	_ =	swait.ge [sflag:s4], $0x0  }
0x19: {  	s7 =	sld [smem:$0x3F9E]  }
0x1a: {  	s8 =	sadd.s32 $0xFFFFE003, lr  }
0x1b: {  	s9 =	sadd.s32 $0xFFFFFEF7, lr;
	s5 =	simm.s32 $0xFFFFFFFF;
	p2 =	slt.u32 s8, $0xFFFFF086  }
0x1c: {  	p1 =	slt.u32 s9, $0xF7A;
	s5 =	simm.s32 @!p2 $0x0  }
0x1d: {  	s5 =	simm.s32 @p1 $0x1;
	p0 =	seq.s32 s7, s2  }
0x1e: {  	s7 =	smul.u32 @!p0 $0xF7A, s2;
	p2 =	seq.s32 @!p0 s5, $0x0  }
0x1f: {  	s9 =	smul.u32 $0xF7A, s1;
	s8 =	simm.s32 @!p0 $0x1BF5;
	p2 =	por !p2, p0  }
0x20: {  	[sflag:s8] =	ssyncset.s32 @!p0 $0xFFFFF086;
	s6 =	sadd.s32 @!p0 s3, s7;
	s7 =	simm.s32 @!p0 $0x108  }
0x21: {  	s3 =	sadd.s32 s3, s9;
	s6 =	sadd.s32 @!p0 $0x88, s6;
	s7 =	simm.s32 @p2 $0x1082  }
0x22: {  	[simem:s7], [sflag:s8] =	dma.local @!p0 [hbm:s6], $0xF7A  }
0x23: {  	s9 =	sor.u32 $0xD0000000, s2;
	s6 =	simm.s32 $0x108;
	_ =	swait.ge @!p0 [sflag:s8], $0x0  }
0x24: {  	s3 =	sadd.s32 $0x88, s3;
	s6 =	simm.s32 @!p1 $0x1082;
	[sflag:s4] =	ssyncset.s32 $0xFFFFF086  }
0x25: {  	[simem:s6], [sflag:s4] =	dma.local [hbm:s3], $0xF7A  }
0x26: {  	[smem:$0x3F9E] =	sst s1;
	(tag) =	ssettag s2;
	_ =	strace s9  }
0x27: {  	s1 =	sld [smem:$0x3FAE]  }
0x28: {  	s2 =	sld [smem:$0x3FAF]  }
0x29: {  	s4 =	sld [smem:$0x3FB1]  }
0x2a: {  	p0 =	seq.s32 s5, $0x0;
	s5 =	sld [smem:$0x3FB2]  }
0x2b: {  	s6 =	sld [smem:$0x3FB3]  }
0x2c: {  	s7 =	sld [smem:$0x3FB4]  }
0x2d: {  	s3 =	simm.s32 $0x108;
	s8 =	sld [smem:$0x3FB5]  }
0x2e: {  	s3 =	simm.s32 @!p0 $0x1082;
	s9 =	sld [smem:$0x3FB6]  }
0x2f: {  	lr =	sadd.s32 s0, s3;
	s0 =	sld [smem:$0x3FAD]  }
0x30: {  	s3 =	sld [smem:$0x3FB0]  }
0x31: {  	[smem:$0x3FB9] =	sst s10  }
0x32: {  	s10 =	sld [smem:$0x3FB7];
	_ =	sdelay $0x3  }
0x33: {  	p0 =	seq.s32 s10, $0x1;
	s10 =	sld [smem:$0x3FB9];
	_ =	sdelay $0x3  }
0x34: {  	[smem:$0x3FB9] =	sst s10  }
0x35: {  	s10 =	sld [smem:$0x3FB8];
	_ =	sdelay $0x3  }
0x36: {  	p1 =	seq.s32 s10, $0x1;
	s10 =	sld [smem:$0x3FB9];
	_ =	sdelay $0x3  }
0x37: {  	[smem:$0x3FB9] =	sst s10  }
0x38: {  	s10 =	sld [smem:$0x3FBA]  }
0x39: {  	_ = 	snop;
	(pc) =	sbr.ind lr, $3  }
0x3a: {  	_ = 	snop  }
0x3b: {  	_ = 	snop  }
0x3c: {  	p2 =	seq.s32 s10, $0x1;
	s10 =	sld [smem:$0x3FB9]  }
0x3d: {  	_ =	shalt  }
0x3e: {  	_ =	shalt  }
0x3f: {  	_ =	shalt  }
0x40: {  	_ =	shalt  }
0x41: {  	_ =	shalt  }
0x42: {  	_ =	shalt  }
0x43: {  	_ =	shalt  }
0x44: {  	_ =	shalt  }
0x45: {  	_ =	shalt  }
0x46: {  	_ =	shalt  }
0x47: {  	_ =	shalt  }
0x48: {  	_ =	shalt  }
0x49: {  	_ =	shalt  }
0x4a: {  	_ =	shalt  }
0x4b: {  	_ =	shalt  }
0x4c: {  	_ =	shalt  }
0x4d: {  	_ =	shalt  }
0x4e: {  	_ =	shalt  }
0x4f: {  	_ =	shalt  }
0x50: {  	_ =	shalt  }
0x51: {  	_ =	shalt  }
0x52: {  	_ =	shalt  }
0x53: {  	_ =	shalt  }
0x54: {  	_ =	shalt  }
0x55: {  	_ =	shalt  }
0x56: {  	_ =	shalt  }
0x57: {  	_ =	shalt  }
0x58: {  	_ =	shalt  }
0x59: {  	_ =	shalt  }
0x5a: {  	_ =	shalt  }
0x5b: {  	_ =	shalt  }
0x5c: {  	_ =	shalt  }
0x5d: {  	_ =	shalt  }
0x5e: {  	_ =	shalt  }
0x5f: {  	_ =	shalt  }
0x60: {  	_ =	shalt  }
0x61: {  	_ =	shalt  }
0x62: {  	_ =	shalt  }
0x63: {  	_ =	shalt  }
0x64: {  	_ =	shalt  }
0x65: {  	_ =	shalt  }
0x66: {  	_ =	shalt  }
0x67: {  	_ =	shalt  }
0x68: {  	_ =	shalt  }
0x69: {  	_ =	shalt  }
0x6a: {  	_ =	shalt  }
0x6b: {  	_ =	shalt  }
0x6c: {  	_ =	shalt  }
0x6d: {  	_ =	shalt  }
0x6e: {  	_ =	shalt  }
0x6f: {  	_ =	shalt  }
0x70: {  	_ =	shalt  }
0x71: {  	_ =	shalt  }
0x72: {  	_ =	shalt  }
0x73: {  	_ =	shalt  }
0x74: {  	_ =	shalt  }
0x75: {  	_ =	shalt  }
0x76: {  	_ =	shalt  }
0x77: {  	_ =	shalt  }
0x78: {  	_ =	shalt  }
0x79: {  	_ =	shalt  }
0x7a: {  	_ =	shalt  }
0x7b: {  	_ =	shalt  }
0x7c: {  	_ =	shalt  }
0x7d: {  	_ =	shalt  }
0x7e: {  	_ =	shalt  }
0x7f: {  	_ =	shalt  }
0x80: {  	_ =	shalt  }
0x81: {  	_ =	shalt  }
0x82: {  	_ =	shalt  }
0x83: {  	_ =	shalt  }
0x84: {  	_ =	shalt  }
0x85: {  	_ =	shalt  }
0x86: {  	_ =	shalt  }
0x87: {  	_ =	shalt  }
.Lfunc_end0:
.L_simem_size_0:
called_computation.1_lowered:
.L_overlay_start_0:
0x88: {  	s2 =	sld [smem:$0x3FD9]  }
0x89: {  	s3 =	sld [smem:$0x3FFE];
	_ =	sdelay $0x1  }
0x8a: {  	s1 =	srdreg.scid  }
0x8b: {  	s0 =	sand.u32 $0x1, s1  }
0x8c: {  	s17 =	sshll.u32 s0, $0xA;
	s2 =	sadd.s32 s3, s2  }
0x8d: {  	s2 =	sadd.s32 s2, s17  }
0x8e: {  	[smem:$0x3FC5] =	sst s2  }
0x8f: {  	_ = 	snop  }
0x90: {  	s2 =	sld [smem:$0x3FD0];
	(tm) =	ssettm $0x1  }
0x91: {  	s18 =	sld [smem:$0x3FFB];
	_ =	sdelay $0x3  }
0x92: {  	_ =	strace s18  }
0x93: {  	s3 =	sld [smem:$0x3FFC];
	_ =	sdelay $0x3  }
0x94: {  	_ =	strace s3  }
0x95: {  	s3 =	sld [smem:$0x3FFD];
	_ =	sdelay $0x3  }
0x96: {  	_ =	strace s3  }
0x97: {  	_ =	strace $0x8FFFFFFF  }
0x98: {  	s19 =	sld [smem:$0x3FDB];
	_ =	sdelay $0x1  }
0x99: {  	s4 =	simm.s32 $_scs_section_size  }
0x9a: {  	s5 =	simm.s32 $_size__tile_overlayer_lowered;
	s6 =	simm.s32 $_tile_overlayer_lowered  }
0x9b: {  	s22 =	simm.s32 $0x1BFF;
	s21 =	sshll.u32 s6, $0x1;
	s3 =	sadd.s32 s4, s19  }
0x9c: {  	s7 =	simm.s32 $0x0;
	s20 =	sshll.u32 s5, $0x1;
	s5 =	sadd.s32 s21, s3  }
0x9d: {  	[timem:s7], [sflag:s22] =	dma.local [hbm:s5], s20  }
0x9e: {  	_ =	swait.ge [sflag:s22], s20  }
0x9f: {  	s4 =	ssub.s32 $0x0, s20;
	[sflag:s22] =	ssyncset.done $0x0  }
0xa0: {  	[sflag:s22] =	ssyncadd.s32 s4;
	_ =	sdelay $0x1  }
0xa1: {  	s23 =	simm.s32 $0x1B8B  }
0xa2: {  	_ =	swait.ge [sflag:s23], $0x1  }
0xa3: {  	[sflag:s23] =	ssyncset.done $0x0  }
0xa4: {  	s25 =	simm.s32 $0x1B8E;
	s24 =	sld [smem:$0x3FFE];
	[sflag:s23] =	ssyncadd.s32 $0xFFFFFFFF  }
0xa5: {  	s26 =	simm.s32 $execute0_lowered;
	[smem:$0x3FD2] =	sst s25  }
0xa6: {  	s5 =	sshll.u32 s26, $0x1;
	_ =	strace $0x80000049;
	[dreg:$0x1] =	wrdreg $0xFFFFFFFF  }
0xa7: {  	s28 =	simm.s32 $_size_execute0_lowered;
	s3 =	sadd.s32 s3, s5;
	[dreg:$0x0] =	wrdreg $0x0  }
0xa8: {  	s5 =	sshll.u32 s28, $0x1;
	[dreg:$0x2] =	wrdreg s3  }
0xa9: {  	[dreg:$0x3] =	wrdreg s5  }
0xaa: {  	[dreg:$0x4] =	wrdreg $0xC0  }
0xab: {  	_ =	task [dreg:s7], $0x5FFFF  }
0xac: {  	[dreg:$0x1] =	wrdreg $0xFFFFFFFF  }
0xad: {  	[dreg:$0x0] =	wrdreg $0x60  }
0xae: {  	[dreg:$0x2] =	wrdreg s2  }
0xaf: {  	[dreg:$0x3] =	wrdreg s24  }
0xb0: {  	[dreg:$0x4] =	wrdreg $0x0  }
0xb1: {  	[dreg:$0x5] =	wrdreg $0x18700  }
0xb2: {  	[dreg:$0x6] =	wrdreg $0x9  }
0xb3: {  	_ =	task.clear_ibuf [dreg:s7], $0x7FFFF;
	_ =	strace $0x90000049  }
0xb4: {  	s29 =	simm.s32 $0x9;
	_ =	strace $0x8000004B  }
0xb5: {  	_ =	swait.ge [sflag:s29], $0x1  }
0xb6: {  	[sflag:s29] =	ssyncadd.s32 $0xFFFFFFFF  }
0xb7: {  	_ =	strace $0x9000004B  }
0xb8: {  	_ =	sfence  }
0xb9: {  	s30 =	sld [smem:$0x0];
	_ =	sdelay $0x2  }
0xba: {  	s31 =	sshll.u32 s1, $0xD;
	s1 =	sshrl.u32 s1, $0x2  }
0xbb: {  	s3 =	sand.u32 $0x4000, s31;
	s1 =	sadd.s32 s1, s30  }
0xbc: {  	s0 =	sor.u32 s3, s0;
	s1 =	sshll.u32 s1, $0x11  }
0xbd: {  	s0 =	sor.u32 s1, s0  }
0xbe: {  	s0 =	sadd.s32 $0x8F2B, s0  }
0xbf: {  	[sflag:s0] =	ssyncadd.remote.s32 $0x1  }
0xc0: {  	_ =	sfence.sel $0xFFFF  }
0xc1: {  	[dreg:$0x0] =	wrdreg $0xFFFFFFFF;
	(pc) =	sbr.abs _section_cstart, $3  }
0xc2: {  	[dreg:$0x1] =	wrdreg $0xFFFFFFFF  }
0xc3: {  	_ =	task.clear_ibuf [dreg:s7], $0x2FFFF;
	_ =	strace $0x9FFFFFFF  }
0xc4: {  	(tm) =	ssettm $0x7FFFFFFF  }
0xc5: {  	_ =	shalt  }
tec
execute0_lowered:
.L_overlay_start_1:
0x0: {  	(tag) =	ssettag $0x1  }
0x1: {  	s1 =	rddreg [dreg:$0x0]  }
0x2: {  	s5 =	rddreg [dreg:$0x1]  }
0x3: {  	s4 =	rddreg [dreg:$0x2]  }
0x4: {  	s3 =	rddreg [dreg:$0x3];
	s9 =	stileid.u32  }
0x5: {  	s6 =	srdreg.scid;
	s2 =	simm.s32 $0x0;
	s0 =	smul.u32 $0x1870, s9  }
0x6: {  	s6 =	sand.u32 $0x1, s6;
	[smem:$0x7FF] =	sst s2  }
0x7: {  	s7 =	sshll.u32 s6, $0x4;
	_ =	strace $0x8000004A;
	s8 =	sshrl.u32 s0, $0x3  }
0x8: {  	s7 =	sor.u32 s9, s7;
	s13 =	sadd.s32 s0, s4;
	s11 =	sadd.s32 s8, s5  }
0x9: {  	s1 =	sadd.s32 s1, s8;
	s12 =	smul.u32 $0x30D40, s7;
	[dreg:$0x6] =	wrdreg s13  }
0xa: {  	[dreg:$0x5] =	wrdreg s1;
	s14 =	sadd.s32 $0x188800, s11  }
0xb: {  	s7 =	sadd.s32 $0xC4C00, s5;
	s9 =	sshrl.u32 s12, $0x3;
	[dreg:$0x7] =	wrdreg s14  }
0xc: {  	s8 =	sadd.s32 $0x1600, s5;
	s1 =	rddreg [dreg:$0x5];
	s15 =	sadd.s32 s7, s9  }
0xd: {  	s16 =	sadd.s32 s8, s9;
	s10 =	sadd.s32 $0x4E2, s9;
	[dreg:$0x8] =	wrdreg s15  }
0xe: {  	[dreg:$0x9] =	wrdreg s16;
	s17 =	sadd.s32 s7, s10  }
0xf: {  	s19 =	sadd.s32 $0x9C4, s9;
	s18 =	sadd.s32 s8, s10;
	[dreg:$0xa] =	wrdreg s17  }
0x10: {  	s20 =	sadd.s32 s7, s19;
	[dreg:$0xb] =	wrdreg s18  }
0x11: {  	s22 =	sadd.s32 $0xEA6, s9;
	s21 =	sadd.s32 s8, s19;
	[dreg:$0xc] =	wrdreg s20  }
0x12: {  	s23 =	sadd.s32 s7, s22;
	[dreg:$0xd] =	wrdreg s21  }
0x13: {  	s25 =	sadd.s32 $0x1388, s9;
	s24 =	sadd.s32 s8, s22;
	[dreg:$0xe] =	wrdreg s23  }
0x14: {  	s26 =	sadd.s32 s7, s25;
	[dreg:$0xf] =	wrdreg s24  }
0x15: {  	s11 =	sadd.s32 $0x186A, s9;
	s10 =	sadd.s32 s8, s25;
	[dreg:$0x10] =	wrdreg s26  }
0x16: {  	s12 =	sadd.s32 s7, s11;
	[dreg:$0x11] =	wrdreg s10  }
0x17: {  	s14 =	sadd.s32 $0x1D4C, s9;
	s13 =	sadd.s32 s8, s11;
	[dreg:$0x12] =	wrdreg s12  }
0x18: {  	s15 =	sadd.s32 s7, s14;
	[dreg:$0x13] =	wrdreg s13  }
0x19: {  	s16 =	sadd.s32 s8, s14;
	[dreg:$0x14] =	wrdreg s15;
	s17 =	sadd.s32 $0x222E, s9  }
0x1a: {  	[dreg:$0x15] =	wrdreg s16;
	s18 =	sadd.s32 s7, s17  }
0x1b: {  	s20 =	sadd.s32 $0x2710, s9;
	s19 =	sadd.s32 s8, s17;
	[dreg:$0x16] =	wrdreg s18  }
0x1c: {  	s21 =	sadd.s32 s7, s20;
	[dreg:$0x17] =	wrdreg s19  }
0x1d: {  	s23 =	sadd.s32 $0x2BF2, s9;
	s22 =	sadd.s32 s8, s20;
	[dreg:$0x18] =	wrdreg s21  }
0x1e: {  	p0 =	por $0x0, $0x0;
	s24 =	sadd.s32 s7, s23;
	[dreg:$0x19] =	wrdreg s22  }
0x1f: {  	s26 =	sadd.s32 $0x30D4, s9;
	s25 =	sadd.s32 s8, s23;
	[dreg:$0x1a] =	wrdreg s24  }
0x20: {  	s31 =	simm.s32 $0x3;
	s11 =	sadd.s32 s7, s26;
	[dreg:$0x1b] =	wrdreg s25  }
0x21: {  	s13 =	sadd.s32 $0x35B6, s9;
	s12 =	sadd.s32 s8, s26;
	[dreg:$0x1c] =	wrdreg s11  }
0x22: {  	s30 =	simm.s32 $0x6;
	s14 =	sadd.s32 s7, s13;
	[dreg:$0x1d] =	wrdreg s12  }
0x23: {  	s16 =	sadd.s32 $0x3A98, s9;
	s15 =	sadd.s32 s8, s13;
	[dreg:$0x1e] =	wrdreg s14  }
0x24: {  	s28 =	simm.s32 $0x16CE0;
	s17 =	sadd.s32 s7, s16;
	[dreg:$0x1f] =	wrdreg s15  }
0x25: {  	s29 =	simm.s32 $0x9;
	[smem:$0x7EE] =	sst s17;
	s18 =	sadd.s32 s8, s16  }
0x26: {  	s19 =	sadd.s32 $0x3F7A, s9;
	s22 =	sadd.s32 $0x445C, s9;
	s25 =	sadd.s32 $0x493E, s9  }
0x27: {  	s11 =	smul.u32 $0x18700, s6;
	[smem:$0x7EF] =	sst s18;
	s20 =	sadd.s32 s7, s19  }
0x28: {  	s12 =	sadd.s32 $0x4E20, s9;
	s21 =	sadd.s32 s8, s19;
	[smem:$0x7F0] =	sst s20  }
0x29: {  	s15 =	sadd.s32 $0x5302, s9;
	s23 =	sadd.s32 s7, s22;
	[smem:$0x7F1] =	sst s21  }
0x2a: {  	s6 =	ssub.s32 $0x2, s6;
	s24 =	sadd.s32 s8, s22;
	[smem:$0x7F2] =	sst s23  }
0x2b: {  	s26 =	sadd.s32 s7, s25;
	s10 =	sadd.s32 s8, s25;
	[smem:$0x7F3] =	sst s24  }
0x2c: {  	s13 =	sadd.s32 s7, s12;
	s14 =	sadd.s32 s8, s12;
	[smem:$0x7F4] =	sst s26  }
0x2d: {  	s16 =	sadd.s32 s7, s15;
	s17 =	sadd.s32 s8, s15;
	[smem:$0x7F5] =	sst s10  }
0x2e: {  	s18 =	sadd.s32 $0x57E4, s9;
	s9 =	sadd.s32 $0x5CC6, s9;
	[smem:$0x7F6] =	sst s13  }
0x2f: {  	s22 =	sshrl.u32 s6, $0x1;
	s25 =	simm.s32 $0xF660;
	[smem:$0x7F7] =	sst s14  }
0x30: {  	s15 =	simm.s32 $0x8;
	s12 =	simm.s32 $0xA;
	[smem:$0x7F8] =	sst s16  }
0x31: {  	s11 =	sadd.s32 s0, s11;
	[smem:$0x7F9] =	sst s17;
	s19 =	sadd.s32 s7, s18  }
0x32: {  	s20 =	sadd.s32 s8, s18;
	s21 =	sadd.s32 s7, s9;
	s23 =	sadd.s32 s8, s9  }
0x33: {  	s6 =	ssub.s32 s6, s22;
	s7 =	sadd.s32 s0, s3;
	s8 =	simm.s32 $0x19460  }
0x34: {  	s18 =	simm.s32 $0x30E0;
	s14 =	simm.s32 $0xA760;
	s10 =	simm.s32 $0x5860  }
0x35: {  	s9 =	simm.s32 $0xCEE0;
	s22 =	simm.s32 $0x4;
	s26 =	simm.s32 $0x7FE0  }
0x36: {  	s16 =	simm.s32 $0x5;
	[smem:$0x7FA] =	sst s19;
	s24 =	smax.u32 s6, $0x1  }
0x37: {  	s13 =	simm.s32 $0x14560;
	[smem:$0x7FB] =	sst s20;
	p1 =	sne.s32 s24, $0x1  }
.Ltmp0:
0x38: {  	s17 =	simm.s32 $0xB;
	[smem:$0x7FC] =	sst s21;
	(pc) =	sbr.rel @!p1 .LBB2_3-.Ltmp0, $4  }
0x39: {  	s11 =	sshrl.u32 s11, $0x3;
	[smem:$0x7FD] =	sst s23;
	s6 =	simm.s32 $0xD  }
0x3a: {  	s23 =	simm.s32 $0x1;
	s20 =	simm.s32 $0x11DE0;
	s21 =	simm.s32 $0x7  }
0x3b: {  	s19 =	simm.s32 $0x2;
	s5 =	sadd.s32 s11, s5;
	s11 =	simm.s32 $0x2710  }
0x3c: {  	s0 =	sadd.s32 $0xFFFFFFFF, s24;
	s24 =	simm.s32 $0xC;
	s5 =	sadd.s32 $0x18BA00, s5  }
0x3d: {  	[tilespmem:s8], [sflag:$0xD] =	stream.linear.gather [hbm4b:s1+s2], $0x1870, $0x38;
	[tilespmem:$0x1ACE0] =	vst v63  }
0x3e: {  	_ =	swait.ge [sflag:s6], $0x1870  }
0x3f: {  	[sflag:s6] =	ssyncset.done $0x0  }
0x40: {  	s1 =	rddreg [dreg:$0x6];
	[sflag:s6] =	ssyncadd.s32 $0xFFFFE790  }
0x41: {  	[spmem:s1] =	stream.linear.scatter [tilespmem:s8], [sflag:$0xD], $0x1870, $0x38;
	[tilespmem:$0x1ACE0] =	vst v63  }
0x42: {  	_ =	swait.ge [sflag:s6], $0x1870  }
0x43: {  	[sflag:s6] =	ssyncset.done $0x0  }
0x44: {  	s1 =	rddreg [dreg:$0x7];
	[sflag:s6] =	ssyncadd.s32 $0xFFFFE790  }
0x45: {  	[tilespmem:s8], [sflag:$0xD] =	stream.linear.gather [hbm4b:s1+s2], $0x1870, $0x38;
	[tilespmem:$0x1ACE0] =	vst v63  }
0x46: {  	_ =	swait.ge [sflag:s6], $0x1870  }
0x47: {  	[sflag:s6] =	ssyncset.done $0x0  }
0x48: {  	[sflag:s6] =	ssyncadd.s32 $0xFFFFE790  }
0x49: {  	[spmem:s7] =	stream.linear.scatter [tilespmem:s8], [sflag:$0xD], $0x1870, $0x38;
	[tilespmem:$0x1ACE0] =	vst v63  }
0x4a: {  	_ =	swait.ge [sflag:s6], $0x1870  }
0x4b: {  	[sflag:s6] =	ssyncset.done $0x0  }
0x4c: {  	[sflag:s6] =	ssyncadd.s32 $0xFFFFE790  }
0x4d: {  	[bflag:$0x0] =	sbarrier.arrive $0xFFFF  }
0x4e: {  	s1 =	rddreg [dreg:$0x8]  }
0x4f: {  	[smem:$0x7ED] =	sst s0  }
0x50: {  	[tilespmem:s18], [sflag:$0x1] =	stream.linear.gather [hbm4b:s1+s2], $0x2710, $0x38;
	[tilespmem:$0x1ACE0] =	vst v63  }
0x51: {  	s0 =	rddreg [dreg:$0x9]  }
0x52: {  	[tilespmem:s14], [sflag:$0x4] =	stream.linear.gather [hbm4b:s0+s2], $0x2710, $0x38;
	[tilespmem:$0x1ACE0] =	vst v63  }
0x53: {  	s1 =	rddreg [dreg:$0xa]  }
0x54: {  	[tilespmem:s10], [sflag:$0x2] =	stream.linear.gather [hbm4b:s1+s2], $0x2710, $0x38;
	[tilespmem:$0x1ACE0] =	vst v63  }
0x55: {  	s0 =	rddreg [dreg:$0xb]  }
0x56: {  	[tilespmem:s9], [sflag:$0x5] =	stream.linear.gather [hbm4b:s0+s2], $0x2710, $0x38;
	[tilespmem:$0x1ACE0] =	vst v63  }
0x57: {  	_ =	swait.ge [sflag:s23], $0x2710  }
0x58: {  	[sflag:s23] =	ssyncset.done $0x0  }
0x59: {  	[sflag:s23] =	ssyncadd.s32 $0xFFFFD8F0  }
0x5a: {  	_ =	swait.ge [sflag:s22], $0x2710  }
0x5b: {  	[sflag:s22] =	ssyncset.done $0x0  }
0x5c: {  	[sflag:s22] =	ssyncadd.s32 $0xFFFFD8F0  }
0x5d: {  	[tilespmem:s20], [sflag:$0x7] =	stream.indirect.gather [spmem:s4], $0x1, s18, s11, $0xb8;
	[tilespmem:$0x1ACE0] =	vst v63  }
0x5e: {  	_ =	swait.ge [sflag:s21], $0x2710  }
0x5f: {  	[sflag:s21] =	ssyncset.done $0x0  }
0x60: {  	[sflag:s21] =	ssyncadd.s32 $0xFFFFD8F0  }
0x61: {  	[spmem:s3] =	stream.indirect.scatter.add.f32 [tilespmem:s20], [sflag:$0xA], $0x1, s14, s11, $0xb8;
	[tilespmem:$0x1ACE0] =	vst v63  }
0x62: {  	s0 =	rddreg [dreg:$0xc]  }
0x63: {  	[tilespmem:s26], [sflag:$0x3] =	stream.linear.gather [hbm4b:s0+s2], $0x2710, $0x38;
	[tilespmem:$0x1ACE0] =	vst v63  }
0x64: {  	s1 =	rddreg [dreg:$0xd]  }
0x65: {  	[tilespmem:s25], [sflag:$0x6] =	stream.linear.gather [hbm4b:s1+s2], $0x2710, $0x38;
	[tilespmem:$0x1ACE0] =	vst v63  }
0x66: {  	_ =	swait.ge [sflag:s19], $0x2710  }
0x67: {  	[sflag:s19] =	ssyncset.done $0x0  }
0x68: {  	[sflag:s19] =	ssyncadd.s32 $0xFFFFD8F0  }
0x69: {  	_ =	swait.ge [sflag:s16], $0x2710  }
0x6a: {  	[sflag:s16] =	ssyncset.done $0x0  }
0x6b: {  	[sflag:s16] =	ssyncadd.s32 $0xFFFFD8F0  }
0x6c: {  	[tilespmem:s13], [sflag:$0x8] =	stream.indirect.gather [spmem:s4], $0x1, s10, s11, $0xb8;
	[tilespmem:$0x1ACE0] =	vst v63  }
0x6d: {  	_ =	swait.ge [sflag:s15], $0x2710  }
0x6e: {  	[sflag:s15] =	ssyncset.done $0x0  }
0x6f: {  	[sflag:s15] =	ssyncadd.s32 $0xFFFFD8F0  }
0x70: {  	[spmem:s3] =	stream.indirect.scatter.add.f32 [tilespmem:s13], [sflag:$0xB], $0x1, s9, s11, $0xb8;
	[tilespmem:$0x1ACE0] =	vst v63  }
0x71: {  	_ =	swait.ge [sflag:s12], $0x2710  }
0x72: {  	[sflag:s12] =	ssyncset.done $0x0  }
0x73: {  	s0 =	rddreg [dreg:$0xe];
	[sflag:s12] =	ssyncadd.s32 $0xFFFFD8F0  }
0x74: {  	[tilespmem:s18], [sflag:$0x1] =	stream.linear.gather [hbm4b:s0+s2], $0x2710, $0x38;
	[tilespmem:$0x1ACE0] =	vst v63  }
0x75: {  	s1 =	rddreg [dreg:$0xf]  }
0x76: {  	[tilespmem:s14], [sflag:$0x4] =	stream.linear.gather [hbm4b:s1+s2], $0x2710, $0x38;
	[tilespmem:$0x1ACE0] =	vst v63  }
0x77: {  	_ =	swait.ge [sflag:s31], $0x2710  }
0x78: {  	[sflag:s31] =	ssyncset.done $0x0  }
0x79: {  	[sflag:s31] =	ssyncadd.s32 $0xFFFFD8F0  }
0x7a: {  	_ =	swait.ge [sflag:s30], $0x2710  }
0x7b: {  	[sflag:s30] =	ssyncset.done $0x0  }
0x7c: {  	[sflag:s30] =	ssyncadd.s32 $0xFFFFD8F0  }
0x7d: {  	[tilespmem:s28], [sflag:$0x9] =	stream.indirect.gather [spmem:s4], $0x1, s26, s11, $0xb8;
	[tilespmem:$0x1ACE0] =	vst v63  }
0x7e: {  	_ =	swait.ge [sflag:s29], $0x2710  }
0x7f: {  	[sflag:s29] =	ssyncset.done $0x0  }
0x80: {  	[sflag:s29] =	ssyncadd.s32 $0xFFFFD8F0  }
0x81: {  	[spmem:s3] =	stream.indirect.scatter.add.f32 [tilespmem:s28], [sflag:$0xC], $0x1, s25, s11, $0xb8;
	[tilespmem:$0x1ACE0] =	vst v63  }
0x82: {  	_ =	swait.ge [sflag:s17], $0x2710  }
0x83: {  	[sflag:s17] =	ssyncset.done $0x0  }
0x84: {  	s0 =	rddreg [dreg:$0x10];
	[sflag:s17] =	ssyncadd.s32 $0xFFFFD8F0  }
0x85: {  	[tilespmem:s10], [sflag:$0x2] =	stream.linear.gather [hbm4b:s0+s2], $0x2710, $0x38;
	[tilespmem:$0x1ACE0] =	vst v63  }
0x86: {  	s1 =	rddreg [dreg:$0x11]  }
0x87: {  	[tilespmem:s9], [sflag:$0x5] =	stream.linear.gather [hbm4b:s1+s2], $0x2710, $0x38;
	[tilespmem:$0x1ACE0] =	vst v63  }
0x88: {  	_ =	swait.ge [sflag:s23], $0x2710  }
0x89: {  	[sflag:s23] =	ssyncset.done $0x0  }
0x8a: {  	[sflag:s23] =	ssyncadd.s32 $0xFFFFD8F0  }
0x8b: {  	_ =	swait.ge [sflag:s22], $0x2710  }
0x8c: {  	[sflag:s22] =	ssyncset.done $0x0  }
0x8d: {  	[sflag:s22] =	ssyncadd.s32 $0xFFFFD8F0  }
0x8e: {  	[tilespmem:s20], [sflag:$0x7] =	stream.indirect.gather [spmem:s4], $0x1, s18, s11, $0xb8;
	[tilespmem:$0x1ACE0] =	vst v63  }
0x8f: {  	_ =	swait.ge [sflag:s21], $0x2710  }
0x90: {  	[sflag:s21] =	ssyncset.done $0x0  }
0x91: {  	[sflag:s21] =	ssyncadd.s32 $0xFFFFD8F0  }
0x92: {  	[spmem:s3] =	stream.indirect.scatter.add.f32 [tilespmem:s20], [sflag:$0xA], $0x1, s14, s11, $0xb8;
	[tilespmem:$0x1ACE0] =	vst v63  }
0x93: {  	_ =	swait.ge [sflag:s24], $0x2710  }
0x94: {  	[sflag:s24] =	ssyncset.done $0x0  }
0x95: {  	s0 =	rddreg [dreg:$0x12];
	[sflag:s24] =	ssyncadd.s32 $0xFFFFD8F0  }
0x96: {  	[tilespmem:s26], [sflag:$0x3] =	stream.linear.gather [hbm4b:s0+s2], $0x2710, $0x38;
	[tilespmem:$0x1ACE0] =	vst v63  }
0x97: {  	s1 =	rddreg [dreg:$0x13]  }
0x98: {  	[tilespmem:s25], [sflag:$0x6] =	stream.linear.gather [hbm4b:s1+s2], $0x2710, $0x38;
	[tilespmem:$0x1ACE0] =	vst v63  }
0x99: {  	_ =	swait.ge [sflag:s19], $0x2710  }
0x9a: {  	[sflag:s19] =	ssyncset.done $0x0  }
0x9b: {  	[sflag:s19] =	ssyncadd.s32 $0xFFFFD8F0  }
0x9c: {  	_ =	swait.ge [sflag:s16], $0x2710  }
0x9d: {  	[sflag:s16] =	ssyncset.done $0x0  }
0x9e: {  	[sflag:s16] =	ssyncadd.s32 $0xFFFFD8F0  }
0x9f: {  	[tilespmem:s13], [sflag:$0x8] =	stream.indirect.gather [spmem:s4], $0x1, s10, s11, $0xb8;
	[tilespmem:$0x1ACE0] =	vst v63  }
0xa0: {  	_ =	swait.ge [sflag:s15], $0x2710  }
0xa1: {  	[sflag:s15] =	ssyncset.done $0x0  }
0xa2: {  	[sflag:s15] =	ssyncadd.s32 $0xFFFFD8F0  }
0xa3: {  	[spmem:s3] =	stream.indirect.scatter.add.f32 [tilespmem:s13], [sflag:$0xB], $0x1, s9, s11, $0xb8;
	[tilespmem:$0x1ACE0] =	vst v63  }
0xa4: {  	_ =	swait.ge [sflag:s12], $0x2710  }
0xa5: {  	[sflag:s12] =	ssyncset.done $0x0  }
0xa6: {  	s0 =	rddreg [dreg:$0x14];
	[sflag:s12] =	ssyncadd.s32 $0xFFFFD8F0  }
0xa7: {  	[tilespmem:s18], [sflag:$0x1] =	stream.linear.gather [hbm4b:s0+s2], $0x2710, $0x38;
	[tilespmem:$0x1ACE0] =	vst v63  }
0xa8: {  	s1 =	rddreg [dreg:$0x15]  }
0xa9: {  	[tilespmem:s14], [sflag:$0x4] =	stream.linear.gather [hbm4b:s1+s2], $0x2710, $0x38;
	[tilespmem:$0x1ACE0] =	vst v63  }
0xaa: {  	_ =	swait.ge [sflag:s31], $0x2710  }
0xab: {  	[sflag:s31] =	ssyncset.done $0x0  }
0xac: {  	[sflag:s31] =	ssyncadd.s32 $0xFFFFD8F0  }
0xad: {  	_ =	swait.ge [sflag:s30], $0x2710  }
0xae: {  	[sflag:s30] =	ssyncset.done $0x0  }
0xaf: {  	[sflag:s30] =	ssyncadd.s32 $0xFFFFD8F0  }
0xb0: {  	[tilespmem:s28], [sflag:$0x9] =	stream.indirect.gather [spmem:s4], $0x1, s26, s11, $0xb8;
	[tilespmem:$0x1ACE0] =	vst v63  }
0xb1: {  	_ =	swait.ge [sflag:s29], $0x2710  }
0xb2: {  	[sflag:s29] =	ssyncset.done $0x0  }
0xb3: {  	[sflag:s29] =	ssyncadd.s32 $0xFFFFD8F0  }
0xb4: {  	[spmem:s3] =	stream.indirect.scatter.add.f32 [tilespmem:s28], [sflag:$0xC], $0x1, s25, s11, $0xb8;
	[tilespmem:$0x1ACE0] =	vst v63  }
0xb5: {  	_ =	swait.ge [sflag:s17], $0x2710  }
0xb6: {  	[sflag:s17] =	ssyncset.done $0x0  }
0xb7: {  	s0 =	rddreg [dreg:$0x16];
	[sflag:s17] =	ssyncadd.s32 $0xFFFFD8F0  }
0xb8: {  	[tilespmem:s10], [sflag:$0x2] =	stream.linear.gather [hbm4b:s0+s2], $0x2710, $0x38;
	[tilespmem:$0x1ACE0] =	vst v63  }
0xb9: {  	s1 =	rddreg [dreg:$0x17]  }
0xba: {  	[tilespmem:s9], [sflag:$0x5] =	stream.linear.gather [hbm4b:s1+s2], $0x2710, $0x38;
	[tilespmem:$0x1ACE0] =	vst v63  }
0xbb: {  	_ =	swait.ge [sflag:s23], $0x2710  }
0xbc: {  	[sflag:s23] =	ssyncset.done $0x0  }
0xbd: {  	[sflag:s23] =	ssyncadd.s32 $0xFFFFD8F0  }
0xbe: {  	_ =	swait.ge [sflag:s22], $0x2710  }
0xbf: {  	[sflag:s22] =	ssyncset.done $0x0  }
0xc0: {  	[sflag:s22] =	ssyncadd.s32 $0xFFFFD8F0  }
0xc1: {  	[tilespmem:s20], [sflag:$0x7] =	stream.indirect.gather [spmem:s4], $0x1, s18, s11, $0xb8;
	[tilespmem:$0x1ACE0] =	vst v63  }
0xc2: {  	_ =	swait.ge [sflag:s21], $0x2710  }
0xc3: {  	[sflag:s21] =	ssyncset.done $0x0  }
0xc4: {  	[sflag:s21] =	ssyncadd.s32 $0xFFFFD8F0  }
0xc5: {  	[spmem:s3] =	stream.indirect.scatter.add.f32 [tilespmem:s20], [sflag:$0xA], $0x1, s14, s11, $0xb8;
	[tilespmem:$0x1ACE0] =	vst v63  }
0xc6: {  	_ =	swait.ge [sflag:s24], $0x2710  }
0xc7: {  	[sflag:s24] =	ssyncset.done $0x0  }
0xc8: {  	s0 =	rddreg [dreg:$0x18];
	[sflag:s24] =	ssyncadd.s32 $0xFFFFD8F0  }
0xc9: {  	[tilespmem:s26], [sflag:$0x3] =	stream.linear.gather [hbm4b:s0+s2], $0x2710, $0x38;
	[tilespmem:$0x1ACE0] =	vst v63  }
0xca: {  	s1 =	rddreg [dreg:$0x19]  }
0xcb: {  	[tilespmem:s25], [sflag:$0x6] =	stream.linear.gather [hbm4b:s1+s2], $0x2710, $0x38;
	[tilespmem:$0x1ACE0] =	vst v63  }
0xcc: {  	_ =	swait.ge [sflag:s19], $0x2710  }
0xcd: {  	[sflag:s19] =	ssyncset.done $0x0  }
0xce: {  	[sflag:s19] =	ssyncadd.s32 $0xFFFFD8F0  }
0xcf: {  	_ =	swait.ge [sflag:s16], $0x2710  }
0xd0: {  	[sflag:s16] =	ssyncset.done $0x0  }
0xd1: {  	[sflag:s16] =	ssyncadd.s32 $0xFFFFD8F0  }
0xd2: {  	[tilespmem:s13], [sflag:$0x8] =	stream.indirect.gather [spmem:s4], $0x1, s10, s11, $0xb8;
	[tilespmem:$0x1ACE0] =	vst v63  }
0xd3: {  	_ =	swait.ge [sflag:s15], $0x2710  }
0xd4: {  	[sflag:s15] =	ssyncset.done $0x0  }
0xd5: {  	[sflag:s15] =	ssyncadd.s32 $0xFFFFD8F0  }
0xd6: {  	[spmem:s3] =	stream.indirect.scatter.add.f32 [tilespmem:s13], [sflag:$0xB], $0x1, s9, s11, $0xb8;
	[tilespmem:$0x1ACE0] =	vst v63  }
0xd7: {  	_ =	swait.ge [sflag:s12], $0x2710  }
0xd8: {  	[sflag:s12] =	ssyncset.done $0x0  }
0xd9: {  	s0 =	rddreg [dreg:$0x1a];
	[sflag:s12] =	ssyncadd.s32 $0xFFFFD8F0  }
0xda: {  	[tilespmem:s18], [sflag:$0x1] =	stream.linear.gather [hbm4b:s0+s2], $0x2710, $0x38;
	[tilespmem:$0x1ACE0] =	vst v63  }
0xdb: {  	s1 =	rddreg [dreg:$0x1b]  }
0xdc: {  	[tilespmem:s14], [sflag:$0x4] =	stream.linear.gather [hbm4b:s1+s2], $0x2710, $0x38;
	[tilespmem:$0x1ACE0] =	vst v63  }
0xdd: {  	_ =	swait.ge [sflag:s31], $0x2710  }
0xde: {  	[sflag:s31] =	ssyncset.done $0x0  }
0xdf: {  	[sflag:s31] =	ssyncadd.s32 $0xFFFFD8F0  }
0xe0: {  	_ =	swait.ge [sflag:s30], $0x2710  }
0xe1: {  	[sflag:s30] =	ssyncset.done $0x0  }
0xe2: {  	[sflag:s30] =	ssyncadd.s32 $0xFFFFD8F0  }
0xe3: {  	[tilespmem:s28], [sflag:$0x9] =	stream.indirect.gather [spmem:s4], $0x1, s26, s11, $0xb8;
	[tilespmem:$0x1ACE0] =	vst v63  }
0xe4: {  	_ =	swait.ge [sflag:s29], $0x2710  }
0xe5: {  	[sflag:s29] =	ssyncset.done $0x0  }
0xe6: {  	[sflag:s29] =	ssyncadd.s32 $0xFFFFD8F0  }
0xe7: {  	[spmem:s3] =	stream.indirect.scatter.add.f32 [tilespmem:s28], [sflag:$0xC], $0x1, s25, s11, $0xb8;
	[tilespmem:$0x1ACE0] =	vst v63  }
0xe8: {  	_ =	swait.ge [sflag:s17], $0x2710  }
0xe9: {  	[sflag:s17] =	ssyncset.done $0x0  }
0xea: {  	s0 =	rddreg [dreg:$0x1c];
	[sflag:s17] =	ssyncadd.s32 $0xFFFFD8F0  }
0xeb: {  	[tilespmem:s10], [sflag:$0x2] =	stream.linear.gather [hbm4b:s0+s2], $0x2710, $0x38;
	[tilespmem:$0x1ACE0] =	vst v63  }
0xec: {  	s1 =	rddreg [dreg:$0x1d]  }
0xed: {  	[tilespmem:s9], [sflag:$0x5] =	stream.linear.gather [hbm4b:s1+s2], $0x2710, $0x38;
	[tilespmem:$0x1ACE0] =	vst v63  }
0xee: {  	_ =	swait.ge [sflag:s23], $0x2710  }
0xef: {  	[sflag:s23] =	ssyncset.done $0x0  }
0xf0: {  	[sflag:s23] =	ssyncadd.s32 $0xFFFFD8F0  }
0xf1: {  	_ =	swait.ge [sflag:s22], $0x2710  }
0xf2: {  	[sflag:s22] =	ssyncset.done $0x0  }
0xf3: {  	[sflag:s22] =	ssyncadd.s32 $0xFFFFD8F0  }
0xf4: {  	[tilespmem:s20], [sflag:$0x7] =	stream.indirect.gather [spmem:s4], $0x1, s18, s11, $0xb8;
	[tilespmem:$0x1ACE0] =	vst v63  }
0xf5: {  	_ =	swait.ge [sflag:s21], $0x2710  }
0xf6: {  	[sflag:s21] =	ssyncset.done $0x0  }
0xf7: {  	[sflag:s21] =	ssyncadd.s32 $0xFFFFD8F0  }
0xf8: {  	[spmem:s3] =	stream.indirect.scatter.add.f32 [tilespmem:s20], [sflag:$0xA], $0x1, s14, s11, $0xb8;
	[tilespmem:$0x1ACE0] =	vst v63  }
0xf9: {  	_ =	swait.ge [sflag:s24], $0x2710  }
0xfa: {  	[sflag:s24] =	ssyncset.done $0x0  }
0xfb: {  	s0 =	rddreg [dreg:$0x1e];
	[sflag:s24] =	ssyncadd.s32 $0xFFFFD8F0  }
0xfc: {  	[tilespmem:s26], [sflag:$0x3] =	stream.linear.gather [hbm4b:s0+s2], $0x2710, $0x38;
	[tilespmem:$0x1ACE0] =	vst v63  }
0xfd: {  	s1 =	rddreg [dreg:$0x1f]  }
0xfe: {  	[tilespmem:s25], [sflag:$0x6] =	stream.linear.gather [hbm4b:s1+s2], $0x2710, $0x38;
	[tilespmem:$0x1ACE0] =	vst v63  }
0xff: {  	_ =	swait.ge [sflag:s19], $0x2710  }
0x100: {  	[sflag:s19] =	ssyncset.done $0x0  }
0x101: {  	[sflag:s19] =	ssyncadd.s32 $0xFFFFD8F0  }
0x102: {  	_ =	swait.ge [sflag:s16], $0x2710  }
0x103: {  	[sflag:s16] =	ssyncset.done $0x0  }
0x104: {  	[sflag:s16] =	ssyncadd.s32 $0xFFFFD8F0  }
0x105: {  	[tilespmem:s13], [sflag:$0x8] =	stream.indirect.gather [spmem:s4], $0x1, s10, s11, $0xb8;
	[tilespmem:$0x1ACE0] =	vst v63  }
0x106: {  	_ =	swait.ge [sflag:s15], $0x2710  }
0x107: {  	[sflag:s15] =	ssyncset.done $0x0  }
0x108: {  	[sflag:s15] =	ssyncadd.s32 $0xFFFFD8F0  }
0x109: {  	[spmem:s3] =	stream.indirect.scatter.add.f32 [tilespmem:s13], [sflag:$0xB], $0x1, s9, s11, $0xb8;
	[tilespmem:$0x1ACE0] =	vst v63  }
0x10a: {  	_ =	swait.ge [sflag:s12], $0x2710  }
0x10b: {  	s0 =	sld [smem:$0x7EE]  }
0x10c: {  	[sflag:s12] =	ssyncset.done $0x0  }
0x10d: {  	s1 =	sld [smem:$0x7EF];
	[sflag:s12] =	ssyncadd.s32 $0xFFFFD8F0  }
0x10e: {  	[tilespmem:s18], [sflag:$0x1] =	stream.linear.gather [hbm4b:s0+s2], $0x2710, $0x38;
	[tilespmem:$0x1ACE0] =	vst v63  }
0x10f: {  	_ = 	snop  }
0x110: {  	[tilespmem:s14], [sflag:$0x4] =	stream.linear.gather [hbm4b:s1+s2], $0x2710, $0x38;
	[tilespmem:$0x1ACE0] =	vst v63  }
0x111: {  	_ =	swait.ge [sflag:s31], $0x2710  }
0x112: {  	[sflag:s31] =	ssyncset.done $0x0  }
0x113: {  	[sflag:s31] =	ssyncadd.s32 $0xFFFFD8F0  }
0x114: {  	_ =	swait.ge [sflag:s30], $0x2710  }
0x115: {  	[sflag:s30] =	ssyncset.done $0x0  }
0x116: {  	[sflag:s30] =	ssyncadd.s32 $0xFFFFD8F0  }
0x117: {  	[tilespmem:s28], [sflag:$0x9] =	stream.indirect.gather [spmem:s4], $0x1, s26, s11, $0xb8;
	[tilespmem:$0x1ACE0] =	vst v63  }
0x118: {  	_ =	swait.ge [sflag:s29], $0x2710  }
0x119: {  	[sflag:s29] =	ssyncset.done $0x0  }
0x11a: {  	[sflag:s29] =	ssyncadd.s32 $0xFFFFD8F0  }
0x11b: {  	[spmem:s3] =	stream.indirect.scatter.add.f32 [tilespmem:s28], [sflag:$0xC], $0x1, s25, s11, $0xb8;
	[tilespmem:$0x1ACE0] =	vst v63  }
0x11c: {  	_ =	swait.ge [sflag:s17], $0x2710  }
0x11d: {  	s0 =	sld [smem:$0x7F0]  }
0x11e: {  	[sflag:s17] =	ssyncset.done $0x0  }
0x11f: {  	s1 =	sld [smem:$0x7F1];
	[sflag:s17] =	ssyncadd.s32 $0xFFFFD8F0  }
0x120: {  	[tilespmem:s10], [sflag:$0x2] =	stream.linear.gather [hbm4b:s0+s2], $0x2710, $0x38;
	[tilespmem:$0x1ACE0] =	vst v63  }
0x121: {  	_ = 	snop  }
0x122: {  	[tilespmem:s9], [sflag:$0x5] =	stream.linear.gather [hbm4b:s1+s2], $0x2710, $0x38;
	[tilespmem:$0x1ACE0] =	vst v63  }
0x123: {  	_ =	swait.ge [sflag:s23], $0x2710  }
0x124: {  	[sflag:s23] =	ssyncset.done $0x0  }
0x125: {  	[sflag:s23] =	ssyncadd.s32 $0xFFFFD8F0  }
0x126: {  	_ =	swait.ge [sflag:s22], $0x2710  }
0x127: {  	[sflag:s22] =	ssyncset.done $0x0  }
0x128: {  	[sflag:s22] =	ssyncadd.s32 $0xFFFFD8F0  }
0x129: {  	[tilespmem:s20], [sflag:$0x7] =	stream.indirect.gather [spmem:s4], $0x1, s18, s11, $0xb8;
	[tilespmem:$0x1ACE0] =	vst v63  }
0x12a: {  	_ =	swait.ge [sflag:s21], $0x2710  }
0x12b: {  	[sflag:s21] =	ssyncset.done $0x0  }
0x12c: {  	[sflag:s21] =	ssyncadd.s32 $0xFFFFD8F0  }
0x12d: {  	[spmem:s3] =	stream.indirect.scatter.add.f32 [tilespmem:s20], [sflag:$0xA], $0x1, s14, s11, $0xb8;
	[tilespmem:$0x1ACE0] =	vst v63  }
0x12e: {  	_ =	swait.ge [sflag:s24], $0x2710  }
0x12f: {  	s0 =	sld [smem:$0x7F2]  }
0x130: {  	[sflag:s24] =	ssyncset.done $0x0  }
0x131: {  	s1 =	sld [smem:$0x7F3];
	[sflag:s24] =	ssyncadd.s32 $0xFFFFD8F0  }
0x132: {  	[tilespmem:s26], [sflag:$0x3] =	stream.linear.gather [hbm4b:s0+s2], $0x2710, $0x38;
	[tilespmem:$0x1ACE0] =	vst v63  }
0x133: {  	_ = 	snop  }
0x134: {  	[tilespmem:s25], [sflag:$0x6] =	stream.linear.gather [hbm4b:s1+s2], $0x2710, $0x38;
	[tilespmem:$0x1ACE0] =	vst v63  }
0x135: {  	_ =	swait.ge [sflag:s19], $0x2710  }
0x136: {  	[sflag:s19] =	ssyncset.done $0x0  }
0x137: {  	[sflag:s19] =	ssyncadd.s32 $0xFFFFD8F0  }
0x138: {  	_ =	swait.ge [sflag:s16], $0x2710  }
0x139: {  	[sflag:s16] =	ssyncset.done $0x0  }
0x13a: {  	[sflag:s16] =	ssyncadd.s32 $0xFFFFD8F0  }
0x13b: {  	[tilespmem:s13], [sflag:$0x8] =	stream.indirect.gather [spmem:s4], $0x1, s10, s11, $0xb8;
	[tilespmem:$0x1ACE0] =	vst v63  }
0x13c: {  	_ =	swait.ge [sflag:s15], $0x2710  }
0x13d: {  	[sflag:s15] =	ssyncset.done $0x0  }
0x13e: {  	[sflag:s15] =	ssyncadd.s32 $0xFFFFD8F0  }
0x13f: {  	[spmem:s3] =	stream.indirect.scatter.add.f32 [tilespmem:s13], [sflag:$0xB], $0x1, s9, s11, $0xb8;
	[tilespmem:$0x1ACE0] =	vst v63  }
0x140: {  	_ =	swait.ge [sflag:s12], $0x2710  }
0x141: {  	s0 =	sld [smem:$0x7F4]  }
0x142: {  	[sflag:s12] =	ssyncset.done $0x0  }
0x143: {  	s1 =	sld [smem:$0x7F5];
	[sflag:s12] =	ssyncadd.s32 $0xFFFFD8F0  }
0x144: {  	[tilespmem:s18], [sflag:$0x1] =	stream.linear.gather [hbm4b:s0+s2], $0x2710, $0x38;
	[tilespmem:$0x1ACE0] =	vst v63  }
0x145: {  	_ = 	snop  }
0x146: {  	[tilespmem:s14], [sflag:$0x4] =	stream.linear.gather [hbm4b:s1+s2], $0x2710, $0x38;
	[tilespmem:$0x1ACE0] =	vst v63  }
0x147: {  	_ =	swait.ge [sflag:s31], $0x2710  }
0x148: {  	[sflag:s31] =	ssyncset.done $0x0  }
0x149: {  	[sflag:s31] =	ssyncadd.s32 $0xFFFFD8F0  }
0x14a: {  	_ =	swait.ge [sflag:s30], $0x2710  }
0x14b: {  	[sflag:s30] =	ssyncset.done $0x0  }
0x14c: {  	[sflag:s30] =	ssyncadd.s32 $0xFFFFD8F0  }
0x14d: {  	[tilespmem:s28], [sflag:$0x9] =	stream.indirect.gather [spmem:s4], $0x1, s26, s11, $0xb8;
	[tilespmem:$0x1ACE0] =	vst v63  }
0x14e: {  	_ =	swait.ge [sflag:s29], $0x2710  }
0x14f: {  	[sflag:s29] =	ssyncset.done $0x0  }
0x150: {  	[sflag:s29] =	ssyncadd.s32 $0xFFFFD8F0  }
0x151: {  	[spmem:s3] =	stream.indirect.scatter.add.f32 [tilespmem:s28], [sflag:$0xC], $0x1, s25, s11, $0xb8;
	[tilespmem:$0x1ACE0] =	vst v63  }
0x152: {  	_ =	swait.ge [sflag:s17], $0x2710  }
0x153: {  	s0 =	sld [smem:$0x7F6]  }
0x154: {  	[sflag:s17] =	ssyncset.done $0x0  }
0x155: {  	s1 =	sld [smem:$0x7F7];
	[sflag:s17] =	ssyncadd.s32 $0xFFFFD8F0  }
0x156: {  	[tilespmem:s10], [sflag:$0x2] =	stream.linear.gather [hbm4b:s0+s2], $0x2710, $0x38;
	[tilespmem:$0x1ACE0] =	vst v63  }
0x157: {  	_ = 	snop  }
0x158: {  	[tilespmem:s9], [sflag:$0x5] =	stream.linear.gather [hbm4b:s1+s2], $0x2710, $0x38;
	[tilespmem:$0x1ACE0] =	vst v63  }
0x159: {  	_ =	swait.ge [sflag:s23], $0x2710  }
0x15a: {  	[sflag:s23] =	ssyncset.done $0x0  }
0x15b: {  	[sflag:s23] =	ssyncadd.s32 $0xFFFFD8F0  }
0x15c: {  	_ =	swait.ge [sflag:s22], $0x2710  }
0x15d: {  	[sflag:s22] =	ssyncset.done $0x0  }
0x15e: {  	[sflag:s22] =	ssyncadd.s32 $0xFFFFD8F0  }
0x15f: {  	[tilespmem:s20], [sflag:$0x7] =	stream.indirect.gather [spmem:s4], $0x1, s18, s11, $0xb8;
	[tilespmem:$0x1ACE0] =	vst v63  }
0x160: {  	_ =	swait.ge [sflag:s21], $0x2710  }
0x161: {  	[sflag:s21] =	ssyncset.done $0x0  }
0x162: {  	[sflag:s21] =	ssyncadd.s32 $0xFFFFD8F0  }
0x163: {  	[spmem:s3] =	stream.indirect.scatter.add.f32 [tilespmem:s20], [sflag:$0xA], $0x1, s14, s11, $0xb8;
	[tilespmem:$0x1ACE0] =	vst v63  }
0x164: {  	_ =	swait.ge [sflag:s24], $0x2710  }
0x165: {  	s0 =	sld [smem:$0x7F8]  }
0x166: {  	[sflag:s24] =	ssyncset.done $0x0  }
0x167: {  	s1 =	sld [smem:$0x7F9];
	[sflag:s24] =	ssyncadd.s32 $0xFFFFD8F0  }
0x168: {  	[tilespmem:s26], [sflag:$0x3] =	stream.linear.gather [hbm4b:s0+s2], $0x2710, $0x38;
	[tilespmem:$0x1ACE0] =	vst v63  }
0x169: {  	_ = 	snop  }
0x16a: {  	[tilespmem:s25], [sflag:$0x6] =	stream.linear.gather [hbm4b:s1+s2], $0x2710, $0x38;
	[tilespmem:$0x1ACE0] =	vst v63  }
0x16b: {  	_ =	swait.ge [sflag:s19], $0x2710  }
0x16c: {  	[sflag:s19] =	ssyncset.done $0x0  }
0x16d: {  	[sflag:s19] =	ssyncadd.s32 $0xFFFFD8F0  }
0x16e: {  	_ =	swait.ge [sflag:s16], $0x2710  }
0x16f: {  	[sflag:s16] =	ssyncset.done $0x0  }
0x170: {  	[sflag:s16] =	ssyncadd.s32 $0xFFFFD8F0  }
0x171: {  	[tilespmem:s13], [sflag:$0x8] =	stream.indirect.gather [spmem:s4], $0x1, s10, s11, $0xb8;
	[tilespmem:$0x1ACE0] =	vst v63  }
0x172: {  	_ =	swait.ge [sflag:s15], $0x2710  }
0x173: {  	[sflag:s15] =	ssyncset.done $0x0  }
0x174: {  	[sflag:s15] =	ssyncadd.s32 $0xFFFFD8F0  }
0x175: {  	[spmem:s3] =	stream.indirect.scatter.add.f32 [tilespmem:s13], [sflag:$0xB], $0x1, s9, s11, $0xb8;
	[tilespmem:$0x1ACE0] =	vst v63  }
0x176: {  	_ =	swait.ge [sflag:s12], $0x2710  }
0x177: {  	s0 =	sld [smem:$0x7FA]  }
0x178: {  	[sflag:s12] =	ssyncset.done $0x0  }
0x179: {  	s1 =	sld [smem:$0x7FB];
	[sflag:s12] =	ssyncadd.s32 $0xFFFFD8F0  }
0x17a: {  	[tilespmem:s18], [sflag:$0x1] =	stream.linear.gather [hbm4b:s0+s2], $0x2710, $0x38;
	[tilespmem:$0x1ACE0] =	vst v63  }
0x17b: {  	_ = 	snop  }
0x17c: {  	[tilespmem:s14], [sflag:$0x4] =	stream.linear.gather [hbm4b:s1+s2], $0x2710, $0x38;
	[tilespmem:$0x1ACE0] =	vst v63  }
0x17d: {  	_ =	swait.ge [sflag:s31], $0x2710  }
0x17e: {  	[sflag:s31] =	ssyncset.done $0x0  }
0x17f: {  	[sflag:s31] =	ssyncadd.s32 $0xFFFFD8F0  }
0x180: {  	_ =	swait.ge [sflag:s30], $0x2710  }
0x181: {  	[sflag:s30] =	ssyncset.done $0x0  }
0x182: {  	[sflag:s30] =	ssyncadd.s32 $0xFFFFD8F0  }
0x183: {  	[tilespmem:s28], [sflag:$0x9] =	stream.indirect.gather [spmem:s4], $0x1, s26, s11, $0xb8;
	[tilespmem:$0x1ACE0] =	vst v63  }
0x184: {  	_ =	swait.ge [sflag:s29], $0x2710  }
0x185: {  	[sflag:s29] =	ssyncset.done $0x0  }
0x186: {  	[sflag:s29] =	ssyncadd.s32 $0xFFFFD8F0  }
0x187: {  	[spmem:s3] =	stream.indirect.scatter.add.f32 [tilespmem:s28], [sflag:$0xC], $0x1, s25, s11, $0xb8;
	[tilespmem:$0x1ACE0] =	vst v63  }
0x188: {  	_ =	swait.ge [sflag:s17], $0x2710  }
0x189: {  	s0 =	sld [smem:$0x7FC]  }
0x18a: {  	[sflag:s17] =	ssyncset.done $0x0  }
0x18b: {  	s1 =	sld [smem:$0x7FD];
	[sflag:s17] =	ssyncadd.s32 $0xFFFFD8F0  }
0x18c: {  	[tilespmem:s10], [sflag:$0x2] =	stream.linear.gather [hbm4b:s0+s2], $0x2710, $0x38;
	[tilespmem:$0x1ACE0] =	vst v63  }
0x18d: {  	_ = 	snop  }
0x18e: {  	[tilespmem:s9], [sflag:$0x5] =	stream.linear.gather [hbm4b:s1+s2], $0x2710, $0x38;
	[tilespmem:$0x1ACE0] =	vst v63  }
0x18f: {  	_ =	swait.ge [sflag:s23], $0x2710  }
0x190: {  	[sflag:s23] =	ssyncset.done $0x0  }
0x191: {  	[sflag:s23] =	ssyncadd.s32 $0xFFFFD8F0  }
0x192: {  	_ =	swait.ge [sflag:s22], $0x2710  }
0x193: {  	[sflag:s22] =	ssyncset.done $0x0  }
0x194: {  	[sflag:s22] =	ssyncadd.s32 $0xFFFFD8F0  }
0x195: {  	[tilespmem:s20], [sflag:$0x7] =	stream.indirect.gather [spmem:s4], $0x1, s18, s11, $0xb8;
	[tilespmem:$0x1ACE0] =	vst v63  }
0x196: {  	_ =	swait.ge [sflag:s21], $0x2710  }
0x197: {  	[sflag:s21] =	ssyncset.done $0x0  }
0x198: {  	[sflag:s21] =	ssyncadd.s32 $0xFFFFD8F0  }
0x199: {  	[spmem:s3] =	stream.indirect.scatter.add.f32 [tilespmem:s20], [sflag:$0xA], $0x1, s14, s11, $0xb8;
	[tilespmem:$0x1ACE0] =	vst v63  }
0x19a: {  	_ =	swait.ge [sflag:s24], $0x2710  }
0x19b: {  	[sflag:s24] =	ssyncset.done $0x0  }
0x19c: {  	[sflag:s24] =	ssyncadd.s32 $0xFFFFD8F0  }
0x19d: {  	_ =	swait.ge [sflag:s19], $0x2710  }
0x19e: {  	[sflag:s19] =	ssyncset.done $0x0  }
0x19f: {  	[sflag:s19] =	ssyncadd.s32 $0xFFFFD8F0  }
0x1a0: {  	_ =	swait.ge [sflag:s16], $0x2710  }
0x1a1: {  	[sflag:s16] =	ssyncset.done $0x0  }
0x1a2: {  	[sflag:s16] =	ssyncadd.s32 $0xFFFFD8F0  }
0x1a3: {  	[tilespmem:s13], [sflag:$0x8] =	stream.indirect.gather [spmem:s4], $0x1, s10, s11, $0xb8;
	[tilespmem:$0x1ACE0] =	vst v63  }
0x1a4: {  	_ =	swait.ge [sflag:s15], $0x2710  }
0x1a5: {  	[sflag:s15] =	ssyncset.done $0x0  }
0x1a6: {  	[sflag:s15] =	ssyncadd.s32 $0xFFFFD8F0  }
0x1a7: {  	[spmem:s3] =	stream.indirect.scatter.add.f32 [tilespmem:s13], [sflag:$0xB], $0x1, s9, s11, $0xb8;
	[tilespmem:$0x1ACE0] =	vst v63  }
0x1a8: {  	_ =	swait.ge [sflag:s12], $0x2710  }
0x1a9: {  	[sflag:s12] =	ssyncset.done $0x0  }
0x1aa: {  	[sflag:s12] =	ssyncadd.s32 $0xFFFFD8F0  }
0x1ab: {  	_ =	swait.ge [sflag:s17], $0x2710  }
0x1ac: {  	[sflag:s17] =	ssyncset.done $0x0  }
0x1ad: {  	[sflag:s17] =	ssyncadd.s32 $0xFFFFD8F0  }
0x1ae: {  	[bflag:$0x0] =	sbarrier.arrive $0xFFFF  }
0x1af: {  	[tilespmem:s8], [sflag:$0xD] =	stream.linear.gather [spmem:s7], $0x1870, $0x38;
	[tilespmem:$0x1ACE0] =	vst v63  }
0x1b0: {  	_ =	swait.ge [sflag:s6], $0x1870  }
0x1b1: {  	s1 =	sld [smem:$0x7ED];
	_ =	sdelay $0x2  }
0x1b2: {  	p1 =	sne.s32 s1, $0x1  }
.Ltmp1:
0x1b3: {  	[sflag:s6] =	ssyncset.done $0x0;
	(pc) =	sbr.rel @!p1 .LBB2_3-.Ltmp1, $4  }
0x1b4: {  	[sflag:s6] =	ssyncadd.s32 $0xFFFFE790  }
0x1b5: {  	[hbm4b:s5+s2] =	stream.linear.scatter [tilespmem:s8], [sflag:$0xD], $0x1870, $0x38;
	[tilespmem:$0x1ACE0] =	vst v63  }
0x1b6: {  	p0 =	por $0x1, $0x1;
	_ =	swait.ge [sflag:s6], $0x1870  }
0x1b7: {  	s0 =	sadd.s32 $0xFFFFFFFF, s1;
	s1 =	rddreg [dreg:$0x5];
	[sflag:s6] =	ssyncset.done $0x0  }
.LBB2_2:
0x1b8: {  	[sflag:s6] =	ssyncadd.s32 $0xFFFFE790  }
0x1b9: {  	[tilespmem:s8], [sflag:$0xD] =	stream.linear.gather [hbm4b:s1+s2], $0x1870, $0x38;
	[tilespmem:$0x1ACE0] =	vst v63  }
0x1ba: {  	_ =	swait.ge [sflag:s6], $0x1870  }
0x1bb: {  	[sflag:s6] =	ssyncset.done $0x0  }
0x1bc: {  	s1 =	rddreg [dreg:$0x6];
	[sflag:s6] =	ssyncadd.s32 $0xFFFFE790  }
0x1bd: {  	[spmem:s1] =	stream.linear.scatter [tilespmem:s8], [sflag:$0xD], $0x1870, $0x38;
	[tilespmem:$0x1ACE0] =	vst v63  }
0x1be: {  	_ =	swait.ge [sflag:s6], $0x1870  }
0x1bf: {  	[sflag:s6] =	ssyncset.done $0x0  }
0x1c0: {  	s1 =	rddreg [dreg:$0x7];
	[sflag:s6] =	ssyncadd.s32 $0xFFFFE790  }
0x1c1: {  	[tilespmem:s8], [sflag:$0xD] =	stream.linear.gather [hbm4b:s1+s2], $0x1870, $0x38;
	[tilespmem:$0x1ACE0] =	vst v63  }
0x1c2: {  	_ =	swait.ge [sflag:s6], $0x1870  }
0x1c3: {  	[sflag:s6] =	ssyncset.done $0x0  }
0x1c4: {  	[sflag:s6] =	ssyncadd.s32 $0xFFFFE790  }
0x1c5: {  	[spmem:s7] =	stream.linear.scatter [tilespmem:s8], [sflag:$0xD], $0x1870, $0x38;
	[tilespmem:$0x1ACE0] =	vst v63  }
0x1c6: {  	_ =	swait.ge [sflag:s6], $0x1870  }
0x1c7: {  	[sflag:s6] =	ssyncset.done $0x0  }
0x1c8: {  	[sflag:s6] =	ssyncadd.s32 $0xFFFFE790  }
0x1c9: {  	[bflag:$0x0] =	sbarrier.arrive $0xFFFF  }
0x1ca: {  	s1 =	rddreg [dreg:$0x8]  }
0x1cb: {  	[tilespmem:s18], [sflag:$0x1] =	stream.linear.gather [hbm4b:s1+s2], $0x2710, $0x38;
	[tilespmem:$0x1ACE0] =	vst v63  }
0x1cc: {  	s8 =	smov.u32 s7;
	s7 =	smov.u32 s5;
	s5 =	rddreg [dreg:$0x9]  }
0x1cd: {  	[tilespmem:s14], [sflag:$0x4] =	stream.linear.gather [hbm4b:s5+s2], $0x2710, $0x38;
	[tilespmem:$0x1ACE0] =	vst v63  }
0x1ce: {  	s1 =	rddreg [dreg:$0xa]  }
0x1cf: {  	[tilespmem:s10], [sflag:$0x2] =	stream.linear.gather [hbm4b:s1+s2], $0x2710, $0x38;
	[tilespmem:$0x1ACE0] =	vst v63  }
0x1d0: {  	s5 =	rddreg [dreg:$0xb]  }
0x1d1: {  	[tilespmem:s9], [sflag:$0x5] =	stream.linear.gather [hbm4b:s5+s2], $0x2710, $0x38;
	[tilespmem:$0x1ACE0] =	vst v63  }
0x1d2: {  	_ =	swait.ge [sflag:s23], $0x2710  }
0x1d3: {  	[sflag:s23] =	ssyncset.done $0x0  }
0x1d4: {  	[sflag:s23] =	ssyncadd.s32 $0xFFFFD8F0  }
0x1d5: {  	_ =	swait.ge [sflag:s22], $0x2710  }
0x1d6: {  	[sflag:s22] =	ssyncset.done $0x0  }
0x1d7: {  	[sflag:s22] =	ssyncadd.s32 $0xFFFFD8F0  }
0x1d8: {  	[tilespmem:s20], [sflag:$0x7] =	stream.indirect.gather [spmem:s4], $0x1, s18, s11, $0xb8;
	[tilespmem:$0x1ACE0] =	vst v63  }
0x1d9: {  	_ =	swait.ge [sflag:s21], $0x2710  }
0x1da: {  	[sflag:s21] =	ssyncset.done $0x0  }
0x1db: {  	[sflag:s21] =	ssyncadd.s32 $0xFFFFD8F0  }
0x1dc: {  	[spmem:s3] =	stream.indirect.scatter.add.f32 [tilespmem:s20], [sflag:$0xA], $0x1, s14, s11, $0xb8;
	[tilespmem:$0x1ACE0] =	vst v63  }
0x1dd: {  	s1 =	rddreg [dreg:$0xc]  }
0x1de: {  	[tilespmem:s26], [sflag:$0x3] =	stream.linear.gather [hbm4b:s1+s2], $0x2710, $0x38;
	[tilespmem:$0x1ACE0] =	vst v63  }
0x1df: {  	s5 =	rddreg [dreg:$0xd]  }
0x1e0: {  	[tilespmem:s25], [sflag:$0x6] =	stream.linear.gather [hbm4b:s5+s2], $0x2710, $0x38;
	[tilespmem:$0x1ACE0] =	vst v63  }
0x1e1: {  	_ =	swait.ge [sflag:s19], $0x2710  }
0x1e2: {  	[sflag:s19] =	ssyncset.done $0x0  }
0x1e3: {  	[sflag:s19] =	ssyncadd.s32 $0xFFFFD8F0  }
0x1e4: {  	_ =	swait.ge [sflag:s16], $0x2710  }
0x1e5: {  	[sflag:s16] =	ssyncset.done $0x0  }
0x1e6: {  	[sflag:s16] =	ssyncadd.s32 $0xFFFFD8F0  }
0x1e7: {  	[tilespmem:s13], [sflag:$0x8] =	stream.indirect.gather [spmem:s4], $0x1, s10, s11, $0xb8;
	[tilespmem:$0x1ACE0] =	vst v63  }
0x1e8: {  	_ =	swait.ge [sflag:s15], $0x2710  }
0x1e9: {  	[sflag:s15] =	ssyncset.done $0x0  }
0x1ea: {  	[sflag:s15] =	ssyncadd.s32 $0xFFFFD8F0  }
0x1eb: {  	[spmem:s3] =	stream.indirect.scatter.add.f32 [tilespmem:s13], [sflag:$0xB], $0x1, s9, s11, $0xb8;
	[tilespmem:$0x1ACE0] =	vst v63  }
0x1ec: {  	_ =	swait.ge [sflag:s12], $0x2710  }
0x1ed: {  	[sflag:s12] =	ssyncset.done $0x0  }
0x1ee: {  	s1 =	rddreg [dreg:$0xe];
	[sflag:s12] =	ssyncadd.s32 $0xFFFFD8F0  }
0x1ef: {  	[tilespmem:s18], [sflag:$0x1] =	stream.linear.gather [hbm4b:s1+s2], $0x2710, $0x38;
	[tilespmem:$0x1ACE0] =	vst v63  }
0x1f0: {  	s5 =	rddreg [dreg:$0xf]  }
0x1f1: {  	[tilespmem:s14], [sflag:$0x4] =	stream.linear.gather [hbm4b:s5+s2], $0x2710, $0x38;
	[tilespmem:$0x1ACE0] =	vst v63  }
0x1f2: {  	_ =	swait.ge [sflag:s31], $0x2710  }
0x1f3: {  	[sflag:s31] =	ssyncset.done $0x0  }
0x1f4: {  	[sflag:s31] =	ssyncadd.s32 $0xFFFFD8F0  }
0x1f5: {  	_ =	swait.ge [sflag:s30], $0x2710  }
0x1f6: {  	[sflag:s30] =	ssyncset.done $0x0  }
0x1f7: {  	[sflag:s30] =	ssyncadd.s32 $0xFFFFD8F0  }
0x1f8: {  	[tilespmem:s28], [sflag:$0x9] =	stream.indirect.gather [spmem:s4], $0x1, s26, s11, $0xb8;
	[tilespmem:$0x1ACE0] =	vst v63  }
0x1f9: {  	_ =	swait.ge [sflag:s29], $0x2710  }
0x1fa: {  	[sflag:s29] =	ssyncset.done $0x0  }
0x1fb: {  	[sflag:s29] =	ssyncadd.s32 $0xFFFFD8F0  }
0x1fc: {  	[spmem:s3] =	stream.indirect.scatter.add.f32 [tilespmem:s28], [sflag:$0xC], $0x1, s25, s11, $0xb8;
	[tilespmem:$0x1ACE0] =	vst v63  }
0x1fd: {  	_ =	swait.ge [sflag:s17], $0x2710  }
0x1fe: {  	[sflag:s17] =	ssyncset.done $0x0  }
0x1ff: {  	s1 =	rddreg [dreg:$0x10];
	[sflag:s17] =	ssyncadd.s32 $0xFFFFD8F0  }
0x200: {  	[tilespmem:s10], [sflag:$0x2] =	stream.linear.gather [hbm4b:s1+s2], $0x2710, $0x38;
	[tilespmem:$0x1ACE0] =	vst v63  }
0x201: {  	s5 =	rddreg [dreg:$0x11]  }
0x202: {  	[tilespmem:s9], [sflag:$0x5] =	stream.linear.gather [hbm4b:s5+s2], $0x2710, $0x38;
	[tilespmem:$0x1ACE0] =	vst v63  }
0x203: {  	_ =	swait.ge [sflag:s23], $0x2710  }
0x204: {  	[sflag:s23] =	ssyncset.done $0x0  }
0x205: {  	[sflag:s23] =	ssyncadd.s32 $0xFFFFD8F0  }
0x206: {  	_ =	swait.ge [sflag:s22], $0x2710  }
0x207: {  	[sflag:s22] =	ssyncset.done $0x0  }
0x208: {  	[sflag:s22] =	ssyncadd.s32 $0xFFFFD8F0  }
0x209: {  	[tilespmem:s20], [sflag:$0x7] =	stream.indirect.gather [spmem:s4], $0x1, s18, s11, $0xb8;
	[tilespmem:$0x1ACE0] =	vst v63  }
0x20a: {  	_ =	swait.ge [sflag:s21], $0x2710  }
0x20b: {  	[sflag:s21] =	ssyncset.done $0x0  }
0x20c: {  	[sflag:s21] =	ssyncadd.s32 $0xFFFFD8F0  }
0x20d: {  	[spmem:s3] =	stream.indirect.scatter.add.f32 [tilespmem:s20], [sflag:$0xA], $0x1, s14, s11, $0xb8;
	[tilespmem:$0x1ACE0] =	vst v63  }
0x20e: {  	_ =	swait.ge [sflag:s24], $0x2710  }
0x20f: {  	[sflag:s24] =	ssyncset.done $0x0  }
0x210: {  	s1 =	rddreg [dreg:$0x12];
	[sflag:s24] =	ssyncadd.s32 $0xFFFFD8F0  }
0x211: {  	[tilespmem:s26], [sflag:$0x3] =	stream.linear.gather [hbm4b:s1+s2], $0x2710, $0x38;
	[tilespmem:$0x1ACE0] =	vst v63  }
0x212: {  	s5 =	rddreg [dreg:$0x13]  }
0x213: {  	[tilespmem:s25], [sflag:$0x6] =	stream.linear.gather [hbm4b:s5+s2], $0x2710, $0x38;
	[tilespmem:$0x1ACE0] =	vst v63  }
0x214: {  	_ =	swait.ge [sflag:s19], $0x2710  }
0x215: {  	[sflag:s19] =	ssyncset.done $0x0  }
0x216: {  	[sflag:s19] =	ssyncadd.s32 $0xFFFFD8F0  }
0x217: {  	_ =	swait.ge [sflag:s16], $0x2710  }
0x218: {  	[sflag:s16] =	ssyncset.done $0x0  }
0x219: {  	[sflag:s16] =	ssyncadd.s32 $0xFFFFD8F0  }
0x21a: {  	[tilespmem:s13], [sflag:$0x8] =	stream.indirect.gather [spmem:s4], $0x1, s10, s11, $0xb8;
	[tilespmem:$0x1ACE0] =	vst v63  }
0x21b: {  	_ =	swait.ge [sflag:s15], $0x2710  }
0x21c: {  	[sflag:s15] =	ssyncset.done $0x0  }
0x21d: {  	[sflag:s15] =	ssyncadd.s32 $0xFFFFD8F0  }
0x21e: {  	[spmem:s3] =	stream.indirect.scatter.add.f32 [tilespmem:s13], [sflag:$0xB], $0x1, s9, s11, $0xb8;
	[tilespmem:$0x1ACE0] =	vst v63  }
0x21f: {  	_ =	swait.ge [sflag:s12], $0x2710  }
0x220: {  	[sflag:s12] =	ssyncset.done $0x0  }
0x221: {  	s1 =	rddreg [dreg:$0x14];
	[sflag:s12] =	ssyncadd.s32 $0xFFFFD8F0  }
0x222: {  	[tilespmem:s18], [sflag:$0x1] =	stream.linear.gather [hbm4b:s1+s2], $0x2710, $0x38;
	[tilespmem:$0x1ACE0] =	vst v63  }
0x223: {  	s5 =	rddreg [dreg:$0x15]  }
0x224: {  	[tilespmem:s14], [sflag:$0x4] =	stream.linear.gather [hbm4b:s5+s2], $0x2710, $0x38;
	[tilespmem:$0x1ACE0] =	vst v63  }
0x225: {  	_ =	swait.ge [sflag:s31], $0x2710  }
0x226: {  	[sflag:s31] =	ssyncset.done $0x0  }
0x227: {  	[sflag:s31] =	ssyncadd.s32 $0xFFFFD8F0  }
0x228: {  	_ =	swait.ge [sflag:s30], $0x2710  }
0x229: {  	[sflag:s30] =	ssyncset.done $0x0  }
0x22a: {  	[sflag:s30] =	ssyncadd.s32 $0xFFFFD8F0  }
0x22b: {  	[tilespmem:s28], [sflag:$0x9] =	stream.indirect.gather [spmem:s4], $0x1, s26, s11, $0xb8;
	[tilespmem:$0x1ACE0] =	vst v63  }
0x22c: {  	_ =	swait.ge [sflag:s29], $0x2710  }
0x22d: {  	[sflag:s29] =	ssyncset.done $0x0  }
0x22e: {  	[sflag:s29] =	ssyncadd.s32 $0xFFFFD8F0  }
0x22f: {  	[spmem:s3] =	stream.indirect.scatter.add.f32 [tilespmem:s28], [sflag:$0xC], $0x1, s25, s11, $0xb8;
	[tilespmem:$0x1ACE0] =	vst v63  }
0x230: {  	_ =	swait.ge [sflag:s17], $0x2710  }
0x231: {  	[sflag:s17] =	ssyncset.done $0x0  }
0x232: {  	s1 =	rddreg [dreg:$0x16];
	[sflag:s17] =	ssyncadd.s32 $0xFFFFD8F0  }
0x233: {  	[tilespmem:s10], [sflag:$0x2] =	stream.linear.gather [hbm4b:s1+s2], $0x2710, $0x38;
	[tilespmem:$0x1ACE0] =	vst v63  }
0x234: {  	s5 =	rddreg [dreg:$0x17]  }
0x235: {  	[tilespmem:s9], [sflag:$0x5] =	stream.linear.gather [hbm4b:s5+s2], $0x2710, $0x38;
	[tilespmem:$0x1ACE0] =	vst v63  }
0x236: {  	_ =	swait.ge [sflag:s23], $0x2710  }
0x237: {  	[sflag:s23] =	ssyncset.done $0x0  }
0x238: {  	[sflag:s23] =	ssyncadd.s32 $0xFFFFD8F0  }
0x239: {  	_ =	swait.ge [sflag:s22], $0x2710  }
0x23a: {  	[sflag:s22] =	ssyncset.done $0x0  }
0x23b: {  	[sflag:s22] =	ssyncadd.s32 $0xFFFFD8F0  }
0x23c: {  	[tilespmem:s20], [sflag:$0x7] =	stream.indirect.gather [spmem:s4], $0x1, s18, s11, $0xb8;
	[tilespmem:$0x1ACE0] =	vst v63  }
0x23d: {  	_ =	swait.ge [sflag:s21], $0x2710  }
0x23e: {  	[sflag:s21] =	ssyncset.done $0x0  }
0x23f: {  	[sflag:s21] =	ssyncadd.s32 $0xFFFFD8F0  }
0x240: {  	[spmem:s3] =	stream.indirect.scatter.add.f32 [tilespmem:s20], [sflag:$0xA], $0x1, s14, s11, $0xb8;
	[tilespmem:$0x1ACE0] =	vst v63  }
0x241: {  	_ =	swait.ge [sflag:s24], $0x2710  }
0x242: {  	[sflag:s24] =	ssyncset.done $0x0  }
0x243: {  	s1 =	rddreg [dreg:$0x18];
	[sflag:s24] =	ssyncadd.s32 $0xFFFFD8F0  }
0x244: {  	[tilespmem:s26], [sflag:$0x3] =	stream.linear.gather [hbm4b:s1+s2], $0x2710, $0x38;
	[tilespmem:$0x1ACE0] =	vst v63  }
0x245: {  	s5 =	rddreg [dreg:$0x19]  }
0x246: {  	[tilespmem:s25], [sflag:$0x6] =	stream.linear.gather [hbm4b:s5+s2], $0x2710, $0x38;
	[tilespmem:$0x1ACE0] =	vst v63  }
0x247: {  	_ =	swait.ge [sflag:s19], $0x2710  }
0x248: {  	[sflag:s19] =	ssyncset.done $0x0  }
0x249: {  	[sflag:s19] =	ssyncadd.s32 $0xFFFFD8F0  }
0x24a: {  	_ =	swait.ge [sflag:s16], $0x2710  }
0x24b: {  	[sflag:s16] =	ssyncset.done $0x0  }
0x24c: {  	[sflag:s16] =	ssyncadd.s32 $0xFFFFD8F0  }
0x24d: {  	[tilespmem:s13], [sflag:$0x8] =	stream.indirect.gather [spmem:s4], $0x1, s10, s11, $0xb8;
	[tilespmem:$0x1ACE0] =	vst v63  }
0x24e: {  	_ =	swait.ge [sflag:s15], $0x2710  }
0x24f: {  	[sflag:s15] =	ssyncset.done $0x0  }
0x250: {  	[sflag:s15] =	ssyncadd.s32 $0xFFFFD8F0  }
0x251: {  	[spmem:s3] =	stream.indirect.scatter.add.f32 [tilespmem:s13], [sflag:$0xB], $0x1, s9, s11, $0xb8;
	[tilespmem:$0x1ACE0] =	vst v63  }
0x252: {  	_ =	swait.ge [sflag:s12], $0x2710  }
0x253: {  	[sflag:s12] =	ssyncset.done $0x0  }
0x254: {  	s1 =	rddreg [dreg:$0x1a];
	[sflag:s12] =	ssyncadd.s32 $0xFFFFD8F0  }
0x255: {  	[tilespmem:s18], [sflag:$0x1] =	stream.linear.gather [hbm4b:s1+s2], $0x2710, $0x38;
	[tilespmem:$0x1ACE0] =	vst v63  }
0x256: {  	s5 =	rddreg [dreg:$0x1b]  }
0x257: {  	[tilespmem:s14], [sflag:$0x4] =	stream.linear.gather [hbm4b:s5+s2], $0x2710, $0x38;
	[tilespmem:$0x1ACE0] =	vst v63  }
0x258: {  	_ =	swait.ge [sflag:s31], $0x2710  }
0x259: {  	[sflag:s31] =	ssyncset.done $0x0  }
0x25a: {  	[sflag:s31] =	ssyncadd.s32 $0xFFFFD8F0  }
0x25b: {  	_ =	swait.ge [sflag:s30], $0x2710  }
0x25c: {  	[sflag:s30] =	ssyncset.done $0x0  }
0x25d: {  	[sflag:s30] =	ssyncadd.s32 $0xFFFFD8F0  }
0x25e: {  	[tilespmem:s28], [sflag:$0x9] =	stream.indirect.gather [spmem:s4], $0x1, s26, s11, $0xb8;
	[tilespmem:$0x1ACE0] =	vst v63  }
0x25f: {  	_ =	swait.ge [sflag:s29], $0x2710  }
0x260: {  	[sflag:s29] =	ssyncset.done $0x0  }
0x261: {  	[sflag:s29] =	ssyncadd.s32 $0xFFFFD8F0  }
0x262: {  	[spmem:s3] =	stream.indirect.scatter.add.f32 [tilespmem:s28], [sflag:$0xC], $0x1, s25, s11, $0xb8;
	[tilespmem:$0x1ACE0] =	vst v63  }
0x263: {  	_ =	swait.ge [sflag:s17], $0x2710  }
0x264: {  	[sflag:s17] =	ssyncset.done $0x0  }
0x265: {  	s1 =	rddreg [dreg:$0x1c];
	[sflag:s17] =	ssyncadd.s32 $0xFFFFD8F0  }
0x266: {  	[tilespmem:s10], [sflag:$0x2] =	stream.linear.gather [hbm4b:s1+s2], $0x2710, $0x38;
	[tilespmem:$0x1ACE0] =	vst v63  }
0x267: {  	s5 =	rddreg [dreg:$0x1d]  }
0x268: {  	[tilespmem:s9], [sflag:$0x5] =	stream.linear.gather [hbm4b:s5+s2], $0x2710, $0x38;
	[tilespmem:$0x1ACE0] =	vst v63  }
0x269: {  	_ =	swait.ge [sflag:s23], $0x2710  }
0x26a: {  	[sflag:s23] =	ssyncset.done $0x0  }
0x26b: {  	[sflag:s23] =	ssyncadd.s32 $0xFFFFD8F0  }
0x26c: {  	_ =	swait.ge [sflag:s22], $0x2710  }
0x26d: {  	[sflag:s22] =	ssyncset.done $0x0  }
0x26e: {  	[sflag:s22] =	ssyncadd.s32 $0xFFFFD8F0  }
0x26f: {  	[tilespmem:s20], [sflag:$0x7] =	stream.indirect.gather [spmem:s4], $0x1, s18, s11, $0xb8;
	[tilespmem:$0x1ACE0] =	vst v63  }
0x270: {  	_ =	swait.ge [sflag:s21], $0x2710  }
0x271: {  	[sflag:s21] =	ssyncset.done $0x0  }
0x272: {  	[sflag:s21] =	ssyncadd.s32 $0xFFFFD8F0  }
0x273: {  	[spmem:s3] =	stream.indirect.scatter.add.f32 [tilespmem:s20], [sflag:$0xA], $0x1, s14, s11, $0xb8;
	[tilespmem:$0x1ACE0] =	vst v63  }
0x274: {  	_ =	swait.ge [sflag:s24], $0x2710  }
0x275: {  	[sflag:s24] =	ssyncset.done $0x0  }
0x276: {  	s1 =	rddreg [dreg:$0x1e];
	[sflag:s24] =	ssyncadd.s32 $0xFFFFD8F0  }
0x277: {  	[tilespmem:s26], [sflag:$0x3] =	stream.linear.gather [hbm4b:s1+s2], $0x2710, $0x38;
	[tilespmem:$0x1ACE0] =	vst v63  }
0x278: {  	s5 =	rddreg [dreg:$0x1f]  }
0x279: {  	[tilespmem:s25], [sflag:$0x6] =	stream.linear.gather [hbm4b:s5+s2], $0x2710, $0x38;
	[tilespmem:$0x1ACE0] =	vst v63  }
0x27a: {  	_ =	swait.ge [sflag:s19], $0x2710  }
0x27b: {  	[sflag:s19] =	ssyncset.done $0x0  }
0x27c: {  	[sflag:s19] =	ssyncadd.s32 $0xFFFFD8F0  }
0x27d: {  	_ =	swait.ge [sflag:s16], $0x2710  }
0x27e: {  	[sflag:s16] =	ssyncset.done $0x0  }
0x27f: {  	[sflag:s16] =	ssyncadd.s32 $0xFFFFD8F0  }
0x280: {  	[tilespmem:s13], [sflag:$0x8] =	stream.indirect.gather [spmem:s4], $0x1, s10, s11, $0xb8;
	[tilespmem:$0x1ACE0] =	vst v63  }
0x281: {  	_ =	swait.ge [sflag:s15], $0x2710  }
0x282: {  	[sflag:s15] =	ssyncset.done $0x0  }
0x283: {  	[sflag:s15] =	ssyncadd.s32 $0xFFFFD8F0  }
0x284: {  	[spmem:s3] =	stream.indirect.scatter.add.f32 [tilespmem:s13], [sflag:$0xB], $0x1, s9, s11, $0xb8;
	[tilespmem:$0x1ACE0] =	vst v63  }
0x285: {  	_ =	swait.ge [sflag:s12], $0x2710  }
0x286: {  	s1 =	sld [smem:$0x7EE]  }
0x287: {  	[sflag:s12] =	ssyncset.done $0x0  }
0x288: {  	s5 =	sld [smem:$0x7EF];
	[sflag:s12] =	ssyncadd.s32 $0xFFFFD8F0  }
0x289: {  	[tilespmem:s18], [sflag:$0x1] =	stream.linear.gather [hbm4b:s1+s2], $0x2710, $0x38;
	[tilespmem:$0x1ACE0] =	vst v63  }
0x28a: {  	_ = 	snop  }
0x28b: {  	[tilespmem:s14], [sflag:$0x4] =	stream.linear.gather [hbm4b:s5+s2], $0x2710, $0x38;
	[tilespmem:$0x1ACE0] =	vst v63  }
0x28c: {  	_ =	swait.ge [sflag:s31], $0x2710  }
0x28d: {  	[sflag:s31] =	ssyncset.done $0x0  }
0x28e: {  	[sflag:s31] =	ssyncadd.s32 $0xFFFFD8F0  }
0x28f: {  	_ =	swait.ge [sflag:s30], $0x2710  }
0x290: {  	[sflag:s30] =	ssyncset.done $0x0  }
0x291: {  	[sflag:s30] =	ssyncadd.s32 $0xFFFFD8F0  }
0x292: {  	[tilespmem:s28], [sflag:$0x9] =	stream.indirect.gather [spmem:s4], $0x1, s26, s11, $0xb8;
	[tilespmem:$0x1ACE0] =	vst v63  }
0x293: {  	_ =	swait.ge [sflag:s29], $0x2710  }
0x294: {  	[sflag:s29] =	ssyncset.done $0x0  }
0x295: {  	[sflag:s29] =	ssyncadd.s32 $0xFFFFD8F0  }
0x296: {  	[spmem:s3] =	stream.indirect.scatter.add.f32 [tilespmem:s28], [sflag:$0xC], $0x1, s25, s11, $0xb8;
	[tilespmem:$0x1ACE0] =	vst v63  }
0x297: {  	_ =	swait.ge [sflag:s17], $0x2710  }
0x298: {  	s1 =	sld [smem:$0x7F0]  }
0x299: {  	[sflag:s17] =	ssyncset.done $0x0  }
0x29a: {  	s5 =	sld [smem:$0x7F1];
	[sflag:s17] =	ssyncadd.s32 $0xFFFFD8F0  }
0x29b: {  	[tilespmem:s10], [sflag:$0x2] =	stream.linear.gather [hbm4b:s1+s2], $0x2710, $0x38;
	[tilespmem:$0x1ACE0] =	vst v63  }
0x29c: {  	_ = 	snop  }
0x29d: {  	[tilespmem:s9], [sflag:$0x5] =	stream.linear.gather [hbm4b:s5+s2], $0x2710, $0x38;
	[tilespmem:$0x1ACE0] =	vst v63  }
0x29e: {  	_ =	swait.ge [sflag:s23], $0x2710  }
0x29f: {  	[sflag:s23] =	ssyncset.done $0x0  }
0x2a0: {  	[sflag:s23] =	ssyncadd.s32 $0xFFFFD8F0  }
0x2a1: {  	_ =	swait.ge [sflag:s22], $0x2710  }
0x2a2: {  	[sflag:s22] =	ssyncset.done $0x0  }
0x2a3: {  	[sflag:s22] =	ssyncadd.s32 $0xFFFFD8F0  }
0x2a4: {  	[tilespmem:s20], [sflag:$0x7] =	stream.indirect.gather [spmem:s4], $0x1, s18, s11, $0xb8;
	[tilespmem:$0x1ACE0] =	vst v63  }
0x2a5: {  	_ =	swait.ge [sflag:s21], $0x2710  }
0x2a6: {  	[sflag:s21] =	ssyncset.done $0x0  }
0x2a7: {  	[sflag:s21] =	ssyncadd.s32 $0xFFFFD8F0  }
0x2a8: {  	[spmem:s3] =	stream.indirect.scatter.add.f32 [tilespmem:s20], [sflag:$0xA], $0x1, s14, s11, $0xb8;
	[tilespmem:$0x1ACE0] =	vst v63  }
0x2a9: {  	_ =	swait.ge [sflag:s24], $0x2710  }
0x2aa: {  	s1 =	sld [smem:$0x7F2]  }
0x2ab: {  	[sflag:s24] =	ssyncset.done $0x0  }
0x2ac: {  	s5 =	sld [smem:$0x7F3];
	[sflag:s24] =	ssyncadd.s32 $0xFFFFD8F0  }
0x2ad: {  	[tilespmem:s26], [sflag:$0x3] =	stream.linear.gather [hbm4b:s1+s2], $0x2710, $0x38;
	[tilespmem:$0x1ACE0] =	vst v63  }
0x2ae: {  	_ = 	snop  }
0x2af: {  	[tilespmem:s25], [sflag:$0x6] =	stream.linear.gather [hbm4b:s5+s2], $0x2710, $0x38;
	[tilespmem:$0x1ACE0] =	vst v63  }
0x2b0: {  	_ =	swait.ge [sflag:s19], $0x2710  }
0x2b1: {  	[sflag:s19] =	ssyncset.done $0x0  }
0x2b2: {  	[sflag:s19] =	ssyncadd.s32 $0xFFFFD8F0  }
0x2b3: {  	_ =	swait.ge [sflag:s16], $0x2710  }
0x2b4: {  	[sflag:s16] =	ssyncset.done $0x0  }
0x2b5: {  	[sflag:s16] =	ssyncadd.s32 $0xFFFFD8F0  }
0x2b6: {  	[tilespmem:s13], [sflag:$0x8] =	stream.indirect.gather [spmem:s4], $0x1, s10, s11, $0xb8;
	[tilespmem:$0x1ACE0] =	vst v63  }
0x2b7: {  	_ =	swait.ge [sflag:s15], $0x2710  }
0x2b8: {  	[sflag:s15] =	ssyncset.done $0x0  }
0x2b9: {  	[sflag:s15] =	ssyncadd.s32 $0xFFFFD8F0  }
0x2ba: {  	[spmem:s3] =	stream.indirect.scatter.add.f32 [tilespmem:s13], [sflag:$0xB], $0x1, s9, s11, $0xb8;
	[tilespmem:$0x1ACE0] =	vst v63  }
0x2bb: {  	_ =	swait.ge [sflag:s12], $0x2710  }
0x2bc: {  	s1 =	sld [smem:$0x7F4]  }
0x2bd: {  	[sflag:s12] =	ssyncset.done $0x0  }
0x2be: {  	s5 =	sld [smem:$0x7F5];
	[sflag:s12] =	ssyncadd.s32 $0xFFFFD8F0  }
0x2bf: {  	[tilespmem:s18], [sflag:$0x1] =	stream.linear.gather [hbm4b:s1+s2], $0x2710, $0x38;
	[tilespmem:$0x1ACE0] =	vst v63  }
0x2c0: {  	_ = 	snop  }
0x2c1: {  	[tilespmem:s14], [sflag:$0x4] =	stream.linear.gather [hbm4b:s5+s2], $0x2710, $0x38;
	[tilespmem:$0x1ACE0] =	vst v63  }
0x2c2: {  	_ =	swait.ge [sflag:s31], $0x2710  }
0x2c3: {  	[sflag:s31] =	ssyncset.done $0x0  }
0x2c4: {  	[sflag:s31] =	ssyncadd.s32 $0xFFFFD8F0  }
0x2c5: {  	_ =	swait.ge [sflag:s30], $0x2710  }
0x2c6: {  	[sflag:s30] =	ssyncset.done $0x0  }
0x2c7: {  	[sflag:s30] =	ssyncadd.s32 $0xFFFFD8F0  }
0x2c8: {  	[tilespmem:s28], [sflag:$0x9] =	stream.indirect.gather [spmem:s4], $0x1, s26, s11, $0xb8;
	[tilespmem:$0x1ACE0] =	vst v63  }
0x2c9: {  	_ =	swait.ge [sflag:s29], $0x2710  }
0x2ca: {  	[sflag:s29] =	ssyncset.done $0x0  }
0x2cb: {  	[sflag:s29] =	ssyncadd.s32 $0xFFFFD8F0  }
0x2cc: {  	[spmem:s3] =	stream.indirect.scatter.add.f32 [tilespmem:s28], [sflag:$0xC], $0x1, s25, s11, $0xb8;
	[tilespmem:$0x1ACE0] =	vst v63  }
0x2cd: {  	_ =	swait.ge [sflag:s17], $0x2710  }
0x2ce: {  	s1 =	sld [smem:$0x7F6]  }
0x2cf: {  	[sflag:s17] =	ssyncset.done $0x0  }
0x2d0: {  	s5 =	sld [smem:$0x7F7];
	[sflag:s17] =	ssyncadd.s32 $0xFFFFD8F0  }
0x2d1: {  	[tilespmem:s10], [sflag:$0x2] =	stream.linear.gather [hbm4b:s1+s2], $0x2710, $0x38;
	[tilespmem:$0x1ACE0] =	vst v63  }
0x2d2: {  	_ = 	snop  }
0x2d3: {  	[tilespmem:s9], [sflag:$0x5] =	stream.linear.gather [hbm4b:s5+s2], $0x2710, $0x38;
	[tilespmem:$0x1ACE0] =	vst v63  }
0x2d4: {  	_ =	swait.ge [sflag:s23], $0x2710  }
0x2d5: {  	[sflag:s23] =	ssyncset.done $0x0  }
0x2d6: {  	[sflag:s23] =	ssyncadd.s32 $0xFFFFD8F0  }
0x2d7: {  	_ =	swait.ge [sflag:s22], $0x2710  }
0x2d8: {  	[sflag:s22] =	ssyncset.done $0x0  }
0x2d9: {  	[sflag:s22] =	ssyncadd.s32 $0xFFFFD8F0  }
0x2da: {  	[tilespmem:s20], [sflag:$0x7] =	stream.indirect.gather [spmem:s4], $0x1, s18, s11, $0xb8;
	[tilespmem:$0x1ACE0] =	vst v63  }
0x2db: {  	_ =	swait.ge [sflag:s21], $0x2710  }
0x2dc: {  	[sflag:s21] =	ssyncset.done $0x0  }
0x2dd: {  	[sflag:s21] =	ssyncadd.s32 $0xFFFFD8F0  }
0x2de: {  	[spmem:s3] =	stream.indirect.scatter.add.f32 [tilespmem:s20], [sflag:$0xA], $0x1, s14, s11, $0xb8;
	[tilespmem:$0x1ACE0] =	vst v63  }
0x2df: {  	_ =	swait.ge [sflag:s24], $0x2710  }
0x2e0: {  	s1 =	sld [smem:$0x7F8]  }
0x2e1: {  	[sflag:s24] =	ssyncset.done $0x0  }
0x2e2: {  	s5 =	sld [smem:$0x7F9];
	[sflag:s24] =	ssyncadd.s32 $0xFFFFD8F0  }
0x2e3: {  	[tilespmem:s26], [sflag:$0x3] =	stream.linear.gather [hbm4b:s1+s2], $0x2710, $0x38;
	[tilespmem:$0x1ACE0] =	vst v63  }
0x2e4: {  	_ = 	snop  }
0x2e5: {  	[tilespmem:s25], [sflag:$0x6] =	stream.linear.gather [hbm4b:s5+s2], $0x2710, $0x38;
	[tilespmem:$0x1ACE0] =	vst v63  }
0x2e6: {  	_ =	swait.ge [sflag:s19], $0x2710  }
0x2e7: {  	[sflag:s19] =	ssyncset.done $0x0  }
0x2e8: {  	[sflag:s19] =	ssyncadd.s32 $0xFFFFD8F0  }
0x2e9: {  	_ =	swait.ge [sflag:s16], $0x2710  }
0x2ea: {  	[sflag:s16] =	ssyncset.done $0x0  }
0x2eb: {  	[sflag:s16] =	ssyncadd.s32 $0xFFFFD8F0  }
0x2ec: {  	[tilespmem:s13], [sflag:$0x8] =	stream.indirect.gather [spmem:s4], $0x1, s10, s11, $0xb8;
	[tilespmem:$0x1ACE0] =	vst v63  }
0x2ed: {  	_ =	swait.ge [sflag:s15], $0x2710  }
0x2ee: {  	[sflag:s15] =	ssyncset.done $0x0  }
0x2ef: {  	[sflag:s15] =	ssyncadd.s32 $0xFFFFD8F0  }
0x2f0: {  	[spmem:s3] =	stream.indirect.scatter.add.f32 [tilespmem:s13], [sflag:$0xB], $0x1, s9, s11, $0xb8;
	[tilespmem:$0x1ACE0] =	vst v63  }
0x2f1: {  	_ =	swait.ge [sflag:s12], $0x2710  }
0x2f2: {  	s1 =	sld [smem:$0x7FA]  }
0x2f3: {  	[sflag:s12] =	ssyncset.done $0x0  }
0x2f4: {  	s5 =	sld [smem:$0x7FB];
	[sflag:s12] =	ssyncadd.s32 $0xFFFFD8F0  }
0x2f5: {  	[tilespmem:s18], [sflag:$0x1] =	stream.linear.gather [hbm4b:s1+s2], $0x2710, $0x38;
	[tilespmem:$0x1ACE0] =	vst v63  }
0x2f6: {  	_ = 	snop  }
0x2f7: {  	[tilespmem:s14], [sflag:$0x4] =	stream.linear.gather [hbm4b:s5+s2], $0x2710, $0x38;
	[tilespmem:$0x1ACE0] =	vst v63  }
0x2f8: {  	_ =	swait.ge [sflag:s31], $0x2710  }
0x2f9: {  	[sflag:s31] =	ssyncset.done $0x0  }
0x2fa: {  	[sflag:s31] =	ssyncadd.s32 $0xFFFFD8F0  }
0x2fb: {  	_ =	swait.ge [sflag:s30], $0x2710  }
0x2fc: {  	[sflag:s30] =	ssyncset.done $0x0  }
0x2fd: {  	[sflag:s30] =	ssyncadd.s32 $0xFFFFD8F0  }
0x2fe: {  	[tilespmem:s28], [sflag:$0x9] =	stream.indirect.gather [spmem:s4], $0x1, s26, s11, $0xb8;
	[tilespmem:$0x1ACE0] =	vst v63  }
0x2ff: {  	_ =	swait.ge [sflag:s29], $0x2710  }
0x300: {  	[sflag:s29] =	ssyncset.done $0x0  }
0x301: {  	[sflag:s29] =	ssyncadd.s32 $0xFFFFD8F0  }
0x302: {  	[spmem:s3] =	stream.indirect.scatter.add.f32 [tilespmem:s28], [sflag:$0xC], $0x1, s25, s11, $0xb8;
	[tilespmem:$0x1ACE0] =	vst v63  }
0x303: {  	_ =	swait.ge [sflag:s17], $0x2710  }
0x304: {  	s1 =	sld [smem:$0x7FC]  }
0x305: {  	[sflag:s17] =	ssyncset.done $0x0  }
0x306: {  	s5 =	sld [smem:$0x7FD];
	[sflag:s17] =	ssyncadd.s32 $0xFFFFD8F0  }
0x307: {  	[tilespmem:s10], [sflag:$0x2] =	stream.linear.gather [hbm4b:s1+s2], $0x2710, $0x38;
	[tilespmem:$0x1ACE0] =	vst v63  }
0x308: {  	_ = 	snop  }
0x309: {  	[tilespmem:s9], [sflag:$0x5] =	stream.linear.gather [hbm4b:s5+s2], $0x2710, $0x38;
	[tilespmem:$0x1ACE0] =	vst v63  }
0x30a: {  	_ =	swait.ge [sflag:s23], $0x2710  }
0x30b: {  	[sflag:s23] =	ssyncset.done $0x0  }
0x30c: {  	[sflag:s23] =	ssyncadd.s32 $0xFFFFD8F0  }
0x30d: {  	_ =	swait.ge [sflag:s22], $0x2710  }
0x30e: {  	[sflag:s22] =	ssyncset.done $0x0  }
0x30f: {  	[sflag:s22] =	ssyncadd.s32 $0xFFFFD8F0  }
0x310: {  	[tilespmem:s20], [sflag:$0x7] =	stream.indirect.gather [spmem:s4], $0x1, s18, s11, $0xb8;
	[tilespmem:$0x1ACE0] =	vst v63  }
0x311: {  	_ =	swait.ge [sflag:s21], $0x2710  }
0x312: {  	[sflag:s21] =	ssyncset.done $0x0  }
0x313: {  	[sflag:s21] =	ssyncadd.s32 $0xFFFFD8F0  }
0x314: {  	[spmem:s3] =	stream.indirect.scatter.add.f32 [tilespmem:s20], [sflag:$0xA], $0x1, s14, s11, $0xb8;
	[tilespmem:$0x1ACE0] =	vst v63  }
0x315: {  	_ =	swait.ge [sflag:s24], $0x2710  }
0x316: {  	[sflag:s24] =	ssyncset.done $0x0  }
0x317: {  	[sflag:s24] =	ssyncadd.s32 $0xFFFFD8F0  }
0x318: {  	_ =	swait.ge [sflag:s19], $0x2710  }
0x319: {  	[sflag:s19] =	ssyncset.done $0x0  }
0x31a: {  	[sflag:s19] =	ssyncadd.s32 $0xFFFFD8F0  }
0x31b: {  	_ =	swait.ge [sflag:s16], $0x2710  }
0x31c: {  	[sflag:s16] =	ssyncset.done $0x0  }
0x31d: {  	[sflag:s16] =	ssyncadd.s32 $0xFFFFD8F0  }
0x31e: {  	[tilespmem:s13], [sflag:$0x8] =	stream.indirect.gather [spmem:s4], $0x1, s10, s11, $0xb8;
	[tilespmem:$0x1ACE0] =	vst v63  }
0x31f: {  	_ =	swait.ge [sflag:s15], $0x2710  }
0x320: {  	[sflag:s15] =	ssyncset.done $0x0  }
0x321: {  	[sflag:s15] =	ssyncadd.s32 $0xFFFFD8F0  }
0x322: {  	[spmem:s3] =	stream.indirect.scatter.add.f32 [tilespmem:s13], [sflag:$0xB], $0x1, s9, s11, $0xb8;
	[tilespmem:$0x1ACE0] =	vst v63  }
0x323: {  	_ =	swait.ge [sflag:s12], $0x2710  }
0x324: {  	[sflag:s12] =	ssyncset.done $0x0  }
0x325: {  	[sflag:s12] =	ssyncadd.s32 $0xFFFFD8F0  }
0x326: {  	_ =	swait.ge [sflag:s17], $0x2710  }
0x327: {  	[sflag:s17] =	ssyncset.done $0x0  }
0x328: {  	s5 =	smov.u32 s7;
	[sflag:s17] =	ssyncadd.s32 $0xFFFFD8F0  }
0x329: {  	s7 =	smov.u32 s8;
	s8 =	simm.s32 $0x19460;
	[bflag:$0x0] =	sbarrier.arrive $0xFFFF  }
0x32a: {  	[tilespmem:s8], [sflag:$0xD] =	stream.linear.gather [spmem:s7], $0x1870, $0x38;
	[tilespmem:$0x1ACE0] =	vst v63  }
0x32b: {  	p1 =	sne.s32 s0, $0x1;
	_ =	swait.ge [sflag:s6], $0x1870  }
.Ltmp2:
0x32c: {  	[sflag:s6] =	ssyncset.done $0x0;
	(pc) =	sbr.rel @p1 .LBB2_2-.Ltmp2, $4  }
0x32d: {  	[sflag:s6] =	ssyncadd.s32 $0xFFFFE790  }
0x32e: {  	[hbm4b:s5+s2] =	stream.linear.scatter [tilespmem:s8], [sflag:$0xD], $0x1870, $0x38;
	[tilespmem:$0x1ACE0] =	vst v63  }
0x32f: {  	_ =	swait.ge [sflag:s6], $0x1870  }
0x330: {  	s0 =	sadd.s32 $0xFFFFFFFF, s0;
	s1 =	rddreg [dreg:$0x5];
	[sflag:s6] =	ssyncset.done $0x0  }
.LBB2_3:
0x331: {  	[sflag:s6] =	ssyncadd.s32 @p0 $0xFFFFE790  }
0x332: {  	[tilespmem:s8], [sflag:$0xD] =	stream.linear.gather [hbm4b:s1+s2], $0x1870, $0x38;
	[tilespmem:$0x1ACE0] =	vst v63  }
0x333: {  	_ =	swait.ge [sflag:s6], $0x1870  }
0x334: {  	[sflag:s6] =	ssyncset.done $0x0  }
0x335: {  	s0 =	rddreg [dreg:$0x6];
	[sflag:s6] =	ssyncadd.s32 $0xFFFFE790  }
0x336: {  	[spmem:s0] =	stream.linear.scatter [tilespmem:s8], [sflag:$0xD], $0x1870, $0x38;
	[tilespmem:$0x1ACE0] =	vst v63  }
0x337: {  	_ =	swait.ge [sflag:s6], $0x1870  }
0x338: {  	[sflag:s6] =	ssyncset.done $0x0  }
0x339: {  	s1 =	rddreg [dreg:$0x7];
	[sflag:s6] =	ssyncadd.s32 $0xFFFFE790  }
0x33a: {  	[tilespmem:s8], [sflag:$0xD] =	stream.linear.gather [hbm4b:s1+s2], $0x1870, $0x38;
	[tilespmem:$0x1ACE0] =	vst v63  }
0x33b: {  	_ =	swait.ge [sflag:s6], $0x1870  }
0x33c: {  	[sflag:s6] =	ssyncset.done $0x0  }
0x33d: {  	[sflag:s6] =	ssyncadd.s32 $0xFFFFE790  }
0x33e: {  	[spmem:s7] =	stream.linear.scatter [tilespmem:s8], [sflag:$0xD], $0x1870, $0x38;
	[tilespmem:$0x1ACE0] =	vst v63  }
0x33f: {  	_ =	swait.ge [sflag:s6], $0x1870  }
0x340: {  	[sflag:s6] =	ssyncset.done $0x0  }
0x341: {  	[sflag:s6] =	ssyncadd.s32 $0xFFFFE790  }
0x342: {  	[bflag:$0x0] =	sbarrier.arrive $0xFFFF  }
0x343: {  	s0 =	rddreg [dreg:$0x8]  }
0x344: {  	[tilespmem:s18], [sflag:$0x1] =	stream.linear.gather [hbm4b:s0+s2], $0x2710, $0x38;
	[tilespmem:$0x1ACE0] =	vst v63  }
0x345: {  	s1 =	rddreg [dreg:$0x9]  }
0x346: {  	[tilespmem:s14], [sflag:$0x4] =	stream.linear.gather [hbm4b:s1+s2], $0x2710, $0x38;
	[tilespmem:$0x1ACE0] =	vst v63  }
0x347: {  	s0 =	rddreg [dreg:$0xa]  }
0x348: {  	[tilespmem:s10], [sflag:$0x2] =	stream.linear.gather [hbm4b:s0+s2], $0x2710, $0x38;
	[tilespmem:$0x1ACE0] =	vst v63  }
0x349: {  	s1 =	rddreg [dreg:$0xb]  }
0x34a: {  	[tilespmem:s9], [sflag:$0x5] =	stream.linear.gather [hbm4b:s1+s2], $0x2710, $0x38;
	[tilespmem:$0x1ACE0] =	vst v63  }
0x34b: {  	_ =	swait.ge [sflag:s23], $0x2710  }
0x34c: {  	[sflag:s23] =	ssyncset.done $0x0  }
0x34d: {  	[sflag:s23] =	ssyncadd.s32 $0xFFFFD8F0  }
0x34e: {  	_ =	swait.ge [sflag:s22], $0x2710  }
0x34f: {  	[sflag:s22] =	ssyncset.done $0x0  }
0x350: {  	[sflag:s22] =	ssyncadd.s32 $0xFFFFD8F0  }
0x351: {  	[tilespmem:s20], [sflag:$0x7] =	stream.indirect.gather [spmem:s4], $0x1, s18, s11, $0xb8;
	[tilespmem:$0x1ACE0] =	vst v63  }
0x352: {  	_ =	swait.ge [sflag:s21], $0x2710  }
0x353: {  	[sflag:s21] =	ssyncset.done $0x0  }
0x354: {  	[sflag:s21] =	ssyncadd.s32 $0xFFFFD8F0  }
0x355: {  	[spmem:s3] =	stream.indirect.scatter.add.f32 [tilespmem:s20], [sflag:$0xA], $0x1, s14, s11, $0xb8;
	[tilespmem:$0x1ACE0] =	vst v63  }
0x356: {  	s0 =	rddreg [dreg:$0xc]  }
0x357: {  	[tilespmem:s26], [sflag:$0x3] =	stream.linear.gather [hbm4b:s0+s2], $0x2710, $0x38;
	[tilespmem:$0x1ACE0] =	vst v63  }
0x358: {  	s1 =	rddreg [dreg:$0xd]  }
0x359: {  	[tilespmem:s25], [sflag:$0x6] =	stream.linear.gather [hbm4b:s1+s2], $0x2710, $0x38;
	[tilespmem:$0x1ACE0] =	vst v63  }
0x35a: {  	_ =	swait.ge [sflag:s19], $0x2710  }
0x35b: {  	[sflag:s19] =	ssyncset.done $0x0  }
0x35c: {  	[sflag:s19] =	ssyncadd.s32 $0xFFFFD8F0  }
0x35d: {  	_ =	swait.ge [sflag:s16], $0x2710  }
0x35e: {  	[sflag:s16] =	ssyncset.done $0x0  }
0x35f: {  	[sflag:s16] =	ssyncadd.s32 $0xFFFFD8F0  }
0x360: {  	[tilespmem:s13], [sflag:$0x8] =	stream.indirect.gather [spmem:s4], $0x1, s10, s11, $0xb8;
	[tilespmem:$0x1ACE0] =	vst v63  }
0x361: {  	_ =	swait.ge [sflag:s15], $0x2710  }
0x362: {  	[sflag:s15] =	ssyncset.done $0x0  }
0x363: {  	[sflag:s15] =	ssyncadd.s32 $0xFFFFD8F0  }
0x364: {  	[spmem:s3] =	stream.indirect.scatter.add.f32 [tilespmem:s13], [sflag:$0xB], $0x1, s9, s11, $0xb8;
	[tilespmem:$0x1ACE0] =	vst v63  }
0x365: {  	_ =	swait.ge [sflag:s12], $0x2710  }
0x366: {  	[sflag:s12] =	ssyncset.done $0x0  }
0x367: {  	s0 =	rddreg [dreg:$0xe];
	[sflag:s12] =	ssyncadd.s32 $0xFFFFD8F0  }
0x368: {  	[tilespmem:s18], [sflag:$0x1] =	stream.linear.gather [hbm4b:s0+s2], $0x2710, $0x38;
	[tilespmem:$0x1ACE0] =	vst v63  }
0x369: {  	s1 =	rddreg [dreg:$0xf]  }
0x36a: {  	[tilespmem:s14], [sflag:$0x4] =	stream.linear.gather [hbm4b:s1+s2], $0x2710, $0x38;
	[tilespmem:$0x1ACE0] =	vst v63  }
0x36b: {  	_ =	swait.ge [sflag:s31], $0x2710  }
0x36c: {  	[sflag:s31] =	ssyncset.done $0x0  }
0x36d: {  	[sflag:s31] =	ssyncadd.s32 $0xFFFFD8F0  }
0x36e: {  	_ =	swait.ge [sflag:s30], $0x2710  }
0x36f: {  	[sflag:s30] =	ssyncset.done $0x0  }
0x370: {  	[sflag:s30] =	ssyncadd.s32 $0xFFFFD8F0  }
0x371: {  	[tilespmem:s28], [sflag:$0x9] =	stream.indirect.gather [spmem:s4], $0x1, s26, s11, $0xb8;
	[tilespmem:$0x1ACE0] =	vst v63  }
0x372: {  	_ =	swait.ge [sflag:s29], $0x2710  }
0x373: {  	[sflag:s29] =	ssyncset.done $0x0  }
0x374: {  	[sflag:s29] =	ssyncadd.s32 $0xFFFFD8F0  }
0x375: {  	[spmem:s3] =	stream.indirect.scatter.add.f32 [tilespmem:s28], [sflag:$0xC], $0x1, s25, s11, $0xb8;
	[tilespmem:$0x1ACE0] =	vst v63  }
0x376: {  	_ =	swait.ge [sflag:s17], $0x2710  }
0x377: {  	[sflag:s17] =	ssyncset.done $0x0  }
0x378: {  	s0 =	rddreg [dreg:$0x10];
	[sflag:s17] =	ssyncadd.s32 $0xFFFFD8F0  }
0x379: {  	[tilespmem:s10], [sflag:$0x2] =	stream.linear.gather [hbm4b:s0+s2], $0x2710, $0x38;
	[tilespmem:$0x1ACE0] =	vst v63  }
0x37a: {  	s1 =	rddreg [dreg:$0x11]  }
0x37b: {  	[tilespmem:s9], [sflag:$0x5] =	stream.linear.gather [hbm4b:s1+s2], $0x2710, $0x38;
	[tilespmem:$0x1ACE0] =	vst v63  }
0x37c: {  	_ =	swait.ge [sflag:s23], $0x2710  }
0x37d: {  	[sflag:s23] =	ssyncset.done $0x0  }
0x37e: {  	[sflag:s23] =	ssyncadd.s32 $0xFFFFD8F0  }
0x37f: {  	_ =	swait.ge [sflag:s22], $0x2710  }
0x380: {  	[sflag:s22] =	ssyncset.done $0x0  }
0x381: {  	[sflag:s22] =	ssyncadd.s32 $0xFFFFD8F0  }
0x382: {  	[tilespmem:s20], [sflag:$0x7] =	stream.indirect.gather [spmem:s4], $0x1, s18, s11, $0xb8;
	[tilespmem:$0x1ACE0] =	vst v63  }
0x383: {  	_ =	swait.ge [sflag:s21], $0x2710  }
0x384: {  	[sflag:s21] =	ssyncset.done $0x0  }
0x385: {  	[sflag:s21] =	ssyncadd.s32 $0xFFFFD8F0  }
0x386: {  	[spmem:s3] =	stream.indirect.scatter.add.f32 [tilespmem:s20], [sflag:$0xA], $0x1, s14, s11, $0xb8;
	[tilespmem:$0x1ACE0] =	vst v63  }
0x387: {  	_ =	swait.ge [sflag:s24], $0x2710  }
0x388: {  	[sflag:s24] =	ssyncset.done $0x0  }
0x389: {  	s0 =	rddreg [dreg:$0x12];
	[sflag:s24] =	ssyncadd.s32 $0xFFFFD8F0  }
0x38a: {  	[tilespmem:s26], [sflag:$0x3] =	stream.linear.gather [hbm4b:s0+s2], $0x2710, $0x38;
	[tilespmem:$0x1ACE0] =	vst v63  }
0x38b: {  	s1 =	rddreg [dreg:$0x13]  }
0x38c: {  	[tilespmem:s25], [sflag:$0x6] =	stream.linear.gather [hbm4b:s1+s2], $0x2710, $0x38;
	[tilespmem:$0x1ACE0] =	vst v63  }
0x38d: {  	_ =	swait.ge [sflag:s19], $0x2710  }
0x38e: {  	[sflag:s19] =	ssyncset.done $0x0  }
0x38f: {  	[sflag:s19] =	ssyncadd.s32 $0xFFFFD8F0  }
0x390: {  	_ =	swait.ge [sflag:s16], $0x2710  }
0x391: {  	[sflag:s16] =	ssyncset.done $0x0  }
0x392: {  	[sflag:s16] =	ssyncadd.s32 $0xFFFFD8F0  }
0x393: {  	[tilespmem:s13], [sflag:$0x8] =	stream.indirect.gather [spmem:s4], $0x1, s10, s11, $0xb8;
	[tilespmem:$0x1ACE0] =	vst v63  }
0x394: {  	_ =	swait.ge [sflag:s15], $0x2710  }
0x395: {  	[sflag:s15] =	ssyncset.done $0x0  }
0x396: {  	[sflag:s15] =	ssyncadd.s32 $0xFFFFD8F0  }
0x397: {  	[spmem:s3] =	stream.indirect.scatter.add.f32 [tilespmem:s13], [sflag:$0xB], $0x1, s9, s11, $0xb8;
	[tilespmem:$0x1ACE0] =	vst v63  }
0x398: {  	_ =	swait.ge [sflag:s12], $0x2710  }
0x399: {  	[sflag:s12] =	ssyncset.done $0x0  }
0x39a: {  	s0 =	rddreg [dreg:$0x14];
	[sflag:s12] =	ssyncadd.s32 $0xFFFFD8F0  }
0x39b: {  	[tilespmem:s18], [sflag:$0x1] =	stream.linear.gather [hbm4b:s0+s2], $0x2710, $0x38;
	[tilespmem:$0x1ACE0] =	vst v63  }
0x39c: {  	s1 =	rddreg [dreg:$0x15]  }
0x39d: {  	[tilespmem:s14], [sflag:$0x4] =	stream.linear.gather [hbm4b:s1+s2], $0x2710, $0x38;
	[tilespmem:$0x1ACE0] =	vst v63  }
0x39e: {  	_ =	swait.ge [sflag:s31], $0x2710  }
0x39f: {  	[sflag:s31] =	ssyncset.done $0x0  }
0x3a0: {  	[sflag:s31] =	ssyncadd.s32 $0xFFFFD8F0  }
0x3a1: {  	_ =	swait.ge [sflag:s30], $0x2710  }
0x3a2: {  	[sflag:s30] =	ssyncset.done $0x0  }
0x3a3: {  	[sflag:s30] =	ssyncadd.s32 $0xFFFFD8F0  }
0x3a4: {  	[tilespmem:s28], [sflag:$0x9] =	stream.indirect.gather [spmem:s4], $0x1, s26, s11, $0xb8;
	[tilespmem:$0x1ACE0] =	vst v63  }
0x3a5: {  	_ =	swait.ge [sflag:s29], $0x2710  }
0x3a6: {  	[sflag:s29] =	ssyncset.done $0x0  }
0x3a7: {  	[sflag:s29] =	ssyncadd.s32 $0xFFFFD8F0  }
0x3a8: {  	[spmem:s3] =	stream.indirect.scatter.add.f32 [tilespmem:s28], [sflag:$0xC], $0x1, s25, s11, $0xb8;
	[tilespmem:$0x1ACE0] =	vst v63  }
0x3a9: {  	_ =	swait.ge [sflag:s17], $0x2710  }
0x3aa: {  	[sflag:s17] =	ssyncset.done $0x0  }
0x3ab: {  	s0 =	rddreg [dreg:$0x16];
	[sflag:s17] =	ssyncadd.s32 $0xFFFFD8F0  }
0x3ac: {  	[tilespmem:s10], [sflag:$0x2] =	stream.linear.gather [hbm4b:s0+s2], $0x2710, $0x38;
	[tilespmem:$0x1ACE0] =	vst v63  }
0x3ad: {  	s1 =	rddreg [dreg:$0x17]  }
0x3ae: {  	[tilespmem:s9], [sflag:$0x5] =	stream.linear.gather [hbm4b:s1+s2], $0x2710, $0x38;
	[tilespmem:$0x1ACE0] =	vst v63  }
0x3af: {  	_ =	swait.ge [sflag:s23], $0x2710  }
0x3b0: {  	[sflag:s23] =	ssyncset.done $0x0  }
0x3b1: {  	[sflag:s23] =	ssyncadd.s32 $0xFFFFD8F0  }
0x3b2: {  	_ =	swait.ge [sflag:s22], $0x2710  }
0x3b3: {  	[sflag:s22] =	ssyncset.done $0x0  }
0x3b4: {  	[sflag:s22] =	ssyncadd.s32 $0xFFFFD8F0  }
0x3b5: {  	[tilespmem:s20], [sflag:$0x7] =	stream.indirect.gather [spmem:s4], $0x1, s18, s11, $0xb8;
	[tilespmem:$0x1ACE0] =	vst v63  }
0x3b6: {  	_ =	swait.ge [sflag:s21], $0x2710  }
0x3b7: {  	[sflag:s21] =	ssyncset.done $0x0  }
0x3b8: {  	[sflag:s21] =	ssyncadd.s32 $0xFFFFD8F0  }
0x3b9: {  	[spmem:s3] =	stream.indirect.scatter.add.f32 [tilespmem:s20], [sflag:$0xA], $0x1, s14, s11, $0xb8;
	[tilespmem:$0x1ACE0] =	vst v63  }
0x3ba: {  	_ =	swait.ge [sflag:s24], $0x2710  }
0x3bb: {  	[sflag:s24] =	ssyncset.done $0x0  }
0x3bc: {  	s0 =	rddreg [dreg:$0x18];
	[sflag:s24] =	ssyncadd.s32 $0xFFFFD8F0  }
0x3bd: {  	[tilespmem:s26], [sflag:$0x3] =	stream.linear.gather [hbm4b:s0+s2], $0x2710, $0x38;
	[tilespmem:$0x1ACE0] =	vst v63  }
0x3be: {  	s1 =	rddreg [dreg:$0x19]  }
0x3bf: {  	[tilespmem:s25], [sflag:$0x6] =	stream.linear.gather [hbm4b:s1+s2], $0x2710, $0x38;
	[tilespmem:$0x1ACE0] =	vst v63  }
0x3c0: {  	_ =	swait.ge [sflag:s19], $0x2710  }
0x3c1: {  	[sflag:s19] =	ssyncset.done $0x0  }
0x3c2: {  	[sflag:s19] =	ssyncadd.s32 $0xFFFFD8F0  }
0x3c3: {  	_ =	swait.ge [sflag:s16], $0x2710  }
0x3c4: {  	[sflag:s16] =	ssyncset.done $0x0  }
0x3c5: {  	[sflag:s16] =	ssyncadd.s32 $0xFFFFD8F0  }
0x3c6: {  	[tilespmem:s13], [sflag:$0x8] =	stream.indirect.gather [spmem:s4], $0x1, s10, s11, $0xb8;
	[tilespmem:$0x1ACE0] =	vst v63  }
0x3c7: {  	_ =	swait.ge [sflag:s15], $0x2710  }
0x3c8: {  	[sflag:s15] =	ssyncset.done $0x0  }
0x3c9: {  	[sflag:s15] =	ssyncadd.s32 $0xFFFFD8F0  }
0x3ca: {  	[spmem:s3] =	stream.indirect.scatter.add.f32 [tilespmem:s13], [sflag:$0xB], $0x1, s9, s11, $0xb8;
	[tilespmem:$0x1ACE0] =	vst v63  }
0x3cb: {  	_ =	swait.ge [sflag:s12], $0x2710  }
0x3cc: {  	[sflag:s12] =	ssyncset.done $0x0  }
0x3cd: {  	s0 =	rddreg [dreg:$0x1a];
	[sflag:s12] =	ssyncadd.s32 $0xFFFFD8F0  }
0x3ce: {  	[tilespmem:s18], [sflag:$0x1] =	stream.linear.gather [hbm4b:s0+s2], $0x2710, $0x38;
	[tilespmem:$0x1ACE0] =	vst v63  }
0x3cf: {  	s1 =	rddreg [dreg:$0x1b]  }
0x3d0: {  	[tilespmem:s14], [sflag:$0x4] =	stream.linear.gather [hbm4b:s1+s2], $0x2710, $0x38;
	[tilespmem:$0x1ACE0] =	vst v63  }
0x3d1: {  	_ =	swait.ge [sflag:s31], $0x2710  }
0x3d2: {  	[sflag:s31] =	ssyncset.done $0x0  }
0x3d3: {  	[sflag:s31] =	ssyncadd.s32 $0xFFFFD8F0  }
0x3d4: {  	_ =	swait.ge [sflag:s30], $0x2710  }
0x3d5: {  	[sflag:s30] =	ssyncset.done $0x0  }
0x3d6: {  	[sflag:s30] =	ssyncadd.s32 $0xFFFFD8F0  }
0x3d7: {  	[tilespmem:s28], [sflag:$0x9] =	stream.indirect.gather [spmem:s4], $0x1, s26, s11, $0xb8;
	[tilespmem:$0x1ACE0] =	vst v63  }
0x3d8: {  	_ =	swait.ge [sflag:s29], $0x2710  }
0x3d9: {  	[sflag:s29] =	ssyncset.done $0x0  }
0x3da: {  	[sflag:s29] =	ssyncadd.s32 $0xFFFFD8F0  }
0x3db: {  	[spmem:s3] =	stream.indirect.scatter.add.f32 [tilespmem:s28], [sflag:$0xC], $0x1, s25, s11, $0xb8;
	[tilespmem:$0x1ACE0] =	vst v63  }
0x3dc: {  	_ =	swait.ge [sflag:s17], $0x2710  }
0x3dd: {  	[sflag:s17] =	ssyncset.done $0x0  }
0x3de: {  	s0 =	rddreg [dreg:$0x1c];
	[sflag:s17] =	ssyncadd.s32 $0xFFFFD8F0  }
0x3df: {  	[tilespmem:s10], [sflag:$0x2] =	stream.linear.gather [hbm4b:s0+s2], $0x2710, $0x38;
	[tilespmem:$0x1ACE0] =	vst v63  }
0x3e0: {  	s1 =	rddreg [dreg:$0x1d]  }
0x3e1: {  	[tilespmem:s9], [sflag:$0x5] =	stream.linear.gather [hbm4b:s1+s2], $0x2710, $0x38;
	[tilespmem:$0x1ACE0] =	vst v63  }
0x3e2: {  	_ =	swait.ge [sflag:s23], $0x2710  }
0x3e3: {  	[sflag:s23] =	ssyncset.done $0x0  }
0x3e4: {  	[sflag:s23] =	ssyncadd.s32 $0xFFFFD8F0  }
0x3e5: {  	_ =	swait.ge [sflag:s22], $0x2710  }
0x3e6: {  	[sflag:s22] =	ssyncset.done $0x0  }
0x3e7: {  	[sflag:s22] =	ssyncadd.s32 $0xFFFFD8F0  }
0x3e8: {  	[tilespmem:s20], [sflag:$0x7] =	stream.indirect.gather [spmem:s4], $0x1, s18, s11, $0xb8;
	[tilespmem:$0x1ACE0] =	vst v63  }
0x3e9: {  	_ =	swait.ge [sflag:s21], $0x2710  }
0x3ea: {  	[sflag:s21] =	ssyncset.done $0x0  }
0x3eb: {  	[sflag:s21] =	ssyncadd.s32 $0xFFFFD8F0  }
0x3ec: {  	[spmem:s3] =	stream.indirect.scatter.add.f32 [tilespmem:s20], [sflag:$0xA], $0x1, s14, s11, $0xb8;
	[tilespmem:$0x1ACE0] =	vst v63  }
0x3ed: {  	_ =	swait.ge [sflag:s24], $0x2710  }
0x3ee: {  	[sflag:s24] =	ssyncset.done $0x0  }
0x3ef: {  	s0 =	rddreg [dreg:$0x1e];
	[sflag:s24] =	ssyncadd.s32 $0xFFFFD8F0  }
0x3f0: {  	[tilespmem:s26], [sflag:$0x3] =	stream.linear.gather [hbm4b:s0+s2], $0x2710, $0x38;
	[tilespmem:$0x1ACE0] =	vst v63  }
0x3f1: {  	s1 =	rddreg [dreg:$0x1f]  }
0x3f2: {  	[tilespmem:s25], [sflag:$0x6] =	stream.linear.gather [hbm4b:s1+s2], $0x2710, $0x38;
	[tilespmem:$0x1ACE0] =	vst v63  }
0x3f3: {  	_ =	swait.ge [sflag:s19], $0x2710  }
0x3f4: {  	[sflag:s19] =	ssyncset.done $0x0  }
0x3f5: {  	[sflag:s19] =	ssyncadd.s32 $0xFFFFD8F0  }
0x3f6: {  	_ =	swait.ge [sflag:s16], $0x2710  }
0x3f7: {  	[sflag:s16] =	ssyncset.done $0x0  }
0x3f8: {  	[sflag:s16] =	ssyncadd.s32 $0xFFFFD8F0  }
0x3f9: {  	[tilespmem:s13], [sflag:$0x8] =	stream.indirect.gather [spmem:s4], $0x1, s10, s11, $0xb8;
	[tilespmem:$0x1ACE0] =	vst v63  }
0x3fa: {  	_ =	swait.ge [sflag:s15], $0x2710  }
0x3fb: {  	[sflag:s15] =	ssyncset.done $0x0  }
0x3fc: {  	[sflag:s15] =	ssyncadd.s32 $0xFFFFD8F0  }
0x3fd: {  	[spmem:s3] =	stream.indirect.scatter.add.f32 [tilespmem:s13], [sflag:$0xB], $0x1, s9, s11, $0xb8;
	[tilespmem:$0x1ACE0] =	vst v63  }
0x3fe: {  	_ =	swait.ge [sflag:s12], $0x2710  }
0x3ff: {  	s0 =	sld [smem:$0x7EE]  }
0x400: {  	[sflag:s12] =	ssyncset.done $0x0  }
0x401: {  	s1 =	sld [smem:$0x7EF];
	[sflag:s12] =	ssyncadd.s32 $0xFFFFD8F0  }
0x402: {  	[tilespmem:s18], [sflag:$0x1] =	stream.linear.gather [hbm4b:s0+s2], $0x2710, $0x38;
	[tilespmem:$0x1ACE0] =	vst v63  }
0x403: {  	_ = 	snop  }
0x404: {  	[tilespmem:s14], [sflag:$0x4] =	stream.linear.gather [hbm4b:s1+s2], $0x2710, $0x38;
	[tilespmem:$0x1ACE0] =	vst v63  }
0x405: {  	_ =	swait.ge [sflag:s31], $0x2710  }
0x406: {  	[sflag:s31] =	ssyncset.done $0x0  }
0x407: {  	[sflag:s31] =	ssyncadd.s32 $0xFFFFD8F0  }
0x408: {  	_ =	swait.ge [sflag:s30], $0x2710  }
0x409: {  	[sflag:s30] =	ssyncset.done $0x0  }
0x40a: {  	[sflag:s30] =	ssyncadd.s32 $0xFFFFD8F0  }
0x40b: {  	[tilespmem:s28], [sflag:$0x9] =	stream.indirect.gather [spmem:s4], $0x1, s26, s11, $0xb8;
	[tilespmem:$0x1ACE0] =	vst v63  }
0x40c: {  	_ =	swait.ge [sflag:s29], $0x2710  }
0x40d: {  	[sflag:s29] =	ssyncset.done $0x0  }
0x40e: {  	[sflag:s29] =	ssyncadd.s32 $0xFFFFD8F0  }
0x40f: {  	[spmem:s3] =	stream.indirect.scatter.add.f32 [tilespmem:s28], [sflag:$0xC], $0x1, s25, s11, $0xb8;
	[tilespmem:$0x1ACE0] =	vst v63  }
0x410: {  	_ =	swait.ge [sflag:s17], $0x2710  }
0x411: {  	s0 =	sld [smem:$0x7F0]  }
0x412: {  	[sflag:s17] =	ssyncset.done $0x0  }
0x413: {  	s1 =	sld [smem:$0x7F1];
	[sflag:s17] =	ssyncadd.s32 $0xFFFFD8F0  }
0x414: {  	[tilespmem:s10], [sflag:$0x2] =	stream.linear.gather [hbm4b:s0+s2], $0x2710, $0x38;
	[tilespmem:$0x1ACE0] =	vst v63  }
0x415: {  	_ = 	snop  }
0x416: {  	[tilespmem:s9], [sflag:$0x5] =	stream.linear.gather [hbm4b:s1+s2], $0x2710, $0x38;
	[tilespmem:$0x1ACE0] =	vst v63  }
0x417: {  	_ =	swait.ge [sflag:s23], $0x2710  }
0x418: {  	[sflag:s23] =	ssyncset.done $0x0  }
0x419: {  	[sflag:s23] =	ssyncadd.s32 $0xFFFFD8F0  }
0x41a: {  	_ =	swait.ge [sflag:s22], $0x2710  }
0x41b: {  	[sflag:s22] =	ssyncset.done $0x0  }
0x41c: {  	[sflag:s22] =	ssyncadd.s32 $0xFFFFD8F0  }
0x41d: {  	[tilespmem:s20], [sflag:$0x7] =	stream.indirect.gather [spmem:s4], $0x1, s18, s11, $0xb8;
	[tilespmem:$0x1ACE0] =	vst v63  }
0x41e: {  	_ =	swait.ge [sflag:s21], $0x2710  }
0x41f: {  	[sflag:s21] =	ssyncset.done $0x0  }
0x420: {  	[sflag:s21] =	ssyncadd.s32 $0xFFFFD8F0  }
0x421: {  	[spmem:s3] =	stream.indirect.scatter.add.f32 [tilespmem:s20], [sflag:$0xA], $0x1, s14, s11, $0xb8;
	[tilespmem:$0x1ACE0] =	vst v63  }
0x422: {  	_ =	swait.ge [sflag:s24], $0x2710  }
0x423: {  	s0 =	sld [smem:$0x7F2]  }
0x424: {  	[sflag:s24] =	ssyncset.done $0x0  }
0x425: {  	s1 =	sld [smem:$0x7F3];
	[sflag:s24] =	ssyncadd.s32 $0xFFFFD8F0  }
0x426: {  	[tilespmem:s26], [sflag:$0x3] =	stream.linear.gather [hbm4b:s0+s2], $0x2710, $0x38;
	[tilespmem:$0x1ACE0] =	vst v63  }
0x427: {  	_ = 	snop  }
0x428: {  	[tilespmem:s25], [sflag:$0x6] =	stream.linear.gather [hbm4b:s1+s2], $0x2710, $0x38;
	[tilespmem:$0x1ACE0] =	vst v63  }
0x429: {  	_ =	swait.ge [sflag:s19], $0x2710  }
0x42a: {  	[sflag:s19] =	ssyncset.done $0x0  }
0x42b: {  	[sflag:s19] =	ssyncadd.s32 $0xFFFFD8F0  }
0x42c: {  	_ =	swait.ge [sflag:s16], $0x2710  }
0x42d: {  	[sflag:s16] =	ssyncset.done $0x0  }
0x42e: {  	[sflag:s16] =	ssyncadd.s32 $0xFFFFD8F0  }
0x42f: {  	[tilespmem:s13], [sflag:$0x8] =	stream.indirect.gather [spmem:s4], $0x1, s10, s11, $0xb8;
	[tilespmem:$0x1ACE0] =	vst v63  }
0x430: {  	_ =	swait.ge [sflag:s15], $0x2710  }
0x431: {  	[sflag:s15] =	ssyncset.done $0x0  }
0x432: {  	[sflag:s15] =	ssyncadd.s32 $0xFFFFD8F0  }
0x433: {  	[spmem:s3] =	stream.indirect.scatter.add.f32 [tilespmem:s13], [sflag:$0xB], $0x1, s9, s11, $0xb8;
	[tilespmem:$0x1ACE0] =	vst v63  }
0x434: {  	_ =	swait.ge [sflag:s12], $0x2710  }
0x435: {  	s0 =	sld [smem:$0x7F4]  }
0x436: {  	[sflag:s12] =	ssyncset.done $0x0  }
0x437: {  	s1 =	sld [smem:$0x7F5];
	[sflag:s12] =	ssyncadd.s32 $0xFFFFD8F0  }
0x438: {  	[tilespmem:s18], [sflag:$0x1] =	stream.linear.gather [hbm4b:s0+s2], $0x2710, $0x38;
	[tilespmem:$0x1ACE0] =	vst v63  }
0x439: {  	_ = 	snop  }
0x43a: {  	[tilespmem:s14], [sflag:$0x4] =	stream.linear.gather [hbm4b:s1+s2], $0x2710, $0x38;
	[tilespmem:$0x1ACE0] =	vst v63  }
0x43b: {  	_ =	swait.ge [sflag:s31], $0x2710  }
0x43c: {  	[sflag:s31] =	ssyncset.done $0x0  }
0x43d: {  	[sflag:s31] =	ssyncadd.s32 $0xFFFFD8F0  }
0x43e: {  	_ =	swait.ge [sflag:s30], $0x2710  }
0x43f: {  	[sflag:s30] =	ssyncset.done $0x0  }
0x440: {  	[sflag:s30] =	ssyncadd.s32 $0xFFFFD8F0  }
0x441: {  	[tilespmem:s28], [sflag:$0x9] =	stream.indirect.gather [spmem:s4], $0x1, s26, s11, $0xb8;
	[tilespmem:$0x1ACE0] =	vst v63  }
0x442: {  	_ =	swait.ge [sflag:s29], $0x2710  }
0x443: {  	[sflag:s29] =	ssyncset.done $0x0  }
0x444: {  	[sflag:s29] =	ssyncadd.s32 $0xFFFFD8F0  }
0x445: {  	[spmem:s3] =	stream.indirect.scatter.add.f32 [tilespmem:s28], [sflag:$0xC], $0x1, s25, s11, $0xb8;
	[tilespmem:$0x1ACE0] =	vst v63  }
0x446: {  	_ =	swait.ge [sflag:s17], $0x2710  }
0x447: {  	s0 =	sld [smem:$0x7F6]  }
0x448: {  	[sflag:s17] =	ssyncset.done $0x0  }
0x449: {  	s1 =	sld [smem:$0x7F7];
	[sflag:s17] =	ssyncadd.s32 $0xFFFFD8F0  }
0x44a: {  	[tilespmem:s10], [sflag:$0x2] =	stream.linear.gather [hbm4b:s0+s2], $0x2710, $0x38;
	[tilespmem:$0x1ACE0] =	vst v63  }
0x44b: {  	_ = 	snop  }
0x44c: {  	[tilespmem:s9], [sflag:$0x5] =	stream.linear.gather [hbm4b:s1+s2], $0x2710, $0x38;
	[tilespmem:$0x1ACE0] =	vst v63  }
0x44d: {  	_ =	swait.ge [sflag:s23], $0x2710  }
0x44e: {  	[sflag:s23] =	ssyncset.done $0x0  }
0x44f: {  	[sflag:s23] =	ssyncadd.s32 $0xFFFFD8F0  }
0x450: {  	_ =	swait.ge [sflag:s22], $0x2710  }
0x451: {  	[sflag:s22] =	ssyncset.done $0x0  }
0x452: {  	[sflag:s22] =	ssyncadd.s32 $0xFFFFD8F0  }
0x453: {  	[tilespmem:s20], [sflag:$0x7] =	stream.indirect.gather [spmem:s4], $0x1, s18, s11, $0xb8;
	[tilespmem:$0x1ACE0] =	vst v63  }
0x454: {  	_ =	swait.ge [sflag:s21], $0x2710  }
0x455: {  	[sflag:s21] =	ssyncset.done $0x0  }
0x456: {  	[sflag:s21] =	ssyncadd.s32 $0xFFFFD8F0  }
0x457: {  	[spmem:s3] =	stream.indirect.scatter.add.f32 [tilespmem:s20], [sflag:$0xA], $0x1, s14, s11, $0xb8;
	[tilespmem:$0x1ACE0] =	vst v63  }
0x458: {  	_ =	swait.ge [sflag:s24], $0x2710  }
0x459: {  	s0 =	sld [smem:$0x7F8]  }
0x45a: {  	[sflag:s24] =	ssyncset.done $0x0  }
0x45b: {  	s1 =	sld [smem:$0x7F9];
	[sflag:s24] =	ssyncadd.s32 $0xFFFFD8F0  }
0x45c: {  	[tilespmem:s26], [sflag:$0x3] =	stream.linear.gather [hbm4b:s0+s2], $0x2710, $0x38;
	[tilespmem:$0x1ACE0] =	vst v63  }
0x45d: {  	_ = 	snop  }
0x45e: {  	[tilespmem:s25], [sflag:$0x6] =	stream.linear.gather [hbm4b:s1+s2], $0x2710, $0x38;
	[tilespmem:$0x1ACE0] =	vst v63  }
0x45f: {  	_ =	swait.ge [sflag:s19], $0x2710  }
0x460: {  	[sflag:s19] =	ssyncset.done $0x0  }
0x461: {  	[sflag:s19] =	ssyncadd.s32 $0xFFFFD8F0  }
0x462: {  	_ =	swait.ge [sflag:s16], $0x2710  }
0x463: {  	[sflag:s16] =	ssyncset.done $0x0  }
0x464: {  	[sflag:s16] =	ssyncadd.s32 $0xFFFFD8F0  }
0x465: {  	[tilespmem:s13], [sflag:$0x8] =	stream.indirect.gather [spmem:s4], $0x1, s10, s11, $0xb8;
	[tilespmem:$0x1ACE0] =	vst v63  }
0x466: {  	_ =	swait.ge [sflag:s15], $0x2710  }
0x467: {  	[sflag:s15] =	ssyncset.done $0x0  }
0x468: {  	[sflag:s15] =	ssyncadd.s32 $0xFFFFD8F0  }
0x469: {  	[spmem:s3] =	stream.indirect.scatter.add.f32 [tilespmem:s13], [sflag:$0xB], $0x1, s9, s11, $0xb8;
	[tilespmem:$0x1ACE0] =	vst v63  }
0x46a: {  	_ =	swait.ge [sflag:s12], $0x2710  }
0x46b: {  	s0 =	sld [smem:$0x7FA]  }
0x46c: {  	[sflag:s12] =	ssyncset.done $0x0  }
0x46d: {  	s1 =	sld [smem:$0x7FB];
	[sflag:s12] =	ssyncadd.s32 $0xFFFFD8F0  }
0x46e: {  	[tilespmem:s18], [sflag:$0x1] =	stream.linear.gather [hbm4b:s0+s2], $0x2710, $0x38;
	[tilespmem:$0x1ACE0] =	vst v63  }
0x46f: {  	_ = 	snop  }
0x470: {  	[tilespmem:s14], [sflag:$0x4] =	stream.linear.gather [hbm4b:s1+s2], $0x2710, $0x38;
	[tilespmem:$0x1ACE0] =	vst v63  }
0x471: {  	_ =	swait.ge [sflag:s31], $0x2710  }
0x472: {  	[sflag:s31] =	ssyncset.done $0x0  }
0x473: {  	[sflag:s31] =	ssyncadd.s32 $0xFFFFD8F0  }
0x474: {  	_ =	swait.ge [sflag:s30], $0x2710  }
0x475: {  	[sflag:s30] =	ssyncset.done $0x0  }
0x476: {  	[sflag:s30] =	ssyncadd.s32 $0xFFFFD8F0  }
0x477: {  	[tilespmem:s28], [sflag:$0x9] =	stream.indirect.gather [spmem:s4], $0x1, s26, s11, $0xb8;
	[tilespmem:$0x1ACE0] =	vst v63  }
0x478: {  	_ =	swait.ge [sflag:s29], $0x2710  }
0x479: {  	[sflag:s29] =	ssyncset.done $0x0  }
0x47a: {  	[sflag:s29] =	ssyncadd.s32 $0xFFFFD8F0  }
0x47b: {  	[spmem:s3] =	stream.indirect.scatter.add.f32 [tilespmem:s28], [sflag:$0xC], $0x1, s25, s11, $0xb8;
	[tilespmem:$0x1ACE0] =	vst v63  }
0x47c: {  	_ =	swait.ge [sflag:s17], $0x2710  }
0x47d: {  	s29 =	sld [smem:$0x7FC]  }
0x47e: {  	[sflag:s17] =	ssyncset.done $0x0  }
0x47f: {  	s30 =	sld [smem:$0x7FD];
	[sflag:s17] =	ssyncadd.s32 $0xFFFFD8F0  }
0x480: {  	[tilespmem:s10], [sflag:$0x2] =	stream.linear.gather [hbm4b:s29+s2], $0x2710, $0x38;
	[tilespmem:$0x1ACE0] =	vst v63  }
0x481: {  	_ = 	snop  }
0x482: {  	[tilespmem:s9], [sflag:$0x5] =	stream.linear.gather [hbm4b:s30+s2], $0x2710, $0x38;
	[tilespmem:$0x1ACE0] =	vst v63  }
0x483: {  	_ =	swait.ge [sflag:s23], $0x2710  }
0x484: {  	[sflag:s23] =	ssyncset.done $0x0  }
0x485: {  	[sflag:s23] =	ssyncadd.s32 $0xFFFFD8F0  }
0x486: {  	_ =	swait.ge [sflag:s22], $0x2710  }
0x487: {  	[sflag:s22] =	ssyncset.done $0x0  }
0x488: {  	[sflag:s22] =	ssyncadd.s32 $0xFFFFD8F0  }
0x489: {  	[tilespmem:s20], [sflag:$0x7] =	stream.indirect.gather [spmem:s4], $0x1, s18, s11, $0xb8;
	[tilespmem:$0x1ACE0] =	vst v63  }
0x48a: {  	_ =	swait.ge [sflag:s21], $0x2710  }
0x48b: {  	[sflag:s21] =	ssyncset.done $0x0  }
0x48c: {  	[sflag:s21] =	ssyncadd.s32 $0xFFFFD8F0  }
0x48d: {  	[spmem:s3] =	stream.indirect.scatter.add.f32 [tilespmem:s20], [sflag:$0xA], $0x1, s14, s11, $0xb8;
	[tilespmem:$0x1ACE0] =	vst v63  }
0x48e: {  	_ =	swait.ge [sflag:s24], $0x2710  }
0x48f: {  	[sflag:s24] =	ssyncset.done $0x0  }
0x490: {  	[sflag:s24] =	ssyncadd.s32 $0xFFFFD8F0  }
0x491: {  	_ =	swait.ge [sflag:s19], $0x2710  }
0x492: {  	[sflag:s19] =	ssyncset.done $0x0  }
0x493: {  	[sflag:s19] =	ssyncadd.s32 $0xFFFFD8F0  }
0x494: {  	_ =	swait.ge [sflag:s16], $0x2710  }
0x495: {  	[sflag:s16] =	ssyncset.done $0x0  }
0x496: {  	[sflag:s16] =	ssyncadd.s32 $0xFFFFD8F0  }
0x497: {  	[tilespmem:s13], [sflag:$0x8] =	stream.indirect.gather [spmem:s4], $0x1, s10, s11, $0xb8;
	[tilespmem:$0x1ACE0] =	vst v63  }
0x498: {  	_ =	swait.ge [sflag:s15], $0x2710  }
0x499: {  	[sflag:s15] =	ssyncset.done $0x0  }
0x49a: {  	[sflag:s15] =	ssyncadd.s32 $0xFFFFD8F0  }
0x49b: {  	[spmem:s3] =	stream.indirect.scatter.add.f32 [tilespmem:s13], [sflag:$0xB], $0x1, s9, s11, $0xb8;
	[tilespmem:$0x1ACE0] =	vst v63  }
0x49c: {  	_ =	swait.ge [sflag:s12], $0x2710  }
0x49d: {  	[sflag:s12] =	ssyncset.done $0x0  }
0x49e: {  	[sflag:s12] =	ssyncadd.s32 $0xFFFFD8F0  }
0x49f: {  	_ =	swait.ge [sflag:s17], $0x2710  }
0x4a0: {  	[sflag:s17] =	ssyncset.done $0x0  }
0x4a1: {  	[sflag:s17] =	ssyncadd.s32 $0xFFFFD8F0  }
0x4a2: {  	[bflag:$0x0] =	sbarrier.arrive $0xFFFF  }
0x4a3: {  	[tilespmem:s8], [sflag:$0xD] =	stream.linear.gather [spmem:s7], $0x1870, $0x38;
	[tilespmem:$0x1ACE0] =	vst v63  }
0x4a4: {  	_ =	swait.ge [sflag:s6], $0x1870  }
0x4a5: {  	[sflag:s6] =	ssyncset.done $0x0  }
0x4a6: {  	[sflag:s6] =	ssyncadd.s32 $0xFFFFE790  }
0x4a7: {  	[hbm4b:s5+s2] =	stream.linear.scatter [tilespmem:s8], [sflag:$0xD], $0x1870, $0x38;
	[tilespmem:$0x1ACE0] =	vst v63  }
0x4a8: {  	_ =	swait.ge [sflag:s6], $0x1870  }
0x4a9: {  	[sflag:s6] =	ssyncset.done $0x0  }
0x4aa: {  	[sflag:s6] =	ssyncadd.s32 $0xFFFFE790  }
0x4ab: {  	_ =	sfence.sel $0x180000  }
0x4ac: {  	[bflag:$0x0] =	sbarrier.arrive $0xFFFF  }
0x4ad: {  	_ =	strace $0x9000004A  }
0x4ae: {  	s31 =	stileid.u32;
	[bflag:$0x2] =	sbarrier.arrive $0xFFFF  }
0x4af: {  	p0 =	sne.s32 s31, $0x0;
	s0 =	rddreg [dreg:$0x4]  }
0x4b0: {  	s0 =	sadd.s32 @!p0 $0x100000, s0  }
0x4b1: {  	[sflag:s0] =	ssyncadd.tile.s32 @!p0 $0x1;
	_ =	shalt  }
.Lfunc_end2:
_tile_overlayer_lowered:
.L_overlay_start_2:
0x4b2: {  	(tag) =	ssettag $0x2  }
0x4b3: {  	s0 =	rddreg [dreg:$0x0];
	s2 =	stileid.u32  }
0x4b4: {  	s1 =	rddreg [dreg:$0x1];
	p0 =	sne.s32 s2, $0x0  }
0x4b5: {  	s3 =	rddreg [dreg:$0x2];
	[bflag:$0x3] =	sbarrier.arrive $0xFFFF;
	s2 =	simm.s32 @!p0 $0x1C0D  }
0x4b6: {  	[timem:s3], [sflag:s2] =	dma.local @!p0 [hbm:s0], s1  }
0x4b7: {  	s0 =	simm.s32 @!p0 $0xD  }
0x4b8: {  	_ =	swait.ge @!p0 [sflag:s0], s1  }
0x4b9: {  	s1 =	ssub.s32 @!p0 $0x0, s1;
	[sflag:s0] =	ssyncset.done @!p0 $0x0  }
0x4ba: {  	[sflag:s0] =	ssyncadd.s32 @!p0 s1  }
0x4bb: {  	[bflag:$0x3] =	sbarrier.arrive $0xFFFF  }
0x4bc: {  	_ =	shalt  }

</sc_bundles>
